<compile_context>
chip_gen: v7x
topology: tpu7x:2x2x1
jax: 0.10.2.dev20260603
libtpu: 0.0.44.dev20260713+nightly
codegen_flags: <defaults>
</compile_context>

<pallas_src>
import functools

import jax
import jax.numpy as jnp
from jax import lax
from jax.experimental import pallas as pl
from jax.experimental.pallas import tpu as pltpu
from jax.experimental.pallas import tpu_sc as plsc

N = 10000
E = 320000
IN_CH = 128
OUT = 64
NH = 2
FT = 128

CHUNK = 64
CPS = 315
PAD_E = 16 * CPS * CHUNK
NACC = 10112
RPS = NACC // 16
BUFS = 3
SB = 8


def _prep_body(x_ref, g_ref, b_ref, wfc_ref, wl_ref, wr_ref,
               t_ref, a1_ref, a2_ref):
    x = x_ref[...]
    mean = jnp.mean(x, axis=0, keepdims=True)
    xc = x - mean
    var = jnp.mean(xc * xc, axis=0, keepdims=True)
    y = xc * (g_ref[...] * lax.rsqrt(var + 1e-5)) + b_ref[...]
    wfc0 = wfc_ref[0]
    wfc1 = wfc_ref[1]
    ftc = jnp.dot(y, jnp.concatenate([wfc0, wfc1], axis=1),
                  preferred_element_type=jnp.float32)
    ones = jnp.ones((N, 1), jnp.float32)
    zpad = jnp.zeros((N, FT - OUT - 1), jnp.float32)
    zrows = jnp.zeros((NACC - N, FT), jnp.float32)
    t_ref[...] = jnp.concatenate([
        jnp.concatenate([ftc[:, :OUT], ones, zpad], axis=1), zrows,
        jnp.concatenate([ftc[:, OUT:], ones, zpad], axis=1), zrows,
    ], axis=0)
    uv = jnp.concatenate(
        [jnp.dot(wfc0, wl_ref[0]), jnp.dot(wfc0, wr_ref[0]),
         jnp.dot(wfc1, wl_ref[1]), jnp.dot(wfc1, wr_ref[1])], axis=1)
    a = jnp.dot(y, uv, preferred_element_type=jnp.float32)
    pad = jnp.zeros((2, NACC - N), jnp.float32)
    a1_ref[...] = jnp.concatenate([jnp.stack([a[:, 0], a[:, 2]]), pad], axis=1)
    a2_ref[...] = jnp.concatenate([jnp.stack([a[:, 1], a[:, 3]]), pad], axis=1)


_prep = pl.pallas_call(
    _prep_body,
    out_shape=[
        jax.ShapeDtypeStruct((2 * NACC, FT), jnp.float32),
        jax.ShapeDtypeStruct((2, NACC), jnp.float32),
        jax.ShapeDtypeStruct((2, NACC), jnp.float32),
    ],
)


_mesh = plsc.VectorSubcoreMesh(core_axis_name="c", subcore_axis_name="s")


@functools.partial(
    pl.kernel,
    out_type=jax.ShapeDtypeStruct((2, NACC, FT), jnp.float32),
    mesh=_mesh,
    compiler_params=pltpu.CompilerParams(needs_layout_passes=False),
    scratch_types=[
        pltpu.VMEM((NACC,), jnp.float32),
        pltpu.VMEM((NACC,), jnp.float32),
        pltpu.VMEM((2 * SB, 2, CHUNK), jnp.int32),
        pltpu.VMEM((BUFS, CHUNK), jnp.float32),
        pltpu.VMEM((BUFS, CHUNK, FT), jnp.float32),
        pltpu.VMEM_SHARED((NACC, FT), jnp.float32),
        pltpu.SemaphoreType.DMA,
        pltpu.SemaphoreType.DMA,
        pltpu.SemaphoreType.DMA,
        pltpu.SemaphoreType.DMA,
        pltpu.SemaphoreType.DMA,
        pltpu.SemaphoreType.DMA,
    ],
)
def _edge_pass(idx_hbm, t_hbm, a1_hbm, a2_hbm, num_out,
               a1v, a2v, idxb, sb, ftb, num_sh,
               gs0, gs1, gs2, ss0, ss1, ss2):
    gsem = (gs0, gs1, gs2)
    ssem = (ss0, ss1, ss2)
    cid = lax.axis_index("c")
    sid = lax.axis_index("s")

    pltpu.sync_copy(a1_hbm.at[cid], a1v)
    pltpu.sync_copy(a2_hbm.at[cid], a2v)

    zero16 = jnp.zeros((16,), jnp.float32)

    def _zrow(j, _):
        for q in range(FT // 16):
            ftb[0, j, pl.ds(q * 16, 16)] = zero16
        return 0

    lax.fori_loop(0, CHUNK, _zrow, 0)

    row0 = sid * RPS
    for b in range(RPS // CHUNK):
        pltpu.sync_copy(ftb.at[0],
                        num_sh.at[pl.ds(row0 + b * CHUNK, CHUNK)])
    rem = RPS - (RPS // CHUNK) * CHUNK
    if rem:
        pltpu.sync_copy(ftb.at[0].at[pl.ds(0, rem)],
                        num_sh.at[pl.ds(row0 + RPS - rem, rem)])
    plsc.subcore_barrier()

    tbase = cid * NACC
    base0 = sid * CPS

    def _load_batch(j):
        slot0 = lax.rem(j, 2 * SB)
        pltpu.sync_copy(idx_hbm.at[pl.ds(base0 + j, SB)],
                        idxb.at[pl.ds(slot0, SB)])

    def _prefetch(j, p):
        slot = lax.rem(j, 2 * SB)

        def _w(g, _):
            sl = pl.ds(g * 16, 16)
            s16 = idxb[slot, 0, sl]
            z = (plsc.load_gather(a1v, [idxb[slot, 1, sl]])
                 + plsc.load_gather(a2v, [s16]))
            z = jnp.where(z >= 0.0, z, 0.01 * z)
            sb[p, sl] = jnp.exp(z)
            idxb[slot, 0, sl] = s16 + tbase
            return 0

        lax.fori_loop(0, CHUNK // 16, _w, 0)
        pltpu.async_copy(t_hbm.at[idxb.at[slot, 0]], ftb.at[p], gsem[p])

    def _wait_gather(j, p):
        slot = lax.rem(j, 2 * SB)
        pltpu.make_async_copy(t_hbm.at[idxb.at[slot, 0]], ftb.at[p],
                              gsem[p]).wait()

    def _scale(p):
        def _s(g, _):
            sv = sb[p, pl.ds(g * 16, 16)]
            for j in range(16):
                row = g * 16 + j
                s = sv[j]
                for q in range(OUT // 16 + 1):
                    qsl = pl.ds(q * 16, 16)
                    ftb[p, row, qsl] = ftb[p, row, qsl] * s
            return 0

        lax.fori_loop(0, CHUNK // 16, _s, 0)

    def _issue_scatter(j, p):
        slot = lax.rem(j, 2 * SB)
        pltpu.async_copy(ftb.at[p], num_sh.at[idxb.at[slot, 1]], ssem[p],
                         add=True)

    def _wait_scatter(j, p):
        slot = lax.rem(j, 2 * SB)
        pltpu.make_async_copy(ftb.at[p], num_sh.at[idxb.at[slot, 1]],
                              ssem[p]).wait()

    _load_batch(0)
    _prefetch(0, 0)
    _prefetch(1, 1)

    def _iter(i, _):
        for p in range(BUFS):
            j = i * BUFS + p
            pn = (p + 2) % BUFS
            @pl.when(jnp.logical_and(j >= 1, j + 2 < CPS))
            def _():
                _wait_scatter(j - 1, pn)

            @pl.when(j + 2 < CPS)
            def _():
                @pl.when(lax.rem(j + 2, SB) == 0)
                def _():
                    _load_batch(j + 2)

                _prefetch(j + 2, pn)

            _wait_gather(j, p)
            _scale(p)
            _issue_scatter(j, p)
        return 0

    lax.fori_loop(0, CPS // BUFS, _iter, 0)
    for p in range(BUFS):
        _wait_scatter(CPS - BUFS + p, p)
    plsc.subcore_barrier()

    rows = pl.ds(row0, RPS)
    pltpu.sync_copy(num_sh.at[rows], num_out.at[cid, rows])


def _fin_body(num_ref, out_ref):
    for h in range(NH):
        num = num_ref[h, :N, :OUT]
        den = num_ref[h, :N, OUT]
        out_ref[:, h * OUT:(h + 1) * OUT] = jnp.maximum(
            num / jnp.maximum(den, 1e-16)[:, None], 0.0)


_finalize = pl.pallas_call(
    _fin_body,
    out_shape=jax.ShapeDtypeStruct((N, NH * OUT), jnp.float32),
)


def kernel(features, edge_index, bn_gamma, bn_beta, W_fc, W_l, W_r):
    t, a1, a2 = _prep(features, bn_gamma.reshape(1, IN_CH),
                      bn_beta.reshape(1, IN_CH), W_fc, W_l, W_r)
    npad = PAD_E - E
    src = jnp.concatenate([edge_index[0], jnp.zeros((npad,), jnp.int32)])
    dst = jnp.concatenate(
        [edge_index[1], N + (jnp.arange(npad, dtype=jnp.int32) % (NACC - N))])
    nch = PAD_E // CHUNK
    idx = jnp.stack([src.reshape(nch, CHUNK), dst.reshape(nch, CHUNK)], axis=1)
    idx = jnp.concatenate([idx, jnp.zeros((SB, 2, CHUNK), jnp.int32)])
    num = _edge_pass(idx, t, a1, a2)
    return _finalize(num)

# --- scband reference (transcript-rebuilt; emitter-appended) ---
"""Pipeline reference for scband-multi-layer-11166914969655 (READ-ONLY COPY).

The authoritative reference and input builder live on the scoring server;
editing this copy changes nothing except your own understanding.
"""

import jax, jax.numpy as jnp
import numpy as np

N_NODES = 10000
N_EDGES = 320000
IN_CH = 128
OUT_CH = 64
N_HEADS = 2
ATT_DIM = 1  # 'gat' attention -> attention_dim = 1


def _leaky_relu(x):
    return jnp.where(x >= 0, x, 0.01 * x)


def setup_inputs(seed: int = 0) -> dict:
    key = jax.random.key(seed)
    ks = jax.random.split(key, 8)
    inp = {}
    inp['features'] = jax.random.normal(ks[0], (N_NODES, IN_CH), dtype=jnp.float32)
    inp['edge_index'] = jax.random.randint(ks[1], (2, N_EDGES), 0, N_NODES, dtype=jnp.int32)
    # BatchNorm1d affine params (in_channels)
    inp['bn_gamma'] = jnp.ones((IN_CH,), dtype=jnp.float32)
    inp['bn_beta'] = jnp.zeros((IN_CH,), dtype=jnp.float32)
    # Per-head AttentionPrepare params: fc (no bias), attn_l, attn_r (no bias)
    inp['W_fc'] = jax.random.normal(ks[2], (N_HEADS, IN_CH, OUT_CH), dtype=jnp.float32) * 0.05
    inp['W_l'] = jax.random.normal(ks[3], (N_HEADS, OUT_CH, ATT_DIM), dtype=jnp.float32) * 0.05
    inp['W_r'] = jax.random.normal(ks[4], (N_HEADS, OUT_CH, ATT_DIM), dtype=jnp.float32) * 0.05
    return inp


def reference(features, edge_index, bn_gamma, bn_beta, W_fc, W_l, W_r):
    # MultiLayer with a single NASLayer op (att='gat', agg='sum', act='relu'),
    # prune=False, concat=True, residual=False. Dropout treated as identity
    # (deterministic reference). BatchNorm1d uses batch statistics (training-mode
    # forward).
    src = edge_index[0]
    dst = edge_index[1]
    # BatchNorm1d over nodes
    mean = jnp.mean(features, axis=0)
    var = jnp.var(features, axis=0)
    last = (features - mean) / jnp.sqrt(var + 1e-5) * bn_gamma + bn_beta
    heads = []
    for h in range(N_HEADS):
        # AttentionPrepare
        ft = last @ W_fc[h]                 # [N, OUT]
        a1 = ft @ W_l[h]                    # [N, 1] (dst-side score)
        a2 = ft @ W_r[h]                    # [N, 1] (src-side score, sent as message)
        # gat_message + GATReduce: e = softmax_over_in_edges(leaky_relu(a1_dst + a2_src))
        logits = _leaky_relu(a1[dst] + a2[src])[:, 0]    # [E]
        m = jax.ops.segment_max(logits, dst, num_segments=N_NODES)
        m = jnp.where(jnp.isfinite(m), m, 0.0)
        ex = jnp.exp(logits - m[dst])
        denom = jax.ops.segment_sum(ex, dst, num_segments=N_NODES)
        alpha = ex / jnp.maximum(denom[dst], 1e-16)      # [E]
        # sum aggregator over weighted messages
        msg = alpha[:, None] * ft[src]                   # [E, OUT]
        accum = jax.ops.segment_sum(msg, dst, num_segments=N_NODES)  # [N, OUT]
        # GATFinalize: residual=False, act=relu
        heads.append(jax.nn.relu(accum))
    head_out = jnp.concatenate(heads, axis=1)            # concat=True -> [N, OUT*H]
    # MultiLayer.forward: out = zeros + sum over (single) layer
    out = jnp.zeros((features.shape[0], OUT_CH * N_HEADS), dtype=features.dtype) + head_out
    return out

if __name__ == "__main__":
    import jax
    _d = setup_inputs()
    print(jax.jit(kernel)(*tuple(_d.values())))

</pallas_src>

<mosaic_0001>
#map = affine_map<(d0, d1) -> (0, 0, 0)>
#map1 = affine_map<(d0, d1) -> (0, 0)>
module attributes {stable_mosaic.version = 14 : i64} {
  func.func @_edge_pass(%arg0: i32, %arg1: i32, %arg2: memref<5048x2x64xi32, #tpu.memory_space<hbm>>, %arg3: memref<20224x128xf32, #tpu.memory_space<hbm>>, %arg4: memref<2x10112xf32, #tpu.memory_space<hbm>>, %arg5: memref<2x10112xf32, #tpu.memory_space<hbm>>, %arg6: memref<2x10112x128xf32, #tpu.memory_space<hbm>>, %arg7: memref<10112xf32, #tpu.memory_space<vmem>>, %arg8: memref<10112xf32, #tpu.memory_space<vmem>>, %arg9: memref<16x2x64xi32, #tpu.memory_space<vmem>>, %arg10: memref<3x64xf32, #tpu.memory_space<vmem>>, %arg11: memref<3x64x128xf32, #tpu.memory_space<vmem>>, %arg12: memref<10112x128xf32, #tpu.memory_space<vmem_shared>>, %arg13: memref<!tpu.dma_semaphore, #tpu.memory_space<semaphore_mem>>, %arg14: memref<!tpu.dma_semaphore, #tpu.memory_space<semaphore_mem>>, %arg15: memref<!tpu.dma_semaphore, #tpu.memory_space<semaphore_mem>>, %arg16: memref<!tpu.dma_semaphore, #tpu.memory_space<semaphore_mem>>, %arg17: memref<!tpu.dma_semaphore, #tpu.memory_space<semaphore_mem>>, %arg18: memref<!tpu.dma_semaphore, #tpu.memory_space<semaphore_mem>>) attributes {dimension_semantics = [#tpu.dimension_semantics<core_parallel>, #tpu.dimension_semantics<subcore_parallel>], iteration_bounds = array<i64: 2, 16>, scalar_prefetch = 0 : i64, scratch_operands = 12 : i64, tpu.core_type = #tpu.core_type<sc_vector_subcore>, window_params = [{transform_indices = #map}, {transform_indices = #map1}, {transform_indices = #map1}, {transform_indices = #map1}, {transform_indices = #map}]} {
    "tpu.region"() ({
      %run_scoped3A_140 = tpu.sem_alloc : memref<!tpu.dma_semaphore, #tpu.memory_space<semaphore_mem>>
      %dma_start3A_141 = arith.constant 0 : i32
      %dma_start3A_142 = tpu.memref_slice %arg4[%arg0, %dma_start3A_141] : memref<2x10112xf32, #tpu.memory_space<hbm>> -> memref<1x10112xf32, #tpu.memory_space<hbm>>
      %dma_start3A_143 = tpu.memref_squeeze %dma_start3A_142 : memref<1x10112xf32, #tpu.memory_space<hbm>> -> memref<10112xf32, #tpu.memory_space<hbm>>
      %dma_start3A_144 = arith.constant 0 : i32
      %dma_start3A_145 = tpu.memref_slice %arg4[%arg0, %dma_start3A_144] : memref<2x10112xf32, #tpu.memory_space<hbm>> -> memref<1x10112xf32, #tpu.memory_space<hbm>>
      %dma_start3A_146 = tpu.memref_squeeze %dma_start3A_145 : memref<1x10112xf32, #tpu.memory_space<hbm>> -> memref<10112xf32, #tpu.memory_space<hbm>>
      tpu.enqueue_dma source(%dma_start3A_146 : memref<10112xf32, #tpu.memory_space<hbm>>) target(%arg7 : memref<10112xf32, #tpu.memory_space<vmem>>) target_semaphore(%run_scoped3A_140 : memref<!tpu.dma_semaphore, #tpu.memory_space<semaphore_mem>>)
      %dma_wait3A_147 = arith.constant 0 : i32
      %dma_wait3A_148 = tpu.memref_slice %arg4[%arg0, %dma_wait3A_147] : memref<2x10112xf32, #tpu.memory_space<hbm>> -> memref<1x10112xf32, #tpu.memory_space<hbm>>
      %dma_wait3A_149 = tpu.memref_squeeze %dma_wait3A_148 : memref<1x10112xf32, #tpu.memory_space<hbm>> -> memref<10112xf32, #tpu.memory_space<hbm>>
      %dma_wait3A_150 = arith.constant 0 : i32
      %dma_wait3A_151 = tpu.memref_slice %arg4[%arg0, %dma_wait3A_150] : memref<2x10112xf32, #tpu.memory_space<hbm>> -> memref<1x10112xf32, #tpu.memory_space<hbm>>
      %dma_wait3A_152 = tpu.memref_squeeze %dma_wait3A_151 : memref<1x10112xf32, #tpu.memory_space<hbm>> -> memref<10112xf32, #tpu.memory_space<hbm>>
      tpu.wait_dma2 semaphore(%run_scoped3A_140 : memref<!tpu.dma_semaphore, #tpu.memory_space<semaphore_mem>>) src(%dma_wait3A_152 : memref<10112xf32, #tpu.memory_space<hbm>>) dst(%arg7 : memref<10112xf32, #tpu.memory_space<vmem>>)
      tpu.yield
    }) : () -> ()
    "tpu.region"() ({
      %run_scoped3A_140 = tpu.sem_alloc : memref<!tpu.dma_semaphore, #tpu.memory_space<semaphore_mem>>
      %dma_start3A_141 = arith.constant 0 : i32
      %dma_start3A_142 = tpu.memref_slice %arg5[%arg0, %dma_start3A_141] : memref<2x10112xf32, #tpu.memory_space<hbm>> -> memref<1x10112xf32, #tpu.memory_space<hbm>>
      %dma_start3A_143 = tpu.memref_squeeze %dma_start3A_142 : memref<1x10112xf32, #tpu.memory_space<hbm>> -> memref<10112xf32, #tpu.memory_space<hbm>>
      %dma_start3A_144 = arith.constant 0 : i32
      %dma_start3A_145 = tpu.memref_slice %arg5[%arg0, %dma_start3A_144] : memref<2x10112xf32, #tpu.memory_space<hbm>> -> memref<1x10112xf32, #tpu.memory_space<hbm>>
      %dma_start3A_146 = tpu.memref_squeeze %dma_start3A_145 : memref<1x10112xf32, #tpu.memory_space<hbm>> -> memref<10112xf32, #tpu.memory_space<hbm>>
      tpu.enqueue_dma source(%dma_start3A_146 : memref<10112xf32, #tpu.memory_space<hbm>>) target(%arg8 : memref<10112xf32, #tpu.memory_space<vmem>>) target_semaphore(%run_scoped3A_140 : memref<!tpu.dma_semaphore, #tpu.memory_space<semaphore_mem>>)
      %dma_wait3A_147 = arith.constant 0 : i32
      %dma_wait3A_148 = tpu.memref_slice %arg5[%arg0, %dma_wait3A_147] : memref<2x10112xf32, #tpu.memory_space<hbm>> -> memref<1x10112xf32, #tpu.memory_space<hbm>>
      %dma_wait3A_149 = tpu.memref_squeeze %dma_wait3A_148 : memref<1x10112xf32, #tpu.memory_space<hbm>> -> memref<10112xf32, #tpu.memory_space<hbm>>
      %dma_wait3A_150 = arith.constant 0 : i32
      %dma_wait3A_151 = tpu.memref_slice %arg5[%arg0, %dma_wait3A_150] : memref<2x10112xf32, #tpu.memory_space<hbm>> -> memref<1x10112xf32, #tpu.memory_space<hbm>>
      %dma_wait3A_152 = tpu.memref_squeeze %dma_wait3A_151 : memref<1x10112xf32, #tpu.memory_space<hbm>> -> memref<10112xf32, #tpu.memory_space<hbm>>
      tpu.wait_dma2 semaphore(%run_scoped3A_140 : memref<!tpu.dma_semaphore, #tpu.memory_space<semaphore_mem>>) src(%dma_wait3A_152 : memref<10112xf32, #tpu.memory_space<hbm>>) dst(%arg8 : memref<10112xf32, #tpu.memory_space<vmem>>)
      tpu.yield
    }) : () -> ()
    %broadcast_in_dim3A = arith.constant 0.000000e+00 : f32
    %broadcast_in_dim3A_0 = vector.broadcast %broadcast_in_dim3A : f32 to vector<16xf32>
    %scan3A = arith.constant 0 : i32
    %scan3A_1 = arith.constant 0 : i32
    %scan3A_2 = arith.constant 64 : i32
    %scan3A_3 = arith.addi %scan3A_1, %scan3A_2 : i32
    %scan3A_4 = arith.constant 1 : i32
    %scan3A_5 = scf.for %scan3A_140 = %scan3A_1 to %scan3A_3 step %scan3A_4 iter_args(%scan3A_141 = %scan3A) -> (i32)  : i32 {
      %swap3A = arith.constant 0 : i32
      %swap3A_142 = arith.index_cast %swap3A : i32 to index
      %swap3A_143 = arith.index_cast %scan3A_140 : i32 to index
      %swap3A_144 = arith.constant 0 : index
      %swap3A_145 = tpu.vector_load %arg11[%swap3A_142, %swap3A_143, %swap3A_144] {strides = array<i32>} : memref<3x64x128xf32, #tpu.memory_space<vmem>>, vector<16xf32>,
      tpu.vector_store %arg11[%swap3A_142, %swap3A_143, %swap3A_144], %broadcast_in_dim3A_0 {strides = array<i32>} : memref<3x64x128xf32, #tpu.memory_space<vmem>>, vector<16xf32>,
      %swap3A_146 = arith.constant 0 : i32
      %swap3A_147 = arith.index_cast %swap3A_146 : i32 to index
      %swap3A_148 = arith.index_cast %scan3A_140 : i32 to index
      %swap3A_149 = arith.constant 16 : index
      %swap3A_150 = tpu.vector_load %arg11[%swap3A_147, %swap3A_148, %swap3A_149] {strides = array<i32>} : memref<3x64x128xf32, #tpu.memory_space<vmem>>, vector<16xf32>,
      tpu.vector_store %arg11[%swap3A_147, %swap3A_148, %swap3A_149], %broadcast_in_dim3A_0 {strides = array<i32>} : memref<3x64x128xf32, #tpu.memory_space<vmem>>, vector<16xf32>,
      %swap3A_151 = arith.constant 0 : i32
      %swap3A_152 = arith.index_cast %swap3A_151 : i32 to index
      %swap3A_153 = arith.index_cast %scan3A_140 : i32 to index
      %swap3A_154 = arith.constant 32 : index
      %swap3A_155 = tpu.vector_load %arg11[%swap3A_152, %swap3A_153, %swap3A_154] {strides = array<i32>} : memref<3x64x128xf32, #tpu.memory_space<vmem>>, vector<16xf32>,
      tpu.vector_store %arg11[%swap3A_152, %swap3A_153, %swap3A_154], %broadcast_in_dim3A_0 {strides = array<i32>} : memref<3x64x128xf32, #tpu.memory_space<vmem>>, vector<16xf32>,
      %swap3A_156 = arith.constant 0 : i32
      %swap3A_157 = arith.index_cast %swap3A_156 : i32 to index
      %swap3A_158 = arith.index_cast %scan3A_140 : i32 to index
      %swap3A_159 = arith.constant 48 : index
      %swap3A_160 = tpu.vector_load %arg11[%swap3A_157, %swap3A_158, %swap3A_159] {strides = array<i32>} : memref<3x64x128xf32, #tpu.memory_space<vmem>>, vector<16xf32>,
      tpu.vector_store %arg11[%swap3A_157, %swap3A_158, %swap3A_159], %broadcast_in_dim3A_0 {strides = array<i32>} : memref<3x64x128xf32, #tpu.memory_space<vmem>>, vector<16xf32>,
      %swap3A_161 = arith.constant 0 : i32
      %swap3A_162 = arith.index_cast %swap3A_161 : i32 to index
      %swap3A_163 = arith.index_cast %scan3A_140 : i32 to index
      %swap3A_164 = arith.constant 64 : index
      %swap3A_165 = tpu.vector_load %arg11[%swap3A_162, %swap3A_163, %swap3A_164] {strides = array<i32>} : memref<3x64x128xf32, #tpu.memory_space<vmem>>, vector<16xf32>,
      tpu.vector_store %arg11[%swap3A_162, %swap3A_163, %swap3A_164], %broadcast_in_dim3A_0 {strides = array<i32>} : memref<3x64x128xf32, #tpu.memory_space<vmem>>, vector<16xf32>,
      %swap3A_166 = arith.constant 0 : i32
      %swap3A_167 = arith.index_cast %swap3A_166 : i32 to index
      %swap3A_168 = arith.index_cast %scan3A_140 : i32 to index
      %swap3A_169 = arith.constant 80 : index
      %swap3A_170 = tpu.vector_load %arg11[%swap3A_167, %swap3A_168, %swap3A_169] {strides = array<i32>} : memref<3x64x128xf32, #tpu.memory_space<vmem>>, vector<16xf32>,
      tpu.vector_store %arg11[%swap3A_167, %swap3A_168, %swap3A_169], %broadcast_in_dim3A_0 {strides = array<i32>} : memref<3x64x128xf32, #tpu.memory_space<vmem>>, vector<16xf32>,
      %swap3A_171 = arith.constant 0 : i32
      %swap3A_172 = arith.index_cast %swap3A_171 : i32 to index
      %swap3A_173 = arith.index_cast %scan3A_140 : i32 to index
      %swap3A_174 = arith.constant 96 : index
      %swap3A_175 = tpu.vector_load %arg11[%swap3A_172, %swap3A_173, %swap3A_174] {strides = array<i32>} : memref<3x64x128xf32, #tpu.memory_space<vmem>>, vector<16xf32>,
      tpu.vector_store %arg11[%swap3A_172, %swap3A_173, %swap3A_174], %broadcast_in_dim3A_0 {strides = array<i32>} : memref<3x64x128xf32, #tpu.memory_space<vmem>>, vector<16xf32>,
      %swap3A_176 = arith.constant 0 : i32
      %swap3A_177 = arith.index_cast %swap3A_176 : i32 to index
      %swap3A_178 = arith.index_cast %scan3A_140 : i32 to index
      %swap3A_179 = arith.constant 112 : index
      %swap3A_180 = tpu.vector_load %arg11[%swap3A_177, %swap3A_178, %swap3A_179] {strides = array<i32>} : memref<3x64x128xf32, #tpu.memory_space<vmem>>, vector<16xf32>,
      tpu.vector_store %arg11[%swap3A_177, %swap3A_178, %swap3A_179], %broadcast_in_dim3A_0 {strides = array<i32>} : memref<3x64x128xf32, #tpu.memory_space<vmem>>, vector<16xf32>,
      %scan3A_181 = arith.constant 0 : i32
      scf.yield %scan3A_181 : i32
    }
    %scan3A_6 = arith.constant 64 : i32
    %mul3A = arith.constant 632 : i32
    %mul3A_7 = arith.muli %arg1, %mul3A : i32
    %add3A = arith.constant 0 : i32
    %add3A_8 = arith.addi %mul3A_7, %add3A : i32
    %run_scoped3A = arith.constant 0 : i32
    "tpu.region"() ({
      %run_scoped3A_140 = tpu.sem_alloc : memref<!tpu.dma_semaphore, #tpu.memory_space<semaphore_mem>>
      %dma_start3A_141 = arith.constant 0 : i32
      %dma_start3A_142 = arith.constant 0 : i32
      %dma_start3A_143 = tpu.memref_slice %arg11[%run_scoped3A, %dma_start3A_141, %dma_start3A_142] : memref<3x64x128xf32, #tpu.memory_space<vmem>> -> memref<1x64x128xf32, #tpu.memory_space<vmem>>
      %dma_start3A_144 = tpu.memref_squeeze %dma_start3A_143 : memref<1x64x128xf32, #tpu.memory_space<vmem>> -> memref<64x128xf32, #tpu.memory_space<vmem>>
      %dma_start3A_145 = arith.constant 0 : i32
      %dma_start3A_146 = tpu.memref_slice %arg12[%add3A_8, %dma_start3A_145] : memref<10112x128xf32, #tpu.memory_space<vmem_shared>> -> memref<64x128xf32, #tpu.memory_space<vmem_shared>>
      %dma_start3A_147 = arith.constant 0 : i32
      %dma_start3A_148 = tpu.memref_slice %arg12[%add3A_8, %dma_start3A_147] : memref<10112x128xf32, #tpu.memory_space<vmem_shared>> -> memref<64x128xf32, #tpu.memory_space<vmem_shared>>
      %dma_start3A_149 = arith.constant 0 : i32
      %dma_start3A_150 = arith.constant 0 : i32
      %dma_start3A_151 = tpu.memref_slice %arg11[%run_scoped3A, %dma_start3A_149, %dma_start3A_150] : memref<3x64x128xf32, #tpu.memory_space<vmem>> -> memref<1x64x128xf32, #tpu.memory_space<vmem>>
      %dma_start3A_152 = tpu.memref_squeeze %dma_start3A_151 : memref<1x64x128xf32, #tpu.memory_space<vmem>> -> memref<64x128xf32, #tpu.memory_space<vmem>>
      tpu.enqueue_dma source(%dma_start3A_152 : memref<64x128xf32, #tpu.memory_space<vmem>>) target(%dma_start3A_148 : memref<64x128xf32, #tpu.memory_space<vmem_shared>>) target_semaphore(%run_scoped3A_140 : memref<!tpu.dma_semaphore, #tpu.memory_space<semaphore_mem>>)
      %dma_wait3A_153 = arith.constant 0 : i32
      %dma_wait3A_154 = arith.constant 0 : i32
      %dma_wait3A_155 = tpu.memref_slice %arg11[%run_scoped3A, %dma_wait3A_153, %dma_wait3A_154] : memref<3x64x128xf32, #tpu.memory_space<vmem>> -> memref<1x64x128xf32, #tpu.memory_space<vmem>>
      %dma_wait3A_156 = tpu.memref_squeeze %dma_wait3A_155 : memref<1x64x128xf32, #tpu.memory_space<vmem>> -> memref<64x128xf32, #tpu.memory_space<vmem>>
      %dma_wait3A_157 = arith.constant 0 : i32
      %dma_wait3A_158 = tpu.memref_slice %arg12[%add3A_8, %dma_wait3A_157] : memref<10112x128xf32, #tpu.memory_space<vmem_shared>> -> memref<64x128xf32, #tpu.memory_space<vmem_shared>>
      %dma_wait3A_159 = arith.constant 0 : i32
      %dma_wait3A_160 = tpu.memref_slice %arg12[%add3A_8, %dma_wait3A_159] : memref<10112x128xf32, #tpu.memory_space<vmem_shared>> -> memref<64x128xf32, #tpu.memory_space<vmem_shared>>
      %dma_wait3A_161 = arith.constant 0 : i32
      %dma_wait3A_162 = arith.constant 0 : i32
      %dma_wait3A_163 = tpu.memref_slice %arg11[%run_scoped3A, %dma_wait3A_161, %dma_wait3A_162] : memref<3x64x128xf32, #tpu.memory_space<vmem>> -> memref<1x64x128xf32, #tpu.memory_space<vmem>>
      %dma_wait3A_164 = tpu.memref_squeeze %dma_wait3A_163 : memref<1x64x128xf32, #tpu.memory_space<vmem>> -> memref<64x128xf32, #tpu.memory_space<vmem>>
      tpu.wait_dma2 semaphore(%run_scoped3A_140 : memref<!tpu.dma_semaphore, #tpu.memory_space<semaphore_mem>>) src(%dma_wait3A_164 : memref<64x128xf32, #tpu.memory_space<vmem>>) dst(%dma_wait3A_160 : memref<64x128xf32, #tpu.memory_space<vmem_shared>>)
      tpu.yield
    }) : () -> ()
    %add3A_9 = arith.constant 64 : i32
    %add3A_10 = arith.addi %mul3A_7, %add3A_9 : i32
    %run_scoped3A_11 = arith.constant 0 : i32
    "tpu.region"() ({
      %run_scoped3A_140 = tpu.sem_alloc : memref<!tpu.dma_semaphore, #tpu.memory_space<semaphore_mem>>
      %dma_start3A_141 = arith.constant 0 : i32
      %dma_start3A_142 = arith.constant 0 : i32
      %dma_start3A_143 = tpu.memref_slice %arg11[%run_scoped3A_11, %dma_start3A_141, %dma_start3A_142] : memref<3x64x128xf32, #tpu.memory_space<vmem>> -> memref<1x64x128xf32, #tpu.memory_space<vmem>>
      %dma_start3A_144 = tpu.memref_squeeze %dma_start3A_143 : memref<1x64x128xf32, #tpu.memory_space<vmem>> -> memref<64x128xf32, #tpu.memory_space<vmem>>
      %dma_start3A_145 = arith.constant 0 : i32
      %dma_start3A_146 = tpu.memref_slice %arg12[%add3A_10, %dma_start3A_145] : memref<10112x128xf32, #tpu.memory_space<vmem_shared>> -> memref<64x128xf32, #tpu.memory_space<vmem_shared>>
      %dma_start3A_147 = arith.constant 0 : i32
      %dma_start3A_148 = tpu.memref_slice %arg12[%add3A_10, %dma_start3A_147] : memref<10112x128xf32, #tpu.memory_space<vmem_shared>> -> memref<64x128xf32, #tpu.memory_space<vmem_shared>>
      %dma_start3A_149 = arith.constant 0 : i32
      %dma_start3A_150 = arith.constant 0 : i32
      %dma_start3A_151 = tpu.memref_slice %arg11[%run_scoped3A_11, %dma_start3A_149, %dma_start3A_150] : memref<3x64x128xf32, #tpu.memory_space<vmem>> -> memref<1x64x128xf32, #tpu.memory_space<vmem>>
      %dma_start3A_152 = tpu.memref_squeeze %dma_start3A_151 : memref<1x64x128xf32, #tpu.memory_space<vmem>> -> memref<64x128xf32, #tpu.memory_space<vmem>>
      tpu.enqueue_dma source(%dma_start3A_152 : memref<64x128xf32, #tpu.memory_space<vmem>>) target(%dma_start3A_148 : memref<64x128xf32, #tpu.memory_space<vmem_shared>>) target_semaphore(%run_scoped3A_140 : memref<!tpu.dma_semaphore, #tpu.memory_space<semaphore_mem>>)
      %dma_wait3A_153 = arith.constant 0 : i32
      %dma_wait3A_154 = arith.constant 0 : i32
      %dma_wait3A_155 = tpu.memref_slice %arg11[%run_scoped3A_11, %dma_wait3A_153, %dma_wait3A_154] : memref<3x64x128xf32, #tpu.memory_space<vmem>> -> memref<1x64x128xf32, #tpu.memory_space<vmem>>
      %dma_wait3A_156 = tpu.memref_squeeze %dma_wait3A_155 : memref<1x64x128xf32, #tpu.memory_space<vmem>> -> memref<64x128xf32, #tpu.memory_space<vmem>>
      %dma_wait3A_157 = arith.constant 0 : i32
      %dma_wait3A_158 = tpu.memref_slice %arg12[%add3A_10, %dma_wait3A_157] : memref<10112x128xf32, #tpu.memory_space<vmem_shared>> -> memref<64x128xf32, #tpu.memory_space<vmem_shared>>
      %dma_wait3A_159 = arith.constant 0 : i32
      %dma_wait3A_160 = tpu.memref_slice %arg12[%add3A_10, %dma_wait3A_159] : memref<10112x128xf32, #tpu.memory_space<vmem_shared>> -> memref<64x128xf32, #tpu.memory_space<vmem_shared>>
      %dma_wait3A_161 = arith.constant 0 : i32
      %dma_wait3A_162 = arith.constant 0 : i32
      %dma_wait3A_163 = tpu.memref_slice %arg11[%run_scoped3A_11, %dma_wait3A_161, %dma_wait3A_162] : memref<3x64x128xf32, #tpu.memory_space<vmem>> -> memref<1x64x128xf32, #tpu.memory_space<vmem>>
      %dma_wait3A_164 = tpu.memref_squeeze %dma_wait3A_163 : memref<1x64x128xf32, #tpu.memory_space<vmem>> -> memref<64x128xf32, #tpu.memory_space<vmem>>
      tpu.wait_dma2 semaphore(%run_scoped3A_140 : memref<!tpu.dma_semaphore, #tpu.memory_space<semaphore_mem>>) src(%dma_wait3A_164 : memref<64x128xf32, #tpu.memory_space<vmem>>) dst(%dma_wait3A_160 : memref<64x128xf32, #tpu.memory_space<vmem_shared>>)
      tpu.yield
    }) : () -> ()
    %add3A_12 = arith.constant 128 : i32
    %add3A_13 = arith.addi %mul3A_7, %add3A_12 : i32
    %run_scoped3A_14 = arith.constant 0 : i32
    "tpu.region"() ({
      %run_scoped3A_140 = tpu.sem_alloc : memref<!tpu.dma_semaphore, #tpu.memory_space<semaphore_mem>>
      %dma_start3A_141 = arith.constant 0 : i32
      %dma_start3A_142 = arith.constant 0 : i32
      %dma_start3A_143 = tpu.memref_slice %arg11[%run_scoped3A_14, %dma_start3A_141, %dma_start3A_142] : memref<3x64x128xf32, #tpu.memory_space<vmem>> -> memref<1x64x128xf32, #tpu.memory_space<vmem>>
      %dma_start3A_144 = tpu.memref_squeeze %dma_start3A_143 : memref<1x64x128xf32, #tpu.memory_space<vmem>> -> memref<64x128xf32, #tpu.memory_space<vmem>>
      %dma_start3A_145 = arith.constant 0 : i32
      %dma_start3A_146 = tpu.memref_slice %arg12[%add3A_13, %dma_start3A_145] : memref<10112x128xf32, #tpu.memory_space<vmem_shared>> -> memref<64x128xf32, #tpu.memory_space<vmem_shared>>
      %dma_start3A_147 = arith.constant 0 : i32
      %dma_start3A_148 = tpu.memref_slice %arg12[%add3A_13, %dma_start3A_147] : memref<10112x128xf32, #tpu.memory_space<vmem_shared>> -> memref<64x128xf32, #tpu.memory_space<vmem_shared>>
      %dma_start3A_149 = arith.constant 0 : i32
      %dma_start3A_150 = arith.constant 0 : i32
      %dma_start3A_151 = tpu.memref_slice %arg11[%run_scoped3A_14, %dma_start3A_149, %dma_start3A_150] : memref<3x64x128xf32, #tpu.memory_space<vmem>> -> memref<1x64x128xf32, #tpu.memory_space<vmem>>
      %dma_start3A_152 = tpu.memref_squeeze %dma_start3A_151 : memref<1x64x128xf32, #tpu.memory_space<vmem>> -> memref<64x128xf32, #tpu.memory_space<vmem>>
      tpu.enqueue_dma source(%dma_start3A_152 : memref<64x128xf32, #tpu.memory_space<vmem>>) target(%dma_start3A_148 : memref<64x128xf32, #tpu.memory_space<vmem_shared>>) target_semaphore(%run_scoped3A_140 : memref<!tpu.dma_semaphore, #tpu.memory_space<semaphore_mem>>)
      %dma_wait3A_153 = arith.constant 0 : i32
      %dma_wait3A_154 = arith.constant 0 : i32
      %dma_wait3A_155 = tpu.memref_slice %arg11[%run_scoped3A_14, %dma_wait3A_153, %dma_wait3A_154] : memref<3x64x128xf32, #tpu.memory_space<vmem>> -> memref<1x64x128xf32, #tpu.memory_space<vmem>>
      %dma_wait3A_156 = tpu.memref_squeeze %dma_wait3A_155 : memref<1x64x128xf32, #tpu.memory_space<vmem>> -> memref<64x128xf32, #tpu.memory_space<vmem>>
      %dma_wait3A_157 = arith.constant 0 : i32
      %dma_wait3A_158 = tpu.memref_slice %arg12[%add3A_13, %dma_wait3A_157] : memref<10112x128xf32, #tpu.memory_space<vmem_shared>> -> memref<64x128xf32, #tpu.memory_space<vmem_shared>>
      %dma_wait3A_159 = arith.constant 0 : i32
      %dma_wait3A_160 = tpu.memref_slice %arg12[%add3A_13, %dma_wait3A_159] : memref<10112x128xf32, #tpu.memory_space<vmem_shared>> -> memref<64x128xf32, #tpu.memory_space<vmem_shared>>
      %dma_wait3A_161 = arith.constant 0 : i32
      %dma_wait3A_162 = arith.constant 0 : i32
      %dma_wait3A_163 = tpu.memref_slice %arg11[%run_scoped3A_14, %dma_wait3A_161, %dma_wait3A_162] : memref<3x64x128xf32, #tpu.memory_space<vmem>> -> memref<1x64x128xf32, #tpu.memory_space<vmem>>
      %dma_wait3A_164 = tpu.memref_squeeze %dma_wait3A_163 : memref<1x64x128xf32, #tpu.memory_space<vmem>> -> memref<64x128xf32, #tpu.memory_space<vmem>>
      tpu.wait_dma2 semaphore(%run_scoped3A_140 : memref<!tpu.dma_semaphore, #tpu.memory_space<semaphore_mem>>) src(%dma_wait3A_164 : memref<64x128xf32, #tpu.memory_space<vmem>>) dst(%dma_wait3A_160 : memref<64x128xf32, #tpu.memory_space<vmem_shared>>)
      tpu.yield
    }) : () -> ()
    %add3A_15 = arith.constant 192 : i32
    %add3A_16 = arith.addi %mul3A_7, %add3A_15 : i32
    %run_scoped3A_17 = arith.constant 0 : i32
    "tpu.region"() ({
      %run_scoped3A_140 = tpu.sem_alloc : memref<!tpu.dma_semaphore, #tpu.memory_space<semaphore_mem>>
      %dma_start3A_141 = arith.constant 0 : i32
      %dma_start3A_142 = arith.constant 0 : i32
      %dma_start3A_143 = tpu.memref_slice %arg11[%run_scoped3A_17, %dma_start3A_141, %dma_start3A_142] : memref<3x64x128xf32, #tpu.memory_space<vmem>> -> memref<1x64x128xf32, #tpu.memory_space<vmem>>
      %dma_start3A_144 = tpu.memref_squeeze %dma_start3A_143 : memref<1x64x128xf32, #tpu.memory_space<vmem>> -> memref<64x128xf32, #tpu.memory_space<vmem>>
      %dma_start3A_145 = arith.constant 0 : i32
      %dma_start3A_146 = tpu.memref_slice %arg12[%add3A_16, %dma_start3A_145] : memref<10112x128xf32, #tpu.memory_space<vmem_shared>> -> memref<64x128xf32, #tpu.memory_space<vmem_shared>>
      %dma_start3A_147 = arith.constant 0 : i32
      %dma_start3A_148 = tpu.memref_slice %arg12[%add3A_16, %dma_start3A_147] : memref<10112x128xf32, #tpu.memory_space<vmem_shared>> -> memref<64x128xf32, #tpu.memory_space<vmem_shared>>
      %dma_start3A_149 = arith.constant 0 : i32
      %dma_start3A_150 = arith.constant 0 : i32
      %dma_start3A_151 = tpu.memref_slice %arg11[%run_scoped3A_17, %dma_start3A_149, %dma_start3A_150] : memref<3x64x128xf32, #tpu.memory_space<vmem>> -> memref<1x64x128xf32, #tpu.memory_space<vmem>>
      %dma_start3A_152 = tpu.memref_squeeze %dma_start3A_151 : memref<1x64x128xf32, #tpu.memory_space<vmem>> -> memref<64x128xf32, #tpu.memory_space<vmem>>
      tpu.enqueue_dma source(%dma_start3A_152 : memref<64x128xf32, #tpu.memory_space<vmem>>) target(%dma_start3A_148 : memref<64x128xf32, #tpu.memory_space<vmem_shared>>) target_semaphore(%run_scoped3A_140 : memref<!tpu.dma_semaphore, #tpu.memory_space<semaphore_mem>>)
      %dma_wait3A_153 = arith.constant 0 : i32
      %dma_wait3A_154 = arith.constant 0 : i32
      %dma_wait3A_155 = tpu.memref_slice %arg11[%run_scoped3A_17, %dma_wait3A_153, %dma_wait3A_154] : memref<3x64x128xf32, #tpu.memory_space<vmem>> -> memref<1x64x128xf32, #tpu.memory_space<vmem>>
      %dma_wait3A_156 = tpu.memref_squeeze %dma_wait3A_155 : memref<1x64x128xf32, #tpu.memory_space<vmem>> -> memref<64x128xf32, #tpu.memory_space<vmem>>
      %dma_wait3A_157 = arith.constant 0 : i32
      %dma_wait3A_158 = tpu.memref_slice %arg12[%add3A_16, %dma_wait3A_157] : memref<10112x128xf32, #tpu.memory_space<vmem_shared>> -> memref<64x128xf32, #tpu.memory_space<vmem_shared>>
      %dma_wait3A_159 = arith.constant 0 : i32
      %dma_wait3A_160 = tpu.memref_slice %arg12[%add3A_16, %dma_wait3A_159] : memref<10112x128xf32, #tpu.memory_space<vmem_shared>> -> memref<64x128xf32, #tpu.memory_space<vmem_shared>>
      %dma_wait3A_161 = arith.constant 0 : i32
      %dma_wait3A_162 = arith.constant 0 : i32
      %dma_wait3A_163 = tpu.memref_slice %arg11[%run_scoped3A_17, %dma_wait3A_161, %dma_wait3A_162] : memref<3x64x128xf32, #tpu.memory_space<vmem>> -> memref<1x64x128xf32, #tpu.memory_space<vmem>>
      %dma_wait3A_164 = tpu.memref_squeeze %dma_wait3A_163 : memref<1x64x128xf32, #tpu.memory_space<vmem>> -> memref<64x128xf32, #tpu.memory_space<vmem>>
      tpu.wait_dma2 semaphore(%run_scoped3A_140 : memref<!tpu.dma_semaphore, #tpu.memory_space<semaphore_mem>>) src(%dma_wait3A_164 : memref<64x128xf32, #tpu.memory_space<vmem>>) dst(%dma_wait3A_160 : memref<64x128xf32, #tpu.memory_space<vmem_shared>>)
      tpu.yield
    }) : () -> ()
    %add3A_18 = arith.constant 256 : i32
    %add3A_19 = arith.addi %mul3A_7, %add3A_18 : i32
    %run_scoped3A_20 = arith.constant 0 : i32
    "tpu.region"() ({
      %run_scoped3A_140 = tpu.sem_alloc : memref<!tpu.dma_semaphore, #tpu.memory_space<semaphore_mem>>
      %dma_start3A_141 = arith.constant 0 : i32
      %dma_start3A_142 = arith.constant 0 : i32
      %dma_start3A_143 = tpu.memref_slice %arg11[%run_scoped3A_20, %dma_start3A_141, %dma_start3A_142] : memref<3x64x128xf32, #tpu.memory_space<vmem>> -> memref<1x64x128xf32, #tpu.memory_space<vmem>>
      %dma_start3A_144 = tpu.memref_squeeze %dma_start3A_143 : memref<1x64x128xf32, #tpu.memory_space<vmem>> -> memref<64x128xf32, #tpu.memory_space<vmem>>
      %dma_start3A_145 = arith.constant 0 : i32
      %dma_start3A_146 = tpu.memref_slice %arg12[%add3A_19, %dma_start3A_145] : memref<10112x128xf32, #tpu.memory_space<vmem_shared>> -> memref<64x128xf32, #tpu.memory_space<vmem_shared>>
      %dma_start3A_147 = arith.constant 0 : i32
      %dma_start3A_148 = tpu.memref_slice %arg12[%add3A_19, %dma_start3A_147] : memref<10112x128xf32, #tpu.memory_space<vmem_shared>> -> memref<64x128xf32, #tpu.memory_space<vmem_shared>>
      %dma_start3A_149 = arith.constant 0 : i32
      %dma_start3A_150 = arith.constant 0 : i32
      %dma_start3A_151 = tpu.memref_slice %arg11[%run_scoped3A_20, %dma_start3A_149, %dma_start3A_150] : memref<3x64x128xf32, #tpu.memory_space<vmem>> -> memref<1x64x128xf32, #tpu.memory_space<vmem>>
      %dma_start3A_152 = tpu.memref_squeeze %dma_start3A_151 : memref<1x64x128xf32, #tpu.memory_space<vmem>> -> memref<64x128xf32, #tpu.memory_space<vmem>>
      tpu.enqueue_dma source(%dma_start3A_152 : memref<64x128xf32, #tpu.memory_space<vmem>>) target(%dma_start3A_148 : memref<64x128xf32, #tpu.memory_space<vmem_shared>>) target_semaphore(%run_scoped3A_140 : memref<!tpu.dma_semaphore, #tpu.memory_space<semaphore_mem>>)
      %dma_wait3A_153 = arith.constant 0 : i32
      %dma_wait3A_154 = arith.constant 0 : i32
      %dma_wait3A_155 = tpu.memref_slice %arg11[%run_scoped3A_20, %dma_wait3A_153, %dma_wait3A_154] : memref<3x64x128xf32, #tpu.memory_space<vmem>> -> memref<1x64x128xf32, #tpu.memory_space<vmem>>
      %dma_wait3A_156 = tpu.memref_squeeze %dma_wait3A_155 : memref<1x64x128xf32, #tpu.memory_space<vmem>> -> memref<64x128xf32, #tpu.memory_space<vmem>>
      %dma_wait3A_157 = arith.constant 0 : i32
      %dma_wait3A_158 = tpu.memref_slice %arg12[%add3A_19, %dma_wait3A_157] : memref<10112x128xf32, #tpu.memory_space<vmem_shared>> -> memref<64x128xf32, #tpu.memory_space<vmem_shared>>
      %dma_wait3A_159 = arith.constant 0 : i32
      %dma_wait3A_160 = tpu.memref_slice %arg12[%add3A_19, %dma_wait3A_159] : memref<10112x128xf32, #tpu.memory_space<vmem_shared>> -> memref<64x128xf32, #tpu.memory_space<vmem_shared>>
      %dma_wait3A_161 = arith.constant 0 : i32
      %dma_wait3A_162 = arith.constant 0 : i32
      %dma_wait3A_163 = tpu.memref_slice %arg11[%run_scoped3A_20, %dma_wait3A_161, %dma_wait3A_162] : memref<3x64x128xf32, #tpu.memory_space<vmem>> -> memref<1x64x128xf32, #tpu.memory_space<vmem>>
      %dma_wait3A_164 = tpu.memref_squeeze %dma_wait3A_163 : memref<1x64x128xf32, #tpu.memory_space<vmem>> -> memref<64x128xf32, #tpu.memory_space<vmem>>
      tpu.wait_dma2 semaphore(%run_scoped3A_140 : memref<!tpu.dma_semaphore, #tpu.memory_space<semaphore_mem>>) src(%dma_wait3A_164 : memref<64x128xf32, #tpu.memory_space<vmem>>) dst(%dma_wait3A_160 : memref<64x128xf32, #tpu.memory_space<vmem_shared>>)
      tpu.yield
    }) : () -> ()
    %add3A_21 = arith.constant 320 : i32
    %add3A_22 = arith.addi %mul3A_7, %add3A_21 : i32
    %run_scoped3A_23 = arith.constant 0 : i32
    "tpu.region"() ({
      %run_scoped3A_140 = tpu.sem_alloc : memref<!tpu.dma_semaphore, #tpu.memory_space<semaphore_mem>>
      %dma_start3A_141 = arith.constant 0 : i32
      %dma_start3A_142 = arith.constant 0 : i32
      %dma_start3A_143 = tpu.memref_slice %arg11[%run_scoped3A_23, %dma_start3A_141, %dma_start3A_142] : memref<3x64x128xf32, #tpu.memory_space<vmem>> -> memref<1x64x128xf32, #tpu.memory_space<vmem>>
      %dma_start3A_144 = tpu.memref_squeeze %dma_start3A_143 : memref<1x64x128xf32, #tpu.memory_space<vmem>> -> memref<64x128xf32, #tpu.memory_space<vmem>>
      %dma_start3A_145 = arith.constant 0 : i32
      %dma_start3A_146 = tpu.memref_slice %arg12[%add3A_22, %dma_start3A_145] : memref<10112x128xf32, #tpu.memory_space<vmem_shared>> -> memref<64x128xf32, #tpu.memory_space<vmem_shared>>
      %dma_start3A_147 = arith.constant 0 : i32
      %dma_start3A_148 = tpu.memref_slice %arg12[%add3A_22, %dma_start3A_147] : memref<10112x128xf32, #tpu.memory_space<vmem_shared>> -> memref<64x128xf32, #tpu.memory_space<vmem_shared>>
      %dma_start3A_149 = arith.constant 0 : i32
      %dma_start3A_150 = arith.constant 0 : i32
      %dma_start3A_151 = tpu.memref_slice %arg11[%run_scoped3A_23, %dma_start3A_149, %dma_start3A_150] : memref<3x64x128xf32, #tpu.memory_space<vmem>> -> memref<1x64x128xf32, #tpu.memory_space<vmem>>
      %dma_start3A_152 = tpu.memref_squeeze %dma_start3A_151 : memref<1x64x128xf32, #tpu.memory_space<vmem>> -> memref<64x128xf32, #tpu.memory_space<vmem>>
      tpu.enqueue_dma source(%dma_start3A_152 : memref<64x128xf32, #tpu.memory_space<vmem>>) target(%dma_start3A_148 : memref<64x128xf32, #tpu.memory_space<vmem_shared>>) target_semaphore(%run_scoped3A_140 : memref<!tpu.dma_semaphore, #tpu.memory_space<semaphore_mem>>)
      %dma_wait3A_153 = arith.constant 0 : i32
      %dma_wait3A_154 = arith.constant 0 : i32
      %dma_wait3A_155 = tpu.memref_slice %arg11[%run_scoped3A_23, %dma_wait3A_153, %dma_wait3A_154] : memref<3x64x128xf32, #tpu.memory_space<vmem>> -> memref<1x64x128xf32, #tpu.memory_space<vmem>>
      %dma_wait3A_156 = tpu.memref_squeeze %dma_wait3A_155 : memref<1x64x128xf32, #tpu.memory_space<vmem>> -> memref<64x128xf32, #tpu.memory_space<vmem>>
      %dma_wait3A_157 = arith.constant 0 : i32
      %dma_wait3A_158 = tpu.memref_slice %arg12[%add3A_22, %dma_wait3A_157] : memref<10112x128xf32, #tpu.memory_space<vmem_shared>> -> memref<64x128xf32, #tpu.memory_space<vmem_shared>>
      %dma_wait3A_159 = arith.constant 0 : i32
      %dma_wait3A_160 = tpu.memref_slice %arg12[%add3A_22, %dma_wait3A_159] : memref<10112x128xf32, #tpu.memory_space<vmem_shared>> -> memref<64x128xf32, #tpu.memory_space<vmem_shared>>
      %dma_wait3A_161 = arith.constant 0 : i32
      %dma_wait3A_162 = arith.constant 0 : i32
      %dma_wait3A_163 = tpu.memref_slice %arg11[%run_scoped3A_23, %dma_wait3A_161, %dma_wait3A_162] : memref<3x64x128xf32, #tpu.memory_space<vmem>> -> memref<1x64x128xf32, #tpu.memory_space<vmem>>
      %dma_wait3A_164 = tpu.memref_squeeze %dma_wait3A_163 : memref<1x64x128xf32, #tpu.memory_space<vmem>> -> memref<64x128xf32, #tpu.memory_space<vmem>>
      tpu.wait_dma2 semaphore(%run_scoped3A_140 : memref<!tpu.dma_semaphore, #tpu.memory_space<semaphore_mem>>) src(%dma_wait3A_164 : memref<64x128xf32, #tpu.memory_space<vmem>>) dst(%dma_wait3A_160 : memref<64x128xf32, #tpu.memory_space<vmem_shared>>)
      tpu.yield
    }) : () -> ()
    %add3A_24 = arith.constant 384 : i32
    %add3A_25 = arith.addi %mul3A_7, %add3A_24 : i32
    %run_scoped3A_26 = arith.constant 0 : i32
    "tpu.region"() ({
      %run_scoped3A_140 = tpu.sem_alloc : memref<!tpu.dma_semaphore, #tpu.memory_space<semaphore_mem>>
      %dma_start3A_141 = arith.constant 0 : i32
      %dma_start3A_142 = arith.constant 0 : i32
      %dma_start3A_143 = tpu.memref_slice %arg11[%run_scoped3A_26, %dma_start3A_141, %dma_start3A_142] : memref<3x64x128xf32, #tpu.memory_space<vmem>> -> memref<1x64x128xf32, #tpu.memory_space<vmem>>
      %dma_start3A_144 = tpu.memref_squeeze %dma_start3A_143 : memref<1x64x128xf32, #tpu.memory_space<vmem>> -> memref<64x128xf32, #tpu.memory_space<vmem>>
      %dma_start3A_145 = arith.constant 0 : i32
      %dma_start3A_146 = tpu.memref_slice %arg12[%add3A_25, %dma_start3A_145] : memref<10112x128xf32, #tpu.memory_space<vmem_shared>> -> memref<64x128xf32, #tpu.memory_space<vmem_shared>>
      %dma_start3A_147 = arith.constant 0 : i32
      %dma_start3A_148 = tpu.memref_slice %arg12[%add3A_25, %dma_start3A_147] : memref<10112x128xf32, #tpu.memory_space<vmem_shared>> -> memref<64x128xf32, #tpu.memory_space<vmem_shared>>
      %dma_start3A_149 = arith.constant 0 : i32
      %dma_start3A_150 = arith.constant 0 : i32
      %dma_start3A_151 = tpu.memref_slice %arg11[%run_scoped3A_26, %dma_start3A_149, %dma_start3A_150] : memref<3x64x128xf32, #tpu.memory_space<vmem>> -> memref<1x64x128xf32, #tpu.memory_space<vmem>>
      %dma_start3A_152 = tpu.memref_squeeze %dma_start3A_151 : memref<1x64x128xf32, #tpu.memory_space<vmem>> -> memref<64x128xf32, #tpu.memory_space<vmem>>
      tpu.enqueue_dma source(%dma_start3A_152 : memref<64x128xf32, #tpu.memory_space<vmem>>) target(%dma_start3A_148 : memref<64x128xf32, #tpu.memory_space<vmem_shared>>) target_semaphore(%run_scoped3A_140 : memref<!tpu.dma_semaphore, #tpu.memory_space<semaphore_mem>>)
      %dma_wait3A_153 = arith.constant 0 : i32
      %dma_wait3A_154 = arith.constant 0 : i32
      %dma_wait3A_155 = tpu.memref_slice %arg11[%run_scoped3A_26, %dma_wait3A_153, %dma_wait3A_154] : memref<3x64x128xf32, #tpu.memory_space<vmem>> -> memref<1x64x128xf32, #tpu.memory_space<vmem>>
      %dma_wait3A_156 = tpu.memref_squeeze %dma_wait3A_155 : memref<1x64x128xf32, #tpu.memory_space<vmem>> -> memref<64x128xf32, #tpu.memory_space<vmem>>
      %dma_wait3A_157 = arith.constant 0 : i32
      %dma_wait3A_158 = tpu.memref_slice %arg12[%add3A_25, %dma_wait3A_157] : memref<10112x128xf32, #tpu.memory_space<vmem_shared>> -> memref<64x128xf32, #tpu.memory_space<vmem_shared>>
      %dma_wait3A_159 = arith.constant 0 : i32
      %dma_wait3A_160 = tpu.memref_slice %arg12[%add3A_25, %dma_wait3A_159] : memref<10112x128xf32, #tpu.memory_space<vmem_shared>> -> memref<64x128xf32, #tpu.memory_space<vmem_shared>>
      %dma_wait3A_161 = arith.constant 0 : i32
      %dma_wait3A_162 = arith.constant 0 : i32
      %dma_wait3A_163 = tpu.memref_slice %arg11[%run_scoped3A_26, %dma_wait3A_161, %dma_wait3A_162] : memref<3x64x128xf32, #tpu.memory_space<vmem>> -> memref<1x64x128xf32, #tpu.memory_space<vmem>>
      %dma_wait3A_164 = tpu.memref_squeeze %dma_wait3A_163 : memref<1x64x128xf32, #tpu.memory_space<vmem>> -> memref<64x128xf32, #tpu.memory_space<vmem>>
      tpu.wait_dma2 semaphore(%run_scoped3A_140 : memref<!tpu.dma_semaphore, #tpu.memory_space<semaphore_mem>>) src(%dma_wait3A_164 : memref<64x128xf32, #tpu.memory_space<vmem>>) dst(%dma_wait3A_160 : memref<64x128xf32, #tpu.memory_space<vmem_shared>>)
      tpu.yield
    }) : () -> ()
    %add3A_27 = arith.constant 448 : i32
    %add3A_28 = arith.addi %mul3A_7, %add3A_27 : i32
    %run_scoped3A_29 = arith.constant 0 : i32
    "tpu.region"() ({
      %run_scoped3A_140 = tpu.sem_alloc : memref<!tpu.dma_semaphore, #tpu.memory_space<semaphore_mem>>
      %dma_start3A_141 = arith.constant 0 : i32
      %dma_start3A_142 = arith.constant 0 : i32
      %dma_start3A_143 = tpu.memref_slice %arg11[%run_scoped3A_29, %dma_start3A_141, %dma_start3A_142] : memref<3x64x128xf32, #tpu.memory_space<vmem>> -> memref<1x64x128xf32, #tpu.memory_space<vmem>>
      %dma_start3A_144 = tpu.memref_squeeze %dma_start3A_143 : memref<1x64x128xf32, #tpu.memory_space<vmem>> -> memref<64x128xf32, #tpu.memory_space<vmem>>
      %dma_start3A_145 = arith.constant 0 : i32
      %dma_start3A_146 = tpu.memref_slice %arg12[%add3A_28, %dma_start3A_145] : memref<10112x128xf32, #tpu.memory_space<vmem_shared>> -> memref<64x128xf32, #tpu.memory_space<vmem_shared>>
      %dma_start3A_147 = arith.constant 0 : i32
      %dma_start3A_148 = tpu.memref_slice %arg12[%add3A_28, %dma_start3A_147] : memref<10112x128xf32, #tpu.memory_space<vmem_shared>> -> memref<64x128xf32, #tpu.memory_space<vmem_shared>>
      %dma_start3A_149 = arith.constant 0 : i32
      %dma_start3A_150 = arith.constant 0 : i32
      %dma_start3A_151 = tpu.memref_slice %arg11[%run_scoped3A_29, %dma_start3A_149, %dma_start3A_150] : memref<3x64x128xf32, #tpu.memory_space<vmem>> -> memref<1x64x128xf32, #tpu.memory_space<vmem>>
      %dma_start3A_152 = tpu.memref_squeeze %dma_start3A_151 : memref<1x64x128xf32, #tpu.memory_space<vmem>> -> memref<64x128xf32, #tpu.memory_space<vmem>>
      tpu.enqueue_dma source(%dma_start3A_152 : memref<64x128xf32, #tpu.memory_space<vmem>>) target(%dma_start3A_148 : memref<64x128xf32, #tpu.memory_space<vmem_shared>>) target_semaphore(%run_scoped3A_140 : memref<!tpu.dma_semaphore, #tpu.memory_space<semaphore_mem>>)
      %dma_wait3A_153 = arith.constant 0 : i32
      %dma_wait3A_154 = arith.constant 0 : i32
      %dma_wait3A_155 = tpu.memref_slice %arg11[%run_scoped3A_29, %dma_wait3A_153, %dma_wait3A_154] : memref<3x64x128xf32, #tpu.memory_space<vmem>> -> memref<1x64x128xf32, #tpu.memory_space<vmem>>
      %dma_wait3A_156 = tpu.memref_squeeze %dma_wait3A_155 : memref<1x64x128xf32, #tpu.memory_space<vmem>> -> memref<64x128xf32, #tpu.memory_space<vmem>>
      %dma_wait3A_157 = arith.constant 0 : i32
      %dma_wait3A_158 = tpu.memref_slice %arg12[%add3A_28, %dma_wait3A_157] : memref<10112x128xf32, #tpu.memory_space<vmem_shared>> -> memref<64x128xf32, #tpu.memory_space<vmem_shared>>
      %dma_wait3A_159 = arith.constant 0 : i32
      %dma_wait3A_160 = tpu.memref_slice %arg12[%add3A_28, %dma_wait3A_159] : memref<10112x128xf32, #tpu.memory_space<vmem_shared>> -> memref<64x128xf32, #tpu.memory_space<vmem_shared>>
      %dma_wait3A_161 = arith.constant 0 : i32
      %dma_wait3A_162 = arith.constant 0 : i32
      %dma_wait3A_163 = tpu.memref_slice %arg11[%run_scoped3A_29, %dma_wait3A_161, %dma_wait3A_162] : memref<3x64x128xf32, #tpu.memory_space<vmem>> -> memref<1x64x128xf32, #tpu.memory_space<vmem>>
      %dma_wait3A_164 = tpu.memref_squeeze %dma_wait3A_163 : memref<1x64x128xf32, #tpu.memory_space<vmem>> -> memref<64x128xf32, #tpu.memory_space<vmem>>
      tpu.wait_dma2 semaphore(%run_scoped3A_140 : memref<!tpu.dma_semaphore, #tpu.memory_space<semaphore_mem>>) src(%dma_wait3A_164 : memref<64x128xf32, #tpu.memory_space<vmem>>) dst(%dma_wait3A_160 : memref<64x128xf32, #tpu.memory_space<vmem_shared>>)
      tpu.yield
    }) : () -> ()
    %add3A_30 = arith.constant 512 : i32
    %add3A_31 = arith.addi %mul3A_7, %add3A_30 : i32
    %run_scoped3A_32 = arith.constant 0 : i32
    "tpu.region"() ({
      %run_scoped3A_140 = tpu.sem_alloc : memref<!tpu.dma_semaphore, #tpu.memory_space<semaphore_mem>>
      %dma_start3A_141 = arith.constant 0 : i32
      %dma_start3A_142 = arith.constant 0 : i32
      %dma_start3A_143 = tpu.memref_slice %arg11[%run_scoped3A_32, %dma_start3A_141, %dma_start3A_142] : memref<3x64x128xf32, #tpu.memory_space<vmem>> -> memref<1x64x128xf32, #tpu.memory_space<vmem>>
      %dma_start3A_144 = tpu.memref_squeeze %dma_start3A_143 : memref<1x64x128xf32, #tpu.memory_space<vmem>> -> memref<64x128xf32, #tpu.memory_space<vmem>>
      %dma_start3A_145 = arith.constant 0 : i32
      %dma_start3A_146 = tpu.memref_slice %arg12[%add3A_31, %dma_start3A_145] : memref<10112x128xf32, #tpu.memory_space<vmem_shared>> -> memref<64x128xf32, #tpu.memory_space<vmem_shared>>
      %dma_start3A_147 = arith.constant 0 : i32
      %dma_start3A_148 = tpu.memref_slice %arg12[%add3A_31, %dma_start3A_147] : memref<10112x128xf32, #tpu.memory_space<vmem_shared>> -> memref<64x128xf32, #tpu.memory_space<vmem_shared>>
      %dma_start3A_149 = arith.constant 0 : i32
      %dma_start3A_150 = arith.constant 0 : i32
      %dma_start3A_151 = tpu.memref_slice %arg11[%run_scoped3A_32, %dma_start3A_149, %dma_start3A_150] : memref<3x64x128xf32, #tpu.memory_space<vmem>> -> memref<1x64x128xf32, #tpu.memory_space<vmem>>
      %dma_start3A_152 = tpu.memref_squeeze %dma_start3A_151 : memref<1x64x128xf32, #tpu.memory_space<vmem>> -> memref<64x128xf32, #tpu.memory_space<vmem>>
      tpu.enqueue_dma source(%dma_start3A_152 : memref<64x128xf32, #tpu.memory_space<vmem>>) target(%dma_start3A_148 : memref<64x128xf32, #tpu.memory_space<vmem_shared>>) target_semaphore(%run_scoped3A_140 : memref<!tpu.dma_semaphore, #tpu.memory_space<semaphore_mem>>)
      %dma_wait3A_153 = arith.constant 0 : i32
      %dma_wait3A_154 = arith.constant 0 : i32
      %dma_wait3A_155 = tpu.memref_slice %arg11[%run_scoped3A_32, %dma_wait3A_153, %dma_wait3A_154] : memref<3x64x128xf32, #tpu.memory_space<vmem>> -> memref<1x64x128xf32, #tpu.memory_space<vmem>>
      %dma_wait3A_156 = tpu.memref_squeeze %dma_wait3A_155 : memref<1x64x128xf32, #tpu.memory_space<vmem>> -> memref<64x128xf32, #tpu.memory_space<vmem>>
      %dma_wait3A_157 = arith.constant 0 : i32
      %dma_wait3A_158 = tpu.memref_slice %arg12[%add3A_31, %dma_wait3A_157] : memref<10112x128xf32, #tpu.memory_space<vmem_shared>> -> memref<64x128xf32, #tpu.memory_space<vmem_shared>>
      %dma_wait3A_159 = arith.constant 0 : i32
      %dma_wait3A_160 = tpu.memref_slice %arg12[%add3A_31, %dma_wait3A_159] : memref<10112x128xf32, #tpu.memory_space<vmem_shared>> -> memref<64x128xf32, #tpu.memory_space<vmem_shared>>
      %dma_wait3A_161 = arith.constant 0 : i32
      %dma_wait3A_162 = arith.constant 0 : i32
      %dma_wait3A_163 = tpu.memref_slice %arg11[%run_scoped3A_32, %dma_wait3A_161, %dma_wait3A_162] : memref<3x64x128xf32, #tpu.memory_space<vmem>> -> memref<1x64x128xf32, #tpu.memory_space<vmem>>
      %dma_wait3A_164 = tpu.memref_squeeze %dma_wait3A_163 : memref<1x64x128xf32, #tpu.memory_space<vmem>> -> memref<64x128xf32, #tpu.memory_space<vmem>>
      tpu.wait_dma2 semaphore(%run_scoped3A_140 : memref<!tpu.dma_semaphore, #tpu.memory_space<semaphore_mem>>) src(%dma_wait3A_164 : memref<64x128xf32, #tpu.memory_space<vmem>>) dst(%dma_wait3A_160 : memref<64x128xf32, #tpu.memory_space<vmem_shared>>)
      tpu.yield
    }) : () -> ()
    %add3A_33 = arith.constant 632 : i32
    %add3A_34 = arith.addi %mul3A_7, %add3A_33 : i32
    %sub3A = arith.constant 56 : i32
    %sub3A_35 = arith.subi %add3A_34, %sub3A : i32
    %run_scoped3A_36 = arith.constant 0 : i32
    "tpu.region"() ({
      %run_scoped3A_140 = tpu.sem_alloc : memref<!tpu.dma_semaphore, #tpu.memory_space<semaphore_mem>>
      %dma_start3A_141 = arith.constant 0 : i32
      %dma_start3A_142 = arith.constant 0 : i32
      %dma_start3A_143 = tpu.memref_slice %arg11[%run_scoped3A_36, %dma_start3A_141, %dma_start3A_142] : memref<3x64x128xf32, #tpu.memory_space<vmem>> -> memref<1x64x128xf32, #tpu.memory_space<vmem>>
      %dma_start3A_144 = tpu.memref_squeeze %dma_start3A_143 : memref<1x64x128xf32, #tpu.memory_space<vmem>> -> memref<64x128xf32, #tpu.memory_space<vmem>>
      %dma_start3A_145 = arith.constant 0 : i32
      %dma_start3A_146 = arith.constant 0 : i32
      %dma_start3A_147 = tpu.memref_slice %dma_start3A_144[%dma_start3A_145, %dma_start3A_146] : memref<64x128xf32, #tpu.memory_space<vmem>> -> memref<56x128xf32, #tpu.memory_space<vmem>>
      %dma_start3A_148 = arith.constant 0 : i32
      %dma_start3A_149 = tpu.memref_slice %arg12[%sub3A_35, %dma_start3A_148] : memref<10112x128xf32, #tpu.memory_space<vmem_shared>> -> memref<56x128xf32, #tpu.memory_space<vmem_shared>>
      %dma_start3A_150 = arith.constant 0 : i32
      %dma_start3A_151 = tpu.memref_slice %arg12[%sub3A_35, %dma_start3A_150] : memref<10112x128xf32, #tpu.memory_space<vmem_shared>> -> memref<56x128xf32, #tpu.memory_space<vmem_shared>>
      %dma_start3A_152 = arith.constant 0 : i32
      %dma_start3A_153 = arith.constant 0 : i32
      %dma_start3A_154 = tpu.memref_slice %arg11[%run_scoped3A_36, %dma_start3A_152, %dma_start3A_153] : memref<3x64x128xf32, #tpu.memory_space<vmem>> -> memref<1x64x128xf32, #tpu.memory_space<vmem>>
      %dma_start3A_155 = tpu.memref_squeeze %dma_start3A_154 : memref<1x64x128xf32, #tpu.memory_space<vmem>> -> memref<64x128xf32, #tpu.memory_space<vmem>>
      %dma_start3A_156 = arith.constant 0 : i32
      %dma_start3A_157 = arith.constant 0 : i32
      %dma_start3A_158 = tpu.memref_slice %dma_start3A_155[%dma_start3A_156, %dma_start3A_157] : memref<64x128xf32, #tpu.memory_space<vmem>> -> memref<56x128xf32, #tpu.memory_space<vmem>>
      tpu.enqueue_dma source(%dma_start3A_158 : memref<56x128xf32, #tpu.memory_space<vmem>>) target(%dma_start3A_151 : memref<56x128xf32, #tpu.memory_space<vmem_shared>>) target_semaphore(%run_scoped3A_140 : memref<!tpu.dma_semaphore, #tpu.memory_space<semaphore_mem>>)
      %dma_wait3A_159 = arith.constant 0 : i32
      %dma_wait3A_160 = arith.constant 0 : i32
      %dma_wait3A_161 = tpu.memref_slice %arg11[%run_scoped3A_36, %dma_wait3A_159, %dma_wait3A_160] : memref<3x64x128xf32, #tpu.memory_space<vmem>> -> memref<1x64x128xf32, #tpu.memory_space<vmem>>
      %dma_wait3A_162 = tpu.memref_squeeze %dma_wait3A_161 : memref<1x64x128xf32, #tpu.memory_space<vmem>> -> memref<64x128xf32, #tpu.memory_space<vmem>>
      %dma_wait3A_163 = arith.constant 0 : i32
      %dma_wait3A_164 = arith.constant 0 : i32
      %dma_wait3A_165 = tpu.memref_slice %dma_wait3A_162[%dma_wait3A_163, %dma_wait3A_164] : memref<64x128xf32, #tpu.memory_space<vmem>> -> memref<56x128xf32, #tpu.memory_space<vmem>>
      %dma_wait3A_166 = arith.constant 0 : i32
      %dma_wait3A_167 = tpu.memref_slice %arg12[%sub3A_35, %dma_wait3A_166] : memref<10112x128xf32, #tpu.memory_space<vmem_shared>> -> memref<56x128xf32, #tpu.memory_space<vmem_shared>>
      %dma_wait3A_168 = arith.constant 0 : i32
      %dma_wait3A_169 = tpu.memref_slice %arg12[%sub3A_35, %dma_wait3A_168] : memref<10112x128xf32, #tpu.memory_space<vmem_shared>> -> memref<56x128xf32, #tpu.memory_space<vmem_shared>>
      %dma_wait3A_170 = arith.constant 0 : i32
      %dma_wait3A_171 = arith.constant 0 : i32
      %dma_wait3A_172 = tpu.memref_slice %arg11[%run_scoped3A_36, %dma_wait3A_170, %dma_wait3A_171] : memref<3x64x128xf32, #tpu.memory_space<vmem>> -> memref<1x64x128xf32, #tpu.memory_space<vmem>>
      %dma_wait3A_173 = tpu.memref_squeeze %dma_wait3A_172 : memref<1x64x128xf32, #tpu.memory_space<vmem>> -> memref<64x128xf32, #tpu.memory_space<vmem>>
      %dma_wait3A_174 = arith.constant 0 : i32
      %dma_wait3A_175 = arith.constant 0 : i32
      %dma_wait3A_176 = tpu.memref_slice %dma_wait3A_173[%dma_wait3A_174, %dma_wait3A_175] : memref<64x128xf32, #tpu.memory_space<vmem>> -> memref<56x128xf32, #tpu.memory_space<vmem>>
      tpu.wait_dma2 semaphore(%run_scoped3A_140 : memref<!tpu.dma_semaphore, #tpu.memory_space<semaphore_mem>>) src(%dma_wait3A_176 : memref<56x128xf32, #tpu.memory_space<vmem>>) dst(%dma_wait3A_169 : memref<56x128xf32, #tpu.memory_space<vmem_shared>>)
      tpu.yield
    }) : () -> ()
    %barrier3A = arith.constant 0 : index
    tpu.barrier barrier_id(%barrier3A)
    %mul3A_37 = arith.constant 10112 : i32
    %mul3A_38 = arith.muli %arg0, %mul3A_37 : i32
    %mul3A_39 = arith.constant 315 : i32
    %mul3A_40 = arith.muli %arg1, %mul3A_39 : i32
    %rem3A = arith.constant 0 : i32
    %rem3A_41 = arith.constant 16 : i32
    %rem3A_42 = arith.remsi %rem3A, %rem3A_41 : i32
    %add3A_43 = arith.constant 0 : i32
    %add3A_44 = arith.addi %mul3A_40, %add3A_43 : i32
    "tpu.region"() ({
      %run_scoped3A_140 = tpu.sem_alloc : memref<!tpu.dma_semaphore, #tpu.memory_space<semaphore_mem>>
      %dma_start3A_141 = arith.constant 0 : i32
      %dma_start3A_142 = arith.constant 0 : i32
      %dma_start3A_143 = tpu.memref_slice %arg9[%rem3A_42, %dma_start3A_141, %dma_start3A_142] : memref<16x2x64xi32, #tpu.memory_space<vmem>> -> memref<8x2x64xi32, #tpu.memory_space<vmem>>
      %dma_start3A_144 = arith.constant 0 : i32
      %dma_start3A_145 = arith.constant 0 : i32
      %dma_start3A_146 = tpu.memref_slice %arg2[%add3A_44, %dma_start3A_144, %dma_start3A_145] : memref<5048x2x64xi32, #tpu.memory_space<hbm>> -> memref<8x2x64xi32, #tpu.memory_space<hbm>>
      %dma_start3A_147 = arith.constant 0 : i32
      %dma_start3A_148 = arith.constant 0 : i32
      %dma_start3A_149 = tpu.memref_slice %arg9[%rem3A_42, %dma_start3A_147, %dma_start3A_148] : memref<16x2x64xi32, #tpu.memory_space<vmem>> -> memref<8x2x64xi32, #tpu.memory_space<vmem>>
      %dma_start3A_150 = arith.constant 0 : i32
      %dma_start3A_151 = arith.constant 0 : i32
      %dma_start3A_152 = tpu.memref_slice %arg2[%add3A_44, %dma_start3A_150, %dma_start3A_151] : memref<5048x2x64xi32, #tpu.memory_space<hbm>> -> memref<8x2x64xi32, #tpu.memory_space<hbm>>
      tpu.enqueue_dma source(%dma_start3A_152 : memref<8x2x64xi32, #tpu.memory_space<hbm>>) target(%dma_start3A_149 : memref<8x2x64xi32, #tpu.memory_space<vmem>>) target_semaphore(%run_scoped3A_140 : memref<!tpu.dma_semaphore, #tpu.memory_space<semaphore_mem>>)
      %dma_wait3A_153 = arith.constant 0 : i32
      %dma_wait3A_154 = arith.constant 0 : i32
      %dma_wait3A_155 = tpu.memref_slice %arg9[%rem3A_42, %dma_wait3A_153, %dma_wait3A_154] : memref<16x2x64xi32, #tpu.memory_space<vmem>> -> memref<8x2x64xi32, #tpu.memory_space<vmem>>
      %dma_wait3A_156 = arith.constant 0 : i32
      %dma_wait3A_157 = arith.constant 0 : i32
      %dma_wait3A_158 = tpu.memref_slice %arg2[%add3A_44, %dma_wait3A_156, %dma_wait3A_157] : memref<5048x2x64xi32, #tpu.memory_space<hbm>> -> memref<8x2x64xi32, #tpu.memory_space<hbm>>
      %dma_wait3A_159 = arith.constant 0 : i32
      %dma_wait3A_160 = arith.constant 0 : i32
      %dma_wait3A_161 = tpu.memref_slice %arg9[%rem3A_42, %dma_wait3A_159, %dma_wait3A_160] : memref<16x2x64xi32, #tpu.memory_space<vmem>> -> memref<8x2x64xi32, #tpu.memory_space<vmem>>
      %dma_wait3A_162 = arith.constant 0 : i32
      %dma_wait3A_163 = arith.constant 0 : i32
      %dma_wait3A_164 = tpu.memref_slice %arg2[%add3A_44, %dma_wait3A_162, %dma_wait3A_163] : memref<5048x2x64xi32, #tpu.memory_space<hbm>> -> memref<8x2x64xi32, #tpu.memory_space<hbm>>
      tpu.wait_dma2 semaphore(%run_scoped3A_140 : memref<!tpu.dma_semaphore, #tpu.memory_space<semaphore_mem>>) src(%dma_wait3A_164 : memref<8x2x64xi32, #tpu.memory_space<hbm>>) dst(%dma_wait3A_161 : memref<8x2x64xi32, #tpu.memory_space<vmem>>)
      tpu.yield
    }) : () -> ()
    %rem3A_45 = arith.constant 0 : i32
    %rem3A_46 = arith.constant 16 : i32
    %rem3A_47 = arith.remsi %rem3A_45, %rem3A_46 : i32
    %scan3A_48 = arith.constant 0 : i32
    %scan3A_49 = arith.constant 0 : i32
    %scan3A_50 = arith.constant 4 : i32
    %scan3A_51 = arith.addi %scan3A_49, %scan3A_50 : i32
    %scan3A_52 = arith.constant 1 : i32
    %scan3A_53 = scf.for %scan3A_140 = %scan3A_49 to %scan3A_51 step %scan3A_52 iter_args(%scan3A_141 = %scan3A_48) -> (i32)  : i32 {
      %mul3A_142 = arith.constant 16 : i32
      %mul3A_143 = arith.muli %scan3A_140, %mul3A_142 : i32
      %get3A = arith.constant 0 : i32
      %get3A_144 = arith.index_cast %rem3A_47 : i32 to index
      %get3A_145 = arith.index_cast %get3A : i32 to index
      %get3A_146 = arith.index_cast %mul3A_143 : i32 to index
      %get3A_147 = tpu.vector_load %arg9[%get3A_144, %get3A_145, %get3A_146] {strides = array<i32>} : memref<16x2x64xi32, #tpu.memory_space<vmem>>, vector<16xi32>,
      %get3A_148 = arith.constant 1 : i32
      %get3A_149 = arith.index_cast %rem3A_47 : i32 to index
      %get3A_150 = arith.index_cast %get3A_148 : i32 to index
      %get3A_151 = arith.index_cast %mul3A_143 : i32 to index
      %get3A_152 = tpu.vector_load %arg9[%get3A_149, %get3A_150, %get3A_151] {strides = array<i32>} : memref<16x2x64xi32, #tpu.memory_space<vmem>>, vector<16xi32>,
      %gather3A = tpu.vector_load_idx %arg7[%get3A_152] : memref<10112xf32, #tpu.memory_space<vmem>>[vector<16xi32>], vector<16xf32>,
      %gather3A_153 = tpu.vector_load_idx %arg8[%get3A_147] : memref<10112xf32, #tpu.memory_space<vmem>>[vector<16xi32>], vector<16xf32>,
      %add3A_154 = arith.addf %gather3A, %gather3A_153 : vector<16xf32>
      %ge3A = arith.constant 0.000000e+00 : f32
      %ge3A_155 = vector.broadcast %ge3A : f32 to vector<16xf32>
      %ge3A_156 = arith.cmpf oge, %add3A_154, %ge3A_155 : vector<16xf32>
      %mul3A_157 = arith.constant 0.00999999977 : f32
      %mul3A_158 = vector.broadcast %mul3A_157 : f32 to vector<16xf32>
      %mul3A_159 = arith.mulf %mul3A_158, %add3A_154 : vector<16xf32>
      %select_n3A = arith.select %ge3A_156, %add3A_154, %mul3A_159 : vector<16xi1>, vector<16xf32>
      %exp3A = math.exp %select_n3A : vector<16xf32>
      %swap3A = arith.constant 0 : i32
      %swap3A_160 = arith.index_cast %swap3A : i32 to index
      %swap3A_161 = arith.index_cast %mul3A_143 : i32 to index
      %swap3A_162 = tpu.vector_load %arg10[%swap3A_160, %swap3A_161] {strides = array<i32>} : memref<3x64xf32, #tpu.memory_space<vmem>>, vector<16xf32>,
      tpu.vector_store %arg10[%swap3A_160, %swap3A_161], %exp3A {strides = array<i32>} : memref<3x64xf32, #tpu.memory_space<vmem>>, vector<16xf32>,
      %add3A_163 = vector.broadcast %mul3A_38 : i32 to vector<16xi32>
      %add3A_164 = arith.addi %get3A_147, %add3A_163 : vector<16xi32>
      %swap3A_165 = arith.constant 0 : i32
      %swap3A_166 = arith.index_cast %rem3A_47 : i32 to index
      %swap3A_167 = arith.index_cast %swap3A_165 : i32 to index
      %swap3A_168 = arith.index_cast %mul3A_143 : i32 to index
      %swap3A_169 = tpu.vector_load %arg9[%swap3A_166, %swap3A_167, %swap3A_168] {strides = array<i32>} : memref<16x2x64xi32, #tpu.memory_space<vmem>>, vector<16xi32>,
      tpu.vector_store %arg9[%swap3A_166, %swap3A_167, %swap3A_168], %add3A_164 {strides = array<i32>} : memref<16x2x64xi32, #tpu.memory_space<vmem>>, vector<16xi32>,
      %scan3A_170 = arith.constant 0 : i32
      scf.yield %scan3A_170 : i32
    }
    %scan3A_54 = arith.constant 4 : i32
    %dma_start3A = arith.constant 0 : i32
    %dma_start3A_55 = arith.constant 0 : i32
    %dma_start3A_56 = arith.constant 0 : i32
    %dma_start3A_57 = arith.constant 0 : i32
    %dma_start3A_58 = tpu.memref_slice %arg11[%dma_start3A_55, %dma_start3A_56, %dma_start3A_57] : memref<3x64x128xf32, #tpu.memory_space<vmem>> -> memref<1x64x128xf32, #tpu.memory_space<vmem>>
    %dma_start3A_59 = tpu.memref_squeeze %dma_start3A_58 : memref<1x64x128xf32, #tpu.memory_space<vmem>> -> memref<64x128xf32, #tpu.memory_space<vmem>>
    %dma_start3A_60 = arith.constant 0 : i32
    %dma_start3A_61 = tpu.memref_slice %arg9[%rem3A_47, %dma_start3A, %dma_start3A_60] : memref<16x2x64xi32, #tpu.memory_space<vmem>> -> memref<1x1x64xi32, #tpu.memory_space<vmem>>
    %dma_start3A_62 = tpu.memref_squeeze %dma_start3A_61 : memref<1x1x64xi32, #tpu.memory_space<vmem>> -> memref<64xi32, #tpu.memory_space<vmem>>
    %dma_start3A_63 = arith.constant 0 : i32
    %dma_start3A_64 = arith.constant 0 : i32
    %dma_start3A_65 = tpu.memref_slice %arg3[%dma_start3A_63, %dma_start3A_64] : memref<20224x128xf32, #tpu.memory_space<hbm>> -> memref<20224x128xf32, #tpu.memory_space<hbm>>
    tpu.enqueue_indirect_dma source(%dma_start3A_65 : memref<20224x128xf32, #tpu.memory_space<hbm>>) target(%dma_start3A_59 : memref<64x128xf32, #tpu.memory_space<vmem>>) offsets(%dma_start3A_62 : memref<64xi32, #tpu.memory_space<vmem>>) semaphore(%arg13 : memref<!tpu.dma_semaphore, #tpu.memory_space<semaphore_mem>>)
    %rem3A_66 = arith.constant 1 : i32
    %rem3A_67 = arith.constant 16 : i32
    %rem3A_68 = arith.remsi %rem3A_66, %rem3A_67 : i32
    %scan3A_69 = arith.constant 0 : i32
    %scan3A_70 = arith.constant 0 : i32
    %scan3A_71 = arith.constant 4 : i32
    %scan3A_72 = arith.addi %scan3A_70, %scan3A_71 : i32
    %scan3A_73 = arith.constant 1 : i32
    %scan3A_74 = scf.for %scan3A_140 = %scan3A_70 to %scan3A_72 step %scan3A_73 iter_args(%scan3A_141 = %scan3A_69) -> (i32)  : i32 {
      %mul3A_142 = arith.constant 16 : i32
      %mul3A_143 = arith.muli %scan3A_140, %mul3A_142 : i32
      %get3A = arith.constant 0 : i32
      %get3A_144 = arith.index_cast %rem3A_68 : i32 to index
      %get3A_145 = arith.index_cast %get3A : i32 to index
      %get3A_146 = arith.index_cast %mul3A_143 : i32 to index
      %get3A_147 = tpu.vector_load %arg9[%get3A_144, %get3A_145, %get3A_146] {strides = array<i32>} : memref<16x2x64xi32, #tpu.memory_space<vmem>>, vector<16xi32>,
      %get3A_148 = arith.constant 1 : i32
      %get3A_149 = arith.index_cast %rem3A_68 : i32 to index
      %get3A_150 = arith.index_cast %get3A_148 : i32 to index
      %get3A_151 = arith.index_cast %mul3A_143 : i32 to index
      %get3A_152 = tpu.vector_load %arg9[%get3A_149, %get3A_150, %get3A_151] {strides = array<i32>} : memref<16x2x64xi32, #tpu.memory_space<vmem>>, vector<16xi32>,
      %gather3A = tpu.vector_load_idx %arg7[%get3A_152] : memref<10112xf32, #tpu.memory_space<vmem>>[vector<16xi32>], vector<16xf32>,
      %gather3A_153 = tpu.vector_load_idx %arg8[%get3A_147] : memref<10112xf32, #tpu.memory_space<vmem>>[vector<16xi32>], vector<16xf32>,
      %add3A_154 = arith.addf %gather3A, %gather3A_153 : vector<16xf32>
      %ge3A = arith.constant 0.000000e+00 : f32
      %ge3A_155 = vector.broadcast %ge3A : f32 to vector<16xf32>
      %ge3A_156 = arith.cmpf oge, %add3A_154, %ge3A_155 : vector<16xf32>
      %mul3A_157 = arith.constant 0.00999999977 : f32
      %mul3A_158 = vector.broadcast %mul3A_157 : f32 to vector<16xf32>
      %mul3A_159 = arith.mulf %mul3A_158, %add3A_154 : vector<16xf32>
      %select_n3A = arith.select %ge3A_156, %add3A_154, %mul3A_159 : vector<16xi1>, vector<16xf32>
      %exp3A = math.exp %select_n3A : vector<16xf32>
      %swap3A = arith.constant 1 : i32
      %swap3A_160 = arith.index_cast %swap3A : i32 to index
      %swap3A_161 = arith.index_cast %mul3A_143 : i32 to index
      %swap3A_162 = tpu.vector_load %arg10[%swap3A_160, %swap3A_161] {strides = array<i32>} : memref<3x64xf32, #tpu.memory_space<vmem>>, vector<16xf32>,
      tpu.vector_store %arg10[%swap3A_160, %swap3A_161], %exp3A {strides = array<i32>} : memref<3x64xf32, #tpu.memory_space<vmem>>, vector<16xf32>,
      %add3A_163 = vector.broadcast %mul3A_38 : i32 to vector<16xi32>
      %add3A_164 = arith.addi %get3A_147, %add3A_163 : vector<16xi32>
      %swap3A_165 = arith.constant 0 : i32
      %swap3A_166 = arith.index_cast %rem3A_68 : i32 to index
      %swap3A_167 = arith.index_cast %swap3A_165 : i32 to index
      %swap3A_168 = arith.index_cast %mul3A_143 : i32 to index
      %swap3A_169 = tpu.vector_load %arg9[%swap3A_166, %swap3A_167, %swap3A_168] {strides = array<i32>} : memref<16x2x64xi32, #tpu.memory_space<vmem>>, vector<16xi32>,
      tpu.vector_store %arg9[%swap3A_166, %swap3A_167, %swap3A_168], %add3A_164 {strides = array<i32>} : memref<16x2x64xi32, #tpu.memory_space<vmem>>, vector<16xi32>,
      %scan3A_170 = arith.constant 0 : i32
      scf.yield %scan3A_170 : i32
    }
    %scan3A_75 = arith.constant 4 : i32
    %dma_start3A_76 = arith.constant 0 : i32
    %dma_start3A_77 = arith.constant 1 : i32
    %dma_start3A_78 = arith.constant 0 : i32
    %dma_start3A_79 = arith.constant 0 : i32
    %dma_start3A_80 = tpu.memref_slice %arg11[%dma_start3A_77, %dma_start3A_78, %dma_start3A_79] : memref<3x64x128xf32, #tpu.memory_space<vmem>> -> memref<1x64x128xf32, #tpu.memory_space<vmem>>
    %dma_start3A_81 = tpu.memref_squeeze %dma_start3A_80 : memref<1x64x128xf32, #tpu.memory_space<vmem>> -> memref<64x128xf32, #tpu.memory_space<vmem>>
    %dma_start3A_82 = arith.constant 0 : i32
    %dma_start3A_83 = tpu.memref_slice %arg9[%rem3A_68, %dma_start3A_76, %dma_start3A_82] : memref<16x2x64xi32, #tpu.memory_space<vmem>> -> memref<1x1x64xi32, #tpu.memory_space<vmem>>
    %dma_start3A_84 = tpu.memref_squeeze %dma_start3A_83 : memref<1x1x64xi32, #tpu.memory_space<vmem>> -> memref<64xi32, #tpu.memory_space<vmem>>
    %dma_start3A_85 = arith.constant 0 : i32
    %dma_start3A_86 = arith.constant 0 : i32
    %dma_start3A_87 = tpu.memref_slice %arg3[%dma_start3A_85, %dma_start3A_86] : memref<20224x128xf32, #tpu.memory_space<hbm>> -> memref<20224x128xf32, #tpu.memory_space<hbm>>
    tpu.enqueue_indirect_dma source(%dma_start3A_87 : memref<20224x128xf32, #tpu.memory_space<hbm>>) target(%dma_start3A_81 : memref<64x128xf32, #tpu.memory_space<vmem>>) offsets(%dma_start3A_84 : memref<64xi32, #tpu.memory_space<vmem>>) semaphore(%arg14 : memref<!tpu.dma_semaphore, #tpu.memory_space<semaphore_mem>>)
    %scan3A_88 = arith.constant 0 : i32
    %scan3A_89 = arith.constant 0 : i32
    %scan3A_90 = arith.constant 105 : i32
    %scan3A_91 = arith.addi %scan3A_89, %scan3A_90 : i32
    %scan3A_92 = arith.constant 1 : i32
    %scan3A_93 = scf.for %scan3A_140 = %scan3A_89 to %scan3A_91 step %scan3A_92 iter_args(%scan3A_141 = %scan3A_88) -> (i32)  : i32 {
      %mul3A_142 = arith.constant 3 : i32
      %mul3A_143 = arith.muli %scan3A_140, %mul3A_142 : i32
      %add3A_144 = arith.constant 0 : i32
      %add3A_145 = arith.addi %mul3A_143, %add3A_144 : i32
      %ge3A = arith.constant 1 : i32
      %ge3A_146 = arith.cmpi sge, %add3A_145, %ge3A : i32
      %add3A_147 = arith.constant 2 : i32
      %add3A_148 = arith.addi %add3A_145, %add3A_147 : i32
      %lt3A = arith.constant 315 : i32
      %lt3A_149 = arith.cmpi slt, %add3A_148, %lt3A : i32
      %and3A = arith.andi %ge3A_146, %lt3A_149 : i1
      %convert_element_type3A = arith.extui %and3A : i1 to i32
      %cond3A = arith.constant 0 : i32
      %cond3A_150 = arith.cmpi ne, %convert_element_type3A, %cond3A : i32
      scf.if %cond3A_150 {
        %sub3A_306 = arith.constant 1 : i32
        %sub3A_307 = arith.subi %add3A_145, %sub3A_306 : i32
        %rem3A_308 = arith.constant 16 : i32
        %rem3A_309 = arith.remsi %sub3A_307, %rem3A_308 : i32
        %dma_wait3A_310 = arith.constant 2 : i32
        %dma_wait3A_311 = arith.constant 1 : i32
        %dma_wait3A_312 = arith.constant 0 : i32
        %dma_wait3A_313 = arith.constant 0 : i32
        %dma_wait3A_314 = tpu.memref_slice %arg11[%dma_wait3A_310, %dma_wait3A_312, %dma_wait3A_313] : memref<3x64x128xf32, #tpu.memory_space<vmem>> -> memref<1x64x128xf32, #tpu.memory_space<vmem>>
        %dma_wait3A_315 = tpu.memref_squeeze %dma_wait3A_314 : memref<1x64x128xf32, #tpu.memory_space<vmem>> -> memref<64x128xf32, #tpu.memory_space<vmem>>
        %dma_wait3A_316 = arith.constant 0 : i32
        %dma_wait3A_317 = tpu.memref_slice %arg9[%rem3A_309, %dma_wait3A_311, %dma_wait3A_316] : memref<16x2x64xi32, #tpu.memory_space<vmem>> -> memref<1x1x64xi32, #tpu.memory_space<vmem>>
        %dma_wait3A_318 = tpu.memref_squeeze %dma_wait3A_317 : memref<1x1x64xi32, #tpu.memory_space<vmem>> -> memref<64xi32, #tpu.memory_space<vmem>>
        %dma_wait3A_319 = arith.constant 0 : i32
        %dma_wait3A_320 = arith.constant 0 : i32
        %dma_wait3A_321 = tpu.memref_slice %arg12[%dma_wait3A_319, %dma_wait3A_320] : memref<10112x128xf32, #tpu.memory_space<vmem_shared>> -> memref<10112x128xf32, #tpu.memory_space<vmem_shared>>
        tpu.wait_indirect_dma semaphore(%arg18 : memref<!tpu.dma_semaphore, #tpu.memory_space<semaphore_mem>>) src(%dma_wait3A_315 : memref<64x128xf32, #tpu.memory_space<vmem>>) dst(%dma_wait3A_321 : memref<10112x128xf32, #tpu.memory_space<vmem_shared>>)
      } else {
      }
      %add3A_151 = arith.constant 2 : i32
      %add3A_152 = arith.addi %add3A_145, %add3A_151 : i32
      %lt3A_153 = arith.constant 315 : i32
      %lt3A_154 = arith.cmpi slt, %add3A_152, %lt3A_153 : i32
      %convert_element_type3A_155 = arith.extui %lt3A_154 : i1 to i32
      %cond3A_156 = arith.constant 0 : i32
      %cond3A_157 = arith.cmpi ne, %convert_element_type3A_155, %cond3A_156 : i32
      scf.if %cond3A_157 {
        %add3A_306 = arith.constant 2 : i32
        %add3A_307 = arith.addi %add3A_145, %add3A_306 : i32
        %rem3A_308 = arith.constant 8 : i32
        %rem3A_309 = arith.remsi %add3A_307, %rem3A_308 : i32
        %eq3A = arith.constant 0 : i32
        %eq3A_310 = arith.cmpi eq, %rem3A_309, %eq3A : i32
        %convert_element_type3A_311 = arith.extui %eq3A_310 : i1 to i32
        %cond3A_312 = arith.constant 0 : i32
        %cond3A_313 = arith.cmpi ne, %convert_element_type3A_311, %cond3A_312 : i32
        scf.if %cond3A_313 {
          %add3A_337 = arith.constant 2 : i32
          %add3A_338 = arith.addi %add3A_145, %add3A_337 : i32
          %rem3A_339 = arith.constant 16 : i32
          %rem3A_340 = arith.remsi %add3A_338, %rem3A_339 : i32
          %add3A_341 = arith.addi %mul3A_40, %add3A_338 : i32
          "tpu.region"() ({
            %run_scoped3A_342 = tpu.sem_alloc : memref<!tpu.dma_semaphore, #tpu.memory_space<semaphore_mem>>
            %dma_start3A_343 = arith.constant 0 : i32
            %dma_start3A_344 = arith.constant 0 : i32
            %dma_start3A_345 = tpu.memref_slice %arg9[%rem3A_340, %dma_start3A_343, %dma_start3A_344] : memref<16x2x64xi32, #tpu.memory_space<vmem>> -> memref<8x2x64xi32, #tpu.memory_space<vmem>>
            %dma_start3A_346 = arith.constant 0 : i32
            %dma_start3A_347 = arith.constant 0 : i32
            %dma_start3A_348 = tpu.memref_slice %arg2[%add3A_341, %dma_start3A_346, %dma_start3A_347] : memref<5048x2x64xi32, #tpu.memory_space<hbm>> -> memref<8x2x64xi32, #tpu.memory_space<hbm>>
            %dma_start3A_349 = arith.constant 0 : i32
            %dma_start3A_350 = arith.constant 0 : i32
            %dma_start3A_351 = tpu.memref_slice %arg9[%rem3A_340, %dma_start3A_349, %dma_start3A_350] : memref<16x2x64xi32, #tpu.memory_space<vmem>> -> memref<8x2x64xi32, #tpu.memory_space<vmem>>
            %dma_start3A_352 = arith.constant 0 : i32
            %dma_start3A_353 = arith.constant 0 : i32
            %dma_start3A_354 = tpu.memref_slice %arg2[%add3A_341, %dma_start3A_352, %dma_start3A_353] : memref<5048x2x64xi32, #tpu.memory_space<hbm>> -> memref<8x2x64xi32, #tpu.memory_space<hbm>>
            tpu.enqueue_dma source(%dma_start3A_354 : memref<8x2x64xi32, #tpu.memory_space<hbm>>) target(%dma_start3A_351 : memref<8x2x64xi32, #tpu.memory_space<vmem>>) target_semaphore(%run_scoped3A_342 : memref<!tpu.dma_semaphore, #tpu.memory_space<semaphore_mem>>)
            %dma_wait3A_355 = arith.constant 0 : i32
            %dma_wait3A_356 = arith.constant 0 : i32
            %dma_wait3A_357 = tpu.memref_slice %arg9[%rem3A_340, %dma_wait3A_355, %dma_wait3A_356] : memref<16x2x64xi32, #tpu.memory_space<vmem>> -> memref<8x2x64xi32, #tpu.memory_space<vmem>>
            %dma_wait3A_358 = arith.constant 0 : i32
            %dma_wait3A_359 = arith.constant 0 : i32
            %dma_wait3A_360 = tpu.memref_slice %arg2[%add3A_341, %dma_wait3A_358, %dma_wait3A_359] : memref<5048x2x64xi32, #tpu.memory_space<hbm>> -> memref<8x2x64xi32, #tpu.memory_space<hbm>>
            %dma_wait3A_361 = arith.constant 0 : i32
            %dma_wait3A_362 = arith.constant 0 : i32
            %dma_wait3A_363 = tpu.memref_slice %arg9[%rem3A_340, %dma_wait3A_361, %dma_wait3A_362] : memref<16x2x64xi32, #tpu.memory_space<vmem>> -> memref<8x2x64xi32, #tpu.memory_space<vmem>>
            %dma_wait3A_364 = arith.constant 0 : i32
            %dma_wait3A_365 = arith.constant 0 : i32
            %dma_wait3A_366 = tpu.memref_slice %arg2[%add3A_341, %dma_wait3A_364, %dma_wait3A_365] : memref<5048x2x64xi32, #tpu.memory_space<hbm>> -> memref<8x2x64xi32, #tpu.memory_space<hbm>>
            tpu.wait_dma2 semaphore(%run_scoped3A_342 : memref<!tpu.dma_semaphore, #tpu.memory_space<semaphore_mem>>) src(%dma_wait3A_366 : memref<8x2x64xi32, #tpu.memory_space<hbm>>) dst(%dma_wait3A_363 : memref<8x2x64xi32, #tpu.memory_space<vmem>>)
            tpu.yield
          }) : () -> ()
        } else {
        }
        %add3A_314 = arith.constant 2 : i32
        %add3A_315 = arith.addi %add3A_145, %add3A_314 : i32
        %rem3A_316 = arith.constant 16 : i32
        %rem3A_317 = arith.remsi %add3A_315, %rem3A_316 : i32
        %scan3A_318 = arith.constant 0 : i32
        %scan3A_319 = arith.constant 0 : i32
        %scan3A_320 = arith.constant 4 : i32
        %scan3A_321 = arith.addi %scan3A_319, %scan3A_320 : i32
        %scan3A_322 = arith.constant 1 : i32
        %scan3A_323 = scf.for %scan3A_337 = %scan3A_319 to %scan3A_321 step %scan3A_322 iter_args(%scan3A_338 = %scan3A_318) -> (i32)  : i32 {
          %mul3A_339 = arith.constant 16 : i32
          %mul3A_340 = arith.muli %scan3A_337, %mul3A_339 : i32
          %get3A = arith.constant 0 : i32
          %get3A_341 = arith.index_cast %rem3A_317 : i32 to index
          %get3A_342 = arith.index_cast %get3A : i32 to index
          %get3A_343 = arith.index_cast %mul3A_340 : i32 to index
          %get3A_344 = tpu.vector_load %arg9[%get3A_341, %get3A_342, %get3A_343] {strides = array<i32>} : memref<16x2x64xi32, #tpu.memory_space<vmem>>, vector<16xi32>,
          %get3A_345 = arith.constant 1 : i32
          %get3A_346 = arith.index_cast %rem3A_317 : i32 to index
          %get3A_347 = arith.index_cast %get3A_345 : i32 to index
          %get3A_348 = arith.index_cast %mul3A_340 : i32 to index
          %get3A_349 = tpu.vector_load %arg9[%get3A_346, %get3A_347, %get3A_348] {strides = array<i32>} : memref<16x2x64xi32, #tpu.memory_space<vmem>>, vector<16xi32>,
          %gather3A = tpu.vector_load_idx %arg7[%get3A_349] : memref<10112xf32, #tpu.memory_space<vmem>>[vector<16xi32>], vector<16xf32>,
          %gather3A_350 = tpu.vector_load_idx %arg8[%get3A_344] : memref<10112xf32, #tpu.memory_space<vmem>>[vector<16xi32>], vector<16xf32>,
          %add3A_351 = arith.addf %gather3A, %gather3A_350 : vector<16xf32>
          %ge3A_352 = arith.constant 0.000000e+00 : f32
          %ge3A_353 = vector.broadcast %ge3A_352 : f32 to vector<16xf32>
          %ge3A_354 = arith.cmpf oge, %add3A_351, %ge3A_353 : vector<16xf32>
          %mul3A_355 = arith.constant 0.00999999977 : f32
          %mul3A_356 = vector.broadcast %mul3A_355 : f32 to vector<16xf32>
          %mul3A_357 = arith.mulf %mul3A_356, %add3A_351 : vector<16xf32>
          %select_n3A = arith.select %ge3A_354, %add3A_351, %mul3A_357 : vector<16xi1>, vector<16xf32>
          %exp3A = math.exp %select_n3A : vector<16xf32>
          %swap3A = arith.constant 2 : i32
          %swap3A_358 = arith.index_cast %swap3A : i32 to index
          %swap3A_359 = arith.index_cast %mul3A_340 : i32 to index
          %swap3A_360 = tpu.vector_load %arg10[%swap3A_358, %swap3A_359] {strides = array<i32>} : memref<3x64xf32, #tpu.memory_space<vmem>>, vector<16xf32>,
          tpu.vector_store %arg10[%swap3A_358, %swap3A_359], %exp3A {strides = array<i32>} : memref<3x64xf32, #tpu.memory_space<vmem>>, vector<16xf32>,
          %add3A_361 = vector.broadcast %mul3A_38 : i32 to vector<16xi32>
          %add3A_362 = arith.addi %get3A_344, %add3A_361 : vector<16xi32>
          %swap3A_363 = arith.constant 0 : i32
          %swap3A_364 = arith.index_cast %rem3A_317 : i32 to index
          %swap3A_365 = arith.index_cast %swap3A_363 : i32 to index
          %swap3A_366 = arith.index_cast %mul3A_340 : i32 to index
          %swap3A_367 = tpu.vector_load %arg9[%swap3A_364, %swap3A_365, %swap3A_366] {strides = array<i32>} : memref<16x2x64xi32, #tpu.memory_space<vmem>>, vector<16xi32>,
          tpu.vector_store %arg9[%swap3A_364, %swap3A_365, %swap3A_366], %add3A_362 {strides = array<i32>} : memref<16x2x64xi32, #tpu.memory_space<vmem>>, vector<16xi32>,
          %scan3A_368 = arith.constant 0 : i32
          scf.yield %scan3A_368 : i32
        }
        %scan3A_324 = arith.constant 4 : i32
        %dma_start3A_325 = arith.constant 0 : i32
        %dma_start3A_326 = arith.constant 2 : i32
        %dma_start3A_327 = arith.constant 0 : i32
        %dma_start3A_328 = arith.constant 0 : i32
        %dma_start3A_329 = tpu.memref_slice %arg11[%dma_start3A_326, %dma_start3A_327, %dma_start3A_328] : memref<3x64x128xf32, #tpu.memory_space<vmem>> -> memref<1x64x128xf32, #tpu.memory_space<vmem>>
        %dma_start3A_330 = tpu.memref_squeeze %dma_start3A_329 : memref<1x64x128xf32, #tpu.memory_space<vmem>> -> memref<64x128xf32, #tpu.memory_space<vmem>>
        %dma_start3A_331 = arith.constant 0 : i32
        %dma_start3A_332 = tpu.memref_slice %arg9[%rem3A_317, %dma_start3A_325, %dma_start3A_331] : memref<16x2x64xi32, #tpu.memory_space<vmem>> -> memref<1x1x64xi32, #tpu.memory_space<vmem>>
        %dma_start3A_333 = tpu.memref_squeeze %dma_start3A_332 : memref<1x1x64xi32, #tpu.memory_space<vmem>> -> memref<64xi32, #tpu.memory_space<vmem>>
        %dma_start3A_334 = arith.constant 0 : i32
        %dma_start3A_335 = arith.constant 0 : i32
        %dma_start3A_336 = tpu.memref_slice %arg3[%dma_start3A_334, %dma_start3A_335] : memref<20224x128xf32, #tpu.memory_space<hbm>> -> memref<20224x128xf32, #tpu.memory_space<hbm>>
        tpu.enqueue_indirect_dma source(%dma_start3A_336 : memref<20224x128xf32, #tpu.memory_space<hbm>>) target(%dma_start3A_330 : memref<64x128xf32, #tpu.memory_space<vmem>>) offsets(%dma_start3A_333 : memref<64xi32, #tpu.memory_space<vmem>>) semaphore(%arg15 : memref<!tpu.dma_semaphore, #tpu.memory_space<semaphore_mem>>)
      } else {
      }
      %rem3A_158 = arith.constant 16 : i32
      %rem3A_159 = arith.remsi %add3A_145, %rem3A_158 : i32
      %dma_wait3A_160 = arith.constant 0 : i32
      %dma_wait3A_161 = arith.constant 0 : i32
      %dma_wait3A_162 = arith.constant 0 : i32
      %dma_wait3A_163 = arith.constant 0 : i32
      %dma_wait3A_164 = tpu.memref_slice %arg11[%dma_wait3A_161, %dma_wait3A_162, %dma_wait3A_163] : memref<3x64x128xf32, #tpu.memory_space<vmem>> -> memref<1x64x128xf32, #tpu.memory_space<vmem>>
      %dma_wait3A_165 = tpu.memref_squeeze %dma_wait3A_164 : memref<1x64x128xf32, #tpu.memory_space<vmem>> -> memref<64x128xf32, #tpu.memory_space<vmem>>
      %dma_wait3A_166 = arith.constant 0 : i32
      %dma_wait3A_167 = tpu.memref_slice %arg9[%rem3A_159, %dma_wait3A_160, %dma_wait3A_166] : memref<16x2x64xi32, #tpu.memory_space<vmem>> -> memref<1x1x64xi32, #tpu.memory_space<vmem>>
      %dma_wait3A_168 = tpu.memref_squeeze %dma_wait3A_167 : memref<1x1x64xi32, #tpu.memory_space<vmem>> -> memref<64xi32, #tpu.memory_space<vmem>>
      %dma_wait3A_169 = arith.constant 0 : i32
      %dma_wait3A_170 = arith.constant 0 : i32
      %dma_wait3A_171 = tpu.memref_slice %arg3[%dma_wait3A_169, %dma_wait3A_170] : memref<20224x128xf32, #tpu.memory_space<hbm>> -> memref<20224x128xf32, #tpu.memory_space<hbm>>
      tpu.wait_indirect_dma semaphore(%arg13 : memref<!tpu.dma_semaphore, #tpu.memory_space<semaphore_mem>>) src(%dma_wait3A_171 : memref<20224x128xf32, #tpu.memory_space<hbm>>) dst(%dma_wait3A_165 : memref<64x128xf32, #tpu.memory_space<vmem>>)
      %scan3A_172 = arith.constant 0 : i32
      %scan3A_173 = arith.constant 0 : i32
      %scan3A_174 = arith.constant 4 : i32
      %scan3A_175 = arith.addi %scan3A_173, %scan3A_174 : i32
      %scan3A_176 = arith.constant 1 : i32
      %scan3A_177 = scf.for %scan3A_306 = %scan3A_173 to %scan3A_175 step %scan3A_176 iter_args(%scan3A_307 = %scan3A_172) -> (i32)  : i32 {
        %mul3A_308 = arith.constant 16 : i32
        %mul3A_309 = arith.muli %scan3A_306, %mul3A_308 : i32
        %get3A = arith.constant 0 : i32
        %get3A_310 = arith.index_cast %get3A : i32 to index
        %get3A_311 = arith.index_cast %mul3A_309 : i32 to index
        %get3A_312 = tpu.vector_load %arg10[%get3A_310, %get3A_311] {strides = array<i32>} : memref<3x64xf32, #tpu.memory_space<vmem>>, vector<16xf32>,
        %mul3A_313 = arith.constant 16 : i32
        %mul3A_314 = arith.muli %scan3A_306, %mul3A_313 : i32
        %add3A_315 = arith.constant 0 : i32
        %add3A_316 = arith.addi %mul3A_314, %add3A_315 : i32
        %slice3A = vector.extract_strided_slice %get3A_312 {offsets = [0], sizes = [1], strides = [1]} : vector<16xf32> to vector<1xf32>
        %squeeze3A = vector.extract %slice3A[0] : f32 from vector<1xf32>
        %get3A_317 = arith.constant 0 : i32
        %get3A_318 = arith.index_cast %get3A_317 : i32 to index
        %get3A_319 = arith.index_cast %add3A_316 : i32 to index
        %get3A_320 = arith.constant 0 : index
        %get3A_321 = tpu.vector_load %arg11[%get3A_318, %get3A_319, %get3A_320] {strides = array<i32>} : memref<3x64x128xf32, #tpu.memory_space<vmem>>, vector<16xf32>,
        %mul3A_322 = vector.broadcast %squeeze3A : f32 to vector<16xf32>
        %mul3A_323 = arith.mulf %get3A_321, %mul3A_322 : vector<16xf32>
        %swap3A = arith.constant 0 : i32
        %swap3A_324 = arith.index_cast %swap3A : i32 to index
        %swap3A_325 = arith.index_cast %add3A_316 : i32 to index
        %swap3A_326 = arith.constant 0 : index
        %swap3A_327 = tpu.vector_load %arg11[%swap3A_324, %swap3A_325, %swap3A_326] {strides = array<i32>} : memref<3x64x128xf32, #tpu.memory_space<vmem>>, vector<16xf32>,
        tpu.vector_store %arg11[%swap3A_324, %swap3A_325, %swap3A_326], %mul3A_323 {strides = array<i32>} : memref<3x64x128xf32, #tpu.memory_space<vmem>>, vector<16xf32>,
        %get3A_328 = arith.constant 0 : i32
        %get3A_329 = arith.index_cast %get3A_328 : i32 to index
        %get3A_330 = arith.index_cast %add3A_316 : i32 to index
        %get3A_331 = arith.constant 16 : index
        %get3A_332 = tpu.vector_load %arg11[%get3A_329, %get3A_330, %get3A_331] {strides = array<i32>} : memref<3x64x128xf32, #tpu.memory_space<vmem>>, vector<16xf32>,
        %mul3A_333 = vector.broadcast %squeeze3A : f32 to vector<16xf32>
        %mul3A_334 = arith.mulf %get3A_332, %mul3A_333 : vector<16xf32>
        %swap3A_335 = arith.constant 0 : i32
        %swap3A_336 = arith.index_cast %swap3A_335 : i32 to index
        %swap3A_337 = arith.index_cast %add3A_316 : i32 to index
        %swap3A_338 = arith.constant 16 : index
        %swap3A_339 = tpu.vector_load %arg11[%swap3A_336, %swap3A_337, %swap3A_338] {strides = array<i32>} : memref<3x64x128xf32, #tpu.memory_space<vmem>>, vector<16xf32>,
        tpu.vector_store %arg11[%swap3A_336, %swap3A_337, %swap3A_338], %mul3A_334 {strides = array<i32>} : memref<3x64x128xf32, #tpu.memory_space<vmem>>, vector<16xf32>,
        %get3A_340 = arith.constant 0 : i32
        %get3A_341 = arith.index_cast %get3A_340 : i32 to index
        %get3A_342 = arith.index_cast %add3A_316 : i32 to index
        %get3A_343 = arith.constant 32 : index
        %get3A_344 = tpu.vector_load %arg11[%get3A_341, %get3A_342, %get3A_343] {strides = array<i32>} : memref<3x64x128xf32, #tpu.memory_space<vmem>>, vector<16xf32>,
        %mul3A_345 = vector.broadcast %squeeze3A : f32 to vector<16xf32>
        %mul3A_346 = arith.mulf %get3A_344, %mul3A_345 : vector<16xf32>
        %swap3A_347 = arith.constant 0 : i32
        %swap3A_348 = arith.index_cast %swap3A_347 : i32 to index
        %swap3A_349 = arith.index_cast %add3A_316 : i32 to index
        %swap3A_350 = arith.constant 32 : index
        %swap3A_351 = tpu.vector_load %arg11[%swap3A_348, %swap3A_349, %swap3A_350] {strides = array<i32>} : memref<3x64x128xf32, #tpu.memory_space<vmem>>, vector<16xf32>,
        tpu.vector_store %arg11[%swap3A_348, %swap3A_349, %swap3A_350], %mul3A_346 {strides = array<i32>} : memref<3x64x128xf32, #tpu.memory_space<vmem>>, vector<16xf32>,
        %get3A_352 = arith.constant 0 : i32
        %get3A_353 = arith.index_cast %get3A_352 : i32 to index
        %get3A_354 = arith.index_cast %add3A_316 : i32 to index
        %get3A_355 = arith.constant 48 : index
        %get3A_356 = tpu.vector_load %arg11[%get3A_353, %get3A_354, %get3A_355] {strides = array<i32>} : memref<3x64x128xf32, #tpu.memory_space<vmem>>, vector<16xf32>,
        %mul3A_357 = vector.broadcast %squeeze3A : f32 to vector<16xf32>
        %mul3A_358 = arith.mulf %get3A_356, %mul3A_357 : vector<16xf32>
        %swap3A_359 = arith.constant 0 : i32
        %swap3A_360 = arith.index_cast %swap3A_359 : i32 to index
        %swap3A_361 = arith.index_cast %add3A_316 : i32 to index
        %swap3A_362 = arith.constant 48 : index
        %swap3A_363 = tpu.vector_load %arg11[%swap3A_360, %swap3A_361, %swap3A_362] {strides = array<i32>} : memref<3x64x128xf32, #tpu.memory_space<vmem>>, vector<16xf32>,
        tpu.vector_store %arg11[%swap3A_360, %swap3A_361, %swap3A_362], %mul3A_358 {strides = array<i32>} : memref<3x64x128xf32, #tpu.memory_space<vmem>>, vector<16xf32>,
        %get3A_364 = arith.constant 0 : i32
        %get3A_365 = arith.index_cast %get3A_364 : i32 to index
        %get3A_366 = arith.index_cast %add3A_316 : i32 to index
        %get3A_367 = arith.constant 64 : index
        %get3A_368 = tpu.vector_load %arg11[%get3A_365, %get3A_366, %get3A_367] {strides = array<i32>} : memref<3x64x128xf32, #tpu.memory_space<vmem>>, vector<16xf32>,
        %mul3A_369 = vector.broadcast %squeeze3A : f32 to vector<16xf32>
        %mul3A_370 = arith.mulf %get3A_368, %mul3A_369 : vector<16xf32>
        %swap3A_371 = arith.constant 0 : i32
        %swap3A_372 = arith.index_cast %swap3A_371 : i32 to index
        %swap3A_373 = arith.index_cast %add3A_316 : i32 to index
        %swap3A_374 = arith.constant 64 : index
        %swap3A_375 = tpu.vector_load %arg11[%swap3A_372, %swap3A_373, %swap3A_374] {strides = array<i32>} : memref<3x64x128xf32, #tpu.memory_space<vmem>>, vector<16xf32>,
        tpu.vector_store %arg11[%swap3A_372, %swap3A_373, %swap3A_374], %mul3A_370 {strides = array<i32>} : memref<3x64x128xf32, #tpu.memory_space<vmem>>, vector<16xf32>,
        %mul3A_376 = arith.constant 16 : i32
        %mul3A_377 = arith.muli %scan3A_306, %mul3A_376 : i32
        %add3A_378 = arith.constant 1 : i32
        %add3A_379 = arith.addi %mul3A_377, %add3A_378 : i32
        %slice3A_380 = vector.extract_strided_slice %get3A_312 {offsets = [1], sizes = [1], strides = [1]} : vector<16xf32> to vector<1xf32>
        %squeeze3A_381 = vector.extract %slice3A_380[0] : f32 from vector<1xf32>
        %get3A_382 = arith.constant 0 : i32
        %get3A_383 = arith.index_cast %get3A_382 : i32 to index
        %get3A_384 = arith.index_cast %add3A_379 : i32 to index
        %get3A_385 = arith.constant 0 : index
        %get3A_386 = tpu.vector_load %arg11[%get3A_383, %get3A_384, %get3A_385] {strides = array<i32>} : memref<3x64x128xf32, #tpu.memory_space<vmem>>, vector<16xf32>,
        %mul3A_387 = vector.broadcast %squeeze3A_381 : f32 to vector<16xf32>
        %mul3A_388 = arith.mulf %get3A_386, %mul3A_387 : vector<16xf32>
        %swap3A_389 = arith.constant 0 : i32
        %swap3A_390 = arith.index_cast %swap3A_389 : i32 to index
        %swap3A_391 = arith.index_cast %add3A_379 : i32 to index
        %swap3A_392 = arith.constant 0 : index
        %swap3A_393 = tpu.vector_load %arg11[%swap3A_390, %swap3A_391, %swap3A_392] {strides = array<i32>} : memref<3x64x128xf32, #tpu.memory_space<vmem>>, vector<16xf32>,
        tpu.vector_store %arg11[%swap3A_390, %swap3A_391, %swap3A_392], %mul3A_388 {strides = array<i32>} : memref<3x64x128xf32, #tpu.memory_space<vmem>>, vector<16xf32>,
        %get3A_394 = arith.constant 0 : i32
        %get3A_395 = arith.index_cast %get3A_394 : i32 to index
        %get3A_396 = arith.index_cast %add3A_379 : i32 to index
        %get3A_397 = arith.constant 16 : index
        %get3A_398 = tpu.vector_load %arg11[%get3A_395, %get3A_396, %get3A_397] {strides = array<i32>} : memref<3x64x128xf32, #tpu.memory_space<vmem>>, vector<16xf32>,
        %mul3A_399 = vector.broadcast %squeeze3A_381 : f32 to vector<16xf32>
        %mul3A_400 = arith.mulf %get3A_398, %mul3A_399 : vector<16xf32>
        %swap3A_401 = arith.constant 0 : i32
        %swap3A_402 = arith.index_cast %swap3A_401 : i32 to index
        %swap3A_403 = arith.index_cast %add3A_379 : i32 to index
        %swap3A_404 = arith.constant 16 : index
        %swap3A_405 = tpu.vector_load %arg11[%swap3A_402, %swap3A_403, %swap3A_404] {strides = array<i32>} : memref<3x64x128xf32, #tpu.memory_space<vmem>>, vector<16xf32>,
        tpu.vector_store %arg11[%swap3A_402, %swap3A_403, %swap3A_404], %mul3A_400 {strides = array<i32>} : memref<3x64x128xf32, #tpu.memory_space<vmem>>, vector<16xf32>,
        %get3A_406 = arith.constant 0 : i32
        %get3A_407 = arith.index_cast %get3A_406 : i32 to index
        %get3A_408 = arith.index_cast %add3A_379 : i32 to index
        %get3A_409 = arith.constant 32 : index
        %get3A_410 = tpu.vector_load %arg11[%get3A_407, %get3A_408, %get3A_409] {strides = array<i32>} : memref<3x64x128xf32, #tpu.memory_space<vmem>>, vector<16xf32>,
        %mul3A_411 = vector.broadcast %squeeze3A_381 : f32 to vector<16xf32>
        %mul3A_412 = arith.mulf %get3A_410, %mul3A_411 : vector<16xf32>
        %swap3A_413 = arith.constant 0 : i32
        %swap3A_414 = arith.index_cast %swap3A_413 : i32 to index
        %swap3A_415 = arith.index_cast %add3A_379 : i32 to index
        %swap3A_416 = arith.constant 32 : index
        %swap3A_417 = tpu.vector_load %arg11[%swap3A_414, %swap3A_415, %swap3A_416] {strides = array<i32>} : memref<3x64x128xf32, #tpu.memory_space<vmem>>, vector<16xf32>,
        tpu.vector_store %arg11[%swap3A_414, %swap3A_415, %swap3A_416], %mul3A_412 {strides = array<i32>} : memref<3x64x128xf32, #tpu.memory_space<vmem>>, vector<16xf32>,
        %get3A_418 = arith.constant 0 : i32
        %get3A_419 = arith.index_cast %get3A_418 : i32 to index
        %get3A_420 = arith.index_cast %add3A_379 : i32 to index
        %get3A_421 = arith.constant 48 : index
        %get3A_422 = tpu.vector_load %arg11[%get3A_419, %get3A_420, %get3A_421] {strides = array<i32>} : memref<3x64x128xf32, #tpu.memory_space<vmem>>, vector<16xf32>,
        %mul3A_423 = vector.broadcast %squeeze3A_381 : f32 to vector<16xf32>
        %mul3A_424 = arith.mulf %get3A_422, %mul3A_423 : vector<16xf32>
        %swap3A_425 = arith.constant 0 : i32
        %swap3A_426 = arith.index_cast %swap3A_425 : i32 to index
        %swap3A_427 = arith.index_cast %add3A_379 : i32 to index
        %swap3A_428 = arith.constant 48 : index
        %swap3A_429 = tpu.vector_load %arg11[%swap3A_426, %swap3A_427, %swap3A_428] {strides = array<i32>} : memref<3x64x128xf32, #tpu.memory_space<vmem>>, vector<16xf32>,
        tpu.vector_store %arg11[%swap3A_426, %swap3A_427, %swap3A_428], %mul3A_424 {strides = array<i32>} : memref<3x64x128xf32, #tpu.memory_space<vmem>>, vector<16xf32>,
        %get3A_430 = arith.constant 0 : i32
        %get3A_431 = arith.index_cast %get3A_430 : i32 to index
        %get3A_432 = arith.index_cast %add3A_379 : i32 to index
        %get3A_433 = arith.constant 64 : index
        %get3A_434 = tpu.vector_load %arg11[%get3A_431, %get3A_432, %get3A_433] {strides = array<i32>} : memref<3x64x128xf32, #tpu.memory_space<vmem>>, vector<16xf32>,
        %mul3A_435 = vector.broadcast %squeeze3A_381 : f32 to vector<16xf32>
        %mul3A_436 = arith.mulf %get3A_434, %mul3A_435 : vector<16xf32>
        %swap3A_437 = arith.constant 0 : i32
        %swap3A_438 = arith.index_cast %swap3A_437 : i32 to index
        %swap3A_439 = arith.index_cast %add3A_379 : i32 to index
        %swap3A_440 = arith.constant 64 : index
        %swap3A_441 = tpu.vector_load %arg11[%swap3A_438, %swap3A_439, %swap3A_440] {strides = array<i32>} : memref<3x64x128xf32, #tpu.memory_space<vmem>>, vector<16xf32>,
        tpu.vector_store %arg11[%swap3A_438, %swap3A_439, %swap3A_440], %mul3A_436 {strides = array<i32>} : memref<3x64x128xf32, #tpu.memory_space<vmem>>, vector<16xf32>,
        %mul3A_442 = arith.constant 16 : i32
        %mul3A_443 = arith.muli %scan3A_306, %mul3A_442 : i32
        %add3A_444 = arith.constant 2 : i32
        %add3A_445 = arith.addi %mul3A_443, %add3A_444 : i32
        %slice3A_446 = vector.extract_strided_slice %get3A_312 {offsets = [2], sizes = [1], strides = [1]} : vector<16xf32> to vector<1xf32>
        %squeeze3A_447 = vector.extract %slice3A_446[0] : f32 from vector<1xf32>
        %get3A_448 = arith.constant 0 : i32
        %get3A_449 = arith.index_cast %get3A_448 : i32 to index
        %get3A_450 = arith.index_cast %add3A_445 : i32 to index
        %get3A_451 = arith.constant 0 : index
        %get3A_452 = tpu.vector_load %arg11[%get3A_449, %get3A_450, %get3A_451] {strides = array<i32>} : memref<3x64x128xf32, #tpu.memory_space<vmem>>, vector<16xf32>,
        %mul3A_453 = vector.broadcast %squeeze3A_447 : f32 to vector<16xf32>
        %mul3A_454 = arith.mulf %get3A_452, %mul3A_453 : vector<16xf32>
        %swap3A_455 = arith.constant 0 : i32
        %swap3A_456 = arith.index_cast %swap3A_455 : i32 to index
        %swap3A_457 = arith.index_cast %add3A_445 : i32 to index
        %swap3A_458 = arith.constant 0 : index
        %swap3A_459 = tpu.vector_load %arg11[%swap3A_456, %swap3A_457, %swap3A_458] {strides = array<i32>} : memref<3x64x128xf32, #tpu.memory_space<vmem>>, vector<16xf32>,
        tpu.vector_store %arg11[%swap3A_456, %swap3A_457, %swap3A_458], %mul3A_454 {strides = array<i32>} : memref<3x64x128xf32, #tpu.memory_space<vmem>>, vector<16xf32>,
        %get3A_460 = arith.constant 0 : i32
        %get3A_461 = arith.index_cast %get3A_460 : i32 to index
        %get3A_462 = arith.index_cast %add3A_445 : i32 to index
        %get3A_463 = arith.constant 16 : index
        %get3A_464 = tpu.vector_load %arg11[%get3A_461, %get3A_462, %get3A_463] {strides = array<i32>} : memref<3x64x128xf32, #tpu.memory_space<vmem>>, vector<16xf32>,
        %mul3A_465 = vector.broadcast %squeeze3A_447 : f32 to vector<16xf32>
        %mul3A_466 = arith.mulf %get3A_464, %mul3A_465 : vector<16xf32>
        %swap3A_467 = arith.constant 0 : i32
        %swap3A_468 = arith.index_cast %swap3A_467 : i32 to index
        %swap3A_469 = arith.index_cast %add3A_445 : i32 to index
        %swap3A_470 = arith.constant 16 : index
        %swap3A_471 = tpu.vector_load %arg11[%swap3A_468, %swap3A_469, %swap3A_470] {strides = array<i32>} : memref<3x64x128xf32, #tpu.memory_space<vmem>>, vector<16xf32>,
        tpu.vector_store %arg11[%swap3A_468, %swap3A_469, %swap3A_470], %mul3A_466 {strides = array<i32>} : memref<3x64x128xf32, #tpu.memory_space<vmem>>, vector<16xf32>,
        %get3A_472 = arith.constant 0 : i32
        %get3A_473 = arith.index_cast %get3A_472 : i32 to index
        %get3A_474 = arith.index_cast %add3A_445 : i32 to index
        %get3A_475 = arith.constant 32 : index
        %get3A_476 = tpu.vector_load %arg11[%get3A_473, %get3A_474, %get3A_475] {strides = array<i32>} : memref<3x64x128xf32, #tpu.memory_space<vmem>>, vector<16xf32>,
        %mul3A_477 = vector.broadcast %squeeze3A_447 : f32 to vector<16xf32>
        %mul3A_478 = arith.mulf %get3A_476, %mul3A_477 : vector<16xf32>
        %swap3A_479 = arith.constant 0 : i32
        %swap3A_480 = arith.index_cast %swap3A_479 : i32 to index
        %swap3A_481 = arith.index_cast %add3A_445 : i32 to index
        %swap3A_482 = arith.constant 32 : index
        %swap3A_483 = tpu.vector_load %arg11[%swap3A_480, %swap3A_481, %swap3A_482] {strides = array<i32>} : memref<3x64x128xf32, #tpu.memory_space<vmem>>, vector<16xf32>,
        tpu.vector_store %arg11[%swap3A_480, %swap3A_481, %swap3A_482], %mul3A_478 {strides = array<i32>} : memref<3x64x128xf32, #tpu.memory_space<vmem>>, vector<16xf32>,
        %get3A_484 = arith.constant 0 : i32
        %get3A_485 = arith.index_cast %get3A_484 : i32 to index
        %get3A_486 = arith.index_cast %add3A_445 : i32 to index
        %get3A_487 = arith.constant 48 : index
        %get3A_488 = tpu.vector_load %arg11[%get3A_485, %get3A_486, %get3A_487] {strides = array<i32>} : memref<3x64x128xf32, #tpu.memory_space<vmem>>, vector<16xf32>,
        %mul3A_489 = vector.broadcast %squeeze3A_447 : f32 to vector<16xf32>
        %mul3A_490 = arith.mulf %get3A_488, %mul3A_489 : vector<16xf32>
        %swap3A_491 = arith.constant 0 : i32
        %swap3A_492 = arith.index_cast %swap3A_491 : i32 to index
        %swap3A_493 = arith.index_cast %add3A_445 : i32 to index
        %swap3A_494 = arith.constant 48 : index
        %swap3A_495 = tpu.vector_load %arg11[%swap3A_492, %swap3A_493, %swap3A_494] {strides = array<i32>} : memref<3x64x128xf32, #tpu.memory_space<vmem>>, vector<16xf32>,
        tpu.vector_store %arg11[%swap3A_492, %swap3A_493, %swap3A_494], %mul3A_490 {strides = array<i32>} : memref<3x64x128xf32, #tpu.memory_space<vmem>>, vector<16xf32>,
        %get3A_496 = arith.constant 0 : i32
        %get3A_497 = arith.index_cast %get3A_496 : i32 to index
        %get3A_498 = arith.index_cast %add3A_445 : i32 to index
        %get3A_499 = arith.constant 64 : index
        %get3A_500 = tpu.vector_load %arg11[%get3A_497, %get3A_498, %get3A_499] {strides = array<i32>} : memref<3x64x128xf32, #tpu.memory_space<vmem>>, vector<16xf32>,
        %mul3A_501 = vector.broadcast %squeeze3A_447 : f32 to vector<16xf32>
        %mul3A_502 = arith.mulf %get3A_500, %mul3A_501 : vector<16xf32>
        %swap3A_503 = arith.constant 0 : i32
        %swap3A_504 = arith.index_cast %swap3A_503 : i32 to index
        %swap3A_505 = arith.index_cast %add3A_445 : i32 to index
        %swap3A_506 = arith.constant 64 : index
        %swap3A_507 = tpu.vector_load %arg11[%swap3A_504, %swap3A_505, %swap3A_506] {strides = array<i32>} : memref<3x64x128xf32, #tpu.memory_space<vmem>>, vector<16xf32>,
        tpu.vector_store %arg11[%swap3A_504, %swap3A_505, %swap3A_506], %mul3A_502 {strides = array<i32>} : memref<3x64x128xf32, #tpu.memory_space<vmem>>, vector<16xf32>,
        %mul3A_508 = arith.constant 16 : i32
        %mul3A_509 = arith.muli %scan3A_306, %mul3A_508 : i32
        %add3A_510 = arith.constant 3 : i32
        %add3A_511 = arith.addi %mul3A_509, %add3A_510 : i32
        %slice3A_512 = vector.extract_strided_slice %get3A_312 {offsets = [3], sizes = [1], strides = [1]} : vector<16xf32> to vector<1xf32>
        %squeeze3A_513 = vector.extract %slice3A_512[0] : f32 from vector<1xf32>
        %get3A_514 = arith.constant 0 : i32
        %get3A_515 = arith.index_cast %get3A_514 : i32 to index
        %get3A_516 = arith.index_cast %add3A_511 : i32 to index
        %get3A_517 = arith.constant 0 : index
        %get3A_518 = tpu.vector_load %arg11[%get3A_515, %get3A_516, %get3A_517] {strides = array<i32>} : memref<3x64x128xf32, #tpu.memory_space<vmem>>, vector<16xf32>,
        %mul3A_519 = vector.broadcast %squeeze3A_513 : f32 to vector<16xf32>
        %mul3A_520 = arith.mulf %get3A_518, %mul3A_519 : vector<16xf32>
        %swap3A_521 = arith.constant 0 : i32
        %swap3A_522 = arith.index_cast %swap3A_521 : i32 to index
        %swap3A_523 = arith.index_cast %add3A_511 : i32 to index
        %swap3A_524 = arith.constant 0 : index
        %swap3A_525 = tpu.vector_load %arg11[%swap3A_522, %swap3A_523, %swap3A_524] {strides = array<i32>} : memref<3x64x128xf32, #tpu.memory_space<vmem>>, vector<16xf32>,
        tpu.vector_store %arg11[%swap3A_522, %swap3A_523, %swap3A_524], %mul3A_520 {strides = array<i32>} : memref<3x64x128xf32, #tpu.memory_space<vmem>>, vector<16xf32>,
        %get3A_526 = arith.constant 0 : i32
        %get3A_527 = arith.index_cast %get3A_526 : i32 to index
        %get3A_528 = arith.index_cast %add3A_511 : i32 to index
        %get3A_529 = arith.constant 16 : index
        %get3A_530 = tpu.vector_load %arg11[%get3A_527, %get3A_528, %get3A_529] {strides = array<i32>} : memref<3x64x128xf32, #tpu.memory_space<vmem>>, vector<16xf32>,
        %mul3A_531 = vector.broadcast %squeeze3A_513 : f32 to vector<16xf32>
        %mul3A_532 = arith.mulf %get3A_530, %mul3A_531 : vector<16xf32>
        %swap3A_533 = arith.constant 0 : i32
        %swap3A_534 = arith.index_cast %swap3A_533 : i32 to index
        %swap3A_535 = arith.index_cast %add3A_511 : i32 to index
        %swap3A_536 = arith.constant 16 : index
        %swap3A_537 = tpu.vector_load %arg11[%swap3A_534, %swap3A_535, %swap3A_536] {strides = array<i32>} : memref<3x64x128xf32, #tpu.memory_space<vmem>>, vector<16xf32>,
        tpu.vector_store %arg11[%swap3A_534, %swap3A_535, %swap3A_536], %mul3A_532 {strides = array<i32>} : memref<3x64x128xf32, #tpu.memory_space<vmem>>, vector<16xf32>,
        %get3A_538 = arith.constant 0 : i32
        %get3A_539 = arith.index_cast %get3A_538 : i32 to index
        %get3A_540 = arith.index_cast %add3A_511 : i32 to index
        %get3A_541 = arith.constant 32 : index
        %get3A_542 = tpu.vector_load %arg11[%get3A_539, %get3A_540, %get3A_541] {strides = array<i32>} : memref<3x64x128xf32, #tpu.memory_space<vmem>>, vector<16xf32>,
        %mul3A_543 = vector.broadcast %squeeze3A_513 : f32 to vector<16xf32>
        %mul3A_544 = arith.mulf %get3A_542, %mul3A_543 : vector<16xf32>
        %swap3A_545 = arith.constant 0 : i32
        %swap3A_546 = arith.index_cast %swap3A_545 : i32 to index
        %swap3A_547 = arith.index_cast %add3A_511 : i32 to index
        %swap3A_548 = arith.constant 32 : index
        %swap3A_549 = tpu.vector_load %arg11[%swap3A_546, %swap3A_547, %swap3A_548] {strides = array<i32>} : memref<3x64x128xf32, #tpu.memory_space<vmem>>, vector<16xf32>,
        tpu.vector_store %arg11[%swap3A_546, %swap3A_547, %swap3A_548], %mul3A_544 {strides = array<i32>} : memref<3x64x128xf32, #tpu.memory_space<vmem>>, vector<16xf32>,
        %get3A_550 = arith.constant 0 : i32
        %get3A_551 = arith.index_cast %get3A_550 : i32 to index
        %get3A_552 = arith.index_cast %add3A_511 : i32 to index
        %get3A_553 = arith.constant 48 : index
        %get3A_554 = tpu.vector_load %arg11[%get3A_551, %get3A_552, %get3A_553] {strides = array<i32>} : memref<3x64x128xf32, #tpu.memory_space<vmem>>, vector<16xf32>,
        %mul3A_555 = vector.broadcast %squeeze3A_513 : f32 to vector<16xf32>
        %mul3A_556 = arith.mulf %get3A_554, %mul3A_555 : vector<16xf32>
        %swap3A_557 = arith.constant 0 : i32
        %swap3A_558 = arith.index_cast %swap3A_557 : i32 to index
        %swap3A_559 = arith.index_cast %add3A_511 : i32 to index
        %swap3A_560 = arith.constant 48 : index
        %swap3A_561 = tpu.vector_load %arg11[%swap3A_558, %swap3A_559, %swap3A_560] {strides = array<i32>} : memref<3x64x128xf32, #tpu.memory_space<vmem>>, vector<16xf32>,
        tpu.vector_store %arg11[%swap3A_558, %swap3A_559, %swap3A_560], %mul3A_556 {strides = array<i32>} : memref<3x64x128xf32, #tpu.memory_space<vmem>>, vector<16xf32>,
        %get3A_562 = arith.constant 0 : i32
        %get3A_563 = arith.index_cast %get3A_562 : i32 to index
        %get3A_564 = arith.index_cast %add3A_511 : i32 to index
        %get3A_565 = arith.constant 64 : index
        %get3A_566 = tpu.vector_load %arg11[%get3A_563, %get3A_564, %get3A_565] {strides = array<i32>} : memref<3x64x128xf32, #tpu.memory_space<vmem>>, vector<16xf32>,
        %mul3A_567 = vector.broadcast %squeeze3A_513 : f32 to vector<16xf32>
        %mul3A_568 = arith.mulf %get3A_566, %mul3A_567 : vector<16xf32>
        %swap3A_569 = arith.constant 0 : i32
        %swap3A_570 = arith.index_cast %swap3A_569 : i32 to index
        %swap3A_571 = arith.index_cast %add3A_511 : i32 to index
        %swap3A_572 = arith.constant 64 : index
        %swap3A_573 = tpu.vector_load %arg11[%swap3A_570, %swap3A_571, %swap3A_572] {strides = array<i32>} : memref<3x64x128xf32, #tpu.memory_space<vmem>>, vector<16xf32>,
        tpu.vector_store %arg11[%swap3A_570, %swap3A_571, %swap3A_572], %mul3A_568 {strides = array<i32>} : memref<3x64x128xf32, #tpu.memory_space<vmem>>, vector<16xf32>,
        %mul3A_574 = arith.constant 16 : i32
        %mul3A_575 = arith.muli %scan3A_306, %mul3A_574 : i32
        %add3A_576 = arith.constant 4 : i32
        %add3A_577 = arith.addi %mul3A_575, %add3A_576 : i32
        %slice3A_578 = vector.extract_strided_slice %get3A_312 {offsets = [4], sizes = [1], strides = [1]} : vector<16xf32> to vector<1xf32>
        %squeeze3A_579 = vector.extract %slice3A_578[0] : f32 from vector<1xf32>
        %get3A_580 = arith.constant 0 : i32
        %get3A_581 = arith.index_cast %get3A_580 : i32 to index
        %get3A_582 = arith.index_cast %add3A_577 : i32 to index
        %get3A_583 = arith.constant 0 : index
        %get3A_584 = tpu.vector_load %arg11[%get3A_581, %get3A_582, %get3A_583] {strides = array<i32>} : memref<3x64x128xf32, #tpu.memory_space<vmem>>, vector<16xf32>,
        %mul3A_585 = vector.broadcast %squeeze3A_579 : f32 to vector<16xf32>
        %mul3A_586 = arith.mulf %get3A_584, %mul3A_585 : vector<16xf32>
        %swap3A_587 = arith.constant 0 : i32
        %swap3A_588 = arith.index_cast %swap3A_587 : i32 to index
        %swap3A_589 = arith.index_cast %add3A_577 : i32 to index
        %swap3A_590 = arith.constant 0 : index
        %swap3A_591 = tpu.vector_load %arg11[%swap3A_588, %swap3A_589, %swap3A_590] {strides = array<i32>} : memref<3x64x128xf32, #tpu.memory_space<vmem>>, vector<16xf32>,
        tpu.vector_store %arg11[%swap3A_588, %swap3A_589, %swap3A_590], %mul3A_586 {strides = array<i32>} : memref<3x64x128xf32, #tpu.memory_space<vmem>>, vector<16xf32>,
        %get3A_592 = arith.constant 0 : i32
        %get3A_593 = arith.index_cast %get3A_592 : i32 to index
        %get3A_594 = arith.index_cast %add3A_577 : i32 to index
        %get3A_595 = arith.constant 16 : index
        %get3A_596 = tpu.vector_load %arg11[%get3A_593, %get3A_594, %get3A_595] {strides = array<i32>} : memref<3x64x128xf32, #tpu.memory_space<vmem>>, vector<16xf32>,
        %mul3A_597 = vector.broadcast %squeeze3A_579 : f32 to vector<16xf32>
        %mul3A_598 = arith.mulf %get3A_596, %mul3A_597 : vector<16xf32>
        %swap3A_599 = arith.constant 0 : i32
        %swap3A_600 = arith.index_cast %swap3A_599 : i32 to index
        %swap3A_601 = arith.index_cast %add3A_577 : i32 to index
        %swap3A_602 = arith.constant 16 : index
        %swap3A_603 = tpu.vector_load %arg11[%swap3A_600, %swap3A_601, %swap3A_602] {strides = array<i32>} : memref<3x64x128xf32, #tpu.memory_space<vmem>>, vector<16xf32>,
        tpu.vector_store %arg11[%swap3A_600, %swap3A_601, %swap3A_602], %mul3A_598 {strides = array<i32>} : memref<3x64x128xf32, #tpu.memory_space<vmem>>, vector<16xf32>,
        %get3A_604 = arith.constant 0 : i32
        %get3A_605 = arith.index_cast %get3A_604 : i32 to index
        %get3A_606 = arith.index_cast %add3A_577 : i32 to index
        %get3A_607 = arith.constant 32 : index
        %get3A_608 = tpu.vector_load %arg11[%get3A_605, %get3A_606, %get3A_607] {strides = array<i32>} : memref<3x64x128xf32, #tpu.memory_space<vmem>>, vector<16xf32>,
        %mul3A_609 = vector.broadcast %squeeze3A_579 : f32 to vector<16xf32>
        %mul3A_610 = arith.mulf %get3A_608, %mul3A_609 : vector<16xf32>
        %swap3A_611 = arith.constant 0 : i32
        %swap3A_612 = arith.index_cast %swap3A_611 : i32 to index
        %swap3A_613 = arith.index_cast %add3A_577 : i32 to index
        %swap3A_614 = arith.constant 32 : index
        %swap3A_615 = tpu.vector_load %arg11[%swap3A_612, %swap3A_613, %swap3A_614] {strides = array<i32>} : memref<3x64x128xf32, #tpu.memory_space<vmem>>, vector<16xf32>,
        tpu.vector_store %arg11[%swap3A_612, %swap3A_613, %swap3A_614], %mul3A_610 {strides = array<i32>} : memref<3x64x128xf32, #tpu.memory_space<vmem>>, vector<16xf32>,
        %get3A_616 = arith.constant 0 : i32
        %get3A_617 = arith.index_cast %get3A_616 : i32 to index
        %get3A_618 = arith.index_cast %add3A_577 : i32 to index
        %get3A_619 = arith.constant 48 : index
        %get3A_620 = tpu.vector_load %arg11[%get3A_617, %get3A_618, %get3A_619] {strides = array<i32>} : memref<3x64x128xf32, #tpu.memory_space<vmem>>, vector<16xf32>,
        %mul3A_621 = vector.broadcast %squeeze3A_579 : f32 to vector<16xf32>
        %mul3A_622 = arith.mulf %get3A_620, %mul3A_621 : vector<16xf32>
        %swap3A_623 = arith.constant 0 : i32
        %swap3A_624 = arith.index_cast %swap3A_623 : i32 to index
        %swap3A_625 = arith.index_cast %add3A_577 : i32 to index
        %swap3A_626 = arith.constant 48 : index
        %swap3A_627 = tpu.vector_load %arg11[%swap3A_624, %swap3A_625, %swap3A_626] {strides = array<i32>} : memref<3x64x128xf32, #tpu.memory_space<vmem>>, vector<16xf32>,
        tpu.vector_store %arg11[%swap3A_624, %swap3A_625, %swap3A_626], %mul3A_622 {strides = array<i32>} : memref<3x64x128xf32, #tpu.memory_space<vmem>>, vector<16xf32>,
        %get3A_628 = arith.constant 0 : i32
        %get3A_629 = arith.index_cast %get3A_628 : i32 to index
        %get3A_630 = arith.index_cast %add3A_577 : i32 to index
        %get3A_631 = arith.constant 64 : index
        %get3A_632 = tpu.vector_load %arg11[%get3A_629, %get3A_630, %get3A_631] {strides = array<i32>} : memref<3x64x128xf32, #tpu.memory_space<vmem>>, vector<16xf32>,
        %mul3A_633 = vector.broadcast %squeeze3A_579 : f32 to vector<16xf32>
        %mul3A_634 = arith.mulf %get3A_632, %mul3A_633 : vector<16xf32>
        %swap3A_635 = arith.constant 0 : i32
        %swap3A_636 = arith.index_cast %swap3A_635 : i32 to index
        %swap3A_637 = arith.index_cast %add3A_577 : i32 to index
        %swap3A_638 = arith.constant 64 : index
        %swap3A_639 = tpu.vector_load %arg11[%swap3A_636, %swap3A_637, %swap3A_638] {strides = array<i32>} : memref<3x64x128xf32, #tpu.memory_space<vmem>>, vector<16xf32>,
        tpu.vector_store %arg11[%swap3A_636, %swap3A_637, %swap3A_638], %mul3A_634 {strides = array<i32>} : memref<3x64x128xf32, #tpu.memory_space<vmem>>, vector<16xf32>,
        %mul3A_640 = arith.constant 16 : i32
        %mul3A_641 = arith.muli %scan3A_306, %mul3A_640 : i32
        %add3A_642 = arith.constant 5 : i32
        %add3A_643 = arith.addi %mul3A_641, %add3A_642 : i32
        %slice3A_644 = vector.extract_strided_slice %get3A_312 {offsets = [5], sizes = [1], strides = [1]} : vector<16xf32> to vector<1xf32>
        %squeeze3A_645 = vector.extract %slice3A_644[0] : f32 from vector<1xf32>
        %get3A_646 = arith.constant 0 : i32
        %get3A_647 = arith.index_cast %get3A_646 : i32 to index
        %get3A_648 = arith.index_cast %add3A_643 : i32 to index
        %get3A_649 = arith.constant 0 : index
        %get3A_650 = tpu.vector_load %arg11[%get3A_647, %get3A_648, %get3A_649] {strides = array<i32>} : memref<3x64x128xf32, #tpu.memory_space<vmem>>, vector<16xf32>,
        %mul3A_651 = vector.broadcast %squeeze3A_645 : f32 to vector<16xf32>
        %mul3A_652 = arith.mulf %get3A_650, %mul3A_651 : vector<16xf32>
        %swap3A_653 = arith.constant 0 : i32
        %swap3A_654 = arith.index_cast %swap3A_653 : i32 to index
        %swap3A_655 = arith.index_cast %add3A_643 : i32 to index
        %swap3A_656 = arith.constant 0 : index
        %swap3A_657 = tpu.vector_load %arg11[%swap3A_654, %swap3A_655, %swap3A_656] {strides = array<i32>} : memref<3x64x128xf32, #tpu.memory_space<vmem>>, vector<16xf32>,
        tpu.vector_store %arg11[%swap3A_654, %swap3A_655, %swap3A_656], %mul3A_652 {strides = array<i32>} : memref<3x64x128xf32, #tpu.memory_space<vmem>>, vector<16xf32>,
        %get3A_658 = arith.constant 0 : i32
        %get3A_659 = arith.index_cast %get3A_658 : i32 to index
        %get3A_660 = arith.index_cast %add3A_643 : i32 to index
        %get3A_661 = arith.constant 16 : index
        %get3A_662 = tpu.vector_load %arg11[%get3A_659, %get3A_660, %get3A_661] {strides = array<i32>} : memref<3x64x128xf32, #tpu.memory_space<vmem>>, vector<16xf32>,
        %mul3A_663 = vector.broadcast %squeeze3A_645 : f32 to vector<16xf32>
        %mul3A_664 = arith.mulf %get3A_662, %mul3A_663 : vector<16xf32>
        %swap3A_665 = arith.constant 0 : i32
        %swap3A_666 = arith.index_cast %swap3A_665 : i32 to index
        %swap3A_667 = arith.index_cast %add3A_643 : i32 to index
        %swap3A_668 = arith.constant 16 : index
        %swap3A_669 = tpu.vector_load %arg11[%swap3A_666, %swap3A_667, %swap3A_668] {strides = array<i32>} : memref<3x64x128xf32, #tpu.memory_space<vmem>>, vector<16xf32>,
        tpu.vector_store %arg11[%swap3A_666, %swap3A_667, %swap3A_668], %mul3A_664 {strides = array<i32>} : memref<3x64x128xf32, #tpu.memory_space<vmem>>, vector<16xf32>,
        %get3A_670 = arith.constant 0 : i32
        %get3A_671 = arith.index_cast %get3A_670 : i32 to index
        %get3A_672 = arith.index_cast %add3A_643 : i32 to index
        %get3A_673 = arith.constant 32 : index
        %get3A_674 = tpu.vector_load %arg11[%get3A_671, %get3A_672, %get3A_673] {strides = array<i32>} : memref<3x64x128xf32, #tpu.memory_space<vmem>>, vector<16xf32>,
        %mul3A_675 = vector.broadcast %squeeze3A_645 : f32 to vector<16xf32>
        %mul3A_676 = arith.mulf %get3A_674, %mul3A_675 : vector<16xf32>
        %swap3A_677 = arith.constant 0 : i32
        %swap3A_678 = arith.index_cast %swap3A_677 : i32 to index
        %swap3A_679 = arith.index_cast %add3A_643 : i32 to index
        %swap3A_680 = arith.constant 32 : index
        %swap3A_681 = tpu.vector_load %arg11[%swap3A_678, %swap3A_679, %swap3A_680] {strides = array<i32>} : memref<3x64x128xf32, #tpu.memory_space<vmem>>, vector<16xf32>,
        tpu.vector_store %arg11[%swap3A_678, %swap3A_679, %swap3A_680], %mul3A_676 {strides = array<i32>} : memref<3x64x128xf32, #tpu.memory_space<vmem>>, vector<16xf32>,
        %get3A_682 = arith.constant 0 : i32
        %get3A_683 = arith.index_cast %get3A_682 : i32 to index
        %get3A_684 = arith.index_cast %add3A_643 : i32 to index
        %get3A_685 = arith.constant 48 : index
        %get3A_686 = tpu.vector_load %arg11[%get3A_683, %get3A_684, %get3A_685] {strides = array<i32>} : memref<3x64x128xf32, #tpu.memory_space<vmem>>, vector<16xf32>,
        %mul3A_687 = vector.broadcast %squeeze3A_645 : f32 to vector<16xf32>
        %mul3A_688 = arith.mulf %get3A_686, %mul3A_687 : vector<16xf32>
        %swap3A_689 = arith.constant 0 : i32
        %swap3A_690 = arith.index_cast %swap3A_689 : i32 to index
        %swap3A_691 = arith.index_cast %add3A_643 : i32 to index
        %swap3A_692 = arith.constant 48 : index
        %swap3A_693 = tpu.vector_load %arg11[%swap3A_690, %swap3A_691, %swap3A_692] {strides = array<i32>} : memref<3x64x128xf32, #tpu.memory_space<vmem>>, vector<16xf32>,
        tpu.vector_store %arg11[%swap3A_690, %swap3A_691, %swap3A_692], %mul3A_688 {strides = array<i32>} : memref<3x64x128xf32, #tpu.memory_space<vmem>>, vector<16xf32>,
        %get3A_694 = arith.constant 0 : i32
        %get3A_695 = arith.index_cast %get3A_694 : i32 to index
        %get3A_696 = arith.index_cast %add3A_643 : i32 to index
        %get3A_697 = arith.constant 64 : index
        %get3A_698 = tpu.vector_load %arg11[%get3A_695, %get3A_696, %get3A_697] {strides = array<i32>} : memref<3x64x128xf32, #tpu.memory_space<vmem>>, vector<16xf32>,
        %mul3A_699 = vector.broadcast %squeeze3A_645 : f32 to vector<16xf32>
        %mul3A_700 = arith.mulf %get3A_698, %mul3A_699 : vector<16xf32>
        %swap3A_701 = arith.constant 0 : i32
        %swap3A_702 = arith.index_cast %swap3A_701 : i32 to index
        %swap3A_703 = arith.index_cast %add3A_643 : i32 to index
        %swap3A_704 = arith.constant 64 : index
        %swap3A_705 = tpu.vector_load %arg11[%swap3A_702, %swap3A_703, %swap3A_704] {strides = array<i32>} : memref<3x64x128xf32, #tpu.memory_space<vmem>>, vector<16xf32>,
        tpu.vector_store %arg11[%swap3A_702, %swap3A_703, %swap3A_704], %mul3A_700 {strides = array<i32>} : memref<3x64x128xf32, #tpu.memory_space<vmem>>, vector<16xf32>,
        %mul3A_706 = arith.constant 16 : i32
        %mul3A_707 = arith.muli %scan3A_306, %mul3A_706 : i32
        %add3A_708 = arith.constant 6 : i32
        %add3A_709 = arith.addi %mul3A_707, %add3A_708 : i32
        %slice3A_710 = vector.extract_strided_slice %get3A_312 {offsets = [6], sizes = [1], strides = [1]} : vector<16xf32> to vector<1xf32>
        %squeeze3A_711 = vector.extract %slice3A_710[0] : f32 from vector<1xf32>
        %get3A_712 = arith.constant 0 : i32
        %get3A_713 = arith.index_cast %get3A_712 : i32 to index
        %get3A_714 = arith.index_cast %add3A_709 : i32 to index
        %get3A_715 = arith.constant 0 : index
        %get3A_716 = tpu.vector_load %arg11[%get3A_713, %get3A_714, %get3A_715] {strides = array<i32>} : memref<3x64x128xf32, #tpu.memory_space<vmem>>, vector<16xf32>,
        %mul3A_717 = vector.broadcast %squeeze3A_711 : f32 to vector<16xf32>
        %mul3A_718 = arith.mulf %get3A_716, %mul3A_717 : vector<16xf32>
        %swap3A_719 = arith.constant 0 : i32
        %swap3A_720 = arith.index_cast %swap3A_719 : i32 to index
        %swap3A_721 = arith.index_cast %add3A_709 : i32 to index
        %swap3A_722 = arith.constant 0 : index
        %swap3A_723 = tpu.vector_load %arg11[%swap3A_720, %swap3A_721, %swap3A_722] {strides = array<i32>} : memref<3x64x128xf32, #tpu.memory_space<vmem>>, vector<16xf32>,
        tpu.vector_store %arg11[%swap3A_720, %swap3A_721, %swap3A_722], %mul3A_718 {strides = array<i32>} : memref<3x64x128xf32, #tpu.memory_space<vmem>>, vector<16xf32>,
        %get3A_724 = arith.constant 0 : i32
        %get3A_725 = arith.index_cast %get3A_724 : i32 to index
        %get3A_726 = arith.index_cast %add3A_709 : i32 to index
        %get3A_727 = arith.constant 16 : index
        %get3A_728 = tpu.vector_load %arg11[%get3A_725, %get3A_726, %get3A_727] {strides = array<i32>} : memref<3x64x128xf32, #tpu.memory_space<vmem>>, vector<16xf32>,
        %mul3A_729 = vector.broadcast %squeeze3A_711 : f32 to vector<16xf32>
        %mul3A_730 = arith.mulf %get3A_728, %mul3A_729 : vector<16xf32>
        %swap3A_731 = arith.constant 0 : i32
        %swap3A_732 = arith.index_cast %swap3A_731 : i32 to index
        %swap3A_733 = arith.index_cast %add3A_709 : i32 to index
        %swap3A_734 = arith.constant 16 : index
        %swap3A_735 = tpu.vector_load %arg11[%swap3A_732, %swap3A_733, %swap3A_734] {strides = array<i32>} : memref<3x64x128xf32, #tpu.memory_space<vmem>>, vector<16xf32>,
        tpu.vector_store %arg11[%swap3A_732, %swap3A_733, %swap3A_734], %mul3A_730 {strides = array<i32>} : memref<3x64x128xf32, #tpu.memory_space<vmem>>, vector<16xf32>,
        %get3A_736 = arith.constant 0 : i32
        %get3A_737 = arith.index_cast %get3A_736 : i32 to index
        %get3A_738 = arith.index_cast %add3A_709 : i32 to index
        %get3A_739 = arith.constant 32 : index
        %get3A_740 = tpu.vector_load %arg11[%get3A_737, %get3A_738, %get3A_739] {strides = array<i32>} : memref<3x64x128xf32, #tpu.memory_space<vmem>>, vector<16xf32>,
        %mul3A_741 = vector.broadcast %squeeze3A_711 : f32 to vector<16xf32>
        %mul3A_742 = arith.mulf %get3A_740, %mul3A_741 : vector<16xf32>
        %swap3A_743 = arith.constant 0 : i32
        %swap3A_744 = arith.index_cast %swap3A_743 : i32 to index
        %swap3A_745 = arith.index_cast %add3A_709 : i32 to index
        %swap3A_746 = arith.constant 32 : index
        %swap3A_747 = tpu.vector_load %arg11[%swap3A_744, %swap3A_745, %swap3A_746] {strides = array<i32>} : memref<3x64x128xf32, #tpu.memory_space<vmem>>, vector<16xf32>,
        tpu.vector_store %arg11[%swap3A_744, %swap3A_745, %swap3A_746], %mul3A_742 {strides = array<i32>} : memref<3x64x128xf32, #tpu.memory_space<vmem>>, vector<16xf32>,
        %get3A_748 = arith.constant 0 : i32
        %get3A_749 = arith.index_cast %get3A_748 : i32 to index
        %get3A_750 = arith.index_cast %add3A_709 : i32 to index
        %get3A_751 = arith.constant 48 : index
        %get3A_752 = tpu.vector_load %arg11[%get3A_749, %get3A_750, %get3A_751] {strides = array<i32>} : memref<3x64x128xf32, #tpu.memory_space<vmem>>, vector<16xf32>,
        %mul3A_753 = vector.broadcast %squeeze3A_711 : f32 to vector<16xf32>
        %mul3A_754 = arith.mulf %get3A_752, %mul3A_753 : vector<16xf32>
        %swap3A_755 = arith.constant 0 : i32
        %swap3A_756 = arith.index_cast %swap3A_755 : i32 to index
        %swap3A_757 = arith.index_cast %add3A_709 : i32 to index
        %swap3A_758 = arith.constant 48 : index
        %swap3A_759 = tpu.vector_load %arg11[%swap3A_756, %swap3A_757, %swap3A_758] {strides = array<i32>} : memref<3x64x128xf32, #tpu.memory_space<vmem>>, vector<16xf32>,
        tpu.vector_store %arg11[%swap3A_756, %swap3A_757, %swap3A_758], %mul3A_754 {strides = array<i32>} : memref<3x64x128xf32, #tpu.memory_space<vmem>>, vector<16xf32>,
        %get3A_760 = arith.constant 0 : i32
        %get3A_761 = arith.index_cast %get3A_760 : i32 to index
        %get3A_762 = arith.index_cast %add3A_709 : i32 to index
        %get3A_763 = arith.constant 64 : index
        %get3A_764 = tpu.vector_load %arg11[%get3A_761, %get3A_762, %get3A_763] {strides = array<i32>} : memref<3x64x128xf32, #tpu.memory_space<vmem>>, vector<16xf32>,
        %mul3A_765 = vector.broadcast %squeeze3A_711 : f32 to vector<16xf32>
        %mul3A_766 = arith.mulf %get3A_764, %mul3A_765 : vector<16xf32>
        %swap3A_767 = arith.constant 0 : i32
        %swap3A_768 = arith.index_cast %swap3A_767 : i32 to index
        %swap3A_769 = arith.index_cast %add3A_709 : i32 to index
        %swap3A_770 = arith.constant 64 : index
        %swap3A_771 = tpu.vector_load %arg11[%swap3A_768, %swap3A_769, %swap3A_770] {strides = array<i32>} : memref<3x64x128xf32, #tpu.memory_space<vmem>>, vector<16xf32>,
        tpu.vector_store %arg11[%swap3A_768, %swap3A_769, %swap3A_770], %mul3A_766 {strides = array<i32>} : memref<3x64x128xf32, #tpu.memory_space<vmem>>, vector<16xf32>,
        %mul3A_772 = arith.constant 16 : i32
        %mul3A_773 = arith.muli %scan3A_306, %mul3A_772 : i32
        %add3A_774 = arith.constant 7 : i32
        %add3A_775 = arith.addi %mul3A_773, %add3A_774 : i32
        %slice3A_776 = vector.extract_strided_slice %get3A_312 {offsets = [7], sizes = [1], strides = [1]} : vector<16xf32> to vector<1xf32>
        %squeeze3A_777 = vector.extract %slice3A_776[0] : f32 from vector<1xf32>
        %get3A_778 = arith.constant 0 : i32
        %get3A_779 = arith.index_cast %get3A_778 : i32 to index
        %get3A_780 = arith.index_cast %add3A_775 : i32 to index
        %get3A_781 = arith.constant 0 : index
        %get3A_782 = tpu.vector_load %arg11[%get3A_779, %get3A_780, %get3A_781] {strides = array<i32>} : memref<3x64x128xf32, #tpu.memory_space<vmem>>, vector<16xf32>,
        %mul3A_783 = vector.broadcast %squeeze3A_777 : f32 to vector<16xf32>
        %mul3A_784 = arith.mulf %get3A_782, %mul3A_783 : vector<16xf32>
        %swap3A_785 = arith.constant 0 : i32
        %swap3A_786 = arith.index_cast %swap3A_785 : i32 to index
        %swap3A_787 = arith.index_cast %add3A_775 : i32 to index
        %swap3A_788 = arith.constant 0 : index
        %swap3A_789 = tpu.vector_load %arg11[%swap3A_786, %swap3A_787, %swap3A_788] {strides = array<i32>} : memref<3x64x128xf32, #tpu.memory_space<vmem>>, vector<16xf32>,
        tpu.vector_store %arg11[%swap3A_786, %swap3A_787, %swap3A_788], %mul3A_784 {strides = array<i32>} : memref<3x64x128xf32, #tpu.memory_space<vmem>>, vector<16xf32>,
        %get3A_790 = arith.constant 0 : i32
        %get3A_791 = arith.index_cast %get3A_790 : i32 to index
        %get3A_792 = arith.index_cast %add3A_775 : i32 to index
        %get3A_793 = arith.constant 16 : index
        %get3A_794 = tpu.vector_load %arg11[%get3A_791, %get3A_792, %get3A_793] {strides = array<i32>} : memref<3x64x128xf32, #tpu.memory_space<vmem>>, vector<16xf32>,
        %mul3A_795 = vector.broadcast %squeeze3A_777 : f32 to vector<16xf32>
        %mul3A_796 = arith.mulf %get3A_794, %mul3A_795 : vector<16xf32>
        %swap3A_797 = arith.constant 0 : i32
        %swap3A_798 = arith.index_cast %swap3A_797 : i32 to index
        %swap3A_799 = arith.index_cast %add3A_775 : i32 to index
        %swap3A_800 = arith.constant 16 : index
        %swap3A_801 = tpu.vector_load %arg11[%swap3A_798, %swap3A_799, %swap3A_800] {strides = array<i32>} : memref<3x64x128xf32, #tpu.memory_space<vmem>>, vector<16xf32>,
        tpu.vector_store %arg11[%swap3A_798, %swap3A_799, %swap3A_800], %mul3A_796 {strides = array<i32>} : memref<3x64x128xf32, #tpu.memory_space<vmem>>, vector<16xf32>,
        %get3A_802 = arith.constant 0 : i32
        %get3A_803 = arith.index_cast %get3A_802 : i32 to index
        %get3A_804 = arith.index_cast %add3A_775 : i32 to index
        %get3A_805 = arith.constant 32 : index
        %get3A_806 = tpu.vector_load %arg11[%get3A_803, %get3A_804, %get3A_805] {strides = array<i32>} : memref<3x64x128xf32, #tpu.memory_space<vmem>>, vector<16xf32>,
        %mul3A_807 = vector.broadcast %squeeze3A_777 : f32 to vector<16xf32>
        %mul3A_808 = arith.mulf %get3A_806, %mul3A_807 : vector<16xf32>
        %swap3A_809 = arith.constant 0 : i32
        %swap3A_810 = arith.index_cast %swap3A_809 : i32 to index
        %swap3A_811 = arith.index_cast %add3A_775 : i32 to index
        %swap3A_812 = arith.constant 32 : index
        %swap3A_813 = tpu.vector_load %arg11[%swap3A_810, %swap3A_811, %swap3A_812] {strides = array<i32>} : memref<3x64x128xf32, #tpu.memory_space<vmem>>, vector<16xf32>,
        tpu.vector_store %arg11[%swap3A_810, %swap3A_811, %swap3A_812], %mul3A_808 {strides = array<i32>} : memref<3x64x128xf32, #tpu.memory_space<vmem>>, vector<16xf32>,
        %get3A_814 = arith.constant 0 : i32
        %get3A_815 = arith.index_cast %get3A_814 : i32 to index
        %get3A_816 = arith.index_cast %add3A_775 : i32 to index
        %get3A_817 = arith.constant 48 : index
        %get3A_818 = tpu.vector_load %arg11[%get3A_815, %get3A_816, %get3A_817] {strides = array<i32>} : memref<3x64x128xf32, #tpu.memory_space<vmem>>, vector<16xf32>,
        %mul3A_819 = vector.broadcast %squeeze3A_777 : f32 to vector<16xf32>
        %mul3A_820 = arith.mulf %get3A_818, %mul3A_819 : vector<16xf32>
        %swap3A_821 = arith.constant 0 : i32
        %swap3A_822 = arith.index_cast %swap3A_821 : i32 to index
        %swap3A_823 = arith.index_cast %add3A_775 : i32 to index
        %swap3A_824 = arith.constant 48 : index
        %swap3A_825 = tpu.vector_load %arg11[%swap3A_822, %swap3A_823, %swap3A_824] {strides = array<i32>} : memref<3x64x128xf32, #tpu.memory_space<vmem>>, vector<16xf32>,
        tpu.vector_store %arg11[%swap3A_822, %swap3A_823, %swap3A_824], %mul3A_820 {strides = array<i32>} : memref<3x64x128xf32, #tpu.memory_space<vmem>>, vector<16xf32>,
        %get3A_826 = arith.constant 0 : i32
        %get3A_827 = arith.index_cast %get3A_826 : i32 to index
        %get3A_828 = arith.index_cast %add3A_775 : i32 to index
        %get3A_829 = arith.constant 64 : index
        %get3A_830 = tpu.vector_load %arg11[%get3A_827, %get3A_828, %get3A_829] {strides = array<i32>} : memref<3x64x128xf32, #tpu.memory_space<vmem>>, vector<16xf32>,
        %mul3A_831 = vector.broadcast %squeeze3A_777 : f32 to vector<16xf32>
        %mul3A_832 = arith.mulf %get3A_830, %mul3A_831 : vector<16xf32>
        %swap3A_833 = arith.constant 0 : i32
        %swap3A_834 = arith.index_cast %swap3A_833 : i32 to index
        %swap3A_835 = arith.index_cast %add3A_775 : i32 to index
        %swap3A_836 = arith.constant 64 : index
        %swap3A_837 = tpu.vector_load %arg11[%swap3A_834, %swap3A_835, %swap3A_836] {strides = array<i32>} : memref<3x64x128xf32, #tpu.memory_space<vmem>>, vector<16xf32>,
        tpu.vector_store %arg11[%swap3A_834, %swap3A_835, %swap3A_836], %mul3A_832 {strides = array<i32>} : memref<3x64x128xf32, #tpu.memory_space<vmem>>, vector<16xf32>,
        %mul3A_838 = arith.constant 16 : i32
        %mul3A_839 = arith.muli %scan3A_306, %mul3A_838 : i32
        %add3A_840 = arith.constant 8 : i32
        %add3A_841 = arith.addi %mul3A_839, %add3A_840 : i32
        %slice3A_842 = vector.extract_strided_slice %get3A_312 {offsets = [8], sizes = [1], strides = [1]} : vector<16xf32> to vector<1xf32>
        %squeeze3A_843 = vector.extract %slice3A_842[0] : f32 from vector<1xf32>
        %get3A_844 = arith.constant 0 : i32
        %get3A_845 = arith.index_cast %get3A_844 : i32 to index
        %get3A_846 = arith.index_cast %add3A_841 : i32 to index
        %get3A_847 = arith.constant 0 : index
        %get3A_848 = tpu.vector_load %arg11[%get3A_845, %get3A_846, %get3A_847] {strides = array<i32>} : memref<3x64x128xf32, #tpu.memory_space<vmem>>, vector<16xf32>,
        %mul3A_849 = vector.broadcast %squeeze3A_843 : f32 to vector<16xf32>
        %mul3A_850 = arith.mulf %get3A_848, %mul3A_849 : vector<16xf32>
        %swap3A_851 = arith.constant 0 : i32
        %swap3A_852 = arith.index_cast %swap3A_851 : i32 to index
        %swap3A_853 = arith.index_cast %add3A_841 : i32 to index
        %swap3A_854 = arith.constant 0 : index
        %swap3A_855 = tpu.vector_load %arg11[%swap3A_852, %swap3A_853, %swap3A_854] {strides = array<i32>} : memref<3x64x128xf32, #tpu.memory_space<vmem>>, vector<16xf32>,
        tpu.vector_store %arg11[%swap3A_852, %swap3A_853, %swap3A_854], %mul3A_850 {strides = array<i32>} : memref<3x64x128xf32, #tpu.memory_space<vmem>>, vector<16xf32>,
        %get3A_856 = arith.constant 0 : i32
        %get3A_857 = arith.index_cast %get3A_856 : i32 to index
        %get3A_858 = arith.index_cast %add3A_841 : i32 to index
        %get3A_859 = arith.constant 16 : index
        %get3A_860 = tpu.vector_load %arg11[%get3A_857, %get3A_858, %get3A_859] {strides = array<i32>} : memref<3x64x128xf32, #tpu.memory_space<vmem>>, vector<16xf32>,
        %mul3A_861 = vector.broadcast %squeeze3A_843 : f32 to vector<16xf32>
        %mul3A_862 = arith.mulf %get3A_860, %mul3A_861 : vector<16xf32>
        %swap3A_863 = arith.constant 0 : i32
        %swap3A_864 = arith.index_cast %swap3A_863 : i32 to index
        %swap3A_865 = arith.index_cast %add3A_841 : i32 to index
        %swap3A_866 = arith.constant 16 : index
        %swap3A_867 = tpu.vector_load %arg11[%swap3A_864, %swap3A_865, %swap3A_866] {strides = array<i32>} : memref<3x64x128xf32, #tpu.memory_space<vmem>>, vector<16xf32>,
        tpu.vector_store %arg11[%swap3A_864, %swap3A_865, %swap3A_866], %mul3A_862 {strides = array<i32>} : memref<3x64x128xf32, #tpu.memory_space<vmem>>, vector<16xf32>,
        %get3A_868 = arith.constant 0 : i32
        %get3A_869 = arith.index_cast %get3A_868 : i32 to index
        %get3A_870 = arith.index_cast %add3A_841 : i32 to index
        %get3A_871 = arith.constant 32 : index
        %get3A_872 = tpu.vector_load %arg11[%get3A_869, %get3A_870, %get3A_871] {strides = array<i32>} : memref<3x64x128xf32, #tpu.memory_space<vmem>>, vector<16xf32>,
        %mul3A_873 = vector.broadcast %squeeze3A_843 : f32 to vector<16xf32>
        %mul3A_874 = arith.mulf %get3A_872, %mul3A_873 : vector<16xf32>
        %swap3A_875 = arith.constant 0 : i32
        %swap3A_876 = arith.index_cast %swap3A_875 : i32 to index
        %swap3A_877 = arith.index_cast %add3A_841 : i32 to index
        %swap3A_878 = arith.constant 32 : index
        %swap3A_879 = tpu.vector_load %arg11[%swap3A_876, %swap3A_877, %swap3A_878] {strides = array<i32>} : memref<3x64x128xf32, #tpu.memory_space<vmem>>, vector<16xf32>,
        tpu.vector_store %arg11[%swap3A_876, %swap3A_877, %swap3A_878], %mul3A_874 {strides = array<i32>} : memref<3x64x128xf32, #tpu.memory_space<vmem>>, vector<16xf32>,
        %get3A_880 = arith.constant 0 : i32
        %get3A_881 = arith.index_cast %get3A_880 : i32 to index
        %get3A_882 = arith.index_cast %add3A_841 : i32 to index
        %get3A_883 = arith.constant 48 : index
        %get3A_884 = tpu.vector_load %arg11[%get3A_881, %get3A_882, %get3A_883] {strides = array<i32>} : memref<3x64x128xf32, #tpu.memory_space<vmem>>, vector<16xf32>,
        %mul3A_885 = vector.broadcast %squeeze3A_843 : f32 to vector<16xf32>
        %mul3A_886 = arith.mulf %get3A_884, %mul3A_885 : vector<16xf32>
        %swap3A_887 = arith.constant 0 : i32
        %swap3A_888 = arith.index_cast %swap3A_887 : i32 to index
        %swap3A_889 = arith.index_cast %add3A_841 : i32 to index
        %swap3A_890 = arith.constant 48 : index
        %swap3A_891 = tpu.vector_load %arg11[%swap3A_888, %swap3A_889, %swap3A_890] {strides = array<i32>} : memref<3x64x128xf32, #tpu.memory_space<vmem>>, vector<16xf32>,
        tpu.vector_store %arg11[%swap3A_888, %swap3A_889, %swap3A_890], %mul3A_886 {strides = array<i32>} : memref<3x64x128xf32, #tpu.memory_space<vmem>>, vector<16xf32>,
        %get3A_892 = arith.constant 0 : i32
        %get3A_893 = arith.index_cast %get3A_892 : i32 to index
        %get3A_894 = arith.index_cast %add3A_841 : i32 to index
        %get3A_895 = arith.constant 64 : index
        %get3A_896 = tpu.vector_load %arg11[%get3A_893, %get3A_894, %get3A_895] {strides = array<i32>} : memref<3x64x128xf32, #tpu.memory_space<vmem>>, vector<16xf32>,
        %mul3A_897 = vector.broadcast %squeeze3A_843 : f32 to vector<16xf32>
        %mul3A_898 = arith.mulf %get3A_896, %mul3A_897 : vector<16xf32>
        %swap3A_899 = arith.constant 0 : i32
        %swap3A_900 = arith.index_cast %swap3A_899 : i32 to index
        %swap3A_901 = arith.index_cast %add3A_841 : i32 to index
        %swap3A_902 = arith.constant 64 : index
        %swap3A_903 = tpu.vector_load %arg11[%swap3A_900, %swap3A_901, %swap3A_902] {strides = array<i32>} : memref<3x64x128xf32, #tpu.memory_space<vmem>>, vector<16xf32>,
        tpu.vector_store %arg11[%swap3A_900, %swap3A_901, %swap3A_902], %mul3A_898 {strides = array<i32>} : memref<3x64x128xf32, #tpu.memory_space<vmem>>, vector<16xf32>,
        %mul3A_904 = arith.constant 16 : i32
        %mul3A_905 = arith.muli %scan3A_306, %mul3A_904 : i32
        %add3A_906 = arith.constant 9 : i32
        %add3A_907 = arith.addi %mul3A_905, %add3A_906 : i32
        %slice3A_908 = vector.extract_strided_slice %get3A_312 {offsets = [9], sizes = [1], strides = [1]} : vector<16xf32> to vector<1xf32>
        %squeeze3A_909 = vector.extract %slice3A_908[0] : f32 from vector<1xf32>
        %get3A_910 = arith.constant 0 : i32
        %get3A_911 = arith.index_cast %get3A_910 : i32 to index
        %get3A_912 = arith.index_cast %add3A_907 : i32 to index
        %get3A_913 = arith.constant 0 : index
        %get3A_914 = tpu.vector_load %arg11[%get3A_911, %get3A_912, %get3A_913] {strides = array<i32>} : memref<3x64x128xf32, #tpu.memory_space<vmem>>, vector<16xf32>,
        %mul3A_915 = vector.broadcast %squeeze3A_909 : f32 to vector<16xf32>
        %mul3A_916 = arith.mulf %get3A_914, %mul3A_915 : vector<16xf32>
        %swap3A_917 = arith.constant 0 : i32
        %swap3A_918 = arith.index_cast %swap3A_917 : i32 to index
        %swap3A_919 = arith.index_cast %add3A_907 : i32 to index
        %swap3A_920 = arith.constant 0 : index
        %swap3A_921 = tpu.vector_load %arg11[%swap3A_918, %swap3A_919, %swap3A_920] {strides = array<i32>} : memref<3x64x128xf32, #tpu.memory_space<vmem>>, vector<16xf32>,
        tpu.vector_store %arg11[%swap3A_918, %swap3A_919, %swap3A_920], %mul3A_916 {strides = array<i32>} : memref<3x64x128xf32, #tpu.memory_space<vmem>>, vector<16xf32>,
        %get3A_922 = arith.constant 0 : i32
        %get3A_923 = arith.index_cast %get3A_922 : i32 to index
        %get3A_924 = arith.index_cast %add3A_907 : i32 to index
        %get3A_925 = arith.constant 16 : index
        %get3A_926 = tpu.vector_load %arg11[%get3A_923, %get3A_924, %get3A_925] {strides = array<i32>} : memref<3x64x128xf32, #tpu.memory_space<vmem>>, vector<16xf32>,
        %mul3A_927 = vector.broadcast %squeeze3A_909 : f32 to vector<16xf32>
        %mul3A_928 = arith.mulf %get3A_926, %mul3A_927 : vector<16xf32>
        %swap3A_929 = arith.constant 0 : i32
        %swap3A_930 = arith.index_cast %swap3A_929 : i32 to index
        %swap3A_931 = arith.index_cast %add3A_907 : i32 to index
        %swap3A_932 = arith.constant 16 : index
        %swap3A_933 = tpu.vector_load %arg11[%swap3A_930, %swap3A_931, %swap3A_932] {strides = array<i32>} : memref<3x64x128xf32, #tpu.memory_space<vmem>>, vector<16xf32>,
        tpu.vector_store %arg11[%swap3A_930, %swap3A_931, %swap3A_932], %mul3A_928 {strides = array<i32>} : memref<3x64x128xf32, #tpu.memory_space<vmem>>, vector<16xf32>,
        %get3A_934 = arith.constant 0 : i32
        %get3A_935 = arith.index_cast %get3A_934 : i32 to index
        %get3A_936 = arith.index_cast %add3A_907 : i32 to index
        %get3A_937 = arith.constant 32 : index
        %get3A_938 = tpu.vector_load %arg11[%get3A_935, %get3A_936, %get3A_937] {strides = array<i32>} : memref<3x64x128xf32, #tpu.memory_space<vmem>>, vector<16xf32>,
        %mul3A_939 = vector.broadcast %squeeze3A_909 : f32 to vector<16xf32>
        %mul3A_940 = arith.mulf %get3A_938, %mul3A_939 : vector<16xf32>
        %swap3A_941 = arith.constant 0 : i32
        %swap3A_942 = arith.index_cast %swap3A_941 : i32 to index
        %swap3A_943 = arith.index_cast %add3A_907 : i32 to index
        %swap3A_944 = arith.constant 32 : index
        %swap3A_945 = tpu.vector_load %arg11[%swap3A_942, %swap3A_943, %swap3A_944] {strides = array<i32>} : memref<3x64x128xf32, #tpu.memory_space<vmem>>, vector<16xf32>,
        tpu.vector_store %arg11[%swap3A_942, %swap3A_943, %swap3A_944], %mul3A_940 {strides = array<i32>} : memref<3x64x128xf32, #tpu.memory_space<vmem>>, vector<16xf32>,
        %get3A_946 = arith.constant 0 : i32
        %get3A_947 = arith.index_cast %get3A_946 : i32 to index
        %get3A_948 = arith.index_cast %add3A_907 : i32 to index
        %get3A_949 = arith.constant 48 : index
        %get3A_950 = tpu.vector_load %arg11[%get3A_947, %get3A_948, %get3A_949] {strides = array<i32>} : memref<3x64x128xf32, #tpu.memory_space<vmem>>, vector<16xf32>,
        %mul3A_951 = vector.broadcast %squeeze3A_909 : f32 to vector<16xf32>
        %mul3A_952 = arith.mulf %get3A_950, %mul3A_951 : vector<16xf32>
        %swap3A_953 = arith.constant 0 : i32
        %swap3A_954 = arith.index_cast %swap3A_953 : i32 to index
        %swap3A_955 = arith.index_cast %add3A_907 : i32 to index
        %swap3A_956 = arith.constant 48 : index
        %swap3A_957 = tpu.vector_load %arg11[%swap3A_954, %swap3A_955, %swap3A_956] {strides = array<i32>} : memref<3x64x128xf32, #tpu.memory_space<vmem>>, vector<16xf32>,
        tpu.vector_store %arg11[%swap3A_954, %swap3A_955, %swap3A_956], %mul3A_952 {strides = array<i32>} : memref<3x64x128xf32, #tpu.memory_space<vmem>>, vector<16xf32>,
        %get3A_958 = arith.constant 0 : i32
        %get3A_959 = arith.index_cast %get3A_958 : i32 to index
        %get3A_960 = arith.index_cast %add3A_907 : i32 to index
        %get3A_961 = arith.constant 64 : index
        %get3A_962 = tpu.vector_load %arg11[%get3A_959, %get3A_960, %get3A_961] {strides = array<i32>} : memref<3x64x128xf32, #tpu.memory_space<vmem>>, vector<16xf32>,
        %mul3A_963 = vector.broadcast %squeeze3A_909 : f32 to vector<16xf32>
        %mul3A_964 = arith.mulf %get3A_962, %mul3A_963 : vector<16xf32>
        %swap3A_965 = arith.constant 0 : i32
        %swap3A_966 = arith.index_cast %swap3A_965 : i32 to index
        %swap3A_967 = arith.index_cast %add3A_907 : i32 to index
        %swap3A_968 = arith.constant 64 : index
        %swap3A_969 = tpu.vector_load %arg11[%swap3A_966, %swap3A_967, %swap3A_968] {strides = array<i32>} : memref<3x64x128xf32, #tpu.memory_space<vmem>>, vector<16xf32>,
        tpu.vector_store %arg11[%swap3A_966, %swap3A_967, %swap3A_968], %mul3A_964 {strides = array<i32>} : memref<3x64x128xf32, #tpu.memory_space<vmem>>, vector<16xf32>,
        %mul3A_970 = arith.constant 16 : i32
        %mul3A_971 = arith.muli %scan3A_306, %mul3A_970 : i32
        %add3A_972 = arith.constant 10 : i32
        %add3A_973 = arith.addi %mul3A_971, %add3A_972 : i32
        %slice3A_974 = vector.extract_strided_slice %get3A_312 {offsets = [10], sizes = [1], strides = [1]} : vector<16xf32> to vector<1xf32>
        %squeeze3A_975 = vector.extract %slice3A_974[0] : f32 from vector<1xf32>
        %get3A_976 = arith.constant 0 : i32
        %get3A_977 = arith.index_cast %get3A_976 : i32 to index
        %get3A_978 = arith.index_cast %add3A_973 : i32 to index
        %get3A_979 = arith.constant 0 : index
        %get3A_980 = tpu.vector_load %arg11[%get3A_977, %get3A_978, %get3A_979] {strides = array<i32>} : memref<3x64x128xf32, #tpu.memory_space<vmem>>, vector<16xf32>,
        %mul3A_981 = vector.broadcast %squeeze3A_975 : f32 to vector<16xf32>
        %mul3A_982 = arith.mulf %get3A_980, %mul3A_981 : vector<16xf32>
        %swap3A_983 = arith.constant 0 : i32
        %swap3A_984 = arith.index_cast %swap3A_983 : i32 to index
        %swap3A_985 = arith.index_cast %add3A_973 : i32 to index
        %swap3A_986 = arith.constant 0 : index
        %swap3A_987 = tpu.vector_load %arg11[%swap3A_984, %swap3A_985, %swap3A_986] {strides = array<i32>} : memref<3x64x128xf32, #tpu.memory_space<vmem>>, vector<16xf32>,
        tpu.vector_store %arg11[%swap3A_984, %swap3A_985, %swap3A_986], %mul3A_982 {strides = array<i32>} : memref<3x64x128xf32, #tpu.memory_space<vmem>>, vector<16xf32>,
        %get3A_988 = arith.constant 0 : i32
        %get3A_989 = arith.index_cast %get3A_988 : i32 to index
        %get3A_990 = arith.index_cast %add3A_973 : i32 to index
        %get3A_991 = arith.constant 16 : index
        %get3A_992 = tpu.vector_load %arg11[%get3A_989, %get3A_990, %get3A_991] {strides = array<i32>} : memref<3x64x128xf32, #tpu.memory_space<vmem>>, vector<16xf32>,
        %mul3A_993 = vector.broadcast %squeeze3A_975 : f32 to vector<16xf32>
        %mul3A_994 = arith.mulf %get3A_992, %mul3A_993 : vector<16xf32>
        %swap3A_995 = arith.constant 0 : i32
        %swap3A_996 = arith.index_cast %swap3A_995 : i32 to index
        %swap3A_997 = arith.index_cast %add3A_973 : i32 to index
        %swap3A_998 = arith.constant 16 : index
        %swap3A_999 = tpu.vector_load %arg11[%swap3A_996, %swap3A_997, %swap3A_998] {strides = array<i32>} : memref<3x64x128xf32, #tpu.memory_space<vmem>>, vector<16xf32>,
        tpu.vector_store %arg11[%swap3A_996, %swap3A_997, %swap3A_998], %mul3A_994 {strides = array<i32>} : memref<3x64x128xf32, #tpu.memory_space<vmem>>, vector<16xf32>,
        %get3A_1000 = arith.constant 0 : i32
        %get3A_1001 = arith.index_cast %get3A_1000 : i32 to index
        %get3A_1002 = arith.index_cast %add3A_973 : i32 to index
        %get3A_1003 = arith.constant 32 : index
        %get3A_1004 = tpu.vector_load %arg11[%get3A_1001, %get3A_1002, %get3A_1003] {strides = array<i32>} : memref<3x64x128xf32, #tpu.memory_space<vmem>>, vector<16xf32>,
        %mul3A_1005 = vector.broadcast %squeeze3A_975 : f32 to vector<16xf32>
        %mul3A_1006 = arith.mulf %get3A_1004, %mul3A_1005 : vector<16xf32>
        %swap3A_1007 = arith.constant 0 : i32
        %swap3A_1008 = arith.index_cast %swap3A_1007 : i32 to index
        %swap3A_1009 = arith.index_cast %add3A_973 : i32 to index
        %swap3A_1010 = arith.constant 32 : index
        %swap3A_1011 = tpu.vector_load %arg11[%swap3A_1008, %swap3A_1009, %swap3A_1010] {strides = array<i32>} : memref<3x64x128xf32, #tpu.memory_space<vmem>>, vector<16xf32>,
        tpu.vector_store %arg11[%swap3A_1008, %swap3A_1009, %swap3A_1010], %mul3A_1006 {strides = array<i32>} : memref<3x64x128xf32, #tpu.memory_space<vmem>>, vector<16xf32>,
        %get3A_1012 = arith.constant 0 : i32
        %get3A_1013 = arith.index_cast %get3A_1012 : i32 to index
        %get3A_1014 = arith.index_cast %add3A_973 : i32 to index
        %get3A_1015 = arith.constant 48 : index
        %get3A_1016 = tpu.vector_load %arg11[%get3A_1013, %get3A_1014, %get3A_1015] {strides = array<i32>} : memref<3x64x128xf32, #tpu.memory_space<vmem>>, vector<16xf32>,
        %mul3A_1017 = vector.broadcast %squeeze3A_975 : f32 to vector<16xf32>
        %mul3A_1018 = arith.mulf %get3A_1016, %mul3A_1017 : vector<16xf32>
        %swap3A_1019 = arith.constant 0 : i32
        %swap3A_1020 = arith.index_cast %swap3A_1019 : i32 to index
        %swap3A_1021 = arith.index_cast %add3A_973 : i32 to index
        %swap3A_1022 = arith.constant 48 : index
        %swap3A_1023 = tpu.vector_load %arg11[%swap3A_1020, %swap3A_1021, %swap3A_1022] {strides = array<i32>} : memref<3x64x128xf32, #tpu.memory_space<vmem>>, vector<16xf32>,
        tpu.vector_store %arg11[%swap3A_1020, %swap3A_1021, %swap3A_1022], %mul3A_1018 {strides = array<i32>} : memref<3x64x128xf32, #tpu.memory_space<vmem>>, vector<16xf32>,
        %get3A_1024 = arith.constant 0 : i32
        %get3A_1025 = arith.index_cast %get3A_1024 : i32 to index
        %get3A_1026 = arith.index_cast %add3A_973 : i32 to index
        %get3A_1027 = arith.constant 64 : index
        %get3A_1028 = tpu.vector_load %arg11[%get3A_1025, %get3A_1026, %get3A_1027] {strides = array<i32>} : memref<3x64x128xf32, #tpu.memory_space<vmem>>, vector<16xf32>,
        %mul3A_1029 = vector.broadcast %squeeze3A_975 : f32 to vector<16xf32>
        %mul3A_1030 = arith.mulf %get3A_1028, %mul3A_1029 : vector<16xf32>
        %swap3A_1031 = arith.constant 0 : i32
        %swap3A_1032 = arith.index_cast %swap3A_1031 : i32 to index
        %swap3A_1033 = arith.index_cast %add3A_973 : i32 to index
        %swap3A_1034 = arith.constant 64 : index
        %swap3A_1035 = tpu.vector_load %arg11[%swap3A_1032, %swap3A_1033, %swap3A_1034] {strides = array<i32>} : memref<3x64x128xf32, #tpu.memory_space<vmem>>, vector<16xf32>,
        tpu.vector_store %arg11[%swap3A_1032, %swap3A_1033, %swap3A_1034], %mul3A_1030 {strides = array<i32>} : memref<3x64x128xf32, #tpu.memory_space<vmem>>, vector<16xf32>,
        %mul3A_1036 = arith.constant 16 : i32
        %mul3A_1037 = arith.muli %scan3A_306, %mul3A_1036 : i32
        %add3A_1038 = arith.constant 11 : i32
        %add3A_1039 = arith.addi %mul3A_1037, %add3A_1038 : i32
        %slice3A_1040 = vector.extract_strided_slice %get3A_312 {offsets = [11], sizes = [1], strides = [1]} : vector<16xf32> to vector<1xf32>
        %squeeze3A_1041 = vector.extract %slice3A_1040[0] : f32 from vector<1xf32>
        %get3A_1042 = arith.constant 0 : i32
        %get3A_1043 = arith.index_cast %get3A_1042 : i32 to index
        %get3A_1044 = arith.index_cast %add3A_1039 : i32 to index
        %get3A_1045 = arith.constant 0 : index
        %get3A_1046 = tpu.vector_load %arg11[%get3A_1043, %get3A_1044, %get3A_1045] {strides = array<i32>} : memref<3x64x128xf32, #tpu.memory_space<vmem>>, vector<16xf32>,
        %mul3A_1047 = vector.broadcast %squeeze3A_1041 : f32 to vector<16xf32>
        %mul3A_1048 = arith.mulf %get3A_1046, %mul3A_1047 : vector<16xf32>
        %swap3A_1049 = arith.constant 0 : i32
        %swap3A_1050 = arith.index_cast %swap3A_1049 : i32 to index
        %swap3A_1051 = arith.index_cast %add3A_1039 : i32 to index
        %swap3A_1052 = arith.constant 0 : index
        %swap3A_1053 = tpu.vector_load %arg11[%swap3A_1050, %swap3A_1051, %swap3A_1052] {strides = array<i32>} : memref<3x64x128xf32, #tpu.memory_space<vmem>>, vector<16xf32>,
        tpu.vector_store %arg11[%swap3A_1050, %swap3A_1051, %swap3A_1052], %mul3A_1048 {strides = array<i32>} : memref<3x64x128xf32, #tpu.memory_space<vmem>>, vector<16xf32>,
        %get3A_1054 = arith.constant 0 : i32
        %get3A_1055 = arith.index_cast %get3A_1054 : i32 to index
        %get3A_1056 = arith.index_cast %add3A_1039 : i32 to index
        %get3A_1057 = arith.constant 16 : index
        %get3A_1058 = tpu.vector_load %arg11[%get3A_1055, %get3A_1056, %get3A_1057] {strides = array<i32>} : memref<3x64x128xf32, #tpu.memory_space<vmem>>, vector<16xf32>,
        %mul3A_1059 = vector.broadcast %squeeze3A_1041 : f32 to vector<16xf32>
        %mul3A_1060 = arith.mulf %get3A_1058, %mul3A_1059 : vector<16xf32>
        %swap3A_1061 = arith.constant 0 : i32
        %swap3A_1062 = arith.index_cast %swap3A_1061 : i32 to index
        %swap3A_1063 = arith.index_cast %add3A_1039 : i32 to index
        %swap3A_1064 = arith.constant 16 : index
        %swap3A_1065 = tpu.vector_load %arg11[%swap3A_1062, %swap3A_1063, %swap3A_1064] {strides = array<i32>} : memref<3x64x128xf32, #tpu.memory_space<vmem>>, vector<16xf32>,
        tpu.vector_store %arg11[%swap3A_1062, %swap3A_1063, %swap3A_1064], %mul3A_1060 {strides = array<i32>} : memref<3x64x128xf32, #tpu.memory_space<vmem>>, vector<16xf32>,
        %get3A_1066 = arith.constant 0 : i32
        %get3A_1067 = arith.index_cast %get3A_1066 : i32 to index
        %get3A_1068 = arith.index_cast %add3A_1039 : i32 to index
        %get3A_1069 = arith.constant 32 : index
        %get3A_1070 = tpu.vector_load %arg11[%get3A_1067, %get3A_1068, %get3A_1069] {strides = array<i32>} : memref<3x64x128xf32, #tpu.memory_space<vmem>>, vector<16xf32>,
        %mul3A_1071 = vector.broadcast %squeeze3A_1041 : f32 to vector<16xf32>
        %mul3A_1072 = arith.mulf %get3A_1070, %mul3A_1071 : vector<16xf32>
        %swap3A_1073 = arith.constant 0 : i32
        %swap3A_1074 = arith.index_cast %swap3A_1073 : i32 to index
        %swap3A_1075 = arith.index_cast %add3A_1039 : i32 to index
        %swap3A_1076 = arith.constant 32 : index
        %swap3A_1077 = tpu.vector_load %arg11[%swap3A_1074, %swap3A_1075, %swap3A_1076] {strides = array<i32>} : memref<3x64x128xf32, #tpu.memory_space<vmem>>, vector<16xf32>,
        tpu.vector_store %arg11[%swap3A_1074, %swap3A_1075, %swap3A_1076], %mul3A_1072 {strides = array<i32>} : memref<3x64x128xf32, #tpu.memory_space<vmem>>, vector<16xf32>,
        %get3A_1078 = arith.constant 0 : i32
        %get3A_1079 = arith.index_cast %get3A_1078 : i32 to index
        %get3A_1080 = arith.index_cast %add3A_1039 : i32 to index
        %get3A_1081 = arith.constant 48 : index
        %get3A_1082 = tpu.vector_load %arg11[%get3A_1079, %get3A_1080, %get3A_1081] {strides = array<i32>} : memref<3x64x128xf32, #tpu.memory_space<vmem>>, vector<16xf32>,
        %mul3A_1083 = vector.broadcast %squeeze3A_1041 : f32 to vector<16xf32>
        %mul3A_1084 = arith.mulf %get3A_1082, %mul3A_1083 : vector<16xf32>
        %swap3A_1085 = arith.constant 0 : i32
        %swap3A_1086 = arith.index_cast %swap3A_1085 : i32 to index
        %swap3A_1087 = arith.index_cast %add3A_1039 : i32 to index
        %swap3A_1088 = arith.constant 48 : index
        %swap3A_1089 = tpu.vector_load %arg11[%swap3A_1086, %swap3A_1087, %swap3A_1088] {strides = array<i32>} : memref<3x64x128xf32, #tpu.memory_space<vmem>>, vector<16xf32>,
        tpu.vector_store %arg11[%swap3A_1086, %swap3A_1087, %swap3A_1088], %mul3A_1084 {strides = array<i32>} : memref<3x64x128xf32, #tpu.memory_space<vmem>>, vector<16xf32>,
        %get3A_1090 = arith.constant 0 : i32
        %get3A_1091 = arith.index_cast %get3A_1090 : i32 to index
        %get3A_1092 = arith.index_cast %add3A_1039 : i32 to index
        %get3A_1093 = arith.constant 64 : index
        %get3A_1094 = tpu.vector_load %arg11[%get3A_1091, %get3A_1092, %get3A_1093] {strides = array<i32>} : memref<3x64x128xf32, #tpu.memory_space<vmem>>, vector<16xf32>,
        %mul3A_1095 = vector.broadcast %squeeze3A_1041 : f32 to vector<16xf32>
        %mul3A_1096 = arith.mulf %get3A_1094, %mul3A_1095 : vector<16xf32>
        %swap3A_1097 = arith.constant 0 : i32
        %swap3A_1098 = arith.index_cast %swap3A_1097 : i32 to index
        %swap3A_1099 = arith.index_cast %add3A_1039 : i32 to index
        %swap3A_1100 = arith.constant 64 : index
        %swap3A_1101 = tpu.vector_load %arg11[%swap3A_1098, %swap3A_1099, %swap3A_1100] {strides = array<i32>} : memref<3x64x128xf32, #tpu.memory_space<vmem>>, vector<16xf32>,
        tpu.vector_store %arg11[%swap3A_1098, %swap3A_1099, %swap3A_1100], %mul3A_1096 {strides = array<i32>} : memref<3x64x128xf32, #tpu.memory_space<vmem>>, vector<16xf32>,
        %mul3A_1102 = arith.constant 16 : i32
        %mul3A_1103 = arith.muli %scan3A_306, %mul3A_1102 : i32
        %add3A_1104 = arith.constant 12 : i32
        %add3A_1105 = arith.addi %mul3A_1103, %add3A_1104 : i32
        %slice3A_1106 = vector.extract_strided_slice %get3A_312 {offsets = [12], sizes = [1], strides = [1]} : vector<16xf32> to vector<1xf32>
        %squeeze3A_1107 = vector.extract %slice3A_1106[0] : f32 from vector<1xf32>
        %get3A_1108 = arith.constant 0 : i32
        %get3A_1109 = arith.index_cast %get3A_1108 : i32 to index
        %get3A_1110 = arith.index_cast %add3A_1105 : i32 to index
        %get3A_1111 = arith.constant 0 : index
        %get3A_1112 = tpu.vector_load %arg11[%get3A_1109, %get3A_1110, %get3A_1111] {strides = array<i32>} : memref<3x64x128xf32, #tpu.memory_space<vmem>>, vector<16xf32>,
        %mul3A_1113 = vector.broadcast %squeeze3A_1107 : f32 to vector<16xf32>
        %mul3A_1114 = arith.mulf %get3A_1112, %mul3A_1113 : vector<16xf32>
        %swap3A_1115 = arith.constant 0 : i32
        %swap3A_1116 = arith.index_cast %swap3A_1115 : i32 to index
        %swap3A_1117 = arith.index_cast %add3A_1105 : i32 to index
        %swap3A_1118 = arith.constant 0 : index
        %swap3A_1119 = tpu.vector_load %arg11[%swap3A_1116, %swap3A_1117, %swap3A_1118] {strides = array<i32>} : memref<3x64x128xf32, #tpu.memory_space<vmem>>, vector<16xf32>,
        tpu.vector_store %arg11[%swap3A_1116, %swap3A_1117, %swap3A_1118], %mul3A_1114 {strides = array<i32>} : memref<3x64x128xf32, #tpu.memory_space<vmem>>, vector<16xf32>,
        %get3A_1120 = arith.constant 0 : i32
        %get3A_1121 = arith.index_cast %get3A_1120 : i32 to index
        %get3A_1122 = arith.index_cast %add3A_1105 : i32 to index
        %get3A_1123 = arith.constant 16 : index
        %get3A_1124 = tpu.vector_load %arg11[%get3A_1121, %get3A_1122, %get3A_1123] {strides = array<i32>} : memref<3x64x128xf32, #tpu.memory_space<vmem>>, vector<16xf32>,
        %mul3A_1125 = vector.broadcast %squeeze3A_1107 : f32 to vector<16xf32>
        %mul3A_1126 = arith.mulf %get3A_1124, %mul3A_1125 : vector<16xf32>
        %swap3A_1127 = arith.constant 0 : i32
        %swap3A_1128 = arith.index_cast %swap3A_1127 : i32 to index
        %swap3A_1129 = arith.index_cast %add3A_1105 : i32 to index
        %swap3A_1130 = arith.constant 16 : index
        %swap3A_1131 = tpu.vector_load %arg11[%swap3A_1128, %swap3A_1129, %swap3A_1130] {strides = array<i32>} : memref<3x64x128xf32, #tpu.memory_space<vmem>>, vector<16xf32>,
        tpu.vector_store %arg11[%swap3A_1128, %swap3A_1129, %swap3A_1130], %mul3A_1126 {strides = array<i32>} : memref<3x64x128xf32, #tpu.memory_space<vmem>>, vector<16xf32>,
        %get3A_1132 = arith.constant 0 : i32
        %get3A_1133 = arith.index_cast %get3A_1132 : i32 to index
        %get3A_1134 = arith.index_cast %add3A_1105 : i32 to index
        %get3A_1135 = arith.constant 32 : index
        %get3A_1136 = tpu.vector_load %arg11[%get3A_1133, %get3A_1134, %get3A_1135] {strides = array<i32>} : memref<3x64x128xf32, #tpu.memory_space<vmem>>, vector<16xf32>,
        %mul3A_1137 = vector.broadcast %squeeze3A_1107 : f32 to vector<16xf32>
        %mul3A_1138 = arith.mulf %get3A_1136, %mul3A_1137 : vector<16xf32>
        %swap3A_1139 = arith.constant 0 : i32
        %swap3A_1140 = arith.index_cast %swap3A_1139 : i32 to index
        %swap3A_1141 = arith.index_cast %add3A_1105 : i32 to index
        %swap3A_1142 = arith.constant 32 : index
        %swap3A_1143 = tpu.vector_load %arg11[%swap3A_1140, %swap3A_1141, %swap3A_1142] {strides = array<i32>} : memref<3x64x128xf32, #tpu.memory_space<vmem>>, vector<16xf32>,
        tpu.vector_store %arg11[%swap3A_1140, %swap3A_1141, %swap3A_1142], %mul3A_1138 {strides = array<i32>} : memref<3x64x128xf32, #tpu.memory_space<vmem>>, vector<16xf32>,
        %get3A_1144 = arith.constant 0 : i32
        %get3A_1145 = arith.index_cast %get3A_1144 : i32 to index
        %get3A_1146 = arith.index_cast %add3A_1105 : i32 to index
        %get3A_1147 = arith.constant 48 : index
        %get3A_1148 = tpu.vector_load %arg11[%get3A_1145, %get3A_1146, %get3A_1147] {strides = array<i32>} : memref<3x64x128xf32, #tpu.memory_space<vmem>>, vector<16xf32>,
        %mul3A_1149 = vector.broadcast %squeeze3A_1107 : f32 to vector<16xf32>
        %mul3A_1150 = arith.mulf %get3A_1148, %mul3A_1149 : vector<16xf32>
        %swap3A_1151 = arith.constant 0 : i32
        %swap3A_1152 = arith.index_cast %swap3A_1151 : i32 to index
        %swap3A_1153 = arith.index_cast %add3A_1105 : i32 to index
        %swap3A_1154 = arith.constant 48 : index
        %swap3A_1155 = tpu.vector_load %arg11[%swap3A_1152, %swap3A_1153, %swap3A_1154] {strides = array<i32>} : memref<3x64x128xf32, #tpu.memory_space<vmem>>, vector<16xf32>,
        tpu.vector_store %arg11[%swap3A_1152, %swap3A_1153, %swap3A_1154], %mul3A_1150 {strides = array<i32>} : memref<3x64x128xf32, #tpu.memory_space<vmem>>, vector<16xf32>,
        %get3A_1156 = arith.constant 0 : i32
        %get3A_1157 = arith.index_cast %get3A_1156 : i32 to index
        %get3A_1158 = arith.index_cast %add3A_1105 : i32 to index
        %get3A_1159 = arith.constant 64 : index
        %get3A_1160 = tpu.vector_load %arg11[%get3A_1157, %get3A_1158, %get3A_1159] {strides = array<i32>} : memref<3x64x128xf32, #tpu.memory_space<vmem>>, vector<16xf32>,
        %mul3A_1161 = vector.broadcast %squeeze3A_1107 : f32 to vector<16xf32>
        %mul3A_1162 = arith.mulf %get3A_1160, %mul3A_1161 : vector<16xf32>
        %swap3A_1163 = arith.constant 0 : i32
        %swap3A_1164 = arith.index_cast %swap3A_1163 : i32 to index
        %swap3A_1165 = arith.index_cast %add3A_1105 : i32 to index
        %swap3A_1166 = arith.constant 64 : index
        %swap3A_1167 = tpu.vector_load %arg11[%swap3A_1164, %swap3A_1165, %swap3A_1166] {strides = array<i32>} : memref<3x64x128xf32, #tpu.memory_space<vmem>>, vector<16xf32>,
        tpu.vector_store %arg11[%swap3A_1164, %swap3A_1165, %swap3A_1166], %mul3A_1162 {strides = array<i32>} : memref<3x64x128xf32, #tpu.memory_space<vmem>>, vector<16xf32>,
        %mul3A_1168 = arith.constant 16 : i32
        %mul3A_1169 = arith.muli %scan3A_306, %mul3A_1168 : i32
        %add3A_1170 = arith.constant 13 : i32
        %add3A_1171 = arith.addi %mul3A_1169, %add3A_1170 : i32
        %slice3A_1172 = vector.extract_strided_slice %get3A_312 {offsets = [13], sizes = [1], strides = [1]} : vector<16xf32> to vector<1xf32>
        %squeeze3A_1173 = vector.extract %slice3A_1172[0] : f32 from vector<1xf32>
        %get3A_1174 = arith.constant 0 : i32
        %get3A_1175 = arith.index_cast %get3A_1174 : i32 to index
        %get3A_1176 = arith.index_cast %add3A_1171 : i32 to index
        %get3A_1177 = arith.constant 0 : index
        %get3A_1178 = tpu.vector_load %arg11[%get3A_1175, %get3A_1176, %get3A_1177] {strides = array<i32>} : memref<3x64x128xf32, #tpu.memory_space<vmem>>, vector<16xf32>,
        %mul3A_1179 = vector.broadcast %squeeze3A_1173 : f32 to vector<16xf32>
        %mul3A_1180 = arith.mulf %get3A_1178, %mul3A_1179 : vector<16xf32>
        %swap3A_1181 = arith.constant 0 : i32
        %swap3A_1182 = arith.index_cast %swap3A_1181 : i32 to index
        %swap3A_1183 = arith.index_cast %add3A_1171 : i32 to index
        %swap3A_1184 = arith.constant 0 : index
        %swap3A_1185 = tpu.vector_load %arg11[%swap3A_1182, %swap3A_1183, %swap3A_1184] {strides = array<i32>} : memref<3x64x128xf32, #tpu.memory_space<vmem>>, vector<16xf32>,
        tpu.vector_store %arg11[%swap3A_1182, %swap3A_1183, %swap3A_1184], %mul3A_1180 {strides = array<i32>} : memref<3x64x128xf32, #tpu.memory_space<vmem>>, vector<16xf32>,
        %get3A_1186 = arith.constant 0 : i32
        %get3A_1187 = arith.index_cast %get3A_1186 : i32 to index
        %get3A_1188 = arith.index_cast %add3A_1171 : i32 to index
        %get3A_1189 = arith.constant 16 : index
        %get3A_1190 = tpu.vector_load %arg11[%get3A_1187, %get3A_1188, %get3A_1189] {strides = array<i32>} : memref<3x64x128xf32, #tpu.memory_space<vmem>>, vector<16xf32>,
        %mul3A_1191 = vector.broadcast %squeeze3A_1173 : f32 to vector<16xf32>
        %mul3A_1192 = arith.mulf %get3A_1190, %mul3A_1191 : vector<16xf32>
        %swap3A_1193 = arith.constant 0 : i32
        %swap3A_1194 = arith.index_cast %swap3A_1193 : i32 to index
        %swap3A_1195 = arith.index_cast %add3A_1171 : i32 to index
        %swap3A_1196 = arith.constant 16 : index
        %swap3A_1197 = tpu.vector_load %arg11[%swap3A_1194, %swap3A_1195, %swap3A_1196] {strides = array<i32>} : memref<3x64x128xf32, #tpu.memory_space<vmem>>, vector<16xf32>,
        tpu.vector_store %arg11[%swap3A_1194, %swap3A_1195, %swap3A_1196], %mul3A_1192 {strides = array<i32>} : memref<3x64x128xf32, #tpu.memory_space<vmem>>, vector<16xf32>,
        %get3A_1198 = arith.constant 0 : i32
        %get3A_1199 = arith.index_cast %get3A_1198 : i32 to index
        %get3A_1200 = arith.index_cast %add3A_1171 : i32 to index
        %get3A_1201 = arith.constant 32 : index
        %get3A_1202 = tpu.vector_load %arg11[%get3A_1199, %get3A_1200, %get3A_1201] {strides = array<i32>} : memref<3x64x128xf32, #tpu.memory_space<vmem>>, vector<16xf32>,
        %mul3A_1203 = vector.broadcast %squeeze3A_1173 : f32 to vector<16xf32>
        %mul3A_1204 = arith.mulf %get3A_1202, %mul3A_1203 : vector<16xf32>
        %swap3A_1205 = arith.constant 0 : i32
        %swap3A_1206 = arith.index_cast %swap3A_1205 : i32 to index
        %swap3A_1207 = arith.index_cast %add3A_1171 : i32 to index
        %swap3A_1208 = arith.constant 32 : index
        %swap3A_1209 = tpu.vector_load %arg11[%swap3A_1206, %swap3A_1207, %swap3A_1208] {strides = array<i32>} : memref<3x64x128xf32, #tpu.memory_space<vmem>>, vector<16xf32>,
        tpu.vector_store %arg11[%swap3A_1206, %swap3A_1207, %swap3A_1208], %mul3A_1204 {strides = array<i32>} : memref<3x64x128xf32, #tpu.memory_space<vmem>>, vector<16xf32>,
        %get3A_1210 = arith.constant 0 : i32
        %get3A_1211 = arith.index_cast %get3A_1210 : i32 to index
        %get3A_1212 = arith.index_cast %add3A_1171 : i32 to index
        %get3A_1213 = arith.constant 48 : index
        %get3A_1214 = tpu.vector_load %arg11[%get3A_1211, %get3A_1212, %get3A_1213] {strides = array<i32>} : memref<3x64x128xf32, #tpu.memory_space<vmem>>, vector<16xf32>,
        %mul3A_1215 = vector.broadcast %squeeze3A_1173 : f32 to vector<16xf32>
        %mul3A_1216 = arith.mulf %get3A_1214, %mul3A_1215 : vector<16xf32>
        %swap3A_1217 = arith.constant 0 : i32
        %swap3A_1218 = arith.index_cast %swap3A_1217 : i32 to index
        %swap3A_1219 = arith.index_cast %add3A_1171 : i32 to index
        %swap3A_1220 = arith.constant 48 : index
        %swap3A_1221 = tpu.vector_load %arg11[%swap3A_1218, %swap3A_1219, %swap3A_1220] {strides = array<i32>} : memref<3x64x128xf32, #tpu.memory_space<vmem>>, vector<16xf32>,
        tpu.vector_store %arg11[%swap3A_1218, %swap3A_1219, %swap3A_1220], %mul3A_1216 {strides = array<i32>} : memref<3x64x128xf32, #tpu.memory_space<vmem>>, vector<16xf32>,
        %get3A_1222 = arith.constant 0 : i32
        %get3A_1223 = arith.index_cast %get3A_1222 : i32 to index
        %get3A_1224 = arith.index_cast %add3A_1171 : i32 to index
        %get3A_1225 = arith.constant 64 : index
        %get3A_1226 = tpu.vector_load %arg11[%get3A_1223, %get3A_1224, %get3A_1225] {strides = array<i32>} : memref<3x64x128xf32, #tpu.memory_space<vmem>>, vector<16xf32>,
        %mul3A_1227 = vector.broadcast %squeeze3A_1173 : f32 to vector<16xf32>
        %mul3A_1228 = arith.mulf %get3A_1226, %mul3A_1227 : vector<16xf32>
        %swap3A_1229 = arith.constant 0 : i32
        %swap3A_1230 = arith.index_cast %swap3A_1229 : i32 to index
        %swap3A_1231 = arith.index_cast %add3A_1171 : i32 to index
        %swap3A_1232 = arith.constant 64 : index
        %swap3A_1233 = tpu.vector_load %arg11[%swap3A_1230, %swap3A_1231, %swap3A_1232] {strides = array<i32>} : memref<3x64x128xf32, #tpu.memory_space<vmem>>, vector<16xf32>,
        tpu.vector_store %arg11[%swap3A_1230, %swap3A_1231, %swap3A_1232], %mul3A_1228 {strides = array<i32>} : memref<3x64x128xf32, #tpu.memory_space<vmem>>, vector<16xf32>,
        %mul3A_1234 = arith.constant 16 : i32
        %mul3A_1235 = arith.muli %scan3A_306, %mul3A_1234 : i32
        %add3A_1236 = arith.constant 14 : i32
        %add3A_1237 = arith.addi %mul3A_1235, %add3A_1236 : i32
        %slice3A_1238 = vector.extract_strided_slice %get3A_312 {offsets = [14], sizes = [1], strides = [1]} : vector<16xf32> to vector<1xf32>
        %squeeze3A_1239 = vector.extract %slice3A_1238[0] : f32 from vector<1xf32>
        %get3A_1240 = arith.constant 0 : i32
        %get3A_1241 = arith.index_cast %get3A_1240 : i32 to index
        %get3A_1242 = arith.index_cast %add3A_1237 : i32 to index
        %get3A_1243 = arith.constant 0 : index
        %get3A_1244 = tpu.vector_load %arg11[%get3A_1241, %get3A_1242, %get3A_1243] {strides = array<i32>} : memref<3x64x128xf32, #tpu.memory_space<vmem>>, vector<16xf32>,
        %mul3A_1245 = vector.broadcast %squeeze3A_1239 : f32 to vector<16xf32>
        %mul3A_1246 = arith.mulf %get3A_1244, %mul3A_1245 : vector<16xf32>
        %swap3A_1247 = arith.constant 0 : i32
        %swap3A_1248 = arith.index_cast %swap3A_1247 : i32 to index
        %swap3A_1249 = arith.index_cast %add3A_1237 : i32 to index
        %swap3A_1250 = arith.constant 0 : index
        %swap3A_1251 = tpu.vector_load %arg11[%swap3A_1248, %swap3A_1249, %swap3A_1250] {strides = array<i32>} : memref<3x64x128xf32, #tpu.memory_space<vmem>>, vector<16xf32>,
        tpu.vector_store %arg11[%swap3A_1248, %swap3A_1249, %swap3A_1250], %mul3A_1246 {strides = array<i32>} : memref<3x64x128xf32, #tpu.memory_space<vmem>>, vector<16xf32>,
        %get3A_1252 = arith.constant 0 : i32
        %get3A_1253 = arith.index_cast %get3A_1252 : i32 to index
        %get3A_1254 = arith.index_cast %add3A_1237 : i32 to index
        %get3A_1255 = arith.constant 16 : index
        %get3A_1256 = tpu.vector_load %arg11[%get3A_1253, %get3A_1254, %get3A_1255] {strides = array<i32>} : memref<3x64x128xf32, #tpu.memory_space<vmem>>, vector<16xf32>,
        %mul3A_1257 = vector.broadcast %squeeze3A_1239 : f32 to vector<16xf32>
        %mul3A_1258 = arith.mulf %get3A_1256, %mul3A_1257 : vector<16xf32>
        %swap3A_1259 = arith.constant 0 : i32
        %swap3A_1260 = arith.index_cast %swap3A_1259 : i32 to index
        %swap3A_1261 = arith.index_cast %add3A_1237 : i32 to index
        %swap3A_1262 = arith.constant 16 : index
        %swap3A_1263 = tpu.vector_load %arg11[%swap3A_1260, %swap3A_1261, %swap3A_1262] {strides = array<i32>} : memref<3x64x128xf32, #tpu.memory_space<vmem>>, vector<16xf32>,
        tpu.vector_store %arg11[%swap3A_1260, %swap3A_1261, %swap3A_1262], %mul3A_1258 {strides = array<i32>} : memref<3x64x128xf32, #tpu.memory_space<vmem>>, vector<16xf32>,
        %get3A_1264 = arith.constant 0 : i32
        %get3A_1265 = arith.index_cast %get3A_1264 : i32 to index
        %get3A_1266 = arith.index_cast %add3A_1237 : i32 to index
        %get3A_1267 = arith.constant 32 : index
        %get3A_1268 = tpu.vector_load %arg11[%get3A_1265, %get3A_1266, %get3A_1267] {strides = array<i32>} : memref<3x64x128xf32, #tpu.memory_space<vmem>>, vector<16xf32>,
        %mul3A_1269 = vector.broadcast %squeeze3A_1239 : f32 to vector<16xf32>
        %mul3A_1270 = arith.mulf %get3A_1268, %mul3A_1269 : vector<16xf32>
        %swap3A_1271 = arith.constant 0 : i32
        %swap3A_1272 = arith.index_cast %swap3A_1271 : i32 to index
        %swap3A_1273 = arith.index_cast %add3A_1237 : i32 to index
        %swap3A_1274 = arith.constant 32 : index
        %swap3A_1275 = tpu.vector_load %arg11[%swap3A_1272, %swap3A_1273, %swap3A_1274] {strides = array<i32>} : memref<3x64x128xf32, #tpu.memory_space<vmem>>, vector<16xf32>,
        tpu.vector_store %arg11[%swap3A_1272, %swap3A_1273, %swap3A_1274], %mul3A_1270 {strides = array<i32>} : memref<3x64x128xf32, #tpu.memory_space<vmem>>, vector<16xf32>,
        %get3A_1276 = arith.constant 0 : i32
        %get3A_1277 = arith.index_cast %get3A_1276 : i32 to index
        %get3A_1278 = arith.index_cast %add3A_1237 : i32 to index
        %get3A_1279 = arith.constant 48 : index
        %get3A_1280 = tpu.vector_load %arg11[%get3A_1277, %get3A_1278, %get3A_1279] {strides = array<i32>} : memref<3x64x128xf32, #tpu.memory_space<vmem>>, vector<16xf32>,
        %mul3A_1281 = vector.broadcast %squeeze3A_1239 : f32 to vector<16xf32>
        %mul3A_1282 = arith.mulf %get3A_1280, %mul3A_1281 : vector<16xf32>
        %swap3A_1283 = arith.constant 0 : i32
        %swap3A_1284 = arith.index_cast %swap3A_1283 : i32 to index
        %swap3A_1285 = arith.index_cast %add3A_1237 : i32 to index
        %swap3A_1286 = arith.constant 48 : index
        %swap3A_1287 = tpu.vector_load %arg11[%swap3A_1284, %swap3A_1285, %swap3A_1286] {strides = array<i32>} : memref<3x64x128xf32, #tpu.memory_space<vmem>>, vector<16xf32>,
        tpu.vector_store %arg11[%swap3A_1284, %swap3A_1285, %swap3A_1286], %mul3A_1282 {strides = array<i32>} : memref<3x64x128xf32, #tpu.memory_space<vmem>>, vector<16xf32>,
        %get3A_1288 = arith.constant 0 : i32
        %get3A_1289 = arith.index_cast %get3A_1288 : i32 to index
        %get3A_1290 = arith.index_cast %add3A_1237 : i32 to index
        %get3A_1291 = arith.constant 64 : index
        %get3A_1292 = tpu.vector_load %arg11[%get3A_1289, %get3A_1290, %get3A_1291] {strides = array<i32>} : memref<3x64x128xf32, #tpu.memory_space<vmem>>, vector<16xf32>,
        %mul3A_1293 = vector.broadcast %squeeze3A_1239 : f32 to vector<16xf32>
        %mul3A_1294 = arith.mulf %get3A_1292, %mul3A_1293 : vector<16xf32>
        %swap3A_1295 = arith.constant 0 : i32
        %swap3A_1296 = arith.index_cast %swap3A_1295 : i32 to index
        %swap3A_1297 = arith.index_cast %add3A_1237 : i32 to index
        %swap3A_1298 = arith.constant 64 : index
        %swap3A_1299 = tpu.vector_load %arg11[%swap3A_1296, %swap3A_1297, %swap3A_1298] {strides = array<i32>} : memref<3x64x128xf32, #tpu.memory_space<vmem>>, vector<16xf32>,
        tpu.vector_store %arg11[%swap3A_1296, %swap3A_1297, %swap3A_1298], %mul3A_1294 {strides = array<i32>} : memref<3x64x128xf32, #tpu.memory_space<vmem>>, vector<16xf32>,
        %mul3A_1300 = arith.constant 16 : i32
        %mul3A_1301 = arith.muli %scan3A_306, %mul3A_1300 : i32
        %add3A_1302 = arith.constant 15 : i32
        %add3A_1303 = arith.addi %mul3A_1301, %add3A_1302 : i32
        %slice3A_1304 = vector.extract_strided_slice %get3A_312 {offsets = [15], sizes = [1], strides = [1]} : vector<16xf32> to vector<1xf32>
        %squeeze3A_1305 = vector.extract %slice3A_1304[0] : f32 from vector<1xf32>
        %get3A_1306 = arith.constant 0 : i32
        %get3A_1307 = arith.index_cast %get3A_1306 : i32 to index
        %get3A_1308 = arith.index_cast %add3A_1303 : i32 to index
        %get3A_1309 = arith.constant 0 : index
        %get3A_1310 = tpu.vector_load %arg11[%get3A_1307, %get3A_1308, %get3A_1309] {strides = array<i32>} : memref<3x64x128xf32, #tpu.memory_space<vmem>>, vector<16xf32>,
        %mul3A_1311 = vector.broadcast %squeeze3A_1305 : f32 to vector<16xf32>
        %mul3A_1312 = arith.mulf %get3A_1310, %mul3A_1311 : vector<16xf32>
        %swap3A_1313 = arith.constant 0 : i32
        %swap3A_1314 = arith.index_cast %swap3A_1313 : i32 to index
        %swap3A_1315 = arith.index_cast %add3A_1303 : i32 to index
        %swap3A_1316 = arith.constant 0 : index
        %swap3A_1317 = tpu.vector_load %arg11[%swap3A_1314, %swap3A_1315, %swap3A_1316] {strides = array<i32>} : memref<3x64x128xf32, #tpu.memory_space<vmem>>, vector<16xf32>,
        tpu.vector_store %arg11[%swap3A_1314, %swap3A_1315, %swap3A_1316], %mul3A_1312 {strides = array<i32>} : memref<3x64x128xf32, #tpu.memory_space<vmem>>, vector<16xf32>,
        %get3A_1318 = arith.constant 0 : i32
        %get3A_1319 = arith.index_cast %get3A_1318 : i32 to index
        %get3A_1320 = arith.index_cast %add3A_1303 : i32 to index
        %get3A_1321 = arith.constant 16 : index
        %get3A_1322 = tpu.vector_load %arg11[%get3A_1319, %get3A_1320, %get3A_1321] {strides = array<i32>} : memref<3x64x128xf32, #tpu.memory_space<vmem>>, vector<16xf32>,
        %mul3A_1323 = vector.broadcast %squeeze3A_1305 : f32 to vector<16xf32>
        %mul3A_1324 = arith.mulf %get3A_1322, %mul3A_1323 : vector<16xf32>
        %swap3A_1325 = arith.constant 0 : i32
        %swap3A_1326 = arith.index_cast %swap3A_1325 : i32 to index
        %swap3A_1327 = arith.index_cast %add3A_1303 : i32 to index
        %swap3A_1328 = arith.constant 16 : index
        %swap3A_1329 = tpu.vector_load %arg11[%swap3A_1326, %swap3A_1327, %swap3A_1328] {strides = array<i32>} : memref<3x64x128xf32, #tpu.memory_space<vmem>>, vector<16xf32>,
        tpu.vector_store %arg11[%swap3A_1326, %swap3A_1327, %swap3A_1328], %mul3A_1324 {strides = array<i32>} : memref<3x64x128xf32, #tpu.memory_space<vmem>>, vector<16xf32>,
        %get3A_1330 = arith.constant 0 : i32
        %get3A_1331 = arith.index_cast %get3A_1330 : i32 to index
        %get3A_1332 = arith.index_cast %add3A_1303 : i32 to index
        %get3A_1333 = arith.constant 32 : index
        %get3A_1334 = tpu.vector_load %arg11[%get3A_1331, %get3A_1332, %get3A_1333] {strides = array<i32>} : memref<3x64x128xf32, #tpu.memory_space<vmem>>, vector<16xf32>,
        %mul3A_1335 = vector.broadcast %squeeze3A_1305 : f32 to vector<16xf32>
        %mul3A_1336 = arith.mulf %get3A_1334, %mul3A_1335 : vector<16xf32>
        %swap3A_1337 = arith.constant 0 : i32
        %swap3A_1338 = arith.index_cast %swap3A_1337 : i32 to index
        %swap3A_1339 = arith.index_cast %add3A_1303 : i32 to index
        %swap3A_1340 = arith.constant 32 : index
        %swap3A_1341 = tpu.vector_load %arg11[%swap3A_1338, %swap3A_1339, %swap3A_1340] {strides = array<i32>} : memref<3x64x128xf32, #tpu.memory_space<vmem>>, vector<16xf32>,
        tpu.vector_store %arg11[%swap3A_1338, %swap3A_1339, %swap3A_1340], %mul3A_1336 {strides = array<i32>} : memref<3x64x128xf32, #tpu.memory_space<vmem>>, vector<16xf32>,
        %get3A_1342 = arith.constant 0 : i32
        %get3A_1343 = arith.index_cast %get3A_1342 : i32 to index
        %get3A_1344 = arith.index_cast %add3A_1303 : i32 to index
        %get3A_1345 = arith.constant 48 : index
        %get3A_1346 = tpu.vector_load %arg11[%get3A_1343, %get3A_1344, %get3A_1345] {strides = array<i32>} : memref<3x64x128xf32, #tpu.memory_space<vmem>>, vector<16xf32>,
        %mul3A_1347 = vector.broadcast %squeeze3A_1305 : f32 to vector<16xf32>
        %mul3A_1348 = arith.mulf %get3A_1346, %mul3A_1347 : vector<16xf32>
        %swap3A_1349 = arith.constant 0 : i32
        %swap3A_1350 = arith.index_cast %swap3A_1349 : i32 to index
        %swap3A_1351 = arith.index_cast %add3A_1303 : i32 to index
        %swap3A_1352 = arith.constant 48 : index
        %swap3A_1353 = tpu.vector_load %arg11[%swap3A_1350, %swap3A_1351, %swap3A_1352] {strides = array<i32>} : memref<3x64x128xf32, #tpu.memory_space<vmem>>, vector<16xf32>,
        tpu.vector_store %arg11[%swap3A_1350, %swap3A_1351, %swap3A_1352], %mul3A_1348 {strides = array<i32>} : memref<3x64x128xf32, #tpu.memory_space<vmem>>, vector<16xf32>,
        %get3A_1354 = arith.constant 0 : i32
        %get3A_1355 = arith.index_cast %get3A_1354 : i32 to index
        %get3A_1356 = arith.index_cast %add3A_1303 : i32 to index
        %get3A_1357 = arith.constant 64 : index
        %get3A_1358 = tpu.vector_load %arg11[%get3A_1355, %get3A_1356, %get3A_1357] {strides = array<i32>} : memref<3x64x128xf32, #tpu.memory_space<vmem>>, vector<16xf32>,
        %mul3A_1359 = vector.broadcast %squeeze3A_1305 : f32 to vector<16xf32>
        %mul3A_1360 = arith.mulf %get3A_1358, %mul3A_1359 : vector<16xf32>
        %swap3A_1361 = arith.constant 0 : i32
        %swap3A_1362 = arith.index_cast %swap3A_1361 : i32 to index
        %swap3A_1363 = arith.index_cast %add3A_1303 : i32 to index
        %swap3A_1364 = arith.constant 64 : index
        %swap3A_1365 = tpu.vector_load %arg11[%swap3A_1362, %swap3A_1363, %swap3A_1364] {strides = array<i32>} : memref<3x64x128xf32, #tpu.memory_space<vmem>>, vector<16xf32>,
        tpu.vector_store %arg11[%swap3A_1362, %swap3A_1363, %swap3A_1364], %mul3A_1360 {strides = array<i32>} : memref<3x64x128xf32, #tpu.memory_space<vmem>>, vector<16xf32>,
        %scan3A_1366 = arith.constant 0 : i32
        scf.yield %scan3A_1366 : i32
      }
      %scan3A_178 = arith.constant 4 : i32
      %rem3A_179 = arith.constant 16 : i32
      %rem3A_180 = arith.remsi %add3A_145, %rem3A_179 : i32
      %dma_start3A_181 = arith.constant 0 : i32
      %dma_start3A_182 = arith.constant 1 : i32
      %dma_start3A_183 = arith.constant 0 : i32
      %dma_start3A_184 = arith.constant 0 : i32
      %dma_start3A_185 = tpu.memref_slice %arg11[%dma_start3A_181, %dma_start3A_183, %dma_start3A_184] : memref<3x64x128xf32, #tpu.memory_space<vmem>> -> memref<1x64x128xf32, #tpu.memory_space<vmem>>
      %dma_start3A_186 = tpu.memref_squeeze %dma_start3A_185 : memref<1x64x128xf32, #tpu.memory_space<vmem>> -> memref<64x128xf32, #tpu.memory_space<vmem>>
      %dma_start3A_187 = arith.constant 0 : i32
      %dma_start3A_188 = tpu.memref_slice %arg9[%rem3A_180, %dma_start3A_182, %dma_start3A_187] : memref<16x2x64xi32, #tpu.memory_space<vmem>> -> memref<1x1x64xi32, #tpu.memory_space<vmem>>
      %dma_start3A_189 = tpu.memref_squeeze %dma_start3A_188 : memref<1x1x64xi32, #tpu.memory_space<vmem>> -> memref<64xi32, #tpu.memory_space<vmem>>
      %dma_start3A_190 = arith.constant 0 : i32
      %dma_start3A_191 = arith.constant 0 : i32
      %dma_start3A_192 = tpu.memref_slice %arg12[%dma_start3A_190, %dma_start3A_191] : memref<10112x128xf32, #tpu.memory_space<vmem_shared>> -> memref<10112x128xf32, #tpu.memory_space<vmem_shared>>
      tpu.enqueue_indirect_dma source(%dma_start3A_186 : memref<64x128xf32, #tpu.memory_space<vmem>>) target(%dma_start3A_192 : memref<10112x128xf32, #tpu.memory_space<vmem_shared>>) offsets(%dma_start3A_189 : memref<64xi32, #tpu.memory_space<vmem>>) semaphore(%arg16 : memref<!tpu.dma_semaphore, #tpu.memory_space<semaphore_mem>>) {add = true}
      %mul3A_193 = arith.constant 3 : i32
      %mul3A_194 = arith.muli %scan3A_140, %mul3A_193 : i32
      %add3A_195 = arith.constant 1 : i32
      %add3A_196 = arith.addi %mul3A_194, %add3A_195 : i32
      %ge3A_197 = arith.constant 1 : i32
      %ge3A_198 = arith.cmpi sge, %add3A_196, %ge3A_197 : i32
      %add3A_199 = arith.constant 2 : i32
      %add3A_200 = arith.addi %add3A_196, %add3A_199 : i32
      %lt3A_201 = arith.constant 315 : i32
      %lt3A_202 = arith.cmpi slt, %add3A_200, %lt3A_201 : i32
      %and3A_203 = arith.andi %ge3A_198, %lt3A_202 : i1
      %convert_element_type3A_204 = arith.extui %and3A_203 : i1 to i32
      %cond3A_205 = arith.constant 0 : i32
      %cond3A_206 = arith.cmpi ne, %convert_element_type3A_204, %cond3A_205 : i32
      scf.if %cond3A_206 {
        %sub3A_306 = arith.constant 1 : i32
        %sub3A_307 = arith.subi %add3A_196, %sub3A_306 : i32
        %rem3A_308 = arith.constant 16 : i32
        %rem3A_309 = arith.remsi %sub3A_307, %rem3A_308 : i32
        %dma_wait3A_310 = arith.constant 0 : i32
        %dma_wait3A_311 = arith.constant 1 : i32
        %dma_wait3A_312 = arith.constant 0 : i32
        %dma_wait3A_313 = arith.constant 0 : i32
        %dma_wait3A_314 = tpu.memref_slice %arg11[%dma_wait3A_310, %dma_wait3A_312, %dma_wait3A_313] : memref<3x64x128xf32, #tpu.memory_space<vmem>> -> memref<1x64x128xf32, #tpu.memory_space<vmem>>
        %dma_wait3A_315 = tpu.memref_squeeze %dma_wait3A_314 : memref<1x64x128xf32, #tpu.memory_space<vmem>> -> memref<64x128xf32, #tpu.memory_space<vmem>>
        %dma_wait3A_316 = arith.constant 0 : i32
        %dma_wait3A_317 = tpu.memref_slice %arg9[%rem3A_309, %dma_wait3A_311, %dma_wait3A_316] : memref<16x2x64xi32, #tpu.memory_space<vmem>> -> memref<1x1x64xi32, #tpu.memory_space<vmem>>
        %dma_wait3A_318 = tpu.memref_squeeze %dma_wait3A_317 : memref<1x1x64xi32, #tpu.memory_space<vmem>> -> memref<64xi32, #tpu.memory_space<vmem>>
        %dma_wait3A_319 = arith.constant 0 : i32
        %dma_wait3A_320 = arith.constant 0 : i32
        %dma_wait3A_321 = tpu.memref_slice %arg12[%dma_wait3A_319, %dma_wait3A_320] : memref<10112x128xf32, #tpu.memory_space<vmem_shared>> -> memref<10112x128xf32, #tpu.memory_space<vmem_shared>>
        tpu.wait_indirect_dma semaphore(%arg16 : memref<!tpu.dma_semaphore, #tpu.memory_space<semaphore_mem>>) src(%dma_wait3A_315 : memref<64x128xf32, #tpu.memory_space<vmem>>) dst(%dma_wait3A_321 : memref<10112x128xf32, #tpu.memory_space<vmem_shared>>)
      } else {
      }
      %add3A_207 = arith.constant 2 : i32
      %add3A_208 = arith.addi %add3A_196, %add3A_207 : i32
      %lt3A_209 = arith.constant 315 : i32
      %lt3A_210 = arith.cmpi slt, %add3A_208, %lt3A_209 : i32
      %convert_element_type3A_211 = arith.extui %lt3A_210 : i1 to i32
      %cond3A_212 = arith.constant 0 : i32
      %cond3A_213 = arith.cmpi ne, %convert_element_type3A_211, %cond3A_212 : i32
      scf.if %cond3A_213 {
        %add3A_306 = arith.constant 2 : i32
        %add3A_307 = arith.addi %add3A_196, %add3A_306 : i32
        %rem3A_308 = arith.constant 8 : i32
        %rem3A_309 = arith.remsi %add3A_307, %rem3A_308 : i32
        %eq3A = arith.constant 0 : i32
        %eq3A_310 = arith.cmpi eq, %rem3A_309, %eq3A : i32
        %convert_element_type3A_311 = arith.extui %eq3A_310 : i1 to i32
        %cond3A_312 = arith.constant 0 : i32
        %cond3A_313 = arith.cmpi ne, %convert_element_type3A_311, %cond3A_312 : i32
        scf.if %cond3A_313 {
          %add3A_337 = arith.constant 2 : i32
          %add3A_338 = arith.addi %add3A_196, %add3A_337 : i32
          %rem3A_339 = arith.constant 16 : i32
          %rem3A_340 = arith.remsi %add3A_338, %rem3A_339 : i32
          %add3A_341 = arith.addi %mul3A_40, %add3A_338 : i32
          "tpu.region"() ({
            %run_scoped3A_342 = tpu.sem_alloc : memref<!tpu.dma_semaphore, #tpu.memory_space<semaphore_mem>>
            %dma_start3A_343 = arith.constant 0 : i32
            %dma_start3A_344 = arith.constant 0 : i32
            %dma_start3A_345 = tpu.memref_slice %arg9[%rem3A_340, %dma_start3A_343, %dma_start3A_344] : memref<16x2x64xi32, #tpu.memory_space<vmem>> -> memref<8x2x64xi32, #tpu.memory_space<vmem>>
            %dma_start3A_346 = arith.constant 0 : i32
            %dma_start3A_347 = arith.constant 0 : i32
            %dma_start3A_348 = tpu.memref_slice %arg2[%add3A_341, %dma_start3A_346, %dma_start3A_347] : memref<5048x2x64xi32, #tpu.memory_space<hbm>> -> memref<8x2x64xi32, #tpu.memory_space<hbm>>
            %dma_start3A_349 = arith.constant 0 : i32
            %dma_start3A_350 = arith.constant 0 : i32
            %dma_start3A_351 = tpu.memref_slice %arg9[%rem3A_340, %dma_start3A_349, %dma_start3A_350] : memref<16x2x64xi32, #tpu.memory_space<vmem>> -> memref<8x2x64xi32, #tpu.memory_space<vmem>>
            %dma_start3A_352 = arith.constant 0 : i32
            %dma_start3A_353 = arith.constant 0 : i32
            %dma_start3A_354 = tpu.memref_slice %arg2[%add3A_341, %dma_start3A_352, %dma_start3A_353] : memref<5048x2x64xi32, #tpu.memory_space<hbm>> -> memref<8x2x64xi32, #tpu.memory_space<hbm>>
            tpu.enqueue_dma source(%dma_start3A_354 : memref<8x2x64xi32, #tpu.memory_space<hbm>>) target(%dma_start3A_351 : memref<8x2x64xi32, #tpu.memory_space<vmem>>) target_semaphore(%run_scoped3A_342 : memref<!tpu.dma_semaphore, #tpu.memory_space<semaphore_mem>>)
            %dma_wait3A_355 = arith.constant 0 : i32
            %dma_wait3A_356 = arith.constant 0 : i32
            %dma_wait3A_357 = tpu.memref_slice %arg9[%rem3A_340, %dma_wait3A_355, %dma_wait3A_356] : memref<16x2x64xi32, #tpu.memory_space<vmem>> -> memref<8x2x64xi32, #tpu.memory_space<vmem>>
            %dma_wait3A_358 = arith.constant 0 : i32
            %dma_wait3A_359 = arith.constant 0 : i32
            %dma_wait3A_360 = tpu.memref_slice %arg2[%add3A_341, %dma_wait3A_358, %dma_wait3A_359] : memref<5048x2x64xi32, #tpu.memory_space<hbm>> -> memref<8x2x64xi32, #tpu.memory_space<hbm>>
            %dma_wait3A_361 = arith.constant 0 : i32
            %dma_wait3A_362 = arith.constant 0 : i32
            %dma_wait3A_363 = tpu.memref_slice %arg9[%rem3A_340, %dma_wait3A_361, %dma_wait3A_362] : memref<16x2x64xi32, #tpu.memory_space<vmem>> -> memref<8x2x64xi32, #tpu.memory_space<vmem>>
            %dma_wait3A_364 = arith.constant 0 : i32
            %dma_wait3A_365 = arith.constant 0 : i32
            %dma_wait3A_366 = tpu.memref_slice %arg2[%add3A_341, %dma_wait3A_364, %dma_wait3A_365] : memref<5048x2x64xi32, #tpu.memory_space<hbm>> -> memref<8x2x64xi32, #tpu.memory_space<hbm>>
            tpu.wait_dma2 semaphore(%run_scoped3A_342 : memref<!tpu.dma_semaphore, #tpu.memory_space<semaphore_mem>>) src(%dma_wait3A_366 : memref<8x2x64xi32, #tpu.memory_space<hbm>>) dst(%dma_wait3A_363 : memref<8x2x64xi32, #tpu.memory_space<vmem>>)
            tpu.yield
          }) : () -> ()
        } else {
        }
        %add3A_314 = arith.constant 2 : i32
        %add3A_315 = arith.addi %add3A_196, %add3A_314 : i32
        %rem3A_316 = arith.constant 16 : i32
        %rem3A_317 = arith.remsi %add3A_315, %rem3A_316 : i32
        %scan3A_318 = arith.constant 0 : i32
        %scan3A_319 = arith.constant 0 : i32
        %scan3A_320 = arith.constant 4 : i32
        %scan3A_321 = arith.addi %scan3A_319, %scan3A_320 : i32
        %scan3A_322 = arith.constant 1 : i32
        %scan3A_323 = scf.for %scan3A_337 = %scan3A_319 to %scan3A_321 step %scan3A_322 iter_args(%scan3A_338 = %scan3A_318) -> (i32)  : i32 {
          %mul3A_339 = arith.constant 16 : i32
          %mul3A_340 = arith.muli %scan3A_337, %mul3A_339 : i32
          %get3A = arith.constant 0 : i32
          %get3A_341 = arith.index_cast %rem3A_317 : i32 to index
          %get3A_342 = arith.index_cast %get3A : i32 to index
          %get3A_343 = arith.index_cast %mul3A_340 : i32 to index
          %get3A_344 = tpu.vector_load %arg9[%get3A_341, %get3A_342, %get3A_343] {strides = array<i32>} : memref<16x2x64xi32, #tpu.memory_space<vmem>>, vector<16xi32>,
          %get3A_345 = arith.constant 1 : i32
          %get3A_346 = arith.index_cast %rem3A_317 : i32 to index
          %get3A_347 = arith.index_cast %get3A_345 : i32 to index
          %get3A_348 = arith.index_cast %mul3A_340 : i32 to index
          %get3A_349 = tpu.vector_load %arg9[%get3A_346, %get3A_347, %get3A_348] {strides = array<i32>} : memref<16x2x64xi32, #tpu.memory_space<vmem>>, vector<16xi32>,
          %gather3A = tpu.vector_load_idx %arg7[%get3A_349] : memref<10112xf32, #tpu.memory_space<vmem>>[vector<16xi32>], vector<16xf32>,
          %gather3A_350 = tpu.vector_load_idx %arg8[%get3A_344] : memref<10112xf32, #tpu.memory_space<vmem>>[vector<16xi32>], vector<16xf32>,
          %add3A_351 = arith.addf %gather3A, %gather3A_350 : vector<16xf32>
          %ge3A_352 = arith.constant 0.000000e+00 : f32
          %ge3A_353 = vector.broadcast %ge3A_352 : f32 to vector<16xf32>
          %ge3A_354 = arith.cmpf oge, %add3A_351, %ge3A_353 : vector<16xf32>
          %mul3A_355 = arith.constant 0.00999999977 : f32
          %mul3A_356 = vector.broadcast %mul3A_355 : f32 to vector<16xf32>
          %mul3A_357 = arith.mulf %mul3A_356, %add3A_351 : vector<16xf32>
          %select_n3A = arith.select %ge3A_354, %add3A_351, %mul3A_357 : vector<16xi1>, vector<16xf32>
          %exp3A = math.exp %select_n3A : vector<16xf32>
          %swap3A = arith.constant 0 : i32
          %swap3A_358 = arith.index_cast %swap3A : i32 to index
          %swap3A_359 = arith.index_cast %mul3A_340 : i32 to index
          %swap3A_360 = tpu.vector_load %arg10[%swap3A_358, %swap3A_359] {strides = array<i32>} : memref<3x64xf32, #tpu.memory_space<vmem>>, vector<16xf32>,
          tpu.vector_store %arg10[%swap3A_358, %swap3A_359], %exp3A {strides = array<i32>} : memref<3x64xf32, #tpu.memory_space<vmem>>, vector<16xf32>,
          %add3A_361 = vector.broadcast %mul3A_38 : i32 to vector<16xi32>
          %add3A_362 = arith.addi %get3A_344, %add3A_361 : vector<16xi32>
          %swap3A_363 = arith.constant 0 : i32
          %swap3A_364 = arith.index_cast %rem3A_317 : i32 to index
          %swap3A_365 = arith.index_cast %swap3A_363 : i32 to index
          %swap3A_366 = arith.index_cast %mul3A_340 : i32 to index
          %swap3A_367 = tpu.vector_load %arg9[%swap3A_364, %swap3A_365, %swap3A_366] {strides = array<i32>} : memref<16x2x64xi32, #tpu.memory_space<vmem>>, vector<16xi32>,
          tpu.vector_store %arg9[%swap3A_364, %swap3A_365, %swap3A_366], %add3A_362 {strides = array<i32>} : memref<16x2x64xi32, #tpu.memory_space<vmem>>, vector<16xi32>,
          %scan3A_368 = arith.constant 0 : i32
          scf.yield %scan3A_368 : i32
        }
        %scan3A_324 = arith.constant 4 : i32
        %dma_start3A_325 = arith.constant 0 : i32
        %dma_start3A_326 = arith.constant 0 : i32
        %dma_start3A_327 = arith.constant 0 : i32
        %dma_start3A_328 = arith.constant 0 : i32
        %dma_start3A_329 = tpu.memref_slice %arg11[%dma_start3A_326, %dma_start3A_327, %dma_start3A_328] : memref<3x64x128xf32, #tpu.memory_space<vmem>> -> memref<1x64x128xf32, #tpu.memory_space<vmem>>
        %dma_start3A_330 = tpu.memref_squeeze %dma_start3A_329 : memref<1x64x128xf32, #tpu.memory_space<vmem>> -> memref<64x128xf32, #tpu.memory_space<vmem>>
        %dma_start3A_331 = arith.constant 0 : i32
        %dma_start3A_332 = tpu.memref_slice %arg9[%rem3A_317, %dma_start3A_325, %dma_start3A_331] : memref<16x2x64xi32, #tpu.memory_space<vmem>> -> memref<1x1x64xi32, #tpu.memory_space<vmem>>
        %dma_start3A_333 = tpu.memref_squeeze %dma_start3A_332 : memref<1x1x64xi32, #tpu.memory_space<vmem>> -> memref<64xi32, #tpu.memory_space<vmem>>
        %dma_start3A_334 = arith.constant 0 : i32
        %dma_start3A_335 = arith.constant 0 : i32
        %dma_start3A_336 = tpu.memref_slice %arg3[%dma_start3A_334, %dma_start3A_335] : memref<20224x128xf32, #tpu.memory_space<hbm>> -> memref<20224x128xf32, #tpu.memory_space<hbm>>
        tpu.enqueue_indirect_dma source(%dma_start3A_336 : memref<20224x128xf32, #tpu.memory_space<hbm>>) target(%dma_start3A_330 : memref<64x128xf32, #tpu.memory_space<vmem>>) offsets(%dma_start3A_333 : memref<64xi32, #tpu.memory_space<vmem>>) semaphore(%arg13 : memref<!tpu.dma_semaphore, #tpu.memory_space<semaphore_mem>>)
      } else {
      }
      %rem3A_214 = arith.constant 16 : i32
      %rem3A_215 = arith.remsi %add3A_196, %rem3A_214 : i32
      %dma_wait3A_216 = arith.constant 0 : i32
      %dma_wait3A_217 = arith.constant 1 : i32
      %dma_wait3A_218 = arith.constant 0 : i32
      %dma_wait3A_219 = arith.constant 0 : i32
      %dma_wait3A_220 = tpu.memref_slice %arg11[%dma_wait3A_217, %dma_wait3A_218, %dma_wait3A_219] : memref<3x64x128xf32, #tpu.memory_space<vmem>> -> memref<1x64x128xf32, #tpu.memory_space<vmem>>
      %dma_wait3A_221 = tpu.memref_squeeze %dma_wait3A_220 : memref<1x64x128xf32, #tpu.memory_space<vmem>> -> memref<64x128xf32, #tpu.memory_space<vmem>>
      %dma_wait3A_222 = arith.constant 0 : i32
      %dma_wait3A_223 = tpu.memref_slice %arg9[%rem3A_215, %dma_wait3A_216, %dma_wait3A_222] : memref<16x2x64xi32, #tpu.memory_space<vmem>> -> memref<1x1x64xi32, #tpu.memory_space<vmem>>
      %dma_wait3A_224 = tpu.memref_squeeze %dma_wait3A_223 : memref<1x1x64xi32, #tpu.memory_space<vmem>> -> memref<64xi32, #tpu.memory_space<vmem>>
      %dma_wait3A_225 = arith.constant 0 : i32
      %dma_wait3A_226 = arith.constant 0 : i32
      %dma_wait3A_227 = tpu.memref_slice %arg3[%dma_wait3A_225, %dma_wait3A_226] : memref<20224x128xf32, #tpu.memory_space<hbm>> -> memref<20224x128xf32, #tpu.memory_space<hbm>>
      tpu.wait_indirect_dma semaphore(%arg14 : memref<!tpu.dma_semaphore, #tpu.memory_space<semaphore_mem>>) src(%dma_wait3A_227 : memref<20224x128xf32, #tpu.memory_space<hbm>>) dst(%dma_wait3A_221 : memref<64x128xf32, #tpu.memory_space<vmem>>)
      %scan3A_228 = arith.constant 0 : i32
      %scan3A_229 = arith.constant 0 : i32
      %scan3A_230 = arith.constant 4 : i32
      %scan3A_231 = arith.addi %scan3A_229, %scan3A_230 : i32
      %scan3A_232 = arith.constant 1 : i32
      %scan3A_233 = scf.for %scan3A_306 = %scan3A_229 to %scan3A_231 step %scan3A_232 iter_args(%scan3A_307 = %scan3A_228) -> (i32)  : i32 {
        %mul3A_308 = arith.constant 16 : i32
        %mul3A_309 = arith.muli %scan3A_306, %mul3A_308 : i32
        %get3A = arith.constant 1 : i32
        %get3A_310 = arith.index_cast %get3A : i32 to index
        %get3A_311 = arith.index_cast %mul3A_309 : i32 to index
        %get3A_312 = tpu.vector_load %arg10[%get3A_310, %get3A_311] {strides = array<i32>} : memref<3x64xf32, #tpu.memory_space<vmem>>, vector<16xf32>,
        %mul3A_313 = arith.constant 16 : i32
        %mul3A_314 = arith.muli %scan3A_306, %mul3A_313 : i32
        %add3A_315 = arith.constant 0 : i32
        %add3A_316 = arith.addi %mul3A_314, %add3A_315 : i32
        %slice3A = vector.extract_strided_slice %get3A_312 {offsets = [0], sizes = [1], strides = [1]} : vector<16xf32> to vector<1xf32>
        %squeeze3A = vector.extract %slice3A[0] : f32 from vector<1xf32>
        %get3A_317 = arith.constant 1 : i32
        %get3A_318 = arith.index_cast %get3A_317 : i32 to index
        %get3A_319 = arith.index_cast %add3A_316 : i32 to index
        %get3A_320 = arith.constant 0 : index
        %get3A_321 = tpu.vector_load %arg11[%get3A_318, %get3A_319, %get3A_320] {strides = array<i32>} : memref<3x64x128xf32, #tpu.memory_space<vmem>>, vector<16xf32>,
        %mul3A_322 = vector.broadcast %squeeze3A : f32 to vector<16xf32>
        %mul3A_323 = arith.mulf %get3A_321, %mul3A_322 : vector<16xf32>
        %swap3A = arith.constant 1 : i32
        %swap3A_324 = arith.index_cast %swap3A : i32 to index
        %swap3A_325 = arith.index_cast %add3A_316 : i32 to index
        %swap3A_326 = arith.constant 0 : index
        %swap3A_327 = tpu.vector_load %arg11[%swap3A_324, %swap3A_325, %swap3A_326] {strides = array<i32>} : memref<3x64x128xf32, #tpu.memory_space<vmem>>, vector<16xf32>,
        tpu.vector_store %arg11[%swap3A_324, %swap3A_325, %swap3A_326], %mul3A_323 {strides = array<i32>} : memref<3x64x128xf32, #tpu.memory_space<vmem>>, vector<16xf32>,
        %get3A_328 = arith.constant 1 : i32
        %get3A_329 = arith.index_cast %get3A_328 : i32 to index
        %get3A_330 = arith.index_cast %add3A_316 : i32 to index
        %get3A_331 = arith.constant 16 : index
        %get3A_332 = tpu.vector_load %arg11[%get3A_329, %get3A_330, %get3A_331] {strides = array<i32>} : memref<3x64x128xf32, #tpu.memory_space<vmem>>, vector<16xf32>,
        %mul3A_333 = vector.broadcast %squeeze3A : f32 to vector<16xf32>
        %mul3A_334 = arith.mulf %get3A_332, %mul3A_333 : vector<16xf32>
        %swap3A_335 = arith.constant 1 : i32
        %swap3A_336 = arith.index_cast %swap3A_335 : i32 to index
        %swap3A_337 = arith.index_cast %add3A_316 : i32 to index
        %swap3A_338 = arith.constant 16 : index
        %swap3A_339 = tpu.vector_load %arg11[%swap3A_336, %swap3A_337, %swap3A_338] {strides = array<i32>} : memref<3x64x128xf32, #tpu.memory_space<vmem>>, vector<16xf32>,
        tpu.vector_store %arg11[%swap3A_336, %swap3A_337, %swap3A_338], %mul3A_334 {strides = array<i32>} : memref<3x64x128xf32, #tpu.memory_space<vmem>>, vector<16xf32>,
        %get3A_340 = arith.constant 1 : i32
        %get3A_341 = arith.index_cast %get3A_340 : i32 to index
        %get3A_342 = arith.index_cast %add3A_316 : i32 to index
        %get3A_343 = arith.constant 32 : index
        %get3A_344 = tpu.vector_load %arg11[%get3A_341, %get3A_342, %get3A_343] {strides = array<i32>} : memref<3x64x128xf32, #tpu.memory_space<vmem>>, vector<16xf32>,
        %mul3A_345 = vector.broadcast %squeeze3A : f32 to vector<16xf32>
        %mul3A_346 = arith.mulf %get3A_344, %mul3A_345 : vector<16xf32>
        %swap3A_347 = arith.constant 1 : i32
        %swap3A_348 = arith.index_cast %swap3A_347 : i32 to index
        %swap3A_349 = arith.index_cast %add3A_316 : i32 to index
        %swap3A_350 = arith.constant 32 : index
        %swap3A_351 = tpu.vector_load %arg11[%swap3A_348, %swap3A_349, %swap3A_350] {strides = array<i32>} : memref<3x64x128xf32, #tpu.memory_space<vmem>>, vector<16xf32>,
        tpu.vector_store %arg11[%swap3A_348, %swap3A_349, %swap3A_350], %mul3A_346 {strides = array<i32>} : memref<3x64x128xf32, #tpu.memory_space<vmem>>, vector<16xf32>,
        %get3A_352 = arith.constant 1 : i32
        %get3A_353 = arith.index_cast %get3A_352 : i32 to index
        %get3A_354 = arith.index_cast %add3A_316 : i32 to index
        %get3A_355 = arith.constant 48 : index
        %get3A_356 = tpu.vector_load %arg11[%get3A_353, %get3A_354, %get3A_355] {strides = array<i32>} : memref<3x64x128xf32, #tpu.memory_space<vmem>>, vector<16xf32>,
        %mul3A_357 = vector.broadcast %squeeze3A : f32 to vector<16xf32>
        %mul3A_358 = arith.mulf %get3A_356, %mul3A_357 : vector<16xf32>
        %swap3A_359 = arith.constant 1 : i32
        %swap3A_360 = arith.index_cast %swap3A_359 : i32 to index
        %swap3A_361 = arith.index_cast %add3A_316 : i32 to index
        %swap3A_362 = arith.constant 48 : index
        %swap3A_363 = tpu.vector_load %arg11[%swap3A_360, %swap3A_361, %swap3A_362] {strides = array<i32>} : memref<3x64x128xf32, #tpu.memory_space<vmem>>, vector<16xf32>,
        tpu.vector_store %arg11[%swap3A_360, %swap3A_361, %swap3A_362], %mul3A_358 {strides = array<i32>} : memref<3x64x128xf32, #tpu.memory_space<vmem>>, vector<16xf32>,
        %get3A_364 = arith.constant 1 : i32
        %get3A_365 = arith.index_cast %get3A_364 : i32 to index
        %get3A_366 = arith.index_cast %add3A_316 : i32 to index
        %get3A_367 = arith.constant 64 : index
        %get3A_368 = tpu.vector_load %arg11[%get3A_365, %get3A_366, %get3A_367] {strides = array<i32>} : memref<3x64x128xf32, #tpu.memory_space<vmem>>, vector<16xf32>,
        %mul3A_369 = vector.broadcast %squeeze3A : f32 to vector<16xf32>
        %mul3A_370 = arith.mulf %get3A_368, %mul3A_369 : vector<16xf32>
        %swap3A_371 = arith.constant 1 : i32
        %swap3A_372 = arith.index_cast %swap3A_371 : i32 to index
        %swap3A_373 = arith.index_cast %add3A_316 : i32 to index
        %swap3A_374 = arith.constant 64 : index
        %swap3A_375 = tpu.vector_load %arg11[%swap3A_372, %swap3A_373, %swap3A_374] {strides = array<i32>} : memref<3x64x128xf32, #tpu.memory_space<vmem>>, vector<16xf32>,
        tpu.vector_store %arg11[%swap3A_372, %swap3A_373, %swap3A_374], %mul3A_370 {strides = array<i32>} : memref<3x64x128xf32, #tpu.memory_space<vmem>>, vector<16xf32>,
        %mul3A_376 = arith.constant 16 : i32
        %mul3A_377 = arith.muli %scan3A_306, %mul3A_376 : i32
        %add3A_378 = arith.constant 1 : i32
        %add3A_379 = arith.addi %mul3A_377, %add3A_378 : i32
        %slice3A_380 = vector.extract_strided_slice %get3A_312 {offsets = [1], sizes = [1], strides = [1]} : vector<16xf32> to vector<1xf32>
        %squeeze3A_381 = vector.extract %slice3A_380[0] : f32 from vector<1xf32>
        %get3A_382 = arith.constant 1 : i32
        %get3A_383 = arith.index_cast %get3A_382 : i32 to index
        %get3A_384 = arith.index_cast %add3A_379 : i32 to index
        %get3A_385 = arith.constant 0 : index
        %get3A_386 = tpu.vector_load %arg11[%get3A_383, %get3A_384, %get3A_385] {strides = array<i32>} : memref<3x64x128xf32, #tpu.memory_space<vmem>>, vector<16xf32>,
        %mul3A_387 = vector.broadcast %squeeze3A_381 : f32 to vector<16xf32>
        %mul3A_388 = arith.mulf %get3A_386, %mul3A_387 : vector<16xf32>
        %swap3A_389 = arith.constant 1 : i32
        %swap3A_390 = arith.index_cast %swap3A_389 : i32 to index
        %swap3A_391 = arith.index_cast %add3A_379 : i32 to index
        %swap3A_392 = arith.constant 0 : index
        %swap3A_393 = tpu.vector_load %arg11[%swap3A_390, %swap3A_391, %swap3A_392] {strides = array<i32>} : memref<3x64x128xf32, #tpu.memory_space<vmem>>, vector<16xf32>,
        tpu.vector_store %arg11[%swap3A_390, %swap3A_391, %swap3A_392], %mul3A_388 {strides = array<i32>} : memref<3x64x128xf32, #tpu.memory_space<vmem>>, vector<16xf32>,
        %get3A_394 = arith.constant 1 : i32
        %get3A_395 = arith.index_cast %get3A_394 : i32 to index
        %get3A_396 = arith.index_cast %add3A_379 : i32 to index
        %get3A_397 = arith.constant 16 : index
        %get3A_398 = tpu.vector_load %arg11[%get3A_395, %get3A_396, %get3A_397] {strides = array<i32>} : memref<3x64x128xf32, #tpu.memory_space<vmem>>, vector<16xf32>,
        %mul3A_399 = vector.broadcast %squeeze3A_381 : f32 to vector<16xf32>
        %mul3A_400 = arith.mulf %get3A_398, %mul3A_399 : vector<16xf32>
        %swap3A_401 = arith.constant 1 : i32
        %swap3A_402 = arith.index_cast %swap3A_401 : i32 to index
        %swap3A_403 = arith.index_cast %add3A_379 : i32 to index
        %swap3A_404 = arith.constant 16 : index
        %swap3A_405 = tpu.vector_load %arg11[%swap3A_402, %swap3A_403, %swap3A_404] {strides = array<i32>} : memref<3x64x128xf32, #tpu.memory_space<vmem>>, vector<16xf32>,
        tpu.vector_store %arg11[%swap3A_402, %swap3A_403, %swap3A_404], %mul3A_400 {strides = array<i32>} : memref<3x64x128xf32, #tpu.memory_space<vmem>>, vector<16xf32>,
        %get3A_406 = arith.constant 1 : i32
        %get3A_407 = arith.index_cast %get3A_406 : i32 to index
        %get3A_408 = arith.index_cast %add3A_379 : i32 to index
        %get3A_409 = arith.constant 32 : index
        %get3A_410 = tpu.vector_load %arg11[%get3A_407, %get3A_408, %get3A_409] {strides = array<i32>} : memref<3x64x128xf32, #tpu.memory_space<vmem>>, vector<16xf32>,
        %mul3A_411 = vector.broadcast %squeeze3A_381 : f32 to vector<16xf32>
        %mul3A_412 = arith.mulf %get3A_410, %mul3A_411 : vector<16xf32>
        %swap3A_413 = arith.constant 1 : i32
        %swap3A_414 = arith.index_cast %swap3A_413 : i32 to index
        %swap3A_415 = arith.index_cast %add3A_379 : i32 to index
        %swap3A_416 = arith.constant 32 : index
        %swap3A_417 = tpu.vector_load %arg11[%swap3A_414, %swap3A_415, %swap3A_416] {strides = array<i32>} : memref<3x64x128xf32, #tpu.memory_space<vmem>>, vector<16xf32>,
        tpu.vector_store %arg11[%swap3A_414, %swap3A_415, %swap3A_416], %mul3A_412 {strides = array<i32>} : memref<3x64x128xf32, #tpu.memory_space<vmem>>, vector<16xf32>,
        %get3A_418 = arith.constant 1 : i32
        %get3A_419 = arith.index_cast %get3A_418 : i32 to index
        %get3A_420 = arith.index_cast %add3A_379 : i32 to index
        %get3A_421 = arith.constant 48 : index
        %get3A_422 = tpu.vector_load %arg11[%get3A_419, %get3A_420, %get3A_421] {strides = array<i32>} : memref<3x64x128xf32, #tpu.memory_space<vmem>>, vector<16xf32>,
        %mul3A_423 = vector.broadcast %squeeze3A_381 : f32 to vector<16xf32>
        %mul3A_424 = arith.mulf %get3A_422, %mul3A_423 : vector<16xf32>
        %swap3A_425 = arith.constant 1 : i32
        %swap3A_426 = arith.index_cast %swap3A_425 : i32 to index
        %swap3A_427 = arith.index_cast %add3A_379 : i32 to index
        %swap3A_428 = arith.constant 48 : index
        %swap3A_429 = tpu.vector_load %arg11[%swap3A_426, %swap3A_427, %swap3A_428] {strides = array<i32>} : memref<3x64x128xf32, #tpu.memory_space<vmem>>, vector<16xf32>,
        tpu.vector_store %arg11[%swap3A_426, %swap3A_427, %swap3A_428], %mul3A_424 {strides = array<i32>} : memref<3x64x128xf32, #tpu.memory_space<vmem>>, vector<16xf32>,
        %get3A_430 = arith.constant 1 : i32
        %get3A_431 = arith.index_cast %get3A_430 : i32 to index
        %get3A_432 = arith.index_cast %add3A_379 : i32 to index
        %get3A_433 = arith.constant 64 : index
        %get3A_434 = tpu.vector_load %arg11[%get3A_431, %get3A_432, %get3A_433] {strides = array<i32>} : memref<3x64x128xf32, #tpu.memory_space<vmem>>, vector<16xf32>,
        %mul3A_435 = vector.broadcast %squeeze3A_381 : f32 to vector<16xf32>
        %mul3A_436 = arith.mulf %get3A_434, %mul3A_435 : vector<16xf32>
        %swap3A_437 = arith.constant 1 : i32
        %swap3A_438 = arith.index_cast %swap3A_437 : i32 to index
        %swap3A_439 = arith.index_cast %add3A_379 : i32 to index
        %swap3A_440 = arith.constant 64 : index
        %swap3A_441 = tpu.vector_load %arg11[%swap3A_438, %swap3A_439, %swap3A_440] {strides = array<i32>} : memref<3x64x128xf32, #tpu.memory_space<vmem>>, vector<16xf32>,
        tpu.vector_store %arg11[%swap3A_438, %swap3A_439, %swap3A_440], %mul3A_436 {strides = array<i32>} : memref<3x64x128xf32, #tpu.memory_space<vmem>>, vector<16xf32>,
        %mul3A_442 = arith.constant 16 : i32
        %mul3A_443 = arith.muli %scan3A_306, %mul3A_442 : i32
        %add3A_444 = arith.constant 2 : i32
        %add3A_445 = arith.addi %mul3A_443, %add3A_444 : i32
        %slice3A_446 = vector.extract_strided_slice %get3A_312 {offsets = [2], sizes = [1], strides = [1]} : vector<16xf32> to vector<1xf32>
        %squeeze3A_447 = vector.extract %slice3A_446[0] : f32 from vector<1xf32>
        %get3A_448 = arith.constant 1 : i32
        %get3A_449 = arith.index_cast %get3A_448 : i32 to index
        %get3A_450 = arith.index_cast %add3A_445 : i32 to index
        %get3A_451 = arith.constant 0 : index
        %get3A_452 = tpu.vector_load %arg11[%get3A_449, %get3A_450, %get3A_451] {strides = array<i32>} : memref<3x64x128xf32, #tpu.memory_space<vmem>>, vector<16xf32>,
        %mul3A_453 = vector.broadcast %squeeze3A_447 : f32 to vector<16xf32>
        %mul3A_454 = arith.mulf %get3A_452, %mul3A_453 : vector<16xf32>
        %swap3A_455 = arith.constant 1 : i32
        %swap3A_456 = arith.index_cast %swap3A_455 : i32 to index
        %swap3A_457 = arith.index_cast %add3A_445 : i32 to index
        %swap3A_458 = arith.constant 0 : index
        %swap3A_459 = tpu.vector_load %arg11[%swap3A_456, %swap3A_457, %swap3A_458] {strides = array<i32>} : memref<3x64x128xf32, #tpu.memory_space<vmem>>, vector<16xf32>,
        tpu.vector_store %arg11[%swap3A_456, %swap3A_457, %swap3A_458], %mul3A_454 {strides = array<i32>} : memref<3x64x128xf32, #tpu.memory_space<vmem>>, vector<16xf32>,
        %get3A_460 = arith.constant 1 : i32
        %get3A_461 = arith.index_cast %get3A_460 : i32 to index
        %get3A_462 = arith.index_cast %add3A_445 : i32 to index
        %get3A_463 = arith.constant 16 : index
        %get3A_464 = tpu.vector_load %arg11[%get3A_461, %get3A_462, %get3A_463] {strides = array<i32>} : memref<3x64x128xf32, #tpu.memory_space<vmem>>, vector<16xf32>,
        %mul3A_465 = vector.broadcast %squeeze3A_447 : f32 to vector<16xf32>
        %mul3A_466 = arith.mulf %get3A_464, %mul3A_465 : vector<16xf32>
        %swap3A_467 = arith.constant 1 : i32
        %swap3A_468 = arith.index_cast %swap3A_467 : i32 to index
        %swap3A_469 = arith.index_cast %add3A_445 : i32 to index
        %swap3A_470 = arith.constant 16 : index
        %swap3A_471 = tpu.vector_load %arg11[%swap3A_468, %swap3A_469, %swap3A_470] {strides = array<i32>} : memref<3x64x128xf32, #tpu.memory_space<vmem>>, vector<16xf32>,
        tpu.vector_store %arg11[%swap3A_468, %swap3A_469, %swap3A_470], %mul3A_466 {strides = array<i32>} : memref<3x64x128xf32, #tpu.memory_space<vmem>>, vector<16xf32>,
        %get3A_472 = arith.constant 1 : i32
        %get3A_473 = arith.index_cast %get3A_472 : i32 to index
        %get3A_474 = arith.index_cast %add3A_445 : i32 to index
        %get3A_475 = arith.constant 32 : index
        %get3A_476 = tpu.vector_load %arg11[%get3A_473, %get3A_474, %get3A_475] {strides = array<i32>} : memref<3x64x128xf32, #tpu.memory_space<vmem>>, vector<16xf32>,
        %mul3A_477 = vector.broadcast %squeeze3A_447 : f32 to vector<16xf32>
        %mul3A_478 = arith.mulf %get3A_476, %mul3A_477 : vector<16xf32>
        %swap3A_479 = arith.constant 1 : i32
        %swap3A_480 = arith.index_cast %swap3A_479 : i32 to index
        %swap3A_481 = arith.index_cast %add3A_445 : i32 to index
        %swap3A_482 = arith.constant 32 : index
        %swap3A_483 = tpu.vector_load %arg11[%swap3A_480, %swap3A_481, %swap3A_482] {strides = array<i32>} : memref<3x64x128xf32, #tpu.memory_space<vmem>>, vector<16xf32>,
        tpu.vector_store %arg11[%swap3A_480, %swap3A_481, %swap3A_482], %mul3A_478 {strides = array<i32>} : memref<3x64x128xf32, #tpu.memory_space<vmem>>, vector<16xf32>,
        %get3A_484 = arith.constant 1 : i32
        %get3A_485 = arith.index_cast %get3A_484 : i32 to index
        %get3A_486 = arith.index_cast %add3A_445 : i32 to index
        %get3A_487 = arith.constant 48 : index
        %get3A_488 = tpu.vector_load %arg11[%get3A_485, %get3A_486, %get3A_487] {strides = array<i32>} : memref<3x64x128xf32, #tpu.memory_space<vmem>>, vector<16xf32>,
        %mul3A_489 = vector.broadcast %squeeze3A_447 : f32 to vector<16xf32>
        %mul3A_490 = arith.mulf %get3A_488, %mul3A_489 : vector<16xf32>
        %swap3A_491 = arith.constant 1 : i32
        %swap3A_492 = arith.index_cast %swap3A_491 : i32 to index
        %swap3A_493 = arith.index_cast %add3A_445 : i32 to index
        %swap3A_494 = arith.constant 48 : index
        %swap3A_495 = tpu.vector_load %arg11[%swap3A_492, %swap3A_493, %swap3A_494] {strides = array<i32>} : memref<3x64x128xf32, #tpu.memory_space<vmem>>, vector<16xf32>,
        tpu.vector_store %arg11[%swap3A_492, %swap3A_493, %swap3A_494], %mul3A_490 {strides = array<i32>} : memref<3x64x128xf32, #tpu.memory_space<vmem>>, vector<16xf32>,
        %get3A_496 = arith.constant 1 : i32
        %get3A_497 = arith.index_cast %get3A_496 : i32 to index
        %get3A_498 = arith.index_cast %add3A_445 : i32 to index
        %get3A_499 = arith.constant 64 : index
        %get3A_500 = tpu.vector_load %arg11[%get3A_497, %get3A_498, %get3A_499] {strides = array<i32>} : memref<3x64x128xf32, #tpu.memory_space<vmem>>, vector<16xf32>,
        %mul3A_501 = vector.broadcast %squeeze3A_447 : f32 to vector<16xf32>
        %mul3A_502 = arith.mulf %get3A_500, %mul3A_501 : vector<16xf32>
        %swap3A_503 = arith.constant 1 : i32
        %swap3A_504 = arith.index_cast %swap3A_503 : i32 to index
        %swap3A_505 = arith.index_cast %add3A_445 : i32 to index
        %swap3A_506 = arith.constant 64 : index
        %swap3A_507 = tpu.vector_load %arg11[%swap3A_504, %swap3A_505, %swap3A_506] {strides = array<i32>} : memref<3x64x128xf32, #tpu.memory_space<vmem>>, vector<16xf32>,
        tpu.vector_store %arg11[%swap3A_504, %swap3A_505, %swap3A_506], %mul3A_502 {strides = array<i32>} : memref<3x64x128xf32, #tpu.memory_space<vmem>>, vector<16xf32>,
        %mul3A_508 = arith.constant 16 : i32
        %mul3A_509 = arith.muli %scan3A_306, %mul3A_508 : i32
        %add3A_510 = arith.constant 3 : i32
        %add3A_511 = arith.addi %mul3A_509, %add3A_510 : i32
        %slice3A_512 = vector.extract_strided_slice %get3A_312 {offsets = [3], sizes = [1], strides = [1]} : vector<16xf32> to vector<1xf32>
        %squeeze3A_513 = vector.extract %slice3A_512[0] : f32 from vector<1xf32>
        %get3A_514 = arith.constant 1 : i32
        %get3A_515 = arith.index_cast %get3A_514 : i32 to index
        %get3A_516 = arith.index_cast %add3A_511 : i32 to index
        %get3A_517 = arith.constant 0 : index
        %get3A_518 = tpu.vector_load %arg11[%get3A_515, %get3A_516, %get3A_517] {strides = array<i32>} : memref<3x64x128xf32, #tpu.memory_space<vmem>>, vector<16xf32>,
        %mul3A_519 = vector.broadcast %squeeze3A_513 : f32 to vector<16xf32>
        %mul3A_520 = arith.mulf %get3A_518, %mul3A_519 : vector<16xf32>
        %swap3A_521 = arith.constant 1 : i32
        %swap3A_522 = arith.index_cast %swap3A_521 : i32 to index
        %swap3A_523 = arith.index_cast %add3A_511 : i32 to index
        %swap3A_524 = arith.constant 0 : index
        %swap3A_525 = tpu.vector_load %arg11[%swap3A_522, %swap3A_523, %swap3A_524] {strides = array<i32>} : memref<3x64x128xf32, #tpu.memory_space<vmem>>, vector<16xf32>,
        tpu.vector_store %arg11[%swap3A_522, %swap3A_523, %swap3A_524], %mul3A_520 {strides = array<i32>} : memref<3x64x128xf32, #tpu.memory_space<vmem>>, vector<16xf32>,
        %get3A_526 = arith.constant 1 : i32
        %get3A_527 = arith.index_cast %get3A_526 : i32 to index
        %get3A_528 = arith.index_cast %add3A_511 : i32 to index
        %get3A_529 = arith.constant 16 : index
        %get3A_530 = tpu.vector_load %arg11[%get3A_527, %get3A_528, %get3A_529] {strides = array<i32>} : memref<3x64x128xf32, #tpu.memory_space<vmem>>, vector<16xf32>,
        %mul3A_531 = vector.broadcast %squeeze3A_513 : f32 to vector<16xf32>
        %mul3A_532 = arith.mulf %get3A_530, %mul3A_531 : vector<16xf32>
        %swap3A_533 = arith.constant 1 : i32
        %swap3A_534 = arith.index_cast %swap3A_533 : i32 to index
        %swap3A_535 = arith.index_cast %add3A_511 : i32 to index
        %swap3A_536 = arith.constant 16 : index
        %swap3A_537 = tpu.vector_load %arg11[%swap3A_534, %swap3A_535, %swap3A_536] {strides = array<i32>} : memref<3x64x128xf32, #tpu.memory_space<vmem>>, vector<16xf32>,
        tpu.vector_store %arg11[%swap3A_534, %swap3A_535, %swap3A_536], %mul3A_532 {strides = array<i32>} : memref<3x64x128xf32, #tpu.memory_space<vmem>>, vector<16xf32>,
        %get3A_538 = arith.constant 1 : i32
        %get3A_539 = arith.index_cast %get3A_538 : i32 to index
        %get3A_540 = arith.index_cast %add3A_511 : i32 to index
        %get3A_541 = arith.constant 32 : index
        %get3A_542 = tpu.vector_load %arg11[%get3A_539, %get3A_540, %get3A_541] {strides = array<i32>} : memref<3x64x128xf32, #tpu.memory_space<vmem>>, vector<16xf32>,
        %mul3A_543 = vector.broadcast %squeeze3A_513 : f32 to vector<16xf32>
        %mul3A_544 = arith.mulf %get3A_542, %mul3A_543 : vector<16xf32>
        %swap3A_545 = arith.constant 1 : i32
        %swap3A_546 = arith.index_cast %swap3A_545 : i32 to index
        %swap3A_547 = arith.index_cast %add3A_511 : i32 to index
        %swap3A_548 = arith.constant 32 : index
        %swap3A_549 = tpu.vector_load %arg11[%swap3A_546, %swap3A_547, %swap3A_548] {strides = array<i32>} : memref<3x64x128xf32, #tpu.memory_space<vmem>>, vector<16xf32>,
        tpu.vector_store %arg11[%swap3A_546, %swap3A_547, %swap3A_548], %mul3A_544 {strides = array<i32>} : memref<3x64x128xf32, #tpu.memory_space<vmem>>, vector<16xf32>,
        %get3A_550 = arith.constant 1 : i32
        %get3A_551 = arith.index_cast %get3A_550 : i32 to index
        %get3A_552 = arith.index_cast %add3A_511 : i32 to index
        %get3A_553 = arith.constant 48 : index
        %get3A_554 = tpu.vector_load %arg11[%get3A_551, %get3A_552, %get3A_553] {strides = array<i32>} : memref<3x64x128xf32, #tpu.memory_space<vmem>>, vector<16xf32>,
        %mul3A_555 = vector.broadcast %squeeze3A_513 : f32 to vector<16xf32>
        %mul3A_556 = arith.mulf %get3A_554, %mul3A_555 : vector<16xf32>
        %swap3A_557 = arith.constant 1 : i32
        %swap3A_558 = arith.index_cast %swap3A_557 : i32 to index
        %swap3A_559 = arith.index_cast %add3A_511 : i32 to index
        %swap3A_560 = arith.constant 48 : index
        %swap3A_561 = tpu.vector_load %arg11[%swap3A_558, %swap3A_559, %swap3A_560] {strides = array<i32>} : memref<3x64x128xf32, #tpu.memory_space<vmem>>, vector<16xf32>,
        tpu.vector_store %arg11[%swap3A_558, %swap3A_559, %swap3A_560], %mul3A_556 {strides = array<i32>} : memref<3x64x128xf32, #tpu.memory_space<vmem>>, vector<16xf32>,
        %get3A_562 = arith.constant 1 : i32
        %get3A_563 = arith.index_cast %get3A_562 : i32 to index
        %get3A_564 = arith.index_cast %add3A_511 : i32 to index
        %get3A_565 = arith.constant 64 : index
        %get3A_566 = tpu.vector_load %arg11[%get3A_563, %get3A_564, %get3A_565] {strides = array<i32>} : memref<3x64x128xf32, #tpu.memory_space<vmem>>, vector<16xf32>,
        %mul3A_567 = vector.broadcast %squeeze3A_513 : f32 to vector<16xf32>
        %mul3A_568 = arith.mulf %get3A_566, %mul3A_567 : vector<16xf32>
        %swap3A_569 = arith.constant 1 : i32
        %swap3A_570 = arith.index_cast %swap3A_569 : i32 to index
        %swap3A_571 = arith.index_cast %add3A_511 : i32 to index
        %swap3A_572 = arith.constant 64 : index
        %swap3A_573 = tpu.vector_load %arg11[%swap3A_570, %swap3A_571, %swap3A_572] {strides = array<i32>} : memref<3x64x128xf32, #tpu.memory_space<vmem>>, vector<16xf32>,
        tpu.vector_store %arg11[%swap3A_570, %swap3A_571, %swap3A_572], %mul3A_568 {strides = array<i32>} : memref<3x64x128xf32, #tpu.memory_space<vmem>>, vector<16xf32>,
        %mul3A_574 = arith.constant 16 : i32
        %mul3A_575 = arith.muli %scan3A_306, %mul3A_574 : i32
        %add3A_576 = arith.constant 4 : i32
        %add3A_577 = arith.addi %mul3A_575, %add3A_576 : i32
        %slice3A_578 = vector.extract_strided_slice %get3A_312 {offsets = [4], sizes = [1], strides = [1]} : vector<16xf32> to vector<1xf32>
        %squeeze3A_579 = vector.extract %slice3A_578[0] : f32 from vector<1xf32>
        %get3A_580 = arith.constant 1 : i32
        %get3A_581 = arith.index_cast %get3A_580 : i32 to index
        %get3A_582 = arith.index_cast %add3A_577 : i32 to index
        %get3A_583 = arith.constant 0 : index
        %get3A_584 = tpu.vector_load %arg11[%get3A_581, %get3A_582, %get3A_583] {strides = array<i32>} : memref<3x64x128xf32, #tpu.memory_space<vmem>>, vector<16xf32>,
        %mul3A_585 = vector.broadcast %squeeze3A_579 : f32 to vector<16xf32>
        %mul3A_586 = arith.mulf %get3A_584, %mul3A_585 : vector<16xf32>
        %swap3A_587 = arith.constant 1 : i32
        %swap3A_588 = arith.index_cast %swap3A_587 : i32 to index
        %swap3A_589 = arith.index_cast %add3A_577 : i32 to index
        %swap3A_590 = arith.constant 0 : index
        %swap3A_591 = tpu.vector_load %arg11[%swap3A_588, %swap3A_589, %swap3A_590] {strides = array<i32>} : memref<3x64x128xf32, #tpu.memory_space<vmem>>, vector<16xf32>,
        tpu.vector_store %arg11[%swap3A_588, %swap3A_589, %swap3A_590], %mul3A_586 {strides = array<i32>} : memref<3x64x128xf32, #tpu.memory_space<vmem>>, vector<16xf32>,
        %get3A_592 = arith.constant 1 : i32
        %get3A_593 = arith.index_cast %get3A_592 : i32 to index
        %get3A_594 = arith.index_cast %add3A_577 : i32 to index
        %get3A_595 = arith.constant 16 : index
        %get3A_596 = tpu.vector_load %arg11[%get3A_593, %get3A_594, %get3A_595] {strides = array<i32>} : memref<3x64x128xf32, #tpu.memory_space<vmem>>, vector<16xf32>,
        %mul3A_597 = vector.broadcast %squeeze3A_579 : f32 to vector<16xf32>
        %mul3A_598 = arith.mulf %get3A_596, %mul3A_597 : vector<16xf32>
        %swap3A_599 = arith.constant 1 : i32
        %swap3A_600 = arith.index_cast %swap3A_599 : i32 to index
        %swap3A_601 = arith.index_cast %add3A_577 : i32 to index
        %swap3A_602 = arith.constant 16 : index
        %swap3A_603 = tpu.vector_load %arg11[%swap3A_600, %swap3A_601, %swap3A_602] {strides = array<i32>} : memref<3x64x128xf32, #tpu.memory_space<vmem>>, vector<16xf32>,
        tpu.vector_store %arg11[%swap3A_600, %swap3A_601, %swap3A_602], %mul3A_598 {strides = array<i32>} : memref<3x64x128xf32, #tpu.memory_space<vmem>>, vector<16xf32>,
        %get3A_604 = arith.constant 1 : i32
        %get3A_605 = arith.index_cast %get3A_604 : i32 to index
        %get3A_606 = arith.index_cast %add3A_577 : i32 to index
        %get3A_607 = arith.constant 32 : index
        %get3A_608 = tpu.vector_load %arg11[%get3A_605, %get3A_606, %get3A_607] {strides = array<i32>} : memref<3x64x128xf32, #tpu.memory_space<vmem>>, vector<16xf32>,
        %mul3A_609 = vector.broadcast %squeeze3A_579 : f32 to vector<16xf32>
        %mul3A_610 = arith.mulf %get3A_608, %mul3A_609 : vector<16xf32>
        %swap3A_611 = arith.constant 1 : i32
        %swap3A_612 = arith.index_cast %swap3A_611 : i32 to index
        %swap3A_613 = arith.index_cast %add3A_577 : i32 to index
        %swap3A_614 = arith.constant 32 : index
        %swap3A_615 = tpu.vector_load %arg11[%swap3A_612, %swap3A_613, %swap3A_614] {strides = array<i32>} : memref<3x64x128xf32, #tpu.memory_space<vmem>>, vector<16xf32>,
        tpu.vector_store %arg11[%swap3A_612, %swap3A_613, %swap3A_614], %mul3A_610 {strides = array<i32>} : memref<3x64x128xf32, #tpu.memory_space<vmem>>, vector<16xf32>,
        %get3A_616 = arith.constant 1 : i32
        %get3A_617 = arith.index_cast %get3A_616 : i32 to index
        %get3A_618 = arith.index_cast %add3A_577 : i32 to index
        %get3A_619 = arith.constant 48 : index
        %get3A_620 = tpu.vector_load %arg11[%get3A_617, %get3A_618, %get3A_619] {strides = array<i32>} : memref<3x64x128xf32, #tpu.memory_space<vmem>>, vector<16xf32>,
        %mul3A_621 = vector.broadcast %squeeze3A_579 : f32 to vector<16xf32>
        %mul3A_622 = arith.mulf %get3A_620, %mul3A_621 : vector<16xf32>
        %swap3A_623 = arith.constant 1 : i32
        %swap3A_624 = arith.index_cast %swap3A_623 : i32 to index
        %swap3A_625 = arith.index_cast %add3A_577 : i32 to index
        %swap3A_626 = arith.constant 48 : index
        %swap3A_627 = tpu.vector_load %arg11[%swap3A_624, %swap3A_625, %swap3A_626] {strides = array<i32>} : memref<3x64x128xf32, #tpu.memory_space<vmem>>, vector<16xf32>,
        tpu.vector_store %arg11[%swap3A_624, %swap3A_625, %swap3A_626], %mul3A_622 {strides = array<i32>} : memref<3x64x128xf32, #tpu.memory_space<vmem>>, vector<16xf32>,
        %get3A_628 = arith.constant 1 : i32
        %get3A_629 = arith.index_cast %get3A_628 : i32 to index
        %get3A_630 = arith.index_cast %add3A_577 : i32 to index
        %get3A_631 = arith.constant 64 : index
        %get3A_632 = tpu.vector_load %arg11[%get3A_629, %get3A_630, %get3A_631] {strides = array<i32>} : memref<3x64x128xf32, #tpu.memory_space<vmem>>, vector<16xf32>,
        %mul3A_633 = vector.broadcast %squeeze3A_579 : f32 to vector<16xf32>
        %mul3A_634 = arith.mulf %get3A_632, %mul3A_633 : vector<16xf32>
        %swap3A_635 = arith.constant 1 : i32
        %swap3A_636 = arith.index_cast %swap3A_635 : i32 to index
        %swap3A_637 = arith.index_cast %add3A_577 : i32 to index
        %swap3A_638 = arith.constant 64 : index
        %swap3A_639 = tpu.vector_load %arg11[%swap3A_636, %swap3A_637, %swap3A_638] {strides = array<i32>} : memref<3x64x128xf32, #tpu.memory_space<vmem>>, vector<16xf32>,
        tpu.vector_store %arg11[%swap3A_636, %swap3A_637, %swap3A_638], %mul3A_634 {strides = array<i32>} : memref<3x64x128xf32, #tpu.memory_space<vmem>>, vector<16xf32>,
        %mul3A_640 = arith.constant 16 : i32
        %mul3A_641 = arith.muli %scan3A_306, %mul3A_640 : i32
        %add3A_642 = arith.constant 5 : i32
        %add3A_643 = arith.addi %mul3A_641, %add3A_642 : i32
        %slice3A_644 = vector.extract_strided_slice %get3A_312 {offsets = [5], sizes = [1], strides = [1]} : vector<16xf32> to vector<1xf32>
        %squeeze3A_645 = vector.extract %slice3A_644[0] : f32 from vector<1xf32>
        %get3A_646 = arith.constant 1 : i32
        %get3A_647 = arith.index_cast %get3A_646 : i32 to index
        %get3A_648 = arith.index_cast %add3A_643 : i32 to index
        %get3A_649 = arith.constant 0 : index
        %get3A_650 = tpu.vector_load %arg11[%get3A_647, %get3A_648, %get3A_649] {strides = array<i32>} : memref<3x64x128xf32, #tpu.memory_space<vmem>>, vector<16xf32>,
        %mul3A_651 = vector.broadcast %squeeze3A_645 : f32 to vector<16xf32>
        %mul3A_652 = arith.mulf %get3A_650, %mul3A_651 : vector<16xf32>
        %swap3A_653 = arith.constant 1 : i32
        %swap3A_654 = arith.index_cast %swap3A_653 : i32 to index
        %swap3A_655 = arith.index_cast %add3A_643 : i32 to index
        %swap3A_656 = arith.constant 0 : index
        %swap3A_657 = tpu.vector_load %arg11[%swap3A_654, %swap3A_655, %swap3A_656] {strides = array<i32>} : memref<3x64x128xf32, #tpu.memory_space<vmem>>, vector<16xf32>,
        tpu.vector_store %arg11[%swap3A_654, %swap3A_655, %swap3A_656], %mul3A_652 {strides = array<i32>} : memref<3x64x128xf32, #tpu.memory_space<vmem>>, vector<16xf32>,
        %get3A_658 = arith.constant 1 : i32
        %get3A_659 = arith.index_cast %get3A_658 : i32 to index
        %get3A_660 = arith.index_cast %add3A_643 : i32 to index
        %get3A_661 = arith.constant 16 : index
        %get3A_662 = tpu.vector_load %arg11[%get3A_659, %get3A_660, %get3A_661] {strides = array<i32>} : memref<3x64x128xf32, #tpu.memory_space<vmem>>, vector<16xf32>,
        %mul3A_663 = vector.broadcast %squeeze3A_645 : f32 to vector<16xf32>
        %mul3A_664 = arith.mulf %get3A_662, %mul3A_663 : vector<16xf32>
        %swap3A_665 = arith.constant 1 : i32
        %swap3A_666 = arith.index_cast %swap3A_665 : i32 to index
        %swap3A_667 = arith.index_cast %add3A_643 : i32 to index
        %swap3A_668 = arith.constant 16 : index
        %swap3A_669 = tpu.vector_load %arg11[%swap3A_666, %swap3A_667, %swap3A_668] {strides = array<i32>} : memref<3x64x128xf32, #tpu.memory_space<vmem>>, vector<16xf32>,
        tpu.vector_store %arg11[%swap3A_666, %swap3A_667, %swap3A_668], %mul3A_664 {strides = array<i32>} : memref<3x64x128xf32, #tpu.memory_space<vmem>>, vector<16xf32>,
        %get3A_670 = arith.constant 1 : i32
        %get3A_671 = arith.index_cast %get3A_670 : i32 to index
        %get3A_672 = arith.index_cast %add3A_643 : i32 to index
        %get3A_673 = arith.constant 32 : index
        %get3A_674 = tpu.vector_load %arg11[%get3A_671, %get3A_672, %get3A_673] {strides = array<i32>} : memref<3x64x128xf32, #tpu.memory_space<vmem>>, vector<16xf32>,
        %mul3A_675 = vector.broadcast %squeeze3A_645 : f32 to vector<16xf32>
        %mul3A_676 = arith.mulf %get3A_674, %mul3A_675 : vector<16xf32>
        %swap3A_677 = arith.constant 1 : i32
        %swap3A_678 = arith.index_cast %swap3A_677 : i32 to index
        %swap3A_679 = arith.index_cast %add3A_643 : i32 to index
        %swap3A_680 = arith.constant 32 : index
        %swap3A_681 = tpu.vector_load %arg11[%swap3A_678, %swap3A_679, %swap3A_680] {strides = array<i32>} : memref<3x64x128xf32, #tpu.memory_space<vmem>>, vector<16xf32>,
        tpu.vector_store %arg11[%swap3A_678, %swap3A_679, %swap3A_680], %mul3A_676 {strides = array<i32>} : memref<3x64x128xf32, #tpu.memory_space<vmem>>, vector<16xf32>,
        %get3A_682 = arith.constant 1 : i32
        %get3A_683 = arith.index_cast %get3A_682 : i32 to index
        %get3A_684 = arith.index_cast %add3A_643 : i32 to index
        %get3A_685 = arith.constant 48 : index
        %get3A_686 = tpu.vector_load %arg11[%get3A_683, %get3A_684, %get3A_685] {strides = array<i32>} : memref<3x64x128xf32, #tpu.memory_space<vmem>>, vector<16xf32>,
        %mul3A_687 = vector.broadcast %squeeze3A_645 : f32 to vector<16xf32>
        %mul3A_688 = arith.mulf %get3A_686, %mul3A_687 : vector<16xf32>
        %swap3A_689 = arith.constant 1 : i32
        %swap3A_690 = arith.index_cast %swap3A_689 : i32 to index
        %swap3A_691 = arith.index_cast %add3A_643 : i32 to index
        %swap3A_692 = arith.constant 48 : index
        %swap3A_693 = tpu.vector_load %arg11[%swap3A_690, %swap3A_691, %swap3A_692] {strides = array<i32>} : memref<3x64x128xf32, #tpu.memory_space<vmem>>, vector<16xf32>,
        tpu.vector_store %arg11[%swap3A_690, %swap3A_691, %swap3A_692], %mul3A_688 {strides = array<i32>} : memref<3x64x128xf32, #tpu.memory_space<vmem>>, vector<16xf32>,
        %get3A_694 = arith.constant 1 : i32
        %get3A_695 = arith.index_cast %get3A_694 : i32 to index
        %get3A_696 = arith.index_cast %add3A_643 : i32 to index
        %get3A_697 = arith.constant 64 : index
        %get3A_698 = tpu.vector_load %arg11[%get3A_695, %get3A_696, %get3A_697] {strides = array<i32>} : memref<3x64x128xf32, #tpu.memory_space<vmem>>, vector<16xf32>,
        %mul3A_699 = vector.broadcast %squeeze3A_645 : f32 to vector<16xf32>
        %mul3A_700 = arith.mulf %get3A_698, %mul3A_699 : vector<16xf32>
        %swap3A_701 = arith.constant 1 : i32
        %swap3A_702 = arith.index_cast %swap3A_701 : i32 to index
        %swap3A_703 = arith.index_cast %add3A_643 : i32 to index
        %swap3A_704 = arith.constant 64 : index
        %swap3A_705 = tpu.vector_load %arg11[%swap3A_702, %swap3A_703, %swap3A_704] {strides = array<i32>} : memref<3x64x128xf32, #tpu.memory_space<vmem>>, vector<16xf32>,
        tpu.vector_store %arg11[%swap3A_702, %swap3A_703, %swap3A_704], %mul3A_700 {strides = array<i32>} : memref<3x64x128xf32, #tpu.memory_space<vmem>>, vector<16xf32>,
        %mul3A_706 = arith.constant 16 : i32
        %mul3A_707 = arith.muli %scan3A_306, %mul3A_706 : i32
        %add3A_708 = arith.constant 6 : i32
        %add3A_709 = arith.addi %mul3A_707, %add3A_708 : i32
        %slice3A_710 = vector.extract_strided_slice %get3A_312 {offsets = [6], sizes = [1], strides = [1]} : vector<16xf32> to vector<1xf32>
        %squeeze3A_711 = vector.extract %slice3A_710[0] : f32 from vector<1xf32>
        %get3A_712 = arith.constant 1 : i32
        %get3A_713 = arith.index_cast %get3A_712 : i32 to index
        %get3A_714 = arith.index_cast %add3A_709 : i32 to index
        %get3A_715 = arith.constant 0 : index
        %get3A_716 = tpu.vector_load %arg11[%get3A_713, %get3A_714, %get3A_715] {strides = array<i32>} : memref<3x64x128xf32, #tpu.memory_space<vmem>>, vector<16xf32>,
        %mul3A_717 = vector.broadcast %squeeze3A_711 : f32 to vector<16xf32>
        %mul3A_718 = arith.mulf %get3A_716, %mul3A_717 : vector<16xf32>
        %swap3A_719 = arith.constant 1 : i32
        %swap3A_720 = arith.index_cast %swap3A_719 : i32 to index
        %swap3A_721 = arith.index_cast %add3A_709 : i32 to index
        %swap3A_722 = arith.constant 0 : index
        %swap3A_723 = tpu.vector_load %arg11[%swap3A_720, %swap3A_721, %swap3A_722] {strides = array<i32>} : memref<3x64x128xf32, #tpu.memory_space<vmem>>, vector<16xf32>,
        tpu.vector_store %arg11[%swap3A_720, %swap3A_721, %swap3A_722], %mul3A_718 {strides = array<i32>} : memref<3x64x128xf32, #tpu.memory_space<vmem>>, vector<16xf32>,
        %get3A_724 = arith.constant 1 : i32
        %get3A_725 = arith.index_cast %get3A_724 : i32 to index
        %get3A_726 = arith.index_cast %add3A_709 : i32 to index
        %get3A_727 = arith.constant 16 : index
        %get3A_728 = tpu.vector_load %arg11[%get3A_725, %get3A_726, %get3A_727] {strides = array<i32>} : memref<3x64x128xf32, #tpu.memory_space<vmem>>, vector<16xf32>,
        %mul3A_729 = vector.broadcast %squeeze3A_711 : f32 to vector<16xf32>
        %mul3A_730 = arith.mulf %get3A_728, %mul3A_729 : vector<16xf32>
        %swap3A_731 = arith.constant 1 : i32
        %swap3A_732 = arith.index_cast %swap3A_731 : i32 to index
        %swap3A_733 = arith.index_cast %add3A_709 : i32 to index
        %swap3A_734 = arith.constant 16 : index
        %swap3A_735 = tpu.vector_load %arg11[%swap3A_732, %swap3A_733, %swap3A_734] {strides = array<i32>} : memref<3x64x128xf32, #tpu.memory_space<vmem>>, vector<16xf32>,
        tpu.vector_store %arg11[%swap3A_732, %swap3A_733, %swap3A_734], %mul3A_730 {strides = array<i32>} : memref<3x64x128xf32, #tpu.memory_space<vmem>>, vector<16xf32>,
        %get3A_736 = arith.constant 1 : i32
        %get3A_737 = arith.index_cast %get3A_736 : i32 to index
        %get3A_738 = arith.index_cast %add3A_709 : i32 to index
        %get3A_739 = arith.constant 32 : index
        %get3A_740 = tpu.vector_load %arg11[%get3A_737, %get3A_738, %get3A_739] {strides = array<i32>} : memref<3x64x128xf32, #tpu.memory_space<vmem>>, vector<16xf32>,
        %mul3A_741 = vector.broadcast %squeeze3A_711 : f32 to vector<16xf32>
        %mul3A_742 = arith.mulf %get3A_740, %mul3A_741 : vector<16xf32>
        %swap3A_743 = arith.constant 1 : i32
        %swap3A_744 = arith.index_cast %swap3A_743 : i32 to index
        %swap3A_745 = arith.index_cast %add3A_709 : i32 to index
        %swap3A_746 = arith.constant 32 : index
        %swap3A_747 = tpu.vector_load %arg11[%swap3A_744, %swap3A_745, %swap3A_746] {strides = array<i32>} : memref<3x64x128xf32, #tpu.memory_space<vmem>>, vector<16xf32>,
        tpu.vector_store %arg11[%swap3A_744, %swap3A_745, %swap3A_746], %mul3A_742 {strides = array<i32>} : memref<3x64x128xf32, #tpu.memory_space<vmem>>, vector<16xf32>,
        %get3A_748 = arith.constant 1 : i32
        %get3A_749 = arith.index_cast %get3A_748 : i32 to index
        %get3A_750 = arith.index_cast %add3A_709 : i32 to index
        %get3A_751 = arith.constant 48 : index
        %get3A_752 = tpu.vector_load %arg11[%get3A_749, %get3A_750, %get3A_751] {strides = array<i32>} : memref<3x64x128xf32, #tpu.memory_space<vmem>>, vector<16xf32>,
        %mul3A_753 = vector.broadcast %squeeze3A_711 : f32 to vector<16xf32>
        %mul3A_754 = arith.mulf %get3A_752, %mul3A_753 : vector<16xf32>
        %swap3A_755 = arith.constant 1 : i32
        %swap3A_756 = arith.index_cast %swap3A_755 : i32 to index
        %swap3A_757 = arith.index_cast %add3A_709 : i32 to index
        %swap3A_758 = arith.constant 48 : index
        %swap3A_759 = tpu.vector_load %arg11[%swap3A_756, %swap3A_757, %swap3A_758] {strides = array<i32>} : memref<3x64x128xf32, #tpu.memory_space<vmem>>, vector<16xf32>,
        tpu.vector_store %arg11[%swap3A_756, %swap3A_757, %swap3A_758], %mul3A_754 {strides = array<i32>} : memref<3x64x128xf32, #tpu.memory_space<vmem>>, vector<16xf32>,
        %get3A_760 = arith.constant 1 : i32
        %get3A_761 = arith.index_cast %get3A_760 : i32 to index
        %get3A_762 = arith.index_cast %add3A_709 : i32 to index
        %get3A_763 = arith.constant 64 : index
        %get3A_764 = tpu.vector_load %arg11[%get3A_761, %get3A_762, %get3A_763] {strides = array<i32>} : memref<3x64x128xf32, #tpu.memory_space<vmem>>, vector<16xf32>,
        %mul3A_765 = vector.broadcast %squeeze3A_711 : f32 to vector<16xf32>
        %mul3A_766 = arith.mulf %get3A_764, %mul3A_765 : vector<16xf32>
        %swap3A_767 = arith.constant 1 : i32
        %swap3A_768 = arith.index_cast %swap3A_767 : i32 to index
        %swap3A_769 = arith.index_cast %add3A_709 : i32 to index
        %swap3A_770 = arith.constant 64 : index
        %swap3A_771 = tpu.vector_load %arg11[%swap3A_768, %swap3A_769, %swap3A_770] {strides = array<i32>} : memref<3x64x128xf32, #tpu.memory_space<vmem>>, vector<16xf32>,
        tpu.vector_store %arg11[%swap3A_768, %swap3A_769, %swap3A_770], %mul3A_766 {strides = array<i32>} : memref<3x64x128xf32, #tpu.memory_space<vmem>>, vector<16xf32>,
        %mul3A_772 = arith.constant 16 : i32
        %mul3A_773 = arith.muli %scan3A_306, %mul3A_772 : i32
        %add3A_774 = arith.constant 7 : i32
        %add3A_775 = arith.addi %mul3A_773, %add3A_774 : i32
        %slice3A_776 = vector.extract_strided_slice %get3A_312 {offsets = [7], sizes = [1], strides = [1]} : vector<16xf32> to vector<1xf32>
        %squeeze3A_777 = vector.extract %slice3A_776[0] : f32 from vector<1xf32>
        %get3A_778 = arith.constant 1 : i32
        %get3A_779 = arith.index_cast %get3A_778 : i32 to index
        %get3A_780 = arith.index_cast %add3A_775 : i32 to index
        %get3A_781 = arith.constant 0 : index
        %get3A_782 = tpu.vector_load %arg11[%get3A_779, %get3A_780, %get3A_781] {strides = array<i32>} : memref<3x64x128xf32, #tpu.memory_space<vmem>>, vector<16xf32>,
        %mul3A_783 = vector.broadcast %squeeze3A_777 : f32 to vector<16xf32>
        %mul3A_784 = arith.mulf %get3A_782, %mul3A_783 : vector<16xf32>
        %swap3A_785 = arith.constant 1 : i32
        %swap3A_786 = arith.index_cast %swap3A_785 : i32 to index
        %swap3A_787 = arith.index_cast %add3A_775 : i32 to index
        %swap3A_788 = arith.constant 0 : index
        %swap3A_789 = tpu.vector_load %arg11[%swap3A_786, %swap3A_787, %swap3A_788] {strides = array<i32>} : memref<3x64x128xf32, #tpu.memory_space<vmem>>, vector<16xf32>,
        tpu.vector_store %arg11[%swap3A_786, %swap3A_787, %swap3A_788], %mul3A_784 {strides = array<i32>} : memref<3x64x128xf32, #tpu.memory_space<vmem>>, vector<16xf32>,
        %get3A_790 = arith.constant 1 : i32
        %get3A_791 = arith.index_cast %get3A_790 : i32 to index
        %get3A_792 = arith.index_cast %add3A_775 : i32 to index
        %get3A_793 = arith.constant 16 : index
        %get3A_794 = tpu.vector_load %arg11[%get3A_791, %get3A_792, %get3A_793] {strides = array<i32>} : memref<3x64x128xf32, #tpu.memory_space<vmem>>, vector<16xf32>,
        %mul3A_795 = vector.broadcast %squeeze3A_777 : f32 to vector<16xf32>
        %mul3A_796 = arith.mulf %get3A_794, %mul3A_795 : vector<16xf32>
        %swap3A_797 = arith.constant 1 : i32
        %swap3A_798 = arith.index_cast %swap3A_797 : i32 to index
        %swap3A_799 = arith.index_cast %add3A_775 : i32 to index
        %swap3A_800 = arith.constant 16 : index
        %swap3A_801 = tpu.vector_load %arg11[%swap3A_798, %swap3A_799, %swap3A_800] {strides = array<i32>} : memref<3x64x128xf32, #tpu.memory_space<vmem>>, vector<16xf32>,
        tpu.vector_store %arg11[%swap3A_798, %swap3A_799, %swap3A_800], %mul3A_796 {strides = array<i32>} : memref<3x64x128xf32, #tpu.memory_space<vmem>>, vector<16xf32>,
        %get3A_802 = arith.constant 1 : i32
        %get3A_803 = arith.index_cast %get3A_802 : i32 to index
        %get3A_804 = arith.index_cast %add3A_775 : i32 to index
        %get3A_805 = arith.constant 32 : index
        %get3A_806 = tpu.vector_load %arg11[%get3A_803, %get3A_804, %get3A_805] {strides = array<i32>} : memref<3x64x128xf32, #tpu.memory_space<vmem>>, vector<16xf32>,
        %mul3A_807 = vector.broadcast %squeeze3A_777 : f32 to vector<16xf32>
        %mul3A_808 = arith.mulf %get3A_806, %mul3A_807 : vector<16xf32>
        %swap3A_809 = arith.constant 1 : i32
        %swap3A_810 = arith.index_cast %swap3A_809 : i32 to index
        %swap3A_811 = arith.index_cast %add3A_775 : i32 to index
        %swap3A_812 = arith.constant 32 : index
        %swap3A_813 = tpu.vector_load %arg11[%swap3A_810, %swap3A_811, %swap3A_812] {strides = array<i32>} : memref<3x64x128xf32, #tpu.memory_space<vmem>>, vector<16xf32>,
        tpu.vector_store %arg11[%swap3A_810, %swap3A_811, %swap3A_812], %mul3A_808 {strides = array<i32>} : memref<3x64x128xf32, #tpu.memory_space<vmem>>, vector<16xf32>,
        %get3A_814 = arith.constant 1 : i32
        %get3A_815 = arith.index_cast %get3A_814 : i32 to index
        %get3A_816 = arith.index_cast %add3A_775 : i32 to index
        %get3A_817 = arith.constant 48 : index
        %get3A_818 = tpu.vector_load %arg11[%get3A_815, %get3A_816, %get3A_817] {strides = array<i32>} : memref<3x64x128xf32, #tpu.memory_space<vmem>>, vector<16xf32>,
        %mul3A_819 = vector.broadcast %squeeze3A_777 : f32 to vector<16xf32>
        %mul3A_820 = arith.mulf %get3A_818, %mul3A_819 : vector<16xf32>
        %swap3A_821 = arith.constant 1 : i32
        %swap3A_822 = arith.index_cast %swap3A_821 : i32 to index
        %swap3A_823 = arith.index_cast %add3A_775 : i32 to index
        %swap3A_824 = arith.constant 48 : index
        %swap3A_825 = tpu.vector_load %arg11[%swap3A_822, %swap3A_823, %swap3A_824] {strides = array<i32>} : memref<3x64x128xf32, #tpu.memory_space<vmem>>, vector<16xf32>,
        tpu.vector_store %arg11[%swap3A_822, %swap3A_823, %swap3A_824], %mul3A_820 {strides = array<i32>} : memref<3x64x128xf32, #tpu.memory_space<vmem>>, vector<16xf32>,
        %get3A_826 = arith.constant 1 : i32
        %get3A_827 = arith.index_cast %get3A_826 : i32 to index
        %get3A_828 = arith.index_cast %add3A_775 : i32 to index
        %get3A_829 = arith.constant 64 : index
        %get3A_830 = tpu.vector_load %arg11[%get3A_827, %get3A_828, %get3A_829] {strides = array<i32>} : memref<3x64x128xf32, #tpu.memory_space<vmem>>, vector<16xf32>,
        %mul3A_831 = vector.broadcast %squeeze3A_777 : f32 to vector<16xf32>
        %mul3A_832 = arith.mulf %get3A_830, %mul3A_831 : vector<16xf32>
        %swap3A_833 = arith.constant 1 : i32
        %swap3A_834 = arith.index_cast %swap3A_833 : i32 to index
        %swap3A_835 = arith.index_cast %add3A_775 : i32 to index
        %swap3A_836 = arith.constant 64 : index
        %swap3A_837 = tpu.vector_load %arg11[%swap3A_834, %swap3A_835, %swap3A_836] {strides = array<i32>} : memref<3x64x128xf32, #tpu.memory_space<vmem>>, vector<16xf32>,
        tpu.vector_store %arg11[%swap3A_834, %swap3A_835, %swap3A_836], %mul3A_832 {strides = array<i32>} : memref<3x64x128xf32, #tpu.memory_space<vmem>>, vector<16xf32>,
        %mul3A_838 = arith.constant 16 : i32
        %mul3A_839 = arith.muli %scan3A_306, %mul3A_838 : i32
        %add3A_840 = arith.constant 8 : i32
        %add3A_841 = arith.addi %mul3A_839, %add3A_840 : i32
        %slice3A_842 = vector.extract_strided_slice %get3A_312 {offsets = [8], sizes = [1], strides = [1]} : vector<16xf32> to vector<1xf32>
        %squeeze3A_843 = vector.extract %slice3A_842[0] : f32 from vector<1xf32>
        %get3A_844 = arith.constant 1 : i32
        %get3A_845 = arith.index_cast %get3A_844 : i32 to index
        %get3A_846 = arith.index_cast %add3A_841 : i32 to index
        %get3A_847 = arith.constant 0 : index
        %get3A_848 = tpu.vector_load %arg11[%get3A_845, %get3A_846, %get3A_847] {strides = array<i32>} : memref<3x64x128xf32, #tpu.memory_space<vmem>>, vector<16xf32>,
        %mul3A_849 = vector.broadcast %squeeze3A_843 : f32 to vector<16xf32>
        %mul3A_850 = arith.mulf %get3A_848, %mul3A_849 : vector<16xf32>
        %swap3A_851 = arith.constant 1 : i32
        %swap3A_852 = arith.index_cast %swap3A_851 : i32 to index
        %swap3A_853 = arith.index_cast %add3A_841 : i32 to index
        %swap3A_854 = arith.constant 0 : index
        %swap3A_855 = tpu.vector_load %arg11[%swap3A_852, %swap3A_853, %swap3A_854] {strides = array<i32>} : memref<3x64x128xf32, #tpu.memory_space<vmem>>, vector<16xf32>,
        tpu.vector_store %arg11[%swap3A_852, %swap3A_853, %swap3A_854], %mul3A_850 {strides = array<i32>} : memref<3x64x128xf32, #tpu.memory_space<vmem>>, vector<16xf32>,
        %get3A_856 = arith.constant 1 : i32
        %get3A_857 = arith.index_cast %get3A_856 : i32 to index
        %get3A_858 = arith.index_cast %add3A_841 : i32 to index
        %get3A_859 = arith.constant 16 : index
        %get3A_860 = tpu.vector_load %arg11[%get3A_857, %get3A_858, %get3A_859] {strides = array<i32>} : memref<3x64x128xf32, #tpu.memory_space<vmem>>, vector<16xf32>,
        %mul3A_861 = vector.broadcast %squeeze3A_843 : f32 to vector<16xf32>
        %mul3A_862 = arith.mulf %get3A_860, %mul3A_861 : vector<16xf32>
        %swap3A_863 = arith.constant 1 : i32
        %swap3A_864 = arith.index_cast %swap3A_863 : i32 to index
        %swap3A_865 = arith.index_cast %add3A_841 : i32 to index
        %swap3A_866 = arith.constant 16 : index
        %swap3A_867 = tpu.vector_load %arg11[%swap3A_864, %swap3A_865, %swap3A_866] {strides = array<i32>} : memref<3x64x128xf32, #tpu.memory_space<vmem>>, vector<16xf32>,
        tpu.vector_store %arg11[%swap3A_864, %swap3A_865, %swap3A_866], %mul3A_862 {strides = array<i32>} : memref<3x64x128xf32, #tpu.memory_space<vmem>>, vector<16xf32>,
        %get3A_868 = arith.constant 1 : i32
        %get3A_869 = arith.index_cast %get3A_868 : i32 to index
        %get3A_870 = arith.index_cast %add3A_841 : i32 to index
        %get3A_871 = arith.constant 32 : index
        %get3A_872 = tpu.vector_load %arg11[%get3A_869, %get3A_870, %get3A_871] {strides = array<i32>} : memref<3x64x128xf32, #tpu.memory_space<vmem>>, vector<16xf32>,
        %mul3A_873 = vector.broadcast %squeeze3A_843 : f32 to vector<16xf32>
        %mul3A_874 = arith.mulf %get3A_872, %mul3A_873 : vector<16xf32>
        %swap3A_875 = arith.constant 1 : i32
        %swap3A_876 = arith.index_cast %swap3A_875 : i32 to index
        %swap3A_877 = arith.index_cast %add3A_841 : i32 to index
        %swap3A_878 = arith.constant 32 : index
        %swap3A_879 = tpu.vector_load %arg11[%swap3A_876, %swap3A_877, %swap3A_878] {strides = array<i32>} : memref<3x64x128xf32, #tpu.memory_space<vmem>>, vector<16xf32>,
        tpu.vector_store %arg11[%swap3A_876, %swap3A_877, %swap3A_878], %mul3A_874 {strides = array<i32>} : memref<3x64x128xf32, #tpu.memory_space<vmem>>, vector<16xf32>,
        %get3A_880 = arith.constant 1 : i32
        %get3A_881 = arith.index_cast %get3A_880 : i32 to index
        %get3A_882 = arith.index_cast %add3A_841 : i32 to index
        %get3A_883 = arith.constant 48 : index
        %get3A_884 = tpu.vector_load %arg11[%get3A_881, %get3A_882, %get3A_883] {strides = array<i32>} : memref<3x64x128xf32, #tpu.memory_space<vmem>>, vector<16xf32>,
        %mul3A_885 = vector.broadcast %squeeze3A_843 : f32 to vector<16xf32>
        %mul3A_886 = arith.mulf %get3A_884, %mul3A_885 : vector<16xf32>
        %swap3A_887 = arith.constant 1 : i32
        %swap3A_888 = arith.index_cast %swap3A_887 : i32 to index
        %swap3A_889 = arith.index_cast %add3A_841 : i32 to index
        %swap3A_890 = arith.constant 48 : index
        %swap3A_891 = tpu.vector_load %arg11[%swap3A_888, %swap3A_889, %swap3A_890] {strides = array<i32>} : memref<3x64x128xf32, #tpu.memory_space<vmem>>, vector<16xf32>,
        tpu.vector_store %arg11[%swap3A_888, %swap3A_889, %swap3A_890], %mul3A_886 {strides = array<i32>} : memref<3x64x128xf32, #tpu.memory_space<vmem>>, vector<16xf32>,
        %get3A_892 = arith.constant 1 : i32
        %get3A_893 = arith.index_cast %get3A_892 : i32 to index
        %get3A_894 = arith.index_cast %add3A_841 : i32 to index
        %get3A_895 = arith.constant 64 : index
        %get3A_896 = tpu.vector_load %arg11[%get3A_893, %get3A_894, %get3A_895] {strides = array<i32>} : memref<3x64x128xf32, #tpu.memory_space<vmem>>, vector<16xf32>,
        %mul3A_897 = vector.broadcast %squeeze3A_843 : f32 to vector<16xf32>
        %mul3A_898 = arith.mulf %get3A_896, %mul3A_897 : vector<16xf32>
        %swap3A_899 = arith.constant 1 : i32
        %swap3A_900 = arith.index_cast %swap3A_899 : i32 to index
        %swap3A_901 = arith.index_cast %add3A_841 : i32 to index
        %swap3A_902 = arith.constant 64 : index
        %swap3A_903 = tpu.vector_load %arg11[%swap3A_900, %swap3A_901, %swap3A_902] {strides = array<i32>} : memref<3x64x128xf32, #tpu.memory_space<vmem>>, vector<16xf32>,
        tpu.vector_store %arg11[%swap3A_900, %swap3A_901, %swap3A_902], %mul3A_898 {strides = array<i32>} : memref<3x64x128xf32, #tpu.memory_space<vmem>>, vector<16xf32>,
        %mul3A_904 = arith.constant 16 : i32
        %mul3A_905 = arith.muli %scan3A_306, %mul3A_904 : i32
        %add3A_906 = arith.constant 9 : i32
        %add3A_907 = arith.addi %mul3A_905, %add3A_906 : i32
        %slice3A_908 = vector.extract_strided_slice %get3A_312 {offsets = [9], sizes = [1], strides = [1]} : vector<16xf32> to vector<1xf32>
        %squeeze3A_909 = vector.extract %slice3A_908[0] : f32 from vector<1xf32>
        %get3A_910 = arith.constant 1 : i32
        %get3A_911 = arith.index_cast %get3A_910 : i32 to index
        %get3A_912 = arith.index_cast %add3A_907 : i32 to index
        %get3A_913 = arith.constant 0 : index
        %get3A_914 = tpu.vector_load %arg11[%get3A_911, %get3A_912, %get3A_913] {strides = array<i32>} : memref<3x64x128xf32, #tpu.memory_space<vmem>>, vector<16xf32>,
        %mul3A_915 = vector.broadcast %squeeze3A_909 : f32 to vector<16xf32>
        %mul3A_916 = arith.mulf %get3A_914, %mul3A_915 : vector<16xf32>
        %swap3A_917 = arith.constant 1 : i32
        %swap3A_918 = arith.index_cast %swap3A_917 : i32 to index
        %swap3A_919 = arith.index_cast %add3A_907 : i32 to index
        %swap3A_920 = arith.constant 0 : index
        %swap3A_921 = tpu.vector_load %arg11[%swap3A_918, %swap3A_919, %swap3A_920] {strides = array<i32>} : memref<3x64x128xf32, #tpu.memory_space<vmem>>, vector<16xf32>,
        tpu.vector_store %arg11[%swap3A_918, %swap3A_919, %swap3A_920], %mul3A_916 {strides = array<i32>} : memref<3x64x128xf32, #tpu.memory_space<vmem>>, vector<16xf32>,
        %get3A_922 = arith.constant 1 : i32
        %get3A_923 = arith.index_cast %get3A_922 : i32 to index
        %get3A_924 = arith.index_cast %add3A_907 : i32 to index
        %get3A_925 = arith.constant 16 : index
        %get3A_926 = tpu.vector_load %arg11[%get3A_923, %get3A_924, %get3A_925] {strides = array<i32>} : memref<3x64x128xf32, #tpu.memory_space<vmem>>, vector<16xf32>,
        %mul3A_927 = vector.broadcast %squeeze3A_909 : f32 to vector<16xf32>
        %mul3A_928 = arith.mulf %get3A_926, %mul3A_927 : vector<16xf32>
        %swap3A_929 = arith.constant 1 : i32
        %swap3A_930 = arith.index_cast %swap3A_929 : i32 to index
        %swap3A_931 = arith.index_cast %add3A_907 : i32 to index
        %swap3A_932 = arith.constant 16 : index
        %swap3A_933 = tpu.vector_load %arg11[%swap3A_930, %swap3A_931, %swap3A_932] {strides = array<i32>} : memref<3x64x128xf32, #tpu.memory_space<vmem>>, vector<16xf32>,
        tpu.vector_store %arg11[%swap3A_930, %swap3A_931, %swap3A_932], %mul3A_928 {strides = array<i32>} : memref<3x64x128xf32, #tpu.memory_space<vmem>>, vector<16xf32>,
        %get3A_934 = arith.constant 1 : i32
        %get3A_935 = arith.index_cast %get3A_934 : i32 to index
        %get3A_936 = arith.index_cast %add3A_907 : i32 to index
        %get3A_937 = arith.constant 32 : index
        %get3A_938 = tpu.vector_load %arg11[%get3A_935, %get3A_936, %get3A_937] {strides = array<i32>} : memref<3x64x128xf32, #tpu.memory_space<vmem>>, vector<16xf32>,
        %mul3A_939 = vector.broadcast %squeeze3A_909 : f32 to vector<16xf32>
        %mul3A_940 = arith.mulf %get3A_938, %mul3A_939 : vector<16xf32>
        %swap3A_941 = arith.constant 1 : i32
        %swap3A_942 = arith.index_cast %swap3A_941 : i32 to index
        %swap3A_943 = arith.index_cast %add3A_907 : i32 to index
        %swap3A_944 = arith.constant 32 : index
        %swap3A_945 = tpu.vector_load %arg11[%swap3A_942, %swap3A_943, %swap3A_944] {strides = array<i32>} : memref<3x64x128xf32, #tpu.memory_space<vmem>>, vector<16xf32>,
        tpu.vector_store %arg11[%swap3A_942, %swap3A_943, %swap3A_944], %mul3A_940 {strides = array<i32>} : memref<3x64x128xf32, #tpu.memory_space<vmem>>, vector<16xf32>,
        %get3A_946 = arith.constant 1 : i32
        %get3A_947 = arith.index_cast %get3A_946 : i32 to index
        %get3A_948 = arith.index_cast %add3A_907 : i32 to index
        %get3A_949 = arith.constant 48 : index
        %get3A_950 = tpu.vector_load %arg11[%get3A_947, %get3A_948, %get3A_949] {strides = array<i32>} : memref<3x64x128xf32, #tpu.memory_space<vmem>>, vector<16xf32>,
        %mul3A_951 = vector.broadcast %squeeze3A_909 : f32 to vector<16xf32>
        %mul3A_952 = arith.mulf %get3A_950, %mul3A_951 : vector<16xf32>
        %swap3A_953 = arith.constant 1 : i32
        %swap3A_954 = arith.index_cast %swap3A_953 : i32 to index
        %swap3A_955 = arith.index_cast %add3A_907 : i32 to index
        %swap3A_956 = arith.constant 48 : index
        %swap3A_957 = tpu.vector_load %arg11[%swap3A_954, %swap3A_955, %swap3A_956] {strides = array<i32>} : memref<3x64x128xf32, #tpu.memory_space<vmem>>, vector<16xf32>,
        tpu.vector_store %arg11[%swap3A_954, %swap3A_955, %swap3A_956], %mul3A_952 {strides = array<i32>} : memref<3x64x128xf32, #tpu.memory_space<vmem>>, vector<16xf32>,
        %get3A_958 = arith.constant 1 : i32
        %get3A_959 = arith.index_cast %get3A_958 : i32 to index
        %get3A_960 = arith.index_cast %add3A_907 : i32 to index
        %get3A_961 = arith.constant 64 : index
        %get3A_962 = tpu.vector_load %arg11[%get3A_959, %get3A_960, %get3A_961] {strides = array<i32>} : memref<3x64x128xf32, #tpu.memory_space<vmem>>, vector<16xf32>,
        %mul3A_963 = vector.broadcast %squeeze3A_909 : f32 to vector<16xf32>
        %mul3A_964 = arith.mulf %get3A_962, %mul3A_963 : vector<16xf32>
        %swap3A_965 = arith.constant 1 : i32
        %swap3A_966 = arith.index_cast %swap3A_965 : i32 to index
        %swap3A_967 = arith.index_cast %add3A_907 : i32 to index
        %swap3A_968 = arith.constant 64 : index
        %swap3A_969 = tpu.vector_load %arg11[%swap3A_966, %swap3A_967, %swap3A_968] {strides = array<i32>} : memref<3x64x128xf32, #tpu.memory_space<vmem>>, vector<16xf32>,
        tpu.vector_store %arg11[%swap3A_966, %swap3A_967, %swap3A_968], %mul3A_964 {strides = array<i32>} : memref<3x64x128xf32, #tpu.memory_space<vmem>>, vector<16xf32>,
        %mul3A_970 = arith.constant 16 : i32
        %mul3A_971 = arith.muli %scan3A_306, %mul3A_970 : i32
        %add3A_972 = arith.constant 10 : i32
        %add3A_973 = arith.addi %mul3A_971, %add3A_972 : i32
        %slice3A_974 = vector.extract_strided_slice %get3A_312 {offsets = [10], sizes = [1], strides = [1]} : vector<16xf32> to vector<1xf32>
        %squeeze3A_975 = vector.extract %slice3A_974[0] : f32 from vector<1xf32>
        %get3A_976 = arith.constant 1 : i32
        %get3A_977 = arith.index_cast %get3A_976 : i32 to index
        %get3A_978 = arith.index_cast %add3A_973 : i32 to index
        %get3A_979 = arith.constant 0 : index
        %get3A_980 = tpu.vector_load %arg11[%get3A_977, %get3A_978, %get3A_979] {strides = array<i32>} : memref<3x64x128xf32, #tpu.memory_space<vmem>>, vector<16xf32>,
        %mul3A_981 = vector.broadcast %squeeze3A_975 : f32 to vector<16xf32>
        %mul3A_982 = arith.mulf %get3A_980, %mul3A_981 : vector<16xf32>
        %swap3A_983 = arith.constant 1 : i32
        %swap3A_984 = arith.index_cast %swap3A_983 : i32 to index
        %swap3A_985 = arith.index_cast %add3A_973 : i32 to index
        %swap3A_986 = arith.constant 0 : index
        %swap3A_987 = tpu.vector_load %arg11[%swap3A_984, %swap3A_985, %swap3A_986] {strides = array<i32>} : memref<3x64x128xf32, #tpu.memory_space<vmem>>, vector<16xf32>,
        tpu.vector_store %arg11[%swap3A_984, %swap3A_985, %swap3A_986], %mul3A_982 {strides = array<i32>} : memref<3x64x128xf32, #tpu.memory_space<vmem>>, vector<16xf32>,
        %get3A_988 = arith.constant 1 : i32
        %get3A_989 = arith.index_cast %get3A_988 : i32 to index
        %get3A_990 = arith.index_cast %add3A_973 : i32 to index
        %get3A_991 = arith.constant 16 : index
        %get3A_992 = tpu.vector_load %arg11[%get3A_989, %get3A_990, %get3A_991] {strides = array<i32>} : memref<3x64x128xf32, #tpu.memory_space<vmem>>, vector<16xf32>,
        %mul3A_993 = vector.broadcast %squeeze3A_975 : f32 to vector<16xf32>
        %mul3A_994 = arith.mulf %get3A_992, %mul3A_993 : vector<16xf32>
        %swap3A_995 = arith.constant 1 : i32
        %swap3A_996 = arith.index_cast %swap3A_995 : i32 to index
        %swap3A_997 = arith.index_cast %add3A_973 : i32 to index
        %swap3A_998 = arith.constant 16 : index
        %swap3A_999 = tpu.vector_load %arg11[%swap3A_996, %swap3A_997, %swap3A_998] {strides = array<i32>} : memref<3x64x128xf32, #tpu.memory_space<vmem>>, vector<16xf32>,
        tpu.vector_store %arg11[%swap3A_996, %swap3A_997, %swap3A_998], %mul3A_994 {strides = array<i32>} : memref<3x64x128xf32, #tpu.memory_space<vmem>>, vector<16xf32>,
        %get3A_1000 = arith.constant 1 : i32
        %get3A_1001 = arith.index_cast %get3A_1000 : i32 to index
        %get3A_1002 = arith.index_cast %add3A_973 : i32 to index
        %get3A_1003 = arith.constant 32 : index
        %get3A_1004 = tpu.vector_load %arg11[%get3A_1001, %get3A_1002, %get3A_1003] {strides = array<i32>} : memref<3x64x128xf32, #tpu.memory_space<vmem>>, vector<16xf32>,
        %mul3A_1005 = vector.broadcast %squeeze3A_975 : f32 to vector<16xf32>
        %mul3A_1006 = arith.mulf %get3A_1004, %mul3A_1005 : vector<16xf32>
        %swap3A_1007 = arith.constant 1 : i32
        %swap3A_1008 = arith.index_cast %swap3A_1007 : i32 to index
        %swap3A_1009 = arith.index_cast %add3A_973 : i32 to index
        %swap3A_1010 = arith.constant 32 : index
        %swap3A_1011 = tpu.vector_load %arg11[%swap3A_1008, %swap3A_1009, %swap3A_1010] {strides = array<i32>} : memref<3x64x128xf32, #tpu.memory_space<vmem>>, vector<16xf32>,
        tpu.vector_store %arg11[%swap3A_1008, %swap3A_1009, %swap3A_1010], %mul3A_1006 {strides = array<i32>} : memref<3x64x128xf32, #tpu.memory_space<vmem>>, vector<16xf32>,
        %get3A_1012 = arith.constant 1 : i32
        %get3A_1013 = arith.index_cast %get3A_1012 : i32 to index
        %get3A_1014 = arith.index_cast %add3A_973 : i32 to index
        %get3A_1015 = arith.constant 48 : index
        %get3A_1016 = tpu.vector_load %arg11[%get3A_1013, %get3A_1014, %get3A_1015] {strides = array<i32>} : memref<3x64x128xf32, #tpu.memory_space<vmem>>, vector<16xf32>,
        %mul3A_1017 = vector.broadcast %squeeze3A_975 : f32 to vector<16xf32>
        %mul3A_1018 = arith.mulf %get3A_1016, %mul3A_1017 : vector<16xf32>
        %swap3A_1019 = arith.constant 1 : i32
        %swap3A_1020 = arith.index_cast %swap3A_1019 : i32 to index
        %swap3A_1021 = arith.index_cast %add3A_973 : i32 to index
        %swap3A_1022 = arith.constant 48 : index
        %swap3A_1023 = tpu.vector_load %arg11[%swap3A_1020, %swap3A_1021, %swap3A_1022] {strides = array<i32>} : memref<3x64x128xf32, #tpu.memory_space<vmem>>, vector<16xf32>,
        tpu.vector_store %arg11[%swap3A_1020, %swap3A_1021, %swap3A_1022], %mul3A_1018 {strides = array<i32>} : memref<3x64x128xf32, #tpu.memory_space<vmem>>, vector<16xf32>,
        %get3A_1024 = arith.constant 1 : i32
        %get3A_1025 = arith.index_cast %get3A_1024 : i32 to index
        %get3A_1026 = arith.index_cast %add3A_973 : i32 to index
        %get3A_1027 = arith.constant 64 : index
        %get3A_1028 = tpu.vector_load %arg11[%get3A_1025, %get3A_1026, %get3A_1027] {strides = array<i32>} : memref<3x64x128xf32, #tpu.memory_space<vmem>>, vector<16xf32>,
        %mul3A_1029 = vector.broadcast %squeeze3A_975 : f32 to vector<16xf32>
        %mul3A_1030 = arith.mulf %get3A_1028, %mul3A_1029 : vector<16xf32>
        %swap3A_1031 = arith.constant 1 : i32
        %swap3A_1032 = arith.index_cast %swap3A_1031 : i32 to index
        %swap3A_1033 = arith.index_cast %add3A_973 : i32 to index
        %swap3A_1034 = arith.constant 64 : index
        %swap3A_1035 = tpu.vector_load %arg11[%swap3A_1032, %swap3A_1033, %swap3A_1034] {strides = array<i32>} : memref<3x64x128xf32, #tpu.memory_space<vmem>>, vector<16xf32>,
        tpu.vector_store %arg11[%swap3A_1032, %swap3A_1033, %swap3A_1034], %mul3A_1030 {strides = array<i32>} : memref<3x64x128xf32, #tpu.memory_space<vmem>>, vector<16xf32>,
        %mul3A_1036 = arith.constant 16 : i32
        %mul3A_1037 = arith.muli %scan3A_306, %mul3A_1036 : i32
        %add3A_1038 = arith.constant 11 : i32
        %add3A_1039 = arith.addi %mul3A_1037, %add3A_1038 : i32
        %slice3A_1040 = vector.extract_strided_slice %get3A_312 {offsets = [11], sizes = [1], strides = [1]} : vector<16xf32> to vector<1xf32>
        %squeeze3A_1041 = vector.extract %slice3A_1040[0] : f32 from vector<1xf32>
        %get3A_1042 = arith.constant 1 : i32
        %get3A_1043 = arith.index_cast %get3A_1042 : i32 to index
        %get3A_1044 = arith.index_cast %add3A_1039 : i32 to index
        %get3A_1045 = arith.constant 0 : index
        %get3A_1046 = tpu.vector_load %arg11[%get3A_1043, %get3A_1044, %get3A_1045] {strides = array<i32>} : memref<3x64x128xf32, #tpu.memory_space<vmem>>, vector<16xf32>,
        %mul3A_1047 = vector.broadcast %squeeze3A_1041 : f32 to vector<16xf32>
        %mul3A_1048 = arith.mulf %get3A_1046, %mul3A_1047 : vector<16xf32>
        %swap3A_1049 = arith.constant 1 : i32
        %swap3A_1050 = arith.index_cast %swap3A_1049 : i32 to index
        %swap3A_1051 = arith.index_cast %add3A_1039 : i32 to index
        %swap3A_1052 = arith.constant 0 : index
        %swap3A_1053 = tpu.vector_load %arg11[%swap3A_1050, %swap3A_1051, %swap3A_1052] {strides = array<i32>} : memref<3x64x128xf32, #tpu.memory_space<vmem>>, vector<16xf32>,
        tpu.vector_store %arg11[%swap3A_1050, %swap3A_1051, %swap3A_1052], %mul3A_1048 {strides = array<i32>} : memref<3x64x128xf32, #tpu.memory_space<vmem>>, vector<16xf32>,
        %get3A_1054 = arith.constant 1 : i32
        %get3A_1055 = arith.index_cast %get3A_1054 : i32 to index
        %get3A_1056 = arith.index_cast %add3A_1039 : i32 to index
        %get3A_1057 = arith.constant 16 : index
        %get3A_1058 = tpu.vector_load %arg11[%get3A_1055, %get3A_1056, %get3A_1057] {strides = array<i32>} : memref<3x64x128xf32, #tpu.memory_space<vmem>>, vector<16xf32>,
        %mul3A_1059 = vector.broadcast %squeeze3A_1041 : f32 to vector<16xf32>
        %mul3A_1060 = arith.mulf %get3A_1058, %mul3A_1059 : vector<16xf32>
        %swap3A_1061 = arith.constant 1 : i32
        %swap3A_1062 = arith.index_cast %swap3A_1061 : i32 to index
        %swap3A_1063 = arith.index_cast %add3A_1039 : i32 to index
        %swap3A_1064 = arith.constant 16 : index
        %swap3A_1065 = tpu.vector_load %arg11[%swap3A_1062, %swap3A_1063, %swap3A_1064] {strides = array<i32>} : memref<3x64x128xf32, #tpu.memory_space<vmem>>, vector<16xf32>,
        tpu.vector_store %arg11[%swap3A_1062, %swap3A_1063, %swap3A_1064], %mul3A_1060 {strides = array<i32>} : memref<3x64x128xf32, #tpu.memory_space<vmem>>, vector<16xf32>,
        %get3A_1066 = arith.constant 1 : i32
        %get3A_1067 = arith.index_cast %get3A_1066 : i32 to index
        %get3A_1068 = arith.index_cast %add3A_1039 : i32 to index
        %get3A_1069 = arith.constant 32 : index
        %get3A_1070 = tpu.vector_load %arg11[%get3A_1067, %get3A_1068, %get3A_1069] {strides = array<i32>} : memref<3x64x128xf32, #tpu.memory_space<vmem>>, vector<16xf32>,
        %mul3A_1071 = vector.broadcast %squeeze3A_1041 : f32 to vector<16xf32>
        %mul3A_1072 = arith.mulf %get3A_1070, %mul3A_1071 : vector<16xf32>
        %swap3A_1073 = arith.constant 1 : i32
        %swap3A_1074 = arith.index_cast %swap3A_1073 : i32 to index
        %swap3A_1075 = arith.index_cast %add3A_1039 : i32 to index
        %swap3A_1076 = arith.constant 32 : index
        %swap3A_1077 = tpu.vector_load %arg11[%swap3A_1074, %swap3A_1075, %swap3A_1076] {strides = array<i32>} : memref<3x64x128xf32, #tpu.memory_space<vmem>>, vector<16xf32>,
        tpu.vector_store %arg11[%swap3A_1074, %swap3A_1075, %swap3A_1076], %mul3A_1072 {strides = array<i32>} : memref<3x64x128xf32, #tpu.memory_space<vmem>>, vector<16xf32>,
        %get3A_1078 = arith.constant 1 : i32
        %get3A_1079 = arith.index_cast %get3A_1078 : i32 to index
        %get3A_1080 = arith.index_cast %add3A_1039 : i32 to index
        %get3A_1081 = arith.constant 48 : index
        %get3A_1082 = tpu.vector_load %arg11[%get3A_1079, %get3A_1080, %get3A_1081] {strides = array<i32>} : memref<3x64x128xf32, #tpu.memory_space<vmem>>, vector<16xf32>,
        %mul3A_1083 = vector.broadcast %squeeze3A_1041 : f32 to vector<16xf32>
        %mul3A_1084 = arith.mulf %get3A_1082, %mul3A_1083 : vector<16xf32>
        %swap3A_1085 = arith.constant 1 : i32
        %swap3A_1086 = arith.index_cast %swap3A_1085 : i32 to index
        %swap3A_1087 = arith.index_cast %add3A_1039 : i32 to index
        %swap3A_1088 = arith.constant 48 : index
        %swap3A_1089 = tpu.vector_load %arg11[%swap3A_1086, %swap3A_1087, %swap3A_1088] {strides = array<i32>} : memref<3x64x128xf32, #tpu.memory_space<vmem>>, vector<16xf32>,
        tpu.vector_store %arg11[%swap3A_1086, %swap3A_1087, %swap3A_1088], %mul3A_1084 {strides = array<i32>} : memref<3x64x128xf32, #tpu.memory_space<vmem>>, vector<16xf32>,
        %get3A_1090 = arith.constant 1 : i32
        %get3A_1091 = arith.index_cast %get3A_1090 : i32 to index
        %get3A_1092 = arith.index_cast %add3A_1039 : i32 to index
        %get3A_1093 = arith.constant 64 : index
        %get3A_1094 = tpu.vector_load %arg11[%get3A_1091, %get3A_1092, %get3A_1093] {strides = array<i32>} : memref<3x64x128xf32, #tpu.memory_space<vmem>>, vector<16xf32>,
        %mul3A_1095 = vector.broadcast %squeeze3A_1041 : f32 to vector<16xf32>
        %mul3A_1096 = arith.mulf %get3A_1094, %mul3A_1095 : vector<16xf32>
        %swap3A_1097 = arith.constant 1 : i32
        %swap3A_1098 = arith.index_cast %swap3A_1097 : i32 to index
        %swap3A_1099 = arith.index_cast %add3A_1039 : i32 to index
        %swap3A_1100 = arith.constant 64 : index
        %swap3A_1101 = tpu.vector_load %arg11[%swap3A_1098, %swap3A_1099, %swap3A_1100] {strides = array<i32>} : memref<3x64x128xf32, #tpu.memory_space<vmem>>, vector<16xf32>,
        tpu.vector_store %arg11[%swap3A_1098, %swap3A_1099, %swap3A_1100], %mul3A_1096 {strides = array<i32>} : memref<3x64x128xf32, #tpu.memory_space<vmem>>, vector<16xf32>,
        %mul3A_1102 = arith.constant 16 : i32
        %mul3A_1103 = arith.muli %scan3A_306, %mul3A_1102 : i32
        %add3A_1104 = arith.constant 12 : i32
        %add3A_1105 = arith.addi %mul3A_1103, %add3A_1104 : i32
        %slice3A_1106 = vector.extract_strided_slice %get3A_312 {offsets = [12], sizes = [1], strides = [1]} : vector<16xf32> to vector<1xf32>
        %squeeze3A_1107 = vector.extract %slice3A_1106[0] : f32 from vector<1xf32>
        %get3A_1108 = arith.constant 1 : i32
        %get3A_1109 = arith.index_cast %get3A_1108 : i32 to index
        %get3A_1110 = arith.index_cast %add3A_1105 : i32 to index
        %get3A_1111 = arith.constant 0 : index
        %get3A_1112 = tpu.vector_load %arg11[%get3A_1109, %get3A_1110, %get3A_1111] {strides = array<i32>} : memref<3x64x128xf32, #tpu.memory_space<vmem>>, vector<16xf32>,
        %mul3A_1113 = vector.broadcast %squeeze3A_1107 : f32 to vector<16xf32>
        %mul3A_1114 = arith.mulf %get3A_1112, %mul3A_1113 : vector<16xf32>
        %swap3A_1115 = arith.constant 1 : i32
        %swap3A_1116 = arith.index_cast %swap3A_1115 : i32 to index
        %swap3A_1117 = arith.index_cast %add3A_1105 : i32 to index
        %swap3A_1118 = arith.constant 0 : index
        %swap3A_1119 = tpu.vector_load %arg11[%swap3A_1116, %swap3A_1117, %swap3A_1118] {strides = array<i32>} : memref<3x64x128xf32, #tpu.memory_space<vmem>>, vector<16xf32>,
        tpu.vector_store %arg11[%swap3A_1116, %swap3A_1117, %swap3A_1118], %mul3A_1114 {strides = array<i32>} : memref<3x64x128xf32, #tpu.memory_space<vmem>>, vector<16xf32>,
        %get3A_1120 = arith.constant 1 : i32
        %get3A_1121 = arith.index_cast %get3A_1120 : i32 to index
        %get3A_1122 = arith.index_cast %add3A_1105 : i32 to index
        %get3A_1123 = arith.constant 16 : index
        %get3A_1124 = tpu.vector_load %arg11[%get3A_1121, %get3A_1122, %get3A_1123] {strides = array<i32>} : memref<3x64x128xf32, #tpu.memory_space<vmem>>, vector<16xf32>,
        %mul3A_1125 = vector.broadcast %squeeze3A_1107 : f32 to vector<16xf32>
        %mul3A_1126 = arith.mulf %get3A_1124, %mul3A_1125 : vector<16xf32>
        %swap3A_1127 = arith.constant 1 : i32
        %swap3A_1128 = arith.index_cast %swap3A_1127 : i32 to index
        %swap3A_1129 = arith.index_cast %add3A_1105 : i32 to index
        %swap3A_1130 = arith.constant 16 : index
        %swap3A_1131 = tpu.vector_load %arg11[%swap3A_1128, %swap3A_1129, %swap3A_1130] {strides = array<i32>} : memref<3x64x128xf32, #tpu.memory_space<vmem>>, vector<16xf32>,
        tpu.vector_store %arg11[%swap3A_1128, %swap3A_1129, %swap3A_1130], %mul3A_1126 {strides = array<i32>} : memref<3x64x128xf32, #tpu.memory_space<vmem>>, vector<16xf32>,
        %get3A_1132 = arith.constant 1 : i32
        %get3A_1133 = arith.index_cast %get3A_1132 : i32 to index
        %get3A_1134 = arith.index_cast %add3A_1105 : i32 to index
        %get3A_1135 = arith.constant 32 : index
        %get3A_1136 = tpu.vector_load %arg11[%get3A_1133, %get3A_1134, %get3A_1135] {strides = array<i32>} : memref<3x64x128xf32, #tpu.memory_space<vmem>>, vector<16xf32>,
        %mul3A_1137 = vector.broadcast %squeeze3A_1107 : f32 to vector<16xf32>
        %mul3A_1138 = arith.mulf %get3A_1136, %mul3A_1137 : vector<16xf32>
        %swap3A_1139 = arith.constant 1 : i32
        %swap3A_1140 = arith.index_cast %swap3A_1139 : i32 to index
        %swap3A_1141 = arith.index_cast %add3A_1105 : i32 to index
        %swap3A_1142 = arith.constant 32 : index
        %swap3A_1143 = tpu.vector_load %arg11[%swap3A_1140, %swap3A_1141, %swap3A_1142] {strides = array<i32>} : memref<3x64x128xf32, #tpu.memory_space<vmem>>, vector<16xf32>,
        tpu.vector_store %arg11[%swap3A_1140, %swap3A_1141, %swap3A_1142], %mul3A_1138 {strides = array<i32>} : memref<3x64x128xf32, #tpu.memory_space<vmem>>, vector<16xf32>,
        %get3A_1144 = arith.constant 1 : i32
        %get3A_1145 = arith.index_cast %get3A_1144 : i32 to index
        %get3A_1146 = arith.index_cast %add3A_1105 : i32 to index
        %get3A_1147 = arith.constant 48 : index
        %get3A_1148 = tpu.vector_load %arg11[%get3A_1145, %get3A_1146, %get3A_1147] {strides = array<i32>} : memref<3x64x128xf32, #tpu.memory_space<vmem>>, vector<16xf32>,
        %mul3A_1149 = vector.broadcast %squeeze3A_1107 : f32 to vector<16xf32>
        %mul3A_1150 = arith.mulf %get3A_1148, %mul3A_1149 : vector<16xf32>
        %swap3A_1151 = arith.constant 1 : i32
        %swap3A_1152 = arith.index_cast %swap3A_1151 : i32 to index
        %swap3A_1153 = arith.index_cast %add3A_1105 : i32 to index
        %swap3A_1154 = arith.constant 48 : index
        %swap3A_1155 = tpu.vector_load %arg11[%swap3A_1152, %swap3A_1153, %swap3A_1154] {strides = array<i32>} : memref<3x64x128xf32, #tpu.memory_space<vmem>>, vector<16xf32>,
        tpu.vector_store %arg11[%swap3A_1152, %swap3A_1153, %swap3A_1154], %mul3A_1150 {strides = array<i32>} : memref<3x64x128xf32, #tpu.memory_space<vmem>>, vector<16xf32>,
        %get3A_1156 = arith.constant 1 : i32
        %get3A_1157 = arith.index_cast %get3A_1156 : i32 to index
        %get3A_1158 = arith.index_cast %add3A_1105 : i32 to index
        %get3A_1159 = arith.constant 64 : index
        %get3A_1160 = tpu.vector_load %arg11[%get3A_1157, %get3A_1158, %get3A_1159] {strides = array<i32>} : memref<3x64x128xf32, #tpu.memory_space<vmem>>, vector<16xf32>,
        %mul3A_1161 = vector.broadcast %squeeze3A_1107 : f32 to vector<16xf32>
        %mul3A_1162 = arith.mulf %get3A_1160, %mul3A_1161 : vector<16xf32>
        %swap3A_1163 = arith.constant 1 : i32
        %swap3A_1164 = arith.index_cast %swap3A_1163 : i32 to index
        %swap3A_1165 = arith.index_cast %add3A_1105 : i32 to index
        %swap3A_1166 = arith.constant 64 : index
        %swap3A_1167 = tpu.vector_load %arg11[%swap3A_1164, %swap3A_1165, %swap3A_1166] {strides = array<i32>} : memref<3x64x128xf32, #tpu.memory_space<vmem>>, vector<16xf32>,
        tpu.vector_store %arg11[%swap3A_1164, %swap3A_1165, %swap3A_1166], %mul3A_1162 {strides = array<i32>} : memref<3x64x128xf32, #tpu.memory_space<vmem>>, vector<16xf32>,
        %mul3A_1168 = arith.constant 16 : i32
        %mul3A_1169 = arith.muli %scan3A_306, %mul3A_1168 : i32
        %add3A_1170 = arith.constant 13 : i32
        %add3A_1171 = arith.addi %mul3A_1169, %add3A_1170 : i32
        %slice3A_1172 = vector.extract_strided_slice %get3A_312 {offsets = [13], sizes = [1], strides = [1]} : vector<16xf32> to vector<1xf32>
        %squeeze3A_1173 = vector.extract %slice3A_1172[0] : f32 from vector<1xf32>
        %get3A_1174 = arith.constant 1 : i32
        %get3A_1175 = arith.index_cast %get3A_1174 : i32 to index
        %get3A_1176 = arith.index_cast %add3A_1171 : i32 to index
        %get3A_1177 = arith.constant 0 : index
        %get3A_1178 = tpu.vector_load %arg11[%get3A_1175, %get3A_1176, %get3A_1177] {strides = array<i32>} : memref<3x64x128xf32, #tpu.memory_space<vmem>>, vector<16xf32>,
        %mul3A_1179 = vector.broadcast %squeeze3A_1173 : f32 to vector<16xf32>
        %mul3A_1180 = arith.mulf %get3A_1178, %mul3A_1179 : vector<16xf32>
        %swap3A_1181 = arith.constant 1 : i32
        %swap3A_1182 = arith.index_cast %swap3A_1181 : i32 to index
        %swap3A_1183 = arith.index_cast %add3A_1171 : i32 to index
        %swap3A_1184 = arith.constant 0 : index
        %swap3A_1185 = tpu.vector_load %arg11[%swap3A_1182, %swap3A_1183, %swap3A_1184] {strides = array<i32>} : memref<3x64x128xf32, #tpu.memory_space<vmem>>, vector<16xf32>,
        tpu.vector_store %arg11[%swap3A_1182, %swap3A_1183, %swap3A_1184], %mul3A_1180 {strides = array<i32>} : memref<3x64x128xf32, #tpu.memory_space<vmem>>, vector<16xf32>,
        %get3A_1186 = arith.constant 1 : i32
        %get3A_1187 = arith.index_cast %get3A_1186 : i32 to index
        %get3A_1188 = arith.index_cast %add3A_1171 : i32 to index
        %get3A_1189 = arith.constant 16 : index
        %get3A_1190 = tpu.vector_load %arg11[%get3A_1187, %get3A_1188, %get3A_1189] {strides = array<i32>} : memref<3x64x128xf32, #tpu.memory_space<vmem>>, vector<16xf32>,
        %mul3A_1191 = vector.broadcast %squeeze3A_1173 : f32 to vector<16xf32>
        %mul3A_1192 = arith.mulf %get3A_1190, %mul3A_1191 : vector<16xf32>
        %swap3A_1193 = arith.constant 1 : i32
        %swap3A_1194 = arith.index_cast %swap3A_1193 : i32 to index
        %swap3A_1195 = arith.index_cast %add3A_1171 : i32 to index
        %swap3A_1196 = arith.constant 16 : index
        %swap3A_1197 = tpu.vector_load %arg11[%swap3A_1194, %swap3A_1195, %swap3A_1196] {strides = array<i32>} : memref<3x64x128xf32, #tpu.memory_space<vmem>>, vector<16xf32>,
        tpu.vector_store %arg11[%swap3A_1194, %swap3A_1195, %swap3A_1196], %mul3A_1192 {strides = array<i32>} : memref<3x64x128xf32, #tpu.memory_space<vmem>>, vector<16xf32>,
        %get3A_1198 = arith.constant 1 : i32
        %get3A_1199 = arith.index_cast %get3A_1198 : i32 to index
        %get3A_1200 = arith.index_cast %add3A_1171 : i32 to index
        %get3A_1201 = arith.constant 32 : index
        %get3A_1202 = tpu.vector_load %arg11[%get3A_1199, %get3A_1200, %get3A_1201] {strides = array<i32>} : memref<3x64x128xf32, #tpu.memory_space<vmem>>, vector<16xf32>,
        %mul3A_1203 = vector.broadcast %squeeze3A_1173 : f32 to vector<16xf32>
        %mul3A_1204 = arith.mulf %get3A_1202, %mul3A_1203 : vector<16xf32>
        %swap3A_1205 = arith.constant 1 : i32
        %swap3A_1206 = arith.index_cast %swap3A_1205 : i32 to index
        %swap3A_1207 = arith.index_cast %add3A_1171 : i32 to index
        %swap3A_1208 = arith.constant 32 : index
        %swap3A_1209 = tpu.vector_load %arg11[%swap3A_1206, %swap3A_1207, %swap3A_1208] {strides = array<i32>} : memref<3x64x128xf32, #tpu.memory_space<vmem>>, vector<16xf32>,
        tpu.vector_store %arg11[%swap3A_1206, %swap3A_1207, %swap3A_1208], %mul3A_1204 {strides = array<i32>} : memref<3x64x128xf32, #tpu.memory_space<vmem>>, vector<16xf32>,
        %get3A_1210 = arith.constant 1 : i32
        %get3A_1211 = arith.index_cast %get3A_1210 : i32 to index
        %get3A_1212 = arith.index_cast %add3A_1171 : i32 to index
        %get3A_1213 = arith.constant 48 : index
        %get3A_1214 = tpu.vector_load %arg11[%get3A_1211, %get3A_1212, %get3A_1213] {strides = array<i32>} : memref<3x64x128xf32, #tpu.memory_space<vmem>>, vector<16xf32>,
        %mul3A_1215 = vector.broadcast %squeeze3A_1173 : f32 to vector<16xf32>
        %mul3A_1216 = arith.mulf %get3A_1214, %mul3A_1215 : vector<16xf32>
        %swap3A_1217 = arith.constant 1 : i32
        %swap3A_1218 = arith.index_cast %swap3A_1217 : i32 to index
        %swap3A_1219 = arith.index_cast %add3A_1171 : i32 to index
        %swap3A_1220 = arith.constant 48 : index
        %swap3A_1221 = tpu.vector_load %arg11[%swap3A_1218, %swap3A_1219, %swap3A_1220] {strides = array<i32>} : memref<3x64x128xf32, #tpu.memory_space<vmem>>, vector<16xf32>,
        tpu.vector_store %arg11[%swap3A_1218, %swap3A_1219, %swap3A_1220], %mul3A_1216 {strides = array<i32>} : memref<3x64x128xf32, #tpu.memory_space<vmem>>, vector<16xf32>,
        %get3A_1222 = arith.constant 1 : i32
        %get3A_1223 = arith.index_cast %get3A_1222 : i32 to index
        %get3A_1224 = arith.index_cast %add3A_1171 : i32 to index
        %get3A_1225 = arith.constant 64 : index
        %get3A_1226 = tpu.vector_load %arg11[%get3A_1223, %get3A_1224, %get3A_1225] {strides = array<i32>} : memref<3x64x128xf32, #tpu.memory_space<vmem>>, vector<16xf32>,
        %mul3A_1227 = vector.broadcast %squeeze3A_1173 : f32 to vector<16xf32>
        %mul3A_1228 = arith.mulf %get3A_1226, %mul3A_1227 : vector<16xf32>
        %swap3A_1229 = arith.constant 1 : i32
        %swap3A_1230 = arith.index_cast %swap3A_1229 : i32 to index
        %swap3A_1231 = arith.index_cast %add3A_1171 : i32 to index
        %swap3A_1232 = arith.constant 64 : index
        %swap3A_1233 = tpu.vector_load %arg11[%swap3A_1230, %swap3A_1231, %swap3A_1232] {strides = array<i32>} : memref<3x64x128xf32, #tpu.memory_space<vmem>>, vector<16xf32>,
        tpu.vector_store %arg11[%swap3A_1230, %swap3A_1231, %swap3A_1232], %mul3A_1228 {strides = array<i32>} : memref<3x64x128xf32, #tpu.memory_space<vmem>>, vector<16xf32>,
        %mul3A_1234 = arith.constant 16 : i32
        %mul3A_1235 = arith.muli %scan3A_306, %mul3A_1234 : i32
        %add3A_1236 = arith.constant 14 : i32
        %add3A_1237 = arith.addi %mul3A_1235, %add3A_1236 : i32
        %slice3A_1238 = vector.extract_strided_slice %get3A_312 {offsets = [14], sizes = [1], strides = [1]} : vector<16xf32> to vector<1xf32>
        %squeeze3A_1239 = vector.extract %slice3A_1238[0] : f32 from vector<1xf32>
        %get3A_1240 = arith.constant 1 : i32
        %get3A_1241 = arith.index_cast %get3A_1240 : i32 to index
        %get3A_1242 = arith.index_cast %add3A_1237 : i32 to index
        %get3A_1243 = arith.constant 0 : index
        %get3A_1244 = tpu.vector_load %arg11[%get3A_1241, %get3A_1242, %get3A_1243] {strides = array<i32>} : memref<3x64x128xf32, #tpu.memory_space<vmem>>, vector<16xf32>,
        %mul3A_1245 = vector.broadcast %squeeze3A_1239 : f32 to vector<16xf32>
        %mul3A_1246 = arith.mulf %get3A_1244, %mul3A_1245 : vector<16xf32>
        %swap3A_1247 = arith.constant 1 : i32
        %swap3A_1248 = arith.index_cast %swap3A_1247 : i32 to index
        %swap3A_1249 = arith.index_cast %add3A_1237 : i32 to index
        %swap3A_1250 = arith.constant 0 : index
        %swap3A_1251 = tpu.vector_load %arg11[%swap3A_1248, %swap3A_1249, %swap3A_1250] {strides = array<i32>} : memref<3x64x128xf32, #tpu.memory_space<vmem>>, vector<16xf32>,
        tpu.vector_store %arg11[%swap3A_1248, %swap3A_1249, %swap3A_1250], %mul3A_1246 {strides = array<i32>} : memref<3x64x128xf32, #tpu.memory_space<vmem>>, vector<16xf32>,
        %get3A_1252 = arith.constant 1 : i32
        %get3A_1253 = arith.index_cast %get3A_1252 : i32 to index
        %get3A_1254 = arith.index_cast %add3A_1237 : i32 to index
        %get3A_1255 = arith.constant 16 : index
        %get3A_1256 = tpu.vector_load %arg11[%get3A_1253, %get3A_1254, %get3A_1255] {strides = array<i32>} : memref<3x64x128xf32, #tpu.memory_space<vmem>>, vector<16xf32>,
        %mul3A_1257 = vector.broadcast %squeeze3A_1239 : f32 to vector<16xf32>
        %mul3A_1258 = arith.mulf %get3A_1256, %mul3A_1257 : vector<16xf32>
        %swap3A_1259 = arith.constant 1 : i32
        %swap3A_1260 = arith.index_cast %swap3A_1259 : i32 to index
        %swap3A_1261 = arith.index_cast %add3A_1237 : i32 to index
        %swap3A_1262 = arith.constant 16 : index
        %swap3A_1263 = tpu.vector_load %arg11[%swap3A_1260, %swap3A_1261, %swap3A_1262] {strides = array<i32>} : memref<3x64x128xf32, #tpu.memory_space<vmem>>, vector<16xf32>,
        tpu.vector_store %arg11[%swap3A_1260, %swap3A_1261, %swap3A_1262], %mul3A_1258 {strides = array<i32>} : memref<3x64x128xf32, #tpu.memory_space<vmem>>, vector<16xf32>,
        %get3A_1264 = arith.constant 1 : i32
        %get3A_1265 = arith.index_cast %get3A_1264 : i32 to index
        %get3A_1266 = arith.index_cast %add3A_1237 : i32 to index
        %get3A_1267 = arith.constant 32 : index
        %get3A_1268 = tpu.vector_load %arg11[%get3A_1265, %get3A_1266, %get3A_1267] {strides = array<i32>} : memref<3x64x128xf32, #tpu.memory_space<vmem>>, vector<16xf32>,
        %mul3A_1269 = vector.broadcast %squeeze3A_1239 : f32 to vector<16xf32>
        %mul3A_1270 = arith.mulf %get3A_1268, %mul3A_1269 : vector<16xf32>
        %swap3A_1271 = arith.constant 1 : i32
        %swap3A_1272 = arith.index_cast %swap3A_1271 : i32 to index
        %swap3A_1273 = arith.index_cast %add3A_1237 : i32 to index
        %swap3A_1274 = arith.constant 32 : index
        %swap3A_1275 = tpu.vector_load %arg11[%swap3A_1272, %swap3A_1273, %swap3A_1274] {strides = array<i32>} : memref<3x64x128xf32, #tpu.memory_space<vmem>>, vector<16xf32>,
        tpu.vector_store %arg11[%swap3A_1272, %swap3A_1273, %swap3A_1274], %mul3A_1270 {strides = array<i32>} : memref<3x64x128xf32, #tpu.memory_space<vmem>>, vector<16xf32>,
        %get3A_1276 = arith.constant 1 : i32
        %get3A_1277 = arith.index_cast %get3A_1276 : i32 to index
        %get3A_1278 = arith.index_cast %add3A_1237 : i32 to index
        %get3A_1279 = arith.constant 48 : index
        %get3A_1280 = tpu.vector_load %arg11[%get3A_1277, %get3A_1278, %get3A_1279] {strides = array<i32>} : memref<3x64x128xf32, #tpu.memory_space<vmem>>, vector<16xf32>,
        %mul3A_1281 = vector.broadcast %squeeze3A_1239 : f32 to vector<16xf32>
        %mul3A_1282 = arith.mulf %get3A_1280, %mul3A_1281 : vector<16xf32>
        %swap3A_1283 = arith.constant 1 : i32
        %swap3A_1284 = arith.index_cast %swap3A_1283 : i32 to index
        %swap3A_1285 = arith.index_cast %add3A_1237 : i32 to index
        %swap3A_1286 = arith.constant 48 : index
        %swap3A_1287 = tpu.vector_load %arg11[%swap3A_1284, %swap3A_1285, %swap3A_1286] {strides = array<i32>} : memref<3x64x128xf32, #tpu.memory_space<vmem>>, vector<16xf32>,
        tpu.vector_store %arg11[%swap3A_1284, %swap3A_1285, %swap3A_1286], %mul3A_1282 {strides = array<i32>} : memref<3x64x128xf32, #tpu.memory_space<vmem>>, vector<16xf32>,
        %get3A_1288 = arith.constant 1 : i32
        %get3A_1289 = arith.index_cast %get3A_1288 : i32 to index
        %get3A_1290 = arith.index_cast %add3A_1237 : i32 to index
        %get3A_1291 = arith.constant 64 : index
        %get3A_1292 = tpu.vector_load %arg11[%get3A_1289, %get3A_1290, %get3A_1291] {strides = array<i32>} : memref<3x64x128xf32, #tpu.memory_space<vmem>>, vector<16xf32>,
        %mul3A_1293 = vector.broadcast %squeeze3A_1239 : f32 to vector<16xf32>
        %mul3A_1294 = arith.mulf %get3A_1292, %mul3A_1293 : vector<16xf32>
        %swap3A_1295 = arith.constant 1 : i32
        %swap3A_1296 = arith.index_cast %swap3A_1295 : i32 to index
        %swap3A_1297 = arith.index_cast %add3A_1237 : i32 to index
        %swap3A_1298 = arith.constant 64 : index
        %swap3A_1299 = tpu.vector_load %arg11[%swap3A_1296, %swap3A_1297, %swap3A_1298] {strides = array<i32>} : memref<3x64x128xf32, #tpu.memory_space<vmem>>, vector<16xf32>,
        tpu.vector_store %arg11[%swap3A_1296, %swap3A_1297, %swap3A_1298], %mul3A_1294 {strides = array<i32>} : memref<3x64x128xf32, #tpu.memory_space<vmem>>, vector<16xf32>,
        %mul3A_1300 = arith.constant 16 : i32
        %mul3A_1301 = arith.muli %scan3A_306, %mul3A_1300 : i32
        %add3A_1302 = arith.constant 15 : i32
        %add3A_1303 = arith.addi %mul3A_1301, %add3A_1302 : i32
        %slice3A_1304 = vector.extract_strided_slice %get3A_312 {offsets = [15], sizes = [1], strides = [1]} : vector<16xf32> to vector<1xf32>
        %squeeze3A_1305 = vector.extract %slice3A_1304[0] : f32 from vector<1xf32>
        %get3A_1306 = arith.constant 1 : i32
        %get3A_1307 = arith.index_cast %get3A_1306 : i32 to index
        %get3A_1308 = arith.index_cast %add3A_1303 : i32 to index
        %get3A_1309 = arith.constant 0 : index
        %get3A_1310 = tpu.vector_load %arg11[%get3A_1307, %get3A_1308, %get3A_1309] {strides = array<i32>} : memref<3x64x128xf32, #tpu.memory_space<vmem>>, vector<16xf32>,
        %mul3A_1311 = vector.broadcast %squeeze3A_1305 : f32 to vector<16xf32>
        %mul3A_1312 = arith.mulf %get3A_1310, %mul3A_1311 : vector<16xf32>
        %swap3A_1313 = arith.constant 1 : i32
        %swap3A_1314 = arith.index_cast %swap3A_1313 : i32 to index
        %swap3A_1315 = arith.index_cast %add3A_1303 : i32 to index
        %swap3A_1316 = arith.constant 0 : index
        %swap3A_1317 = tpu.vector_load %arg11[%swap3A_1314, %swap3A_1315, %swap3A_1316] {strides = array<i32>} : memref<3x64x128xf32, #tpu.memory_space<vmem>>, vector<16xf32>,
        tpu.vector_store %arg11[%swap3A_1314, %swap3A_1315, %swap3A_1316], %mul3A_1312 {strides = array<i32>} : memref<3x64x128xf32, #tpu.memory_space<vmem>>, vector<16xf32>,
        %get3A_1318 = arith.constant 1 : i32
        %get3A_1319 = arith.index_cast %get3A_1318 : i32 to index
        %get3A_1320 = arith.index_cast %add3A_1303 : i32 to index
        %get3A_1321 = arith.constant 16 : index
        %get3A_1322 = tpu.vector_load %arg11[%get3A_1319, %get3A_1320, %get3A_1321] {strides = array<i32>} : memref<3x64x128xf32, #tpu.memory_space<vmem>>, vector<16xf32>,
        %mul3A_1323 = vector.broadcast %squeeze3A_1305 : f32 to vector<16xf32>
        %mul3A_1324 = arith.mulf %get3A_1322, %mul3A_1323 : vector<16xf32>
        %swap3A_1325 = arith.constant 1 : i32
        %swap3A_1326 = arith.index_cast %swap3A_1325 : i32 to index
        %swap3A_1327 = arith.index_cast %add3A_1303 : i32 to index
        %swap3A_1328 = arith.constant 16 : index
        %swap3A_1329 = tpu.vector_load %arg11[%swap3A_1326, %swap3A_1327, %swap3A_1328] {strides = array<i32>} : memref<3x64x128xf32, #tpu.memory_space<vmem>>, vector<16xf32>,
        tpu.vector_store %arg11[%swap3A_1326, %swap3A_1327, %swap3A_1328], %mul3A_1324 {strides = array<i32>} : memref<3x64x128xf32, #tpu.memory_space<vmem>>, vector<16xf32>,
        %get3A_1330 = arith.constant 1 : i32
        %get3A_1331 = arith.index_cast %get3A_1330 : i32 to index
        %get3A_1332 = arith.index_cast %add3A_1303 : i32 to index
        %get3A_1333 = arith.constant 32 : index
        %get3A_1334 = tpu.vector_load %arg11[%get3A_1331, %get3A_1332, %get3A_1333] {strides = array<i32>} : memref<3x64x128xf32, #tpu.memory_space<vmem>>, vector<16xf32>,
        %mul3A_1335 = vector.broadcast %squeeze3A_1305 : f32 to vector<16xf32>
        %mul3A_1336 = arith.mulf %get3A_1334, %mul3A_1335 : vector<16xf32>
        %swap3A_1337 = arith.constant 1 : i32
        %swap3A_1338 = arith.index_cast %swap3A_1337 : i32 to index
        %swap3A_1339 = arith.index_cast %add3A_1303 : i32 to index
        %swap3A_1340 = arith.constant 32 : index
        %swap3A_1341 = tpu.vector_load %arg11[%swap3A_1338, %swap3A_1339, %swap3A_1340] {strides = array<i32>} : memref<3x64x128xf32, #tpu.memory_space<vmem>>, vector<16xf32>,
        tpu.vector_store %arg11[%swap3A_1338, %swap3A_1339, %swap3A_1340], %mul3A_1336 {strides = array<i32>} : memref<3x64x128xf32, #tpu.memory_space<vmem>>, vector<16xf32>,
        %get3A_1342 = arith.constant 1 : i32
        %get3A_1343 = arith.index_cast %get3A_1342 : i32 to index
        %get3A_1344 = arith.index_cast %add3A_1303 : i32 to index
        %get3A_1345 = arith.constant 48 : index
        %get3A_1346 = tpu.vector_load %arg11[%get3A_1343, %get3A_1344, %get3A_1345] {strides = array<i32>} : memref<3x64x128xf32, #tpu.memory_space<vmem>>, vector<16xf32>,
        %mul3A_1347 = vector.broadcast %squeeze3A_1305 : f32 to vector<16xf32>
        %mul3A_1348 = arith.mulf %get3A_1346, %mul3A_1347 : vector<16xf32>
        %swap3A_1349 = arith.constant 1 : i32
        %swap3A_1350 = arith.index_cast %swap3A_1349 : i32 to index
        %swap3A_1351 = arith.index_cast %add3A_1303 : i32 to index
        %swap3A_1352 = arith.constant 48 : index
        %swap3A_1353 = tpu.vector_load %arg11[%swap3A_1350, %swap3A_1351, %swap3A_1352] {strides = array<i32>} : memref<3x64x128xf32, #tpu.memory_space<vmem>>, vector<16xf32>,
        tpu.vector_store %arg11[%swap3A_1350, %swap3A_1351, %swap3A_1352], %mul3A_1348 {strides = array<i32>} : memref<3x64x128xf32, #tpu.memory_space<vmem>>, vector<16xf32>,
        %get3A_1354 = arith.constant 1 : i32
        %get3A_1355 = arith.index_cast %get3A_1354 : i32 to index
        %get3A_1356 = arith.index_cast %add3A_1303 : i32 to index
        %get3A_1357 = arith.constant 64 : index
        %get3A_1358 = tpu.vector_load %arg11[%get3A_1355, %get3A_1356, %get3A_1357] {strides = array<i32>} : memref<3x64x128xf32, #tpu.memory_space<vmem>>, vector<16xf32>,
        %mul3A_1359 = vector.broadcast %squeeze3A_1305 : f32 to vector<16xf32>
        %mul3A_1360 = arith.mulf %get3A_1358, %mul3A_1359 : vector<16xf32>
        %swap3A_1361 = arith.constant 1 : i32
        %swap3A_1362 = arith.index_cast %swap3A_1361 : i32 to index
        %swap3A_1363 = arith.index_cast %add3A_1303 : i32 to index
        %swap3A_1364 = arith.constant 64 : index
        %swap3A_1365 = tpu.vector_load %arg11[%swap3A_1362, %swap3A_1363, %swap3A_1364] {strides = array<i32>} : memref<3x64x128xf32, #tpu.memory_space<vmem>>, vector<16xf32>,
        tpu.vector_store %arg11[%swap3A_1362, %swap3A_1363, %swap3A_1364], %mul3A_1360 {strides = array<i32>} : memref<3x64x128xf32, #tpu.memory_space<vmem>>, vector<16xf32>,
        %scan3A_1366 = arith.constant 0 : i32
        scf.yield %scan3A_1366 : i32
      }
      %scan3A_234 = arith.constant 4 : i32
      %rem3A_235 = arith.constant 16 : i32
      %rem3A_236 = arith.remsi %add3A_196, %rem3A_235 : i32
      %dma_start3A_237 = arith.constant 1 : i32
      %dma_start3A_238 = arith.constant 1 : i32
      %dma_start3A_239 = arith.constant 0 : i32
      %dma_start3A_240 = arith.constant 0 : i32
      %dma_start3A_241 = tpu.memref_slice %arg11[%dma_start3A_237, %dma_start3A_239, %dma_start3A_240] : memref<3x64x128xf32, #tpu.memory_space<vmem>> -> memref<1x64x128xf32, #tpu.memory_space<vmem>>
      %dma_start3A_242 = tpu.memref_squeeze %dma_start3A_241 : memref<1x64x128xf32, #tpu.memory_space<vmem>> -> memref<64x128xf32, #tpu.memory_space<vmem>>
      %dma_start3A_243 = arith.constant 0 : i32
      %dma_start3A_244 = tpu.memref_slice %arg9[%rem3A_236, %dma_start3A_238, %dma_start3A_243] : memref<16x2x64xi32, #tpu.memory_space<vmem>> -> memref<1x1x64xi32, #tpu.memory_space<vmem>>
      %dma_start3A_245 = tpu.memref_squeeze %dma_start3A_244 : memref<1x1x64xi32, #tpu.memory_space<vmem>> -> memref<64xi32, #tpu.memory_space<vmem>>
      %dma_start3A_246 = arith.constant 0 : i32
      %dma_start3A_247 = arith.constant 0 : i32
      %dma_start3A_248 = tpu.memref_slice %arg12[%dma_start3A_246, %dma_start3A_247] : memref<10112x128xf32, #tpu.memory_space<vmem_shared>> -> memref<10112x128xf32, #tpu.memory_space<vmem_shared>>
      tpu.enqueue_indirect_dma source(%dma_start3A_242 : memref<64x128xf32, #tpu.memory_space<vmem>>) target(%dma_start3A_248 : memref<10112x128xf32, #tpu.memory_space<vmem_shared>>) offsets(%dma_start3A_245 : memref<64xi32, #tpu.memory_space<vmem>>) semaphore(%arg17 : memref<!tpu.dma_semaphore, #tpu.memory_space<semaphore_mem>>) {add = true}
      %mul3A_249 = arith.constant 3 : i32
      %mul3A_250 = arith.muli %scan3A_140, %mul3A_249 : i32
      %add3A_251 = arith.constant 2 : i32
      %add3A_252 = arith.addi %mul3A_250, %add3A_251 : i32
      %ge3A_253 = arith.constant 1 : i32
      %ge3A_254 = arith.cmpi sge, %add3A_252, %ge3A_253 : i32
      %add3A_255 = arith.constant 2 : i32
      %add3A_256 = arith.addi %add3A_252, %add3A_255 : i32
      %lt3A_257 = arith.constant 315 : i32
      %lt3A_258 = arith.cmpi slt, %add3A_256, %lt3A_257 : i32
      %and3A_259 = arith.andi %ge3A_254, %lt3A_258 : i1
      %convert_element_type3A_260 = arith.extui %and3A_259 : i1 to i32
      %cond3A_261 = arith.constant 0 : i32
      %cond3A_262 = arith.cmpi ne, %convert_element_type3A_260, %cond3A_261 : i32
      scf.if %cond3A_262 {
        %sub3A_306 = arith.constant 1 : i32
        %sub3A_307 = arith.subi %add3A_252, %sub3A_306 : i32
        %rem3A_308 = arith.constant 16 : i32
        %rem3A_309 = arith.remsi %sub3A_307, %rem3A_308 : i32
        %dma_wait3A_310 = arith.constant 1 : i32
        %dma_wait3A_311 = arith.constant 1 : i32
        %dma_wait3A_312 = arith.constant 0 : i32
        %dma_wait3A_313 = arith.constant 0 : i32
        %dma_wait3A_314 = tpu.memref_slice %arg11[%dma_wait3A_310, %dma_wait3A_312, %dma_wait3A_313] : memref<3x64x128xf32, #tpu.memory_space<vmem>> -> memref<1x64x128xf32, #tpu.memory_space<vmem>>
        %dma_wait3A_315 = tpu.memref_squeeze %dma_wait3A_314 : memref<1x64x128xf32, #tpu.memory_space<vmem>> -> memref<64x128xf32, #tpu.memory_space<vmem>>
        %dma_wait3A_316 = arith.constant 0 : i32
        %dma_wait3A_317 = tpu.memref_slice %arg9[%rem3A_309, %dma_wait3A_311, %dma_wait3A_316] : memref<16x2x64xi32, #tpu.memory_space<vmem>> -> memref<1x1x64xi32, #tpu.memory_space<vmem>>
        %dma_wait3A_318 = tpu.memref_squeeze %dma_wait3A_317 : memref<1x1x64xi32, #tpu.memory_space<vmem>> -> memref<64xi32, #tpu.memory_space<vmem>>
        %dma_wait3A_319 = arith.constant 0 : i32
        %dma_wait3A_320 = arith.constant 0 : i32
        %dma_wait3A_321 = tpu.memref_slice %arg12[%dma_wait3A_319, %dma_wait3A_320] : memref<10112x128xf32, #tpu.memory_space<vmem_shared>> -> memref<10112x128xf32, #tpu.memory_space<vmem_shared>>
        tpu.wait_indirect_dma semaphore(%arg17 : memref<!tpu.dma_semaphore, #tpu.memory_space<semaphore_mem>>) src(%dma_wait3A_315 : memref<64x128xf32, #tpu.memory_space<vmem>>) dst(%dma_wait3A_321 : memref<10112x128xf32, #tpu.memory_space<vmem_shared>>)
      } else {
      }
      %add3A_263 = arith.constant 2 : i32
      %add3A_264 = arith.addi %add3A_252, %add3A_263 : i32
      %lt3A_265 = arith.constant 315 : i32
      %lt3A_266 = arith.cmpi slt, %add3A_264, %lt3A_265 : i32
      %convert_element_type3A_267 = arith.extui %lt3A_266 : i1 to i32
      %cond3A_268 = arith.constant 0 : i32
      %cond3A_269 = arith.cmpi ne, %convert_element_type3A_267, %cond3A_268 : i32
      scf.if %cond3A_269 {
        %add3A_306 = arith.constant 2 : i32
        %add3A_307 = arith.addi %add3A_252, %add3A_306 : i32
        %rem3A_308 = arith.constant 8 : i32
        %rem3A_309 = arith.remsi %add3A_307, %rem3A_308 : i32
        %eq3A = arith.constant 0 : i32
        %eq3A_310 = arith.cmpi eq, %rem3A_309, %eq3A : i32
        %convert_element_type3A_311 = arith.extui %eq3A_310 : i1 to i32
        %cond3A_312 = arith.constant 0 : i32
        %cond3A_313 = arith.cmpi ne, %convert_element_type3A_311, %cond3A_312 : i32
        scf.if %cond3A_313 {
          %add3A_337 = arith.constant 2 : i32
          %add3A_338 = arith.addi %add3A_252, %add3A_337 : i32
          %rem3A_339 = arith.constant 16 : i32
          %rem3A_340 = arith.remsi %add3A_338, %rem3A_339 : i32
          %add3A_341 = arith.addi %mul3A_40, %add3A_338 : i32
          "tpu.region"() ({
            %run_scoped3A_342 = tpu.sem_alloc : memref<!tpu.dma_semaphore, #tpu.memory_space<semaphore_mem>>
            %dma_start3A_343 = arith.constant 0 : i32
            %dma_start3A_344 = arith.constant 0 : i32
            %dma_start3A_345 = tpu.memref_slice %arg9[%rem3A_340, %dma_start3A_343, %dma_start3A_344] : memref<16x2x64xi32, #tpu.memory_space<vmem>> -> memref<8x2x64xi32, #tpu.memory_space<vmem>>
            %dma_start3A_346 = arith.constant 0 : i32
            %dma_start3A_347 = arith.constant 0 : i32
            %dma_start3A_348 = tpu.memref_slice %arg2[%add3A_341, %dma_start3A_346, %dma_start3A_347] : memref<5048x2x64xi32, #tpu.memory_space<hbm>> -> memref<8x2x64xi32, #tpu.memory_space<hbm>>
            %dma_start3A_349 = arith.constant 0 : i32
            %dma_start3A_350 = arith.constant 0 : i32
            %dma_start3A_351 = tpu.memref_slice %arg9[%rem3A_340, %dma_start3A_349, %dma_start3A_350] : memref<16x2x64xi32, #tpu.memory_space<vmem>> -> memref<8x2x64xi32, #tpu.memory_space<vmem>>
            %dma_start3A_352 = arith.constant 0 : i32
            %dma_start3A_353 = arith.constant 0 : i32
            %dma_start3A_354 = tpu.memref_slice %arg2[%add3A_341, %dma_start3A_352, %dma_start3A_353] : memref<5048x2x64xi32, #tpu.memory_space<hbm>> -> memref<8x2x64xi32, #tpu.memory_space<hbm>>
            tpu.enqueue_dma source(%dma_start3A_354 : memref<8x2x64xi32, #tpu.memory_space<hbm>>) target(%dma_start3A_351 : memref<8x2x64xi32, #tpu.memory_space<vmem>>) target_semaphore(%run_scoped3A_342 : memref<!tpu.dma_semaphore, #tpu.memory_space<semaphore_mem>>)
            %dma_wait3A_355 = arith.constant 0 : i32
            %dma_wait3A_356 = arith.constant 0 : i32
            %dma_wait3A_357 = tpu.memref_slice %arg9[%rem3A_340, %dma_wait3A_355, %dma_wait3A_356] : memref<16x2x64xi32, #tpu.memory_space<vmem>> -> memref<8x2x64xi32, #tpu.memory_space<vmem>>
            %dma_wait3A_358 = arith.constant 0 : i32
            %dma_wait3A_359 = arith.constant 0 : i32
            %dma_wait3A_360 = tpu.memref_slice %arg2[%add3A_341, %dma_wait3A_358, %dma_wait3A_359] : memref<5048x2x64xi32, #tpu.memory_space<hbm>> -> memref<8x2x64xi32, #tpu.memory_space<hbm>>
            %dma_wait3A_361 = arith.constant 0 : i32
            %dma_wait3A_362 = arith.constant 0 : i32
            %dma_wait3A_363 = tpu.memref_slice %arg9[%rem3A_340, %dma_wait3A_361, %dma_wait3A_362] : memref<16x2x64xi32, #tpu.memory_space<vmem>> -> memref<8x2x64xi32, #tpu.memory_space<vmem>>
            %dma_wait3A_364 = arith.constant 0 : i32
            %dma_wait3A_365 = arith.constant 0 : i32
            %dma_wait3A_366 = tpu.memref_slice %arg2[%add3A_341, %dma_wait3A_364, %dma_wait3A_365] : memref<5048x2x64xi32, #tpu.memory_space<hbm>> -> memref<8x2x64xi32, #tpu.memory_space<hbm>>
            tpu.wait_dma2 semaphore(%run_scoped3A_342 : memref<!tpu.dma_semaphore, #tpu.memory_space<semaphore_mem>>) src(%dma_wait3A_366 : memref<8x2x64xi32, #tpu.memory_space<hbm>>) dst(%dma_wait3A_363 : memref<8x2x64xi32, #tpu.memory_space<vmem>>)
            tpu.yield
          }) : () -> ()
        } else {
        }
        %add3A_314 = arith.constant 2 : i32
        %add3A_315 = arith.addi %add3A_252, %add3A_314 : i32
        %rem3A_316 = arith.constant 16 : i32
        %rem3A_317 = arith.remsi %add3A_315, %rem3A_316 : i32
        %scan3A_318 = arith.constant 0 : i32
        %scan3A_319 = arith.constant 0 : i32
        %scan3A_320 = arith.constant 4 : i32
        %scan3A_321 = arith.addi %scan3A_319, %scan3A_320 : i32
        %scan3A_322 = arith.constant 1 : i32
        %scan3A_323 = scf.for %scan3A_337 = %scan3A_319 to %scan3A_321 step %scan3A_322 iter_args(%scan3A_338 = %scan3A_318) -> (i32)  : i32 {
          %mul3A_339 = arith.constant 16 : i32
          %mul3A_340 = arith.muli %scan3A_337, %mul3A_339 : i32
          %get3A = arith.constant 0 : i32
          %get3A_341 = arith.index_cast %rem3A_317 : i32 to index
          %get3A_342 = arith.index_cast %get3A : i32 to index
          %get3A_343 = arith.index_cast %mul3A_340 : i32 to index
          %get3A_344 = tpu.vector_load %arg9[%get3A_341, %get3A_342, %get3A_343] {strides = array<i32>} : memref<16x2x64xi32, #tpu.memory_space<vmem>>, vector<16xi32>,
          %get3A_345 = arith.constant 1 : i32
          %get3A_346 = arith.index_cast %rem3A_317 : i32 to index
          %get3A_347 = arith.index_cast %get3A_345 : i32 to index
          %get3A_348 = arith.index_cast %mul3A_340 : i32 to index
          %get3A_349 = tpu.vector_load %arg9[%get3A_346, %get3A_347, %get3A_348] {strides = array<i32>} : memref<16x2x64xi32, #tpu.memory_space<vmem>>, vector<16xi32>,
          %gather3A = tpu.vector_load_idx %arg7[%get3A_349] : memref<10112xf32, #tpu.memory_space<vmem>>[vector<16xi32>], vector<16xf32>,
          %gather3A_350 = tpu.vector_load_idx %arg8[%get3A_344] : memref<10112xf32, #tpu.memory_space<vmem>>[vector<16xi32>], vector<16xf32>,
          %add3A_351 = arith.addf %gather3A, %gather3A_350 : vector<16xf32>
          %ge3A_352 = arith.constant 0.000000e+00 : f32
          %ge3A_353 = vector.broadcast %ge3A_352 : f32 to vector<16xf32>
          %ge3A_354 = arith.cmpf oge, %add3A_351, %ge3A_353 : vector<16xf32>
          %mul3A_355 = arith.constant 0.00999999977 : f32
          %mul3A_356 = vector.broadcast %mul3A_355 : f32 to vector<16xf32>
          %mul3A_357 = arith.mulf %mul3A_356, %add3A_351 : vector<16xf32>
          %select_n3A = arith.select %ge3A_354, %add3A_351, %mul3A_357 : vector<16xi1>, vector<16xf32>
          %exp3A = math.exp %select_n3A : vector<16xf32>
          %swap3A = arith.constant 1 : i32
          %swap3A_358 = arith.index_cast %swap3A : i32 to index
          %swap3A_359 = arith.index_cast %mul3A_340 : i32 to index
          %swap3A_360 = tpu.vector_load %arg10[%swap3A_358, %swap3A_359] {strides = array<i32>} : memref<3x64xf32, #tpu.memory_space<vmem>>, vector<16xf32>,
          tpu.vector_store %arg10[%swap3A_358, %swap3A_359], %exp3A {strides = array<i32>} : memref<3x64xf32, #tpu.memory_space<vmem>>, vector<16xf32>,
          %add3A_361 = vector.broadcast %mul3A_38 : i32 to vector<16xi32>
          %add3A_362 = arith.addi %get3A_344, %add3A_361 : vector<16xi32>
          %swap3A_363 = arith.constant 0 : i32
          %swap3A_364 = arith.index_cast %rem3A_317 : i32 to index
          %swap3A_365 = arith.index_cast %swap3A_363 : i32 to index
          %swap3A_366 = arith.index_cast %mul3A_340 : i32 to index
          %swap3A_367 = tpu.vector_load %arg9[%swap3A_364, %swap3A_365, %swap3A_366] {strides = array<i32>} : memref<16x2x64xi32, #tpu.memory_space<vmem>>, vector<16xi32>,
          tpu.vector_store %arg9[%swap3A_364, %swap3A_365, %swap3A_366], %add3A_362 {strides = array<i32>} : memref<16x2x64xi32, #tpu.memory_space<vmem>>, vector<16xi32>,
          %scan3A_368 = arith.constant 0 : i32
          scf.yield %scan3A_368 : i32
        }
        %scan3A_324 = arith.constant 4 : i32
        %dma_start3A_325 = arith.constant 0 : i32
        %dma_start3A_326 = arith.constant 1 : i32
        %dma_start3A_327 = arith.constant 0 : i32
        %dma_start3A_328 = arith.constant 0 : i32
        %dma_start3A_329 = tpu.memref_slice %arg11[%dma_start3A_326, %dma_start3A_327, %dma_start3A_328] : memref<3x64x128xf32, #tpu.memory_space<vmem>> -> memref<1x64x128xf32, #tpu.memory_space<vmem>>
        %dma_start3A_330 = tpu.memref_squeeze %dma_start3A_329 : memref<1x64x128xf32, #tpu.memory_space<vmem>> -> memref<64x128xf32, #tpu.memory_space<vmem>>
        %dma_start3A_331 = arith.constant 0 : i32
        %dma_start3A_332 = tpu.memref_slice %arg9[%rem3A_317, %dma_start3A_325, %dma_start3A_331] : memref<16x2x64xi32, #tpu.memory_space<vmem>> -> memref<1x1x64xi32, #tpu.memory_space<vmem>>
        %dma_start3A_333 = tpu.memref_squeeze %dma_start3A_332 : memref<1x1x64xi32, #tpu.memory_space<vmem>> -> memref<64xi32, #tpu.memory_space<vmem>>
        %dma_start3A_334 = arith.constant 0 : i32
        %dma_start3A_335 = arith.constant 0 : i32
        %dma_start3A_336 = tpu.memref_slice %arg3[%dma_start3A_334, %dma_start3A_335] : memref<20224x128xf32, #tpu.memory_space<hbm>> -> memref<20224x128xf32, #tpu.memory_space<hbm>>
        tpu.enqueue_indirect_dma source(%dma_start3A_336 : memref<20224x128xf32, #tpu.memory_space<hbm>>) target(%dma_start3A_330 : memref<64x128xf32, #tpu.memory_space<vmem>>) offsets(%dma_start3A_333 : memref<64xi32, #tpu.memory_space<vmem>>) semaphore(%arg14 : memref<!tpu.dma_semaphore, #tpu.memory_space<semaphore_mem>>)
      } else {
      }
      %rem3A_270 = arith.constant 16 : i32
      %rem3A_271 = arith.remsi %add3A_252, %rem3A_270 : i32
      %dma_wait3A_272 = arith.constant 0 : i32
      %dma_wait3A_273 = arith.constant 2 : i32
      %dma_wait3A_274 = arith.constant 0 : i32
      %dma_wait3A_275 = arith.constant 0 : i32
      %dma_wait3A_276 = tpu.memref_slice %arg11[%dma_wait3A_273, %dma_wait3A_274, %dma_wait3A_275] : memref<3x64x128xf32, #tpu.memory_space<vmem>> -> memref<1x64x128xf32, #tpu.memory_space<vmem>>
      %dma_wait3A_277 = tpu.memref_squeeze %dma_wait3A_276 : memref<1x64x128xf32, #tpu.memory_space<vmem>> -> memref<64x128xf32, #tpu.memory_space<vmem>>
      %dma_wait3A_278 = arith.constant 0 : i32
      %dma_wait3A_279 = tpu.memref_slice %arg9[%rem3A_271, %dma_wait3A_272, %dma_wait3A_278] : memref<16x2x64xi32, #tpu.memory_space<vmem>> -> memref<1x1x64xi32, #tpu.memory_space<vmem>>
      %dma_wait3A_280 = tpu.memref_squeeze %dma_wait3A_279 : memref<1x1x64xi32, #tpu.memory_space<vmem>> -> memref<64xi32, #tpu.memory_space<vmem>>
      %dma_wait3A_281 = arith.constant 0 : i32
      %dma_wait3A_282 = arith.constant 0 : i32
      %dma_wait3A_283 = tpu.memref_slice %arg3[%dma_wait3A_281, %dma_wait3A_282] : memref<20224x128xf32, #tpu.memory_space<hbm>> -> memref<20224x128xf32, #tpu.memory_space<hbm>>
      tpu.wait_indirect_dma semaphore(%arg15 : memref<!tpu.dma_semaphore, #tpu.memory_space<semaphore_mem>>) src(%dma_wait3A_283 : memref<20224x128xf32, #tpu.memory_space<hbm>>) dst(%dma_wait3A_277 : memref<64x128xf32, #tpu.memory_space<vmem>>)
      %scan3A_284 = arith.constant 0 : i32
      %scan3A_285 = arith.constant 0 : i32
      %scan3A_286 = arith.constant 4 : i32
      %scan3A_287 = arith.addi %scan3A_285, %scan3A_286 : i32
      %scan3A_288 = arith.constant 1 : i32
      %scan3A_289 = scf.for %scan3A_306 = %scan3A_285 to %scan3A_287 step %scan3A_288 iter_args(%scan3A_307 = %scan3A_284) -> (i32)  : i32 {
        %mul3A_308 = arith.constant 16 : i32
        %mul3A_309 = arith.muli %scan3A_306, %mul3A_308 : i32
        %get3A = arith.constant 2 : i32
        %get3A_310 = arith.index_cast %get3A : i32 to index
        %get3A_311 = arith.index_cast %mul3A_309 : i32 to index
        %get3A_312 = tpu.vector_load %arg10[%get3A_310, %get3A_311] {strides = array<i32>} : memref<3x64xf32, #tpu.memory_space<vmem>>, vector<16xf32>,
        %mul3A_313 = arith.constant 16 : i32
        %mul3A_314 = arith.muli %scan3A_306, %mul3A_313 : i32
        %add3A_315 = arith.constant 0 : i32
        %add3A_316 = arith.addi %mul3A_314, %add3A_315 : i32
        %slice3A = vector.extract_strided_slice %get3A_312 {offsets = [0], sizes = [1], strides = [1]} : vector<16xf32> to vector<1xf32>
        %squeeze3A = vector.extract %slice3A[0] : f32 from vector<1xf32>
        %get3A_317 = arith.constant 2 : i32
        %get3A_318 = arith.index_cast %get3A_317 : i32 to index
        %get3A_319 = arith.index_cast %add3A_316 : i32 to index
        %get3A_320 = arith.constant 0 : index
        %get3A_321 = tpu.vector_load %arg11[%get3A_318, %get3A_319, %get3A_320] {strides = array<i32>} : memref<3x64x128xf32, #tpu.memory_space<vmem>>, vector<16xf32>,
        %mul3A_322 = vector.broadcast %squeeze3A : f32 to vector<16xf32>
        %mul3A_323 = arith.mulf %get3A_321, %mul3A_322 : vector<16xf32>
        %swap3A = arith.constant 2 : i32
        %swap3A_324 = arith.index_cast %swap3A : i32 to index
        %swap3A_325 = arith.index_cast %add3A_316 : i32 to index
        %swap3A_326 = arith.constant 0 : index
        %swap3A_327 = tpu.vector_load %arg11[%swap3A_324, %swap3A_325, %swap3A_326] {strides = array<i32>} : memref<3x64x128xf32, #tpu.memory_space<vmem>>, vector<16xf32>,
        tpu.vector_store %arg11[%swap3A_324, %swap3A_325, %swap3A_326], %mul3A_323 {strides = array<i32>} : memref<3x64x128xf32, #tpu.memory_space<vmem>>, vector<16xf32>,
        %get3A_328 = arith.constant 2 : i32
        %get3A_329 = arith.index_cast %get3A_328 : i32 to index
        %get3A_330 = arith.index_cast %add3A_316 : i32 to index
        %get3A_331 = arith.constant 16 : index
        %get3A_332 = tpu.vector_load %arg11[%get3A_329, %get3A_330, %get3A_331] {strides = array<i32>} : memref<3x64x128xf32, #tpu.memory_space<vmem>>, vector<16xf32>,
        %mul3A_333 = vector.broadcast %squeeze3A : f32 to vector<16xf32>
        %mul3A_334 = arith.mulf %get3A_332, %mul3A_333 : vector<16xf32>
        %swap3A_335 = arith.constant 2 : i32
        %swap3A_336 = arith.index_cast %swap3A_335 : i32 to index
        %swap3A_337 = arith.index_cast %add3A_316 : i32 to index
        %swap3A_338 = arith.constant 16 : index
        %swap3A_339 = tpu.vector_load %arg11[%swap3A_336, %swap3A_337, %swap3A_338] {strides = array<i32>} : memref<3x64x128xf32, #tpu.memory_space<vmem>>, vector<16xf32>,
        tpu.vector_store %arg11[%swap3A_336, %swap3A_337, %swap3A_338], %mul3A_334 {strides = array<i32>} : memref<3x64x128xf32, #tpu.memory_space<vmem>>, vector<16xf32>,
        %get3A_340 = arith.constant 2 : i32
        %get3A_341 = arith.index_cast %get3A_340 : i32 to index
        %get3A_342 = arith.index_cast %add3A_316 : i32 to index
        %get3A_343 = arith.constant 32 : index
        %get3A_344 = tpu.vector_load %arg11[%get3A_341, %get3A_342, %get3A_343] {strides = array<i32>} : memref<3x64x128xf32, #tpu.memory_space<vmem>>, vector<16xf32>,
        %mul3A_345 = vector.broadcast %squeeze3A : f32 to vector<16xf32>
        %mul3A_346 = arith.mulf %get3A_344, %mul3A_345 : vector<16xf32>
        %swap3A_347 = arith.constant 2 : i32
        %swap3A_348 = arith.index_cast %swap3A_347 : i32 to index
        %swap3A_349 = arith.index_cast %add3A_316 : i32 to index
        %swap3A_350 = arith.constant 32 : index
        %swap3A_351 = tpu.vector_load %arg11[%swap3A_348, %swap3A_349, %swap3A_350] {strides = array<i32>} : memref<3x64x128xf32, #tpu.memory_space<vmem>>, vector<16xf32>,
        tpu.vector_store %arg11[%swap3A_348, %swap3A_349, %swap3A_350], %mul3A_346 {strides = array<i32>} : memref<3x64x128xf32, #tpu.memory_space<vmem>>, vector<16xf32>,
        %get3A_352 = arith.constant 2 : i32
        %get3A_353 = arith.index_cast %get3A_352 : i32 to index
        %get3A_354 = arith.index_cast %add3A_316 : i32 to index
        %get3A_355 = arith.constant 48 : index
        %get3A_356 = tpu.vector_load %arg11[%get3A_353, %get3A_354, %get3A_355] {strides = array<i32>} : memref<3x64x128xf32, #tpu.memory_space<vmem>>, vector<16xf32>,
        %mul3A_357 = vector.broadcast %squeeze3A : f32 to vector<16xf32>
        %mul3A_358 = arith.mulf %get3A_356, %mul3A_357 : vector<16xf32>
        %swap3A_359 = arith.constant 2 : i32
        %swap3A_360 = arith.index_cast %swap3A_359 : i32 to index
        %swap3A_361 = arith.index_cast %add3A_316 : i32 to index
        %swap3A_362 = arith.constant 48 : index
        %swap3A_363 = tpu.vector_load %arg11[%swap3A_360, %swap3A_361, %swap3A_362] {strides = array<i32>} : memref<3x64x128xf32, #tpu.memory_space<vmem>>, vector<16xf32>,
        tpu.vector_store %arg11[%swap3A_360, %swap3A_361, %swap3A_362], %mul3A_358 {strides = array<i32>} : memref<3x64x128xf32, #tpu.memory_space<vmem>>, vector<16xf32>,
        %get3A_364 = arith.constant 2 : i32
        %get3A_365 = arith.index_cast %get3A_364 : i32 to index
        %get3A_366 = arith.index_cast %add3A_316 : i32 to index
        %get3A_367 = arith.constant 64 : index
        %get3A_368 = tpu.vector_load %arg11[%get3A_365, %get3A_366, %get3A_367] {strides = array<i32>} : memref<3x64x128xf32, #tpu.memory_space<vmem>>, vector<16xf32>,
        %mul3A_369 = vector.broadcast %squeeze3A : f32 to vector<16xf32>
        %mul3A_370 = arith.mulf %get3A_368, %mul3A_369 : vector<16xf32>
        %swap3A_371 = arith.constant 2 : i32
        %swap3A_372 = arith.index_cast %swap3A_371 : i32 to index
        %swap3A_373 = arith.index_cast %add3A_316 : i32 to index
        %swap3A_374 = arith.constant 64 : index
        %swap3A_375 = tpu.vector_load %arg11[%swap3A_372, %swap3A_373, %swap3A_374] {strides = array<i32>} : memref<3x64x128xf32, #tpu.memory_space<vmem>>, vector<16xf32>,
        tpu.vector_store %arg11[%swap3A_372, %swap3A_373, %swap3A_374], %mul3A_370 {strides = array<i32>} : memref<3x64x128xf32, #tpu.memory_space<vmem>>, vector<16xf32>,
        %mul3A_376 = arith.constant 16 : i32
        %mul3A_377 = arith.muli %scan3A_306, %mul3A_376 : i32
        %add3A_378 = arith.constant 1 : i32
        %add3A_379 = arith.addi %mul3A_377, %add3A_378 : i32
        %slice3A_380 = vector.extract_strided_slice %get3A_312 {offsets = [1], sizes = [1], strides = [1]} : vector<16xf32> to vector<1xf32>
        %squeeze3A_381 = vector.extract %slice3A_380[0] : f32 from vector<1xf32>
        %get3A_382 = arith.constant 2 : i32
        %get3A_383 = arith.index_cast %get3A_382 : i32 to index
        %get3A_384 = arith.index_cast %add3A_379 : i32 to index
        %get3A_385 = arith.constant 0 : index
        %get3A_386 = tpu.vector_load %arg11[%get3A_383, %get3A_384, %get3A_385] {strides = array<i32>} : memref<3x64x128xf32, #tpu.memory_space<vmem>>, vector<16xf32>,
        %mul3A_387 = vector.broadcast %squeeze3A_381 : f32 to vector<16xf32>
        %mul3A_388 = arith.mulf %get3A_386, %mul3A_387 : vector<16xf32>
        %swap3A_389 = arith.constant 2 : i32
        %swap3A_390 = arith.index_cast %swap3A_389 : i32 to index
        %swap3A_391 = arith.index_cast %add3A_379 : i32 to index
        %swap3A_392 = arith.constant 0 : index
        %swap3A_393 = tpu.vector_load %arg11[%swap3A_390, %swap3A_391, %swap3A_392] {strides = array<i32>} : memref<3x64x128xf32, #tpu.memory_space<vmem>>, vector<16xf32>,
        tpu.vector_store %arg11[%swap3A_390, %swap3A_391, %swap3A_392], %mul3A_388 {strides = array<i32>} : memref<3x64x128xf32, #tpu.memory_space<vmem>>, vector<16xf32>,
        %get3A_394 = arith.constant 2 : i32
        %get3A_395 = arith.index_cast %get3A_394 : i32 to index
        %get3A_396 = arith.index_cast %add3A_379 : i32 to index
        %get3A_397 = arith.constant 16 : index
        %get3A_398 = tpu.vector_load %arg11[%get3A_395, %get3A_396, %get3A_397] {strides = array<i32>} : memref<3x64x128xf32, #tpu.memory_space<vmem>>, vector<16xf32>,
        %mul3A_399 = vector.broadcast %squeeze3A_381 : f32 to vector<16xf32>
        %mul3A_400 = arith.mulf %get3A_398, %mul3A_399 : vector<16xf32>
        %swap3A_401 = arith.constant 2 : i32
        %swap3A_402 = arith.index_cast %swap3A_401 : i32 to index
        %swap3A_403 = arith.index_cast %add3A_379 : i32 to index
        %swap3A_404 = arith.constant 16 : index
        %swap3A_405 = tpu.vector_load %arg11[%swap3A_402, %swap3A_403, %swap3A_404] {strides = array<i32>} : memref<3x64x128xf32, #tpu.memory_space<vmem>>, vector<16xf32>,
        tpu.vector_store %arg11[%swap3A_402, %swap3A_403, %swap3A_404], %mul3A_400 {strides = array<i32>} : memref<3x64x128xf32, #tpu.memory_space<vmem>>, vector<16xf32>,
        %get3A_406 = arith.constant 2 : i32
        %get3A_407 = arith.index_cast %get3A_406 : i32 to index
        %get3A_408 = arith.index_cast %add3A_379 : i32 to index
        %get3A_409 = arith.constant 32 : index
        %get3A_410 = tpu.vector_load %arg11[%get3A_407, %get3A_408, %get3A_409] {strides = array<i32>} : memref<3x64x128xf32, #tpu.memory_space<vmem>>, vector<16xf32>,
        %mul3A_411 = vector.broadcast %squeeze3A_381 : f32 to vector<16xf32>
        %mul3A_412 = arith.mulf %get3A_410, %mul3A_411 : vector<16xf32>
        %swap3A_413 = arith.constant 2 : i32
        %swap3A_414 = arith.index_cast %swap3A_413 : i32 to index
        %swap3A_415 = arith.index_cast %add3A_379 : i32 to index
        %swap3A_416 = arith.constant 32 : index
        %swap3A_417 = tpu.vector_load %arg11[%swap3A_414, %swap3A_415, %swap3A_416] {strides = array<i32>} : memref<3x64x128xf32, #tpu.memory_space<vmem>>, vector<16xf32>,
        tpu.vector_store %arg11[%swap3A_414, %swap3A_415, %swap3A_416], %mul3A_412 {strides = array<i32>} : memref<3x64x128xf32, #tpu.memory_space<vmem>>, vector<16xf32>,
        %get3A_418 = arith.constant 2 : i32
        %get3A_419 = arith.index_cast %get3A_418 : i32 to index
        %get3A_420 = arith.index_cast %add3A_379 : i32 to index
        %get3A_421 = arith.constant 48 : index
        %get3A_422 = tpu.vector_load %arg11[%get3A_419, %get3A_420, %get3A_421] {strides = array<i32>} : memref<3x64x128xf32, #tpu.memory_space<vmem>>, vector<16xf32>,
        %mul3A_423 = vector.broadcast %squeeze3A_381 : f32 to vector<16xf32>
        %mul3A_424 = arith.mulf %get3A_422, %mul3A_423 : vector<16xf32>
        %swap3A_425 = arith.constant 2 : i32
        %swap3A_426 = arith.index_cast %swap3A_425 : i32 to index
        %swap3A_427 = arith.index_cast %add3A_379 : i32 to index
        %swap3A_428 = arith.constant 48 : index
        %swap3A_429 = tpu.vector_load %arg11[%swap3A_426, %swap3A_427, %swap3A_428] {strides = array<i32>} : memref<3x64x128xf32, #tpu.memory_space<vmem>>, vector<16xf32>,
        tpu.vector_store %arg11[%swap3A_426, %swap3A_427, %swap3A_428], %mul3A_424 {strides = array<i32>} : memref<3x64x128xf32, #tpu.memory_space<vmem>>, vector<16xf32>,
        %get3A_430 = arith.constant 2 : i32
        %get3A_431 = arith.index_cast %get3A_430 : i32 to index
        %get3A_432 = arith.index_cast %add3A_379 : i32 to index
        %get3A_433 = arith.constant 64 : index
        %get3A_434 = tpu.vector_load %arg11[%get3A_431, %get3A_432, %get3A_433] {strides = array<i32>} : memref<3x64x128xf32, #tpu.memory_space<vmem>>, vector<16xf32>,
        %mul3A_435 = vector.broadcast %squeeze3A_381 : f32 to vector<16xf32>
        %mul3A_436 = arith.mulf %get3A_434, %mul3A_435 : vector<16xf32>
        %swap3A_437 = arith.constant 2 : i32
        %swap3A_438 = arith.index_cast %swap3A_437 : i32 to index
        %swap3A_439 = arith.index_cast %add3A_379 : i32 to index
        %swap3A_440 = arith.constant 64 : index
        %swap3A_441 = tpu.vector_load %arg11[%swap3A_438, %swap3A_439, %swap3A_440] {strides = array<i32>} : memref<3x64x128xf32, #tpu.memory_space<vmem>>, vector<16xf32>,
        tpu.vector_store %arg11[%swap3A_438, %swap3A_439, %swap3A_440], %mul3A_436 {strides = array<i32>} : memref<3x64x128xf32, #tpu.memory_space<vmem>>, vector<16xf32>,
        %mul3A_442 = arith.constant 16 : i32
        %mul3A_443 = arith.muli %scan3A_306, %mul3A_442 : i32
        %add3A_444 = arith.constant 2 : i32
        %add3A_445 = arith.addi %mul3A_443, %add3A_444 : i32
        %slice3A_446 = vector.extract_strided_slice %get3A_312 {offsets = [2], sizes = [1], strides = [1]} : vector<16xf32> to vector<1xf32>
        %squeeze3A_447 = vector.extract %slice3A_446[0] : f32 from vector<1xf32>
        %get3A_448 = arith.constant 2 : i32
        %get3A_449 = arith.index_cast %get3A_448 : i32 to index
        %get3A_450 = arith.index_cast %add3A_445 : i32 to index
        %get3A_451 = arith.constant 0 : index
        %get3A_452 = tpu.vector_load %arg11[%get3A_449, %get3A_450, %get3A_451] {strides = array<i32>} : memref<3x64x128xf32, #tpu.memory_space<vmem>>, vector<16xf32>,
        %mul3A_453 = vector.broadcast %squeeze3A_447 : f32 to vector<16xf32>
        %mul3A_454 = arith.mulf %get3A_452, %mul3A_453 : vector<16xf32>
        %swap3A_455 = arith.constant 2 : i32
        %swap3A_456 = arith.index_cast %swap3A_455 : i32 to index
        %swap3A_457 = arith.index_cast %add3A_445 : i32 to index
        %swap3A_458 = arith.constant 0 : index
        %swap3A_459 = tpu.vector_load %arg11[%swap3A_456, %swap3A_457, %swap3A_458] {strides = array<i32>} : memref<3x64x128xf32, #tpu.memory_space<vmem>>, vector<16xf32>,
        tpu.vector_store %arg11[%swap3A_456, %swap3A_457, %swap3A_458], %mul3A_454 {strides = array<i32>} : memref<3x64x128xf32, #tpu.memory_space<vmem>>, vector<16xf32>,
        %get3A_460 = arith.constant 2 : i32
        %get3A_461 = arith.index_cast %get3A_460 : i32 to index
        %get3A_462 = arith.index_cast %add3A_445 : i32 to index
        %get3A_463 = arith.constant 16 : index
        %get3A_464 = tpu.vector_load %arg11[%get3A_461, %get3A_462, %get3A_463] {strides = array<i32>} : memref<3x64x128xf32, #tpu.memory_space<vmem>>, vector<16xf32>,
        %mul3A_465 = vector.broadcast %squeeze3A_447 : f32 to vector<16xf32>
        %mul3A_466 = arith.mulf %get3A_464, %mul3A_465 : vector<16xf32>
        %swap3A_467 = arith.constant 2 : i32
        %swap3A_468 = arith.index_cast %swap3A_467 : i32 to index
        %swap3A_469 = arith.index_cast %add3A_445 : i32 to index
        %swap3A_470 = arith.constant 16 : index
        %swap3A_471 = tpu.vector_load %arg11[%swap3A_468, %swap3A_469, %swap3A_470] {strides = array<i32>} : memref<3x64x128xf32, #tpu.memory_space<vmem>>, vector<16xf32>,
        tpu.vector_store %arg11[%swap3A_468, %swap3A_469, %swap3A_470], %mul3A_466 {strides = array<i32>} : memref<3x64x128xf32, #tpu.memory_space<vmem>>, vector<16xf32>,
        %get3A_472 = arith.constant 2 : i32
        %get3A_473 = arith.index_cast %get3A_472 : i32 to index
        %get3A_474 = arith.index_cast %add3A_445 : i32 to index
        %get3A_475 = arith.constant 32 : index
        %get3A_476 = tpu.vector_load %arg11[%get3A_473, %get3A_474, %get3A_475] {strides = array<i32>} : memref<3x64x128xf32, #tpu.memory_space<vmem>>, vector<16xf32>,
        %mul3A_477 = vector.broadcast %squeeze3A_447 : f32 to vector<16xf32>
        %mul3A_478 = arith.mulf %get3A_476, %mul3A_477 : vector<16xf32>
        %swap3A_479 = arith.constant 2 : i32
        %swap3A_480 = arith.index_cast %swap3A_479 : i32 to index
        %swap3A_481 = arith.index_cast %add3A_445 : i32 to index
        %swap3A_482 = arith.constant 32 : index
        %swap3A_483 = tpu.vector_load %arg11[%swap3A_480, %swap3A_481, %swap3A_482] {strides = array<i32>} : memref<3x64x128xf32, #tpu.memory_space<vmem>>, vector<16xf32>,
        tpu.vector_store %arg11[%swap3A_480, %swap3A_481, %swap3A_482], %mul3A_478 {strides = array<i32>} : memref<3x64x128xf32, #tpu.memory_space<vmem>>, vector<16xf32>,
        %get3A_484 = arith.constant 2 : i32
        %get3A_485 = arith.index_cast %get3A_484 : i32 to index
        %get3A_486 = arith.index_cast %add3A_445 : i32 to index
        %get3A_487 = arith.constant 48 : index
        %get3A_488 = tpu.vector_load %arg11[%get3A_485, %get3A_486, %get3A_487] {strides = array<i32>} : memref<3x64x128xf32, #tpu.memory_space<vmem>>, vector<16xf32>,
        %mul3A_489 = vector.broadcast %squeeze3A_447 : f32 to vector<16xf32>
        %mul3A_490 = arith.mulf %get3A_488, %mul3A_489 : vector<16xf32>
        %swap3A_491 = arith.constant 2 : i32
        %swap3A_492 = arith.index_cast %swap3A_491 : i32 to index
        %swap3A_493 = arith.index_cast %add3A_445 : i32 to index
        %swap3A_494 = arith.constant 48 : index
        %swap3A_495 = tpu.vector_load %arg11[%swap3A_492, %swap3A_493, %swap3A_494] {strides = array<i32>} : memref<3x64x128xf32, #tpu.memory_space<vmem>>, vector<16xf32>,
        tpu.vector_store %arg11[%swap3A_492, %swap3A_493, %swap3A_494], %mul3A_490 {strides = array<i32>} : memref<3x64x128xf32, #tpu.memory_space<vmem>>, vector<16xf32>,
        %get3A_496 = arith.constant 2 : i32
        %get3A_497 = arith.index_cast %get3A_496 : i32 to index
        %get3A_498 = arith.index_cast %add3A_445 : i32 to index
        %get3A_499 = arith.constant 64 : index
        %get3A_500 = tpu.vector_load %arg11[%get3A_497, %get3A_498, %get3A_499] {strides = array<i32>} : memref<3x64x128xf32, #tpu.memory_space<vmem>>, vector<16xf32>,
        %mul3A_501 = vector.broadcast %squeeze3A_447 : f32 to vector<16xf32>
        %mul3A_502 = arith.mulf %get3A_500, %mul3A_501 : vector<16xf32>
        %swap3A_503 = arith.constant 2 : i32
        %swap3A_504 = arith.index_cast %swap3A_503 : i32 to index
        %swap3A_505 = arith.index_cast %add3A_445 : i32 to index
        %swap3A_506 = arith.constant 64 : index
        %swap3A_507 = tpu.vector_load %arg11[%swap3A_504, %swap3A_505, %swap3A_506] {strides = array<i32>} : memref<3x64x128xf32, #tpu.memory_space<vmem>>, vector<16xf32>,
        tpu.vector_store %arg11[%swap3A_504, %swap3A_505, %swap3A_506], %mul3A_502 {strides = array<i32>} : memref<3x64x128xf32, #tpu.memory_space<vmem>>, vector<16xf32>,
        %mul3A_508 = arith.constant 16 : i32
        %mul3A_509 = arith.muli %scan3A_306, %mul3A_508 : i32
        %add3A_510 = arith.constant 3 : i32
        %add3A_511 = arith.addi %mul3A_509, %add3A_510 : i32
        %slice3A_512 = vector.extract_strided_slice %get3A_312 {offsets = [3], sizes = [1], strides = [1]} : vector<16xf32> to vector<1xf32>
        %squeeze3A_513 = vector.extract %slice3A_512[0] : f32 from vector<1xf32>
        %get3A_514 = arith.constant 2 : i32
        %get3A_515 = arith.index_cast %get3A_514 : i32 to index
        %get3A_516 = arith.index_cast %add3A_511 : i32 to index
        %get3A_517 = arith.constant 0 : index
        %get3A_518 = tpu.vector_load %arg11[%get3A_515, %get3A_516, %get3A_517] {strides = array<i32>} : memref<3x64x128xf32, #tpu.memory_space<vmem>>, vector<16xf32>,
        %mul3A_519 = vector.broadcast %squeeze3A_513 : f32 to vector<16xf32>
        %mul3A_520 = arith.mulf %get3A_518, %mul3A_519 : vector<16xf32>
        %swap3A_521 = arith.constant 2 : i32
        %swap3A_522 = arith.index_cast %swap3A_521 : i32 to index
        %swap3A_523 = arith.index_cast %add3A_511 : i32 to index
        %swap3A_524 = arith.constant 0 : index
        %swap3A_525 = tpu.vector_load %arg11[%swap3A_522, %swap3A_523, %swap3A_524] {strides = array<i32>} : memref<3x64x128xf32, #tpu.memory_space<vmem>>, vector<16xf32>,
        tpu.vector_store %arg11[%swap3A_522, %swap3A_523, %swap3A_524], %mul3A_520 {strides = array<i32>} : memref<3x64x128xf32, #tpu.memory_space<vmem>>, vector<16xf32>,
        %get3A_526 = arith.constant 2 : i32
        %get3A_527 = arith.index_cast %get3A_526 : i32 to index
        %get3A_528 = arith.index_cast %add3A_511 : i32 to index
        %get3A_529 = arith.constant 16 : index
        %get3A_530 = tpu.vector_load %arg11[%get3A_527, %get3A_528, %get3A_529] {strides = array<i32>} : memref<3x64x128xf32, #tpu.memory_space<vmem>>, vector<16xf32>,
        %mul3A_531 = vector.broadcast %squeeze3A_513 : f32 to vector<16xf32>
        %mul3A_532 = arith.mulf %get3A_530, %mul3A_531 : vector<16xf32>
        %swap3A_533 = arith.constant 2 : i32
        %swap3A_534 = arith.index_cast %swap3A_533 : i32 to index
        %swap3A_535 = arith.index_cast %add3A_511 : i32 to index
        %swap3A_536 = arith.constant 16 : index
        %swap3A_537 = tpu.vector_load %arg11[%swap3A_534, %swap3A_535, %swap3A_536] {strides = array<i32>} : memref<3x64x128xf32, #tpu.memory_space<vmem>>, vector<16xf32>,
        tpu.vector_store %arg11[%swap3A_534, %swap3A_535, %swap3A_536], %mul3A_532 {strides = array<i32>} : memref<3x64x128xf32, #tpu.memory_space<vmem>>, vector<16xf32>,
        %get3A_538 = arith.constant 2 : i32
        %get3A_539 = arith.index_cast %get3A_538 : i32 to index
        %get3A_540 = arith.index_cast %add3A_511 : i32 to index
        %get3A_541 = arith.constant 32 : index
        %get3A_542 = tpu.vector_load %arg11[%get3A_539, %get3A_540, %get3A_541] {strides = array<i32>} : memref<3x64x128xf32, #tpu.memory_space<vmem>>, vector<16xf32>,
        %mul3A_543 = vector.broadcast %squeeze3A_513 : f32 to vector<16xf32>
        %mul3A_544 = arith.mulf %get3A_542, %mul3A_543 : vector<16xf32>
        %swap3A_545 = arith.constant 2 : i32
        %swap3A_546 = arith.index_cast %swap3A_545 : i32 to index
        %swap3A_547 = arith.index_cast %add3A_511 : i32 to index
        %swap3A_548 = arith.constant 32 : index
        %swap3A_549 = tpu.vector_load %arg11[%swap3A_546, %swap3A_547, %swap3A_548] {strides = array<i32>} : memref<3x64x128xf32, #tpu.memory_space<vmem>>, vector<16xf32>,
        tpu.vector_store %arg11[%swap3A_546, %swap3A_547, %swap3A_548], %mul3A_544 {strides = array<i32>} : memref<3x64x128xf32, #tpu.memory_space<vmem>>, vector<16xf32>,
        %get3A_550 = arith.constant 2 : i32
        %get3A_551 = arith.index_cast %get3A_550 : i32 to index
        %get3A_552 = arith.index_cast %add3A_511 : i32 to index
        %get3A_553 = arith.constant 48 : index
        %get3A_554 = tpu.vector_load %arg11[%get3A_551, %get3A_552, %get3A_553] {strides = array<i32>} : memref<3x64x128xf32, #tpu.memory_space<vmem>>, vector<16xf32>,
        %mul3A_555 = vector.broadcast %squeeze3A_513 : f32 to vector<16xf32>
        %mul3A_556 = arith.mulf %get3A_554, %mul3A_555 : vector<16xf32>
        %swap3A_557 = arith.constant 2 : i32
        %swap3A_558 = arith.index_cast %swap3A_557 : i32 to index
        %swap3A_559 = arith.index_cast %add3A_511 : i32 to index
        %swap3A_560 = arith.constant 48 : index
        %swap3A_561 = tpu.vector_load %arg11[%swap3A_558, %swap3A_559, %swap3A_560] {strides = array<i32>} : memref<3x64x128xf32, #tpu.memory_space<vmem>>, vector<16xf32>,
        tpu.vector_store %arg11[%swap3A_558, %swap3A_559, %swap3A_560], %mul3A_556 {strides = array<i32>} : memref<3x64x128xf32, #tpu.memory_space<vmem>>, vector<16xf32>,
        %get3A_562 = arith.constant 2 : i32
        %get3A_563 = arith.index_cast %get3A_562 : i32 to index
        %get3A_564 = arith.index_cast %add3A_511 : i32 to index
        %get3A_565 = arith.constant 64 : index
        %get3A_566 = tpu.vector_load %arg11[%get3A_563, %get3A_564, %get3A_565] {strides = array<i32>} : memref<3x64x128xf32, #tpu.memory_space<vmem>>, vector<16xf32>,
        %mul3A_567 = vector.broadcast %squeeze3A_513 : f32 to vector<16xf32>
        %mul3A_568 = arith.mulf %get3A_566, %mul3A_567 : vector<16xf32>
        %swap3A_569 = arith.constant 2 : i32
        %swap3A_570 = arith.index_cast %swap3A_569 : i32 to index
        %swap3A_571 = arith.index_cast %add3A_511 : i32 to index
        %swap3A_572 = arith.constant 64 : index
        %swap3A_573 = tpu.vector_load %arg11[%swap3A_570, %swap3A_571, %swap3A_572] {strides = array<i32>} : memref<3x64x128xf32, #tpu.memory_space<vmem>>, vector<16xf32>,
        tpu.vector_store %arg11[%swap3A_570, %swap3A_571, %swap3A_572], %mul3A_568 {strides = array<i32>} : memref<3x64x128xf32, #tpu.memory_space<vmem>>, vector<16xf32>,
        %mul3A_574 = arith.constant 16 : i32
        %mul3A_575 = arith.muli %scan3A_306, %mul3A_574 : i32
        %add3A_576 = arith.constant 4 : i32
        %add3A_577 = arith.addi %mul3A_575, %add3A_576 : i32
        %slice3A_578 = vector.extract_strided_slice %get3A_312 {offsets = [4], sizes = [1], strides = [1]} : vector<16xf32> to vector<1xf32>
        %squeeze3A_579 = vector.extract %slice3A_578[0] : f32 from vector<1xf32>
        %get3A_580 = arith.constant 2 : i32
        %get3A_581 = arith.index_cast %get3A_580 : i32 to index
        %get3A_582 = arith.index_cast %add3A_577 : i32 to index
        %get3A_583 = arith.constant 0 : index
        %get3A_584 = tpu.vector_load %arg11[%get3A_581, %get3A_582, %get3A_583] {strides = array<i32>} : memref<3x64x128xf32, #tpu.memory_space<vmem>>, vector<16xf32>,
        %mul3A_585 = vector.broadcast %squeeze3A_579 : f32 to vector<16xf32>
        %mul3A_586 = arith.mulf %get3A_584, %mul3A_585 : vector<16xf32>
        %swap3A_587 = arith.constant 2 : i32
        %swap3A_588 = arith.index_cast %swap3A_587 : i32 to index
        %swap3A_589 = arith.index_cast %add3A_577 : i32 to index
        %swap3A_590 = arith.constant 0 : index
        %swap3A_591 = tpu.vector_load %arg11[%swap3A_588, %swap3A_589, %swap3A_590] {strides = array<i32>} : memref<3x64x128xf32, #tpu.memory_space<vmem>>, vector<16xf32>,
        tpu.vector_store %arg11[%swap3A_588, %swap3A_589, %swap3A_590], %mul3A_586 {strides = array<i32>} : memref<3x64x128xf32, #tpu.memory_space<vmem>>, vector<16xf32>,
        %get3A_592 = arith.constant 2 : i32
        %get3A_593 = arith.index_cast %get3A_592 : i32 to index
        %get3A_594 = arith.index_cast %add3A_577 : i32 to index
        %get3A_595 = arith.constant 16 : index
        %get3A_596 = tpu.vector_load %arg11[%get3A_593, %get3A_594, %get3A_595] {strides = array<i32>} : memref<3x64x128xf32, #tpu.memory_space<vmem>>, vector<16xf32>,
        %mul3A_597 = vector.broadcast %squeeze3A_579 : f32 to vector<16xf32>
        %mul3A_598 = arith.mulf %get3A_596, %mul3A_597 : vector<16xf32>
        %swap3A_599 = arith.constant 2 : i32
        %swap3A_600 = arith.index_cast %swap3A_599 : i32 to index
        %swap3A_601 = arith.index_cast %add3A_577 : i32 to index
        %swap3A_602 = arith.constant 16 : index
        %swap3A_603 = tpu.vector_load %arg11[%swap3A_600, %swap3A_601, %swap3A_602] {strides = array<i32>} : memref<3x64x128xf32, #tpu.memory_space<vmem>>, vector<16xf32>,
        tpu.vector_store %arg11[%swap3A_600, %swap3A_601, %swap3A_602], %mul3A_598 {strides = array<i32>} : memref<3x64x128xf32, #tpu.memory_space<vmem>>, vector<16xf32>,
        %get3A_604 = arith.constant 2 : i32
        %get3A_605 = arith.index_cast %get3A_604 : i32 to index
        %get3A_606 = arith.index_cast %add3A_577 : i32 to index
        %get3A_607 = arith.constant 32 : index
        %get3A_608 = tpu.vector_load %arg11[%get3A_605, %get3A_606, %get3A_607] {strides = array<i32>} : memref<3x64x128xf32, #tpu.memory_space<vmem>>, vector<16xf32>,
        %mul3A_609 = vector.broadcast %squeeze3A_579 : f32 to vector<16xf32>
        %mul3A_610 = arith.mulf %get3A_608, %mul3A_609 : vector<16xf32>
        %swap3A_611 = arith.constant 2 : i32
        %swap3A_612 = arith.index_cast %swap3A_611 : i32 to index
        %swap3A_613 = arith.index_cast %add3A_577 : i32 to index
        %swap3A_614 = arith.constant 32 : index
        %swap3A_615 = tpu.vector_load %arg11[%swap3A_612, %swap3A_613, %swap3A_614] {strides = array<i32>} : memref<3x64x128xf32, #tpu.memory_space<vmem>>, vector<16xf32>,
        tpu.vector_store %arg11[%swap3A_612, %swap3A_613, %swap3A_614], %mul3A_610 {strides = array<i32>} : memref<3x64x128xf32, #tpu.memory_space<vmem>>, vector<16xf32>,
        %get3A_616 = arith.constant 2 : i32
        %get3A_617 = arith.index_cast %get3A_616 : i32 to index
        %get3A_618 = arith.index_cast %add3A_577 : i32 to index
        %get3A_619 = arith.constant 48 : index
        %get3A_620 = tpu.vector_load %arg11[%get3A_617, %get3A_618, %get3A_619] {strides = array<i32>} : memref<3x64x128xf32, #tpu.memory_space<vmem>>, vector<16xf32>,
        %mul3A_621 = vector.broadcast %squeeze3A_579 : f32 to vector<16xf32>
        %mul3A_622 = arith.mulf %get3A_620, %mul3A_621 : vector<16xf32>
        %swap3A_623 = arith.constant 2 : i32
        %swap3A_624 = arith.index_cast %swap3A_623 : i32 to index
        %swap3A_625 = arith.index_cast %add3A_577 : i32 to index
        %swap3A_626 = arith.constant 48 : index
        %swap3A_627 = tpu.vector_load %arg11[%swap3A_624, %swap3A_625, %swap3A_626] {strides = array<i32>} : memref<3x64x128xf32, #tpu.memory_space<vmem>>, vector<16xf32>,
        tpu.vector_store %arg11[%swap3A_624, %swap3A_625, %swap3A_626], %mul3A_622 {strides = array<i32>} : memref<3x64x128xf32, #tpu.memory_space<vmem>>, vector<16xf32>,
        %get3A_628 = arith.constant 2 : i32
        %get3A_629 = arith.index_cast %get3A_628 : i32 to index
        %get3A_630 = arith.index_cast %add3A_577 : i32 to index
        %get3A_631 = arith.constant 64 : index
        %get3A_632 = tpu.vector_load %arg11[%get3A_629, %get3A_630, %get3A_631] {strides = array<i32>} : memref<3x64x128xf32, #tpu.memory_space<vmem>>, vector<16xf32>,
        %mul3A_633 = vector.broadcast %squeeze3A_579 : f32 to vector<16xf32>
        %mul3A_634 = arith.mulf %get3A_632, %mul3A_633 : vector<16xf32>
        %swap3A_635 = arith.constant 2 : i32
        %swap3A_636 = arith.index_cast %swap3A_635 : i32 to index
        %swap3A_637 = arith.index_cast %add3A_577 : i32 to index
        %swap3A_638 = arith.constant 64 : index
        %swap3A_639 = tpu.vector_load %arg11[%swap3A_636, %swap3A_637, %swap3A_638] {strides = array<i32>} : memref<3x64x128xf32, #tpu.memory_space<vmem>>, vector<16xf32>,
        tpu.vector_store %arg11[%swap3A_636, %swap3A_637, %swap3A_638], %mul3A_634 {strides = array<i32>} : memref<3x64x128xf32, #tpu.memory_space<vmem>>, vector<16xf32>,
        %mul3A_640 = arith.constant 16 : i32
        %mul3A_641 = arith.muli %scan3A_306, %mul3A_640 : i32
        %add3A_642 = arith.constant 5 : i32
        %add3A_643 = arith.addi %mul3A_641, %add3A_642 : i32
        %slice3A_644 = vector.extract_strided_slice %get3A_312 {offsets = [5], sizes = [1], strides = [1]} : vector<16xf32> to vector<1xf32>
        %squeeze3A_645 = vector.extract %slice3A_644[0] : f32 from vector<1xf32>
        %get3A_646 = arith.constant 2 : i32
        %get3A_647 = arith.index_cast %get3A_646 : i32 to index
        %get3A_648 = arith.index_cast %add3A_643 : i32 to index
        %get3A_649 = arith.constant 0 : index
        %get3A_650 = tpu.vector_load %arg11[%get3A_647, %get3A_648, %get3A_649] {strides = array<i32>} : memref<3x64x128xf32, #tpu.memory_space<vmem>>, vector<16xf32>,
        %mul3A_651 = vector.broadcast %squeeze3A_645 : f32 to vector<16xf32>
        %mul3A_652 = arith.mulf %get3A_650, %mul3A_651 : vector<16xf32>
        %swap3A_653 = arith.constant 2 : i32
        %swap3A_654 = arith.index_cast %swap3A_653 : i32 to index
        %swap3A_655 = arith.index_cast %add3A_643 : i32 to index
        %swap3A_656 = arith.constant 0 : index
        %swap3A_657 = tpu.vector_load %arg11[%swap3A_654, %swap3A_655, %swap3A_656] {strides = array<i32>} : memref<3x64x128xf32, #tpu.memory_space<vmem>>, vector<16xf32>,
        tpu.vector_store %arg11[%swap3A_654, %swap3A_655, %swap3A_656], %mul3A_652 {strides = array<i32>} : memref<3x64x128xf32, #tpu.memory_space<vmem>>, vector<16xf32>,
        %get3A_658 = arith.constant 2 : i32
        %get3A_659 = arith.index_cast %get3A_658 : i32 to index
        %get3A_660 = arith.index_cast %add3A_643 : i32 to index
        %get3A_661 = arith.constant 16 : index
        %get3A_662 = tpu.vector_load %arg11[%get3A_659, %get3A_660, %get3A_661] {strides = array<i32>} : memref<3x64x128xf32, #tpu.memory_space<vmem>>, vector<16xf32>,
        %mul3A_663 = vector.broadcast %squeeze3A_645 : f32 to vector<16xf32>
        %mul3A_664 = arith.mulf %get3A_662, %mul3A_663 : vector<16xf32>
        %swap3A_665 = arith.constant 2 : i32
        %swap3A_666 = arith.index_cast %swap3A_665 : i32 to index
        %swap3A_667 = arith.index_cast %add3A_643 : i32 to index
        %swap3A_668 = arith.constant 16 : index
        %swap3A_669 = tpu.vector_load %arg11[%swap3A_666, %swap3A_667, %swap3A_668] {strides = array<i32>} : memref<3x64x128xf32, #tpu.memory_space<vmem>>, vector<16xf32>,
        tpu.vector_store %arg11[%swap3A_666, %swap3A_667, %swap3A_668], %mul3A_664 {strides = array<i32>} : memref<3x64x128xf32, #tpu.memory_space<vmem>>, vector<16xf32>,
        %get3A_670 = arith.constant 2 : i32
        %get3A_671 = arith.index_cast %get3A_670 : i32 to index
        %get3A_672 = arith.index_cast %add3A_643 : i32 to index
        %get3A_673 = arith.constant 32 : index
        %get3A_674 = tpu.vector_load %arg11[%get3A_671, %get3A_672, %get3A_673] {strides = array<i32>} : memref<3x64x128xf32, #tpu.memory_space<vmem>>, vector<16xf32>,
        %mul3A_675 = vector.broadcast %squeeze3A_645 : f32 to vector<16xf32>
        %mul3A_676 = arith.mulf %get3A_674, %mul3A_675 : vector<16xf32>
        %swap3A_677 = arith.constant 2 : i32
        %swap3A_678 = arith.index_cast %swap3A_677 : i32 to index
        %swap3A_679 = arith.index_cast %add3A_643 : i32 to index
        %swap3A_680 = arith.constant 32 : index
        %swap3A_681 = tpu.vector_load %arg11[%swap3A_678, %swap3A_679, %swap3A_680] {strides = array<i32>} : memref<3x64x128xf32, #tpu.memory_space<vmem>>, vector<16xf32>,
        tpu.vector_store %arg11[%swap3A_678, %swap3A_679, %swap3A_680], %mul3A_676 {strides = array<i32>} : memref<3x64x128xf32, #tpu.memory_space<vmem>>, vector<16xf32>,
        %get3A_682 = arith.constant 2 : i32
        %get3A_683 = arith.index_cast %get3A_682 : i32 to index
        %get3A_684 = arith.index_cast %add3A_643 : i32 to index
        %get3A_685 = arith.constant 48 : index
        %get3A_686 = tpu.vector_load %arg11[%get3A_683, %get3A_684, %get3A_685] {strides = array<i32>} : memref<3x64x128xf32, #tpu.memory_space<vmem>>, vector<16xf32>,
        %mul3A_687 = vector.broadcast %squeeze3A_645 : f32 to vector<16xf32>
        %mul3A_688 = arith.mulf %get3A_686, %mul3A_687 : vector<16xf32>
        %swap3A_689 = arith.constant 2 : i32
        %swap3A_690 = arith.index_cast %swap3A_689 : i32 to index
        %swap3A_691 = arith.index_cast %add3A_643 : i32 to index
        %swap3A_692 = arith.constant 48 : index
        %swap3A_693 = tpu.vector_load %arg11[%swap3A_690, %swap3A_691, %swap3A_692] {strides = array<i32>} : memref<3x64x128xf32, #tpu.memory_space<vmem>>, vector<16xf32>,
        tpu.vector_store %arg11[%swap3A_690, %swap3A_691, %swap3A_692], %mul3A_688 {strides = array<i32>} : memref<3x64x128xf32, #tpu.memory_space<vmem>>, vector<16xf32>,
        %get3A_694 = arith.constant 2 : i32
        %get3A_695 = arith.index_cast %get3A_694 : i32 to index
        %get3A_696 = arith.index_cast %add3A_643 : i32 to index
        %get3A_697 = arith.constant 64 : index
        %get3A_698 = tpu.vector_load %arg11[%get3A_695, %get3A_696, %get3A_697] {strides = array<i32>} : memref<3x64x128xf32, #tpu.memory_space<vmem>>, vector<16xf32>,
        %mul3A_699 = vector.broadcast %squeeze3A_645 : f32 to vector<16xf32>
        %mul3A_700 = arith.mulf %get3A_698, %mul3A_699 : vector<16xf32>
        %swap3A_701 = arith.constant 2 : i32
        %swap3A_702 = arith.index_cast %swap3A_701 : i32 to index
        %swap3A_703 = arith.index_cast %add3A_643 : i32 to index
        %swap3A_704 = arith.constant 64 : index
        %swap3A_705 = tpu.vector_load %arg11[%swap3A_702, %swap3A_703, %swap3A_704] {strides = array<i32>} : memref<3x64x128xf32, #tpu.memory_space<vmem>>, vector<16xf32>,
        tpu.vector_store %arg11[%swap3A_702, %swap3A_703, %swap3A_704], %mul3A_700 {strides = array<i32>} : memref<3x64x128xf32, #tpu.memory_space<vmem>>, vector<16xf32>,
        %mul3A_706 = arith.constant 16 : i32
        %mul3A_707 = arith.muli %scan3A_306, %mul3A_706 : i32
        %add3A_708 = arith.constant 6 : i32
        %add3A_709 = arith.addi %mul3A_707, %add3A_708 : i32
        %slice3A_710 = vector.extract_strided_slice %get3A_312 {offsets = [6], sizes = [1], strides = [1]} : vector<16xf32> to vector<1xf32>
        %squeeze3A_711 = vector.extract %slice3A_710[0] : f32 from vector<1xf32>
        %get3A_712 = arith.constant 2 : i32
        %get3A_713 = arith.index_cast %get3A_712 : i32 to index
        %get3A_714 = arith.index_cast %add3A_709 : i32 to index
        %get3A_715 = arith.constant 0 : index
        %get3A_716 = tpu.vector_load %arg11[%get3A_713, %get3A_714, %get3A_715] {strides = array<i32>} : memref<3x64x128xf32, #tpu.memory_space<vmem>>, vector<16xf32>,
        %mul3A_717 = vector.broadcast %squeeze3A_711 : f32 to vector<16xf32>
        %mul3A_718 = arith.mulf %get3A_716, %mul3A_717 : vector<16xf32>
        %swap3A_719 = arith.constant 2 : i32
        %swap3A_720 = arith.index_cast %swap3A_719 : i32 to index
        %swap3A_721 = arith.index_cast %add3A_709 : i32 to index
        %swap3A_722 = arith.constant 0 : index
        %swap3A_723 = tpu.vector_load %arg11[%swap3A_720, %swap3A_721, %swap3A_722] {strides = array<i32>} : memref<3x64x128xf32, #tpu.memory_space<vmem>>, vector<16xf32>,
        tpu.vector_store %arg11[%swap3A_720, %swap3A_721, %swap3A_722], %mul3A_718 {strides = array<i32>} : memref<3x64x128xf32, #tpu.memory_space<vmem>>, vector<16xf32>,
        %get3A_724 = arith.constant 2 : i32
        %get3A_725 = arith.index_cast %get3A_724 : i32 to index
        %get3A_726 = arith.index_cast %add3A_709 : i32 to index
        %get3A_727 = arith.constant 16 : index
        %get3A_728 = tpu.vector_load %arg11[%get3A_725, %get3A_726, %get3A_727] {strides = array<i32>} : memref<3x64x128xf32, #tpu.memory_space<vmem>>, vector<16xf32>,
        %mul3A_729 = vector.broadcast %squeeze3A_711 : f32 to vector<16xf32>
        %mul3A_730 = arith.mulf %get3A_728, %mul3A_729 : vector<16xf32>
        %swap3A_731 = arith.constant 2 : i32
        %swap3A_732 = arith.index_cast %swap3A_731 : i32 to index
        %swap3A_733 = arith.index_cast %add3A_709 : i32 to index
        %swap3A_734 = arith.constant 16 : index
        %swap3A_735 = tpu.vector_load %arg11[%swap3A_732, %swap3A_733, %swap3A_734] {strides = array<i32>} : memref<3x64x128xf32, #tpu.memory_space<vmem>>, vector<16xf32>,
        tpu.vector_store %arg11[%swap3A_732, %swap3A_733, %swap3A_734], %mul3A_730 {strides = array<i32>} : memref<3x64x128xf32, #tpu.memory_space<vmem>>, vector<16xf32>,
        %get3A_736 = arith.constant 2 : i32
        %get3A_737 = arith.index_cast %get3A_736 : i32 to index
        %get3A_738 = arith.index_cast %add3A_709 : i32 to index
        %get3A_739 = arith.constant 32 : index
        %get3A_740 = tpu.vector_load %arg11[%get3A_737, %get3A_738, %get3A_739] {strides = array<i32>} : memref<3x64x128xf32, #tpu.memory_space<vmem>>, vector<16xf32>,
        %mul3A_741 = vector.broadcast %squeeze3A_711 : f32 to vector<16xf32>
        %mul3A_742 = arith.mulf %get3A_740, %mul3A_741 : vector<16xf32>
        %swap3A_743 = arith.constant 2 : i32
        %swap3A_744 = arith.index_cast %swap3A_743 : i32 to index
        %swap3A_745 = arith.index_cast %add3A_709 : i32 to index
        %swap3A_746 = arith.constant 32 : index
        %swap3A_747 = tpu.vector_load %arg11[%swap3A_744, %swap3A_745, %swap3A_746] {strides = array<i32>} : memref<3x64x128xf32, #tpu.memory_space<vmem>>, vector<16xf32>,
        tpu.vector_store %arg11[%swap3A_744, %swap3A_745, %swap3A_746], %mul3A_742 {strides = array<i32>} : memref<3x64x128xf32, #tpu.memory_space<vmem>>, vector<16xf32>,
        %get3A_748 = arith.constant 2 : i32
        %get3A_749 = arith.index_cast %get3A_748 : i32 to index
        %get3A_750 = arith.index_cast %add3A_709 : i32 to index
        %get3A_751 = arith.constant 48 : index
        %get3A_752 = tpu.vector_load %arg11[%get3A_749, %get3A_750, %get3A_751] {strides = array<i32>} : memref<3x64x128xf32, #tpu.memory_space<vmem>>, vector<16xf32>,
        %mul3A_753 = vector.broadcast %squeeze3A_711 : f32 to vector<16xf32>
        %mul3A_754 = arith.mulf %get3A_752, %mul3A_753 : vector<16xf32>
        %swap3A_755 = arith.constant 2 : i32
        %swap3A_756 = arith.index_cast %swap3A_755 : i32 to index
        %swap3A_757 = arith.index_cast %add3A_709 : i32 to index
        %swap3A_758 = arith.constant 48 : index
        %swap3A_759 = tpu.vector_load %arg11[%swap3A_756, %swap3A_757, %swap3A_758] {strides = array<i32>} : memref<3x64x128xf32, #tpu.memory_space<vmem>>, vector<16xf32>,
        tpu.vector_store %arg11[%swap3A_756, %swap3A_757, %swap3A_758], %mul3A_754 {strides = array<i32>} : memref<3x64x128xf32, #tpu.memory_space<vmem>>, vector<16xf32>,
        %get3A_760 = arith.constant 2 : i32
        %get3A_761 = arith.index_cast %get3A_760 : i32 to index
        %get3A_762 = arith.index_cast %add3A_709 : i32 to index
        %get3A_763 = arith.constant 64 : index
        %get3A_764 = tpu.vector_load %arg11[%get3A_761, %get3A_762, %get3A_763] {strides = array<i32>} : memref<3x64x128xf32, #tpu.memory_space<vmem>>, vector<16xf32>,
        %mul3A_765 = vector.broadcast %squeeze3A_711 : f32 to vector<16xf32>
        %mul3A_766 = arith.mulf %get3A_764, %mul3A_765 : vector<16xf32>
        %swap3A_767 = arith.constant 2 : i32
        %swap3A_768 = arith.index_cast %swap3A_767 : i32 to index
        %swap3A_769 = arith.index_cast %add3A_709 : i32 to index
        %swap3A_770 = arith.constant 64 : index
        %swap3A_771 = tpu.vector_load %arg11[%swap3A_768, %swap3A_769, %swap3A_770] {strides = array<i32>} : memref<3x64x128xf32, #tpu.memory_space<vmem>>, vector<16xf32>,
        tpu.vector_store %arg11[%swap3A_768, %swap3A_769, %swap3A_770], %mul3A_766 {strides = array<i32>} : memref<3x64x128xf32, #tpu.memory_space<vmem>>, vector<16xf32>,
        %mul3A_772 = arith.constant 16 : i32
        %mul3A_773 = arith.muli %scan3A_306, %mul3A_772 : i32
        %add3A_774 = arith.constant 7 : i32
        %add3A_775 = arith.addi %mul3A_773, %add3A_774 : i32
        %slice3A_776 = vector.extract_strided_slice %get3A_312 {offsets = [7], sizes = [1], strides = [1]} : vector<16xf32> to vector<1xf32>
        %squeeze3A_777 = vector.extract %slice3A_776[0] : f32 from vector<1xf32>
        %get3A_778 = arith.constant 2 : i32
        %get3A_779 = arith.index_cast %get3A_778 : i32 to index
        %get3A_780 = arith.index_cast %add3A_775 : i32 to index
        %get3A_781 = arith.constant 0 : index
        %get3A_782 = tpu.vector_load %arg11[%get3A_779, %get3A_780, %get3A_781] {strides = array<i32>} : memref<3x64x128xf32, #tpu.memory_space<vmem>>, vector<16xf32>,
        %mul3A_783 = vector.broadcast %squeeze3A_777 : f32 to vector<16xf32>
        %mul3A_784 = arith.mulf %get3A_782, %mul3A_783 : vector<16xf32>
        %swap3A_785 = arith.constant 2 : i32
        %swap3A_786 = arith.index_cast %swap3A_785 : i32 to index
        %swap3A_787 = arith.index_cast %add3A_775 : i32 to index
        %swap3A_788 = arith.constant 0 : index
        %swap3A_789 = tpu.vector_load %arg11[%swap3A_786, %swap3A_787, %swap3A_788] {strides = array<i32>} : memref<3x64x128xf32, #tpu.memory_space<vmem>>, vector<16xf32>,
        tpu.vector_store %arg11[%swap3A_786, %swap3A_787, %swap3A_788], %mul3A_784 {strides = array<i32>} : memref<3x64x128xf32, #tpu.memory_space<vmem>>, vector<16xf32>,
        %get3A_790 = arith.constant 2 : i32
        %get3A_791 = arith.index_cast %get3A_790 : i32 to index
        %get3A_792 = arith.index_cast %add3A_775 : i32 to index
        %get3A_793 = arith.constant 16 : index
        %get3A_794 = tpu.vector_load %arg11[%get3A_791, %get3A_792, %get3A_793] {strides = array<i32>} : memref<3x64x128xf32, #tpu.memory_space<vmem>>, vector<16xf32>,
        %mul3A_795 = vector.broadcast %squeeze3A_777 : f32 to vector<16xf32>
        %mul3A_796 = arith.mulf %get3A_794, %mul3A_795 : vector<16xf32>
        %swap3A_797 = arith.constant 2 : i32
        %swap3A_798 = arith.index_cast %swap3A_797 : i32 to index
        %swap3A_799 = arith.index_cast %add3A_775 : i32 to index
        %swap3A_800 = arith.constant 16 : index
        %swap3A_801 = tpu.vector_load %arg11[%swap3A_798, %swap3A_799, %swap3A_800] {strides = array<i32>} : memref<3x64x128xf32, #tpu.memory_space<vmem>>, vector<16xf32>,
        tpu.vector_store %arg11[%swap3A_798, %swap3A_799, %swap3A_800], %mul3A_796 {strides = array<i32>} : memref<3x64x128xf32, #tpu.memory_space<vmem>>, vector<16xf32>,
        %get3A_802 = arith.constant 2 : i32
        %get3A_803 = arith.index_cast %get3A_802 : i32 to index
        %get3A_804 = arith.index_cast %add3A_775 : i32 to index
        %get3A_805 = arith.constant 32 : index
        %get3A_806 = tpu.vector_load %arg11[%get3A_803, %get3A_804, %get3A_805] {strides = array<i32>} : memref<3x64x128xf32, #tpu.memory_space<vmem>>, vector<16xf32>,
        %mul3A_807 = vector.broadcast %squeeze3A_777 : f32 to vector<16xf32>
        %mul3A_808 = arith.mulf %get3A_806, %mul3A_807 : vector<16xf32>
        %swap3A_809 = arith.constant 2 : i32
        %swap3A_810 = arith.index_cast %swap3A_809 : i32 to index
        %swap3A_811 = arith.index_cast %add3A_775 : i32 to index
        %swap3A_812 = arith.constant 32 : index
        %swap3A_813 = tpu.vector_load %arg11[%swap3A_810, %swap3A_811, %swap3A_812] {strides = array<i32>} : memref<3x64x128xf32, #tpu.memory_space<vmem>>, vector<16xf32>,
        tpu.vector_store %arg11[%swap3A_810, %swap3A_811, %swap3A_812], %mul3A_808 {strides = array<i32>} : memref<3x64x128xf32, #tpu.memory_space<vmem>>, vector<16xf32>,
        %get3A_814 = arith.constant 2 : i32
        %get3A_815 = arith.index_cast %get3A_814 : i32 to index
        %get3A_816 = arith.index_cast %add3A_775 : i32 to index
        %get3A_817 = arith.constant 48 : index
        %get3A_818 = tpu.vector_load %arg11[%get3A_815, %get3A_816, %get3A_817] {strides = array<i32>} : memref<3x64x128xf32, #tpu.memory_space<vmem>>, vector<16xf32>,
        %mul3A_819 = vector.broadcast %squeeze3A_777 : f32 to vector<16xf32>
        %mul3A_820 = arith.mulf %get3A_818, %mul3A_819 : vector<16xf32>
        %swap3A_821 = arith.constant 2 : i32
        %swap3A_822 = arith.index_cast %swap3A_821 : i32 to index
        %swap3A_823 = arith.index_cast %add3A_775 : i32 to index
        %swap3A_824 = arith.constant 48 : index
        %swap3A_825 = tpu.vector_load %arg11[%swap3A_822, %swap3A_823, %swap3A_824] {strides = array<i32>} : memref<3x64x128xf32, #tpu.memory_space<vmem>>, vector<16xf32>,
        tpu.vector_store %arg11[%swap3A_822, %swap3A_823, %swap3A_824], %mul3A_820 {strides = array<i32>} : memref<3x64x128xf32, #tpu.memory_space<vmem>>, vector<16xf32>,
        %get3A_826 = arith.constant 2 : i32
        %get3A_827 = arith.index_cast %get3A_826 : i32 to index
        %get3A_828 = arith.index_cast %add3A_775 : i32 to index
        %get3A_829 = arith.constant 64 : index
        %get3A_830 = tpu.vector_load %arg11[%get3A_827, %get3A_828, %get3A_829] {strides = array<i32>} : memref<3x64x128xf32, #tpu.memory_space<vmem>>, vector<16xf32>,
        %mul3A_831 = vector.broadcast %squeeze3A_777 : f32 to vector<16xf32>
        %mul3A_832 = arith.mulf %get3A_830, %mul3A_831 : vector<16xf32>
        %swap3A_833 = arith.constant 2 : i32
        %swap3A_834 = arith.index_cast %swap3A_833 : i32 to index
        %swap3A_835 = arith.index_cast %add3A_775 : i32 to index
        %swap3A_836 = arith.constant 64 : index
        %swap3A_837 = tpu.vector_load %arg11[%swap3A_834, %swap3A_835, %swap3A_836] {strides = array<i32>} : memref<3x64x128xf32, #tpu.memory_space<vmem>>, vector<16xf32>,
        tpu.vector_store %arg11[%swap3A_834, %swap3A_835, %swap3A_836], %mul3A_832 {strides = array<i32>} : memref<3x64x128xf32, #tpu.memory_space<vmem>>, vector<16xf32>,
        %mul3A_838 = arith.constant 16 : i32
        %mul3A_839 = arith.muli %scan3A_306, %mul3A_838 : i32
        %add3A_840 = arith.constant 8 : i32
        %add3A_841 = arith.addi %mul3A_839, %add3A_840 : i32
        %slice3A_842 = vector.extract_strided_slice %get3A_312 {offsets = [8], sizes = [1], strides = [1]} : vector<16xf32> to vector<1xf32>
        %squeeze3A_843 = vector.extract %slice3A_842[0] : f32 from vector<1xf32>
        %get3A_844 = arith.constant 2 : i32
        %get3A_845 = arith.index_cast %get3A_844 : i32 to index
        %get3A_846 = arith.index_cast %add3A_841 : i32 to index
        %get3A_847 = arith.constant 0 : index
        %get3A_848 = tpu.vector_load %arg11[%get3A_845, %get3A_846, %get3A_847] {strides = array<i32>} : memref<3x64x128xf32, #tpu.memory_space<vmem>>, vector<16xf32>,
        %mul3A_849 = vector.broadcast %squeeze3A_843 : f32 to vector<16xf32>
        %mul3A_850 = arith.mulf %get3A_848, %mul3A_849 : vector<16xf32>
        %swap3A_851 = arith.constant 2 : i32
        %swap3A_852 = arith.index_cast %swap3A_851 : i32 to index
        %swap3A_853 = arith.index_cast %add3A_841 : i32 to index
        %swap3A_854 = arith.constant 0 : index
        %swap3A_855 = tpu.vector_load %arg11[%swap3A_852, %swap3A_853, %swap3A_854] {strides = array<i32>} : memref<3x64x128xf32, #tpu.memory_space<vmem>>, vector<16xf32>,
        tpu.vector_store %arg11[%swap3A_852, %swap3A_853, %swap3A_854], %mul3A_850 {strides = array<i32>} : memref<3x64x128xf32, #tpu.memory_space<vmem>>, vector<16xf32>,
        %get3A_856 = arith.constant 2 : i32
        %get3A_857 = arith.index_cast %get3A_856 : i32 to index
        %get3A_858 = arith.index_cast %add3A_841 : i32 to index
        %get3A_859 = arith.constant 16 : index
        %get3A_860 = tpu.vector_load %arg11[%get3A_857, %get3A_858, %get3A_859] {strides = array<i32>} : memref<3x64x128xf32, #tpu.memory_space<vmem>>, vector<16xf32>,
        %mul3A_861 = vector.broadcast %squeeze3A_843 : f32 to vector<16xf32>
        %mul3A_862 = arith.mulf %get3A_860, %mul3A_861 : vector<16xf32>
        %swap3A_863 = arith.constant 2 : i32
        %swap3A_864 = arith.index_cast %swap3A_863 : i32 to index
        %swap3A_865 = arith.index_cast %add3A_841 : i32 to index
        %swap3A_866 = arith.constant 16 : index
        %swap3A_867 = tpu.vector_load %arg11[%swap3A_864, %swap3A_865, %swap3A_866] {strides = array<i32>} : memref<3x64x128xf32, #tpu.memory_space<vmem>>, vector<16xf32>,
        tpu.vector_store %arg11[%swap3A_864, %swap3A_865, %swap3A_866], %mul3A_862 {strides = array<i32>} : memref<3x64x128xf32, #tpu.memory_space<vmem>>, vector<16xf32>,
        %get3A_868 = arith.constant 2 : i32
        %get3A_869 = arith.index_cast %get3A_868 : i32 to index
        %get3A_870 = arith.index_cast %add3A_841 : i32 to index
        %get3A_871 = arith.constant 32 : index
        %get3A_872 = tpu.vector_load %arg11[%get3A_869, %get3A_870, %get3A_871] {strides = array<i32>} : memref<3x64x128xf32, #tpu.memory_space<vmem>>, vector<16xf32>,
        %mul3A_873 = vector.broadcast %squeeze3A_843 : f32 to vector<16xf32>
        %mul3A_874 = arith.mulf %get3A_872, %mul3A_873 : vector<16xf32>
        %swap3A_875 = arith.constant 2 : i32
        %swap3A_876 = arith.index_cast %swap3A_875 : i32 to index
        %swap3A_877 = arith.index_cast %add3A_841 : i32 to index
        %swap3A_878 = arith.constant 32 : index
        %swap3A_879 = tpu.vector_load %arg11[%swap3A_876, %swap3A_877, %swap3A_878] {strides = array<i32>} : memref<3x64x128xf32, #tpu.memory_space<vmem>>, vector<16xf32>,
        tpu.vector_store %arg11[%swap3A_876, %swap3A_877, %swap3A_878], %mul3A_874 {strides = array<i32>} : memref<3x64x128xf32, #tpu.memory_space<vmem>>, vector<16xf32>,
        %get3A_880 = arith.constant 2 : i32
        %get3A_881 = arith.index_cast %get3A_880 : i32 to index
        %get3A_882 = arith.index_cast %add3A_841 : i32 to index
        %get3A_883 = arith.constant 48 : index
        %get3A_884 = tpu.vector_load %arg11[%get3A_881, %get3A_882, %get3A_883] {strides = array<i32>} : memref<3x64x128xf32, #tpu.memory_space<vmem>>, vector<16xf32>,
        %mul3A_885 = vector.broadcast %squeeze3A_843 : f32 to vector<16xf32>
        %mul3A_886 = arith.mulf %get3A_884, %mul3A_885 : vector<16xf32>
        %swap3A_887 = arith.constant 2 : i32
        %swap3A_888 = arith.index_cast %swap3A_887 : i32 to index
        %swap3A_889 = arith.index_cast %add3A_841 : i32 to index
        %swap3A_890 = arith.constant 48 : index
        %swap3A_891 = tpu.vector_load %arg11[%swap3A_888, %swap3A_889, %swap3A_890] {strides = array<i32>} : memref<3x64x128xf32, #tpu.memory_space<vmem>>, vector<16xf32>,
        tpu.vector_store %arg11[%swap3A_888, %swap3A_889, %swap3A_890], %mul3A_886 {strides = array<i32>} : memref<3x64x128xf32, #tpu.memory_space<vmem>>, vector<16xf32>,
        %get3A_892 = arith.constant 2 : i32
        %get3A_893 = arith.index_cast %get3A_892 : i32 to index
        %get3A_894 = arith.index_cast %add3A_841 : i32 to index
        %get3A_895 = arith.constant 64 : index
        %get3A_896 = tpu.vector_load %arg11[%get3A_893, %get3A_894, %get3A_895] {strides = array<i32>} : memref<3x64x128xf32, #tpu.memory_space<vmem>>, vector<16xf32>,
        %mul3A_897 = vector.broadcast %squeeze3A_843 : f32 to vector<16xf32>
        %mul3A_898 = arith.mulf %get3A_896, %mul3A_897 : vector<16xf32>
        %swap3A_899 = arith.constant 2 : i32
        %swap3A_900 = arith.index_cast %swap3A_899 : i32 to index
        %swap3A_901 = arith.index_cast %add3A_841 : i32 to index
        %swap3A_902 = arith.constant 64 : index
        %swap3A_903 = tpu.vector_load %arg11[%swap3A_900, %swap3A_901, %swap3A_902] {strides = array<i32>} : memref<3x64x128xf32, #tpu.memory_space<vmem>>, vector<16xf32>,
        tpu.vector_store %arg11[%swap3A_900, %swap3A_901, %swap3A_902], %mul3A_898 {strides = array<i32>} : memref<3x64x128xf32, #tpu.memory_space<vmem>>, vector<16xf32>,
        %mul3A_904 = arith.constant 16 : i32
        %mul3A_905 = arith.muli %scan3A_306, %mul3A_904 : i32
        %add3A_906 = arith.constant 9 : i32
        %add3A_907 = arith.addi %mul3A_905, %add3A_906 : i32
        %slice3A_908 = vector.extract_strided_slice %get3A_312 {offsets = [9], sizes = [1], strides = [1]} : vector<16xf32> to vector<1xf32>
        %squeeze3A_909 = vector.extract %slice3A_908[0] : f32 from vector<1xf32>
        %get3A_910 = arith.constant 2 : i32
        %get3A_911 = arith.index_cast %get3A_910 : i32 to index
        %get3A_912 = arith.index_cast %add3A_907 : i32 to index
        %get3A_913 = arith.constant 0 : index
        %get3A_914 = tpu.vector_load %arg11[%get3A_911, %get3A_912, %get3A_913] {strides = array<i32>} : memref<3x64x128xf32, #tpu.memory_space<vmem>>, vector<16xf32>,
        %mul3A_915 = vector.broadcast %squeeze3A_909 : f32 to vector<16xf32>
        %mul3A_916 = arith.mulf %get3A_914, %mul3A_915 : vector<16xf32>
        %swap3A_917 = arith.constant 2 : i32
        %swap3A_918 = arith.index_cast %swap3A_917 : i32 to index
        %swap3A_919 = arith.index_cast %add3A_907 : i32 to index
        %swap3A_920 = arith.constant 0 : index
        %swap3A_921 = tpu.vector_load %arg11[%swap3A_918, %swap3A_919, %swap3A_920] {strides = array<i32>} : memref<3x64x128xf32, #tpu.memory_space<vmem>>, vector<16xf32>,
        tpu.vector_store %arg11[%swap3A_918, %swap3A_919, %swap3A_920], %mul3A_916 {strides = array<i32>} : memref<3x64x128xf32, #tpu.memory_space<vmem>>, vector<16xf32>,
        %get3A_922 = arith.constant 2 : i32
        %get3A_923 = arith.index_cast %get3A_922 : i32 to index
        %get3A_924 = arith.index_cast %add3A_907 : i32 to index
        %get3A_925 = arith.constant 16 : index
        %get3A_926 = tpu.vector_load %arg11[%get3A_923, %get3A_924, %get3A_925] {strides = array<i32>} : memref<3x64x128xf32, #tpu.memory_space<vmem>>, vector<16xf32>,
        %mul3A_927 = vector.broadcast %squeeze3A_909 : f32 to vector<16xf32>
        %mul3A_928 = arith.mulf %get3A_926, %mul3A_927 : vector<16xf32>
        %swap3A_929 = arith.constant 2 : i32
        %swap3A_930 = arith.index_cast %swap3A_929 : i32 to index
        %swap3A_931 = arith.index_cast %add3A_907 : i32 to index
        %swap3A_932 = arith.constant 16 : index
        %swap3A_933 = tpu.vector_load %arg11[%swap3A_930, %swap3A_931, %swap3A_932] {strides = array<i32>} : memref<3x64x128xf32, #tpu.memory_space<vmem>>, vector<16xf32>,
        tpu.vector_store %arg11[%swap3A_930, %swap3A_931, %swap3A_932], %mul3A_928 {strides = array<i32>} : memref<3x64x128xf32, #tpu.memory_space<vmem>>, vector<16xf32>,
        %get3A_934 = arith.constant 2 : i32
        %get3A_935 = arith.index_cast %get3A_934 : i32 to index
        %get3A_936 = arith.index_cast %add3A_907 : i32 to index
        %get3A_937 = arith.constant 32 : index
        %get3A_938 = tpu.vector_load %arg11[%get3A_935, %get3A_936, %get3A_937] {strides = array<i32>} : memref<3x64x128xf32, #tpu.memory_space<vmem>>, vector<16xf32>,
        %mul3A_939 = vector.broadcast %squeeze3A_909 : f32 to vector<16xf32>
        %mul3A_940 = arith.mulf %get3A_938, %mul3A_939 : vector<16xf32>
        %swap3A_941 = arith.constant 2 : i32
        %swap3A_942 = arith.index_cast %swap3A_941 : i32 to index
        %swap3A_943 = arith.index_cast %add3A_907 : i32 to index
        %swap3A_944 = arith.constant 32 : index
        %swap3A_945 = tpu.vector_load %arg11[%swap3A_942, %swap3A_943, %swap3A_944] {strides = array<i32>} : memref<3x64x128xf32, #tpu.memory_space<vmem>>, vector<16xf32>,
        tpu.vector_store %arg11[%swap3A_942, %swap3A_943, %swap3A_944], %mul3A_940 {strides = array<i32>} : memref<3x64x128xf32, #tpu.memory_space<vmem>>, vector<16xf32>,
        %get3A_946 = arith.constant 2 : i32
        %get3A_947 = arith.index_cast %get3A_946 : i32 to index
        %get3A_948 = arith.index_cast %add3A_907 : i32 to index
        %get3A_949 = arith.constant 48 : index
        %get3A_950 = tpu.vector_load %arg11[%get3A_947, %get3A_948, %get3A_949] {strides = array<i32>} : memref<3x64x128xf32, #tpu.memory_space<vmem>>, vector<16xf32>,
        %mul3A_951 = vector.broadcast %squeeze3A_909 : f32 to vector<16xf32>
        %mul3A_952 = arith.mulf %get3A_950, %mul3A_951 : vector<16xf32>
        %swap3A_953 = arith.constant 2 : i32
        %swap3A_954 = arith.index_cast %swap3A_953 : i32 to index
        %swap3A_955 = arith.index_cast %add3A_907 : i32 to index
        %swap3A_956 = arith.constant 48 : index
        %swap3A_957 = tpu.vector_load %arg11[%swap3A_954, %swap3A_955, %swap3A_956] {strides = array<i32>} : memref<3x64x128xf32, #tpu.memory_space<vmem>>, vector<16xf32>,
        tpu.vector_store %arg11[%swap3A_954, %swap3A_955, %swap3A_956], %mul3A_952 {strides = array<i32>} : memref<3x64x128xf32, #tpu.memory_space<vmem>>, vector<16xf32>,
        %get3A_958 = arith.constant 2 : i32
        %get3A_959 = arith.index_cast %get3A_958 : i32 to index
        %get3A_960 = arith.index_cast %add3A_907 : i32 to index
        %get3A_961 = arith.constant 64 : index
        %get3A_962 = tpu.vector_load %arg11[%get3A_959, %get3A_960, %get3A_961] {strides = array<i32>} : memref<3x64x128xf32, #tpu.memory_space<vmem>>, vector<16xf32>,
        %mul3A_963 = vector.broadcast %squeeze3A_909 : f32 to vector<16xf32>
        %mul3A_964 = arith.mulf %get3A_962, %mul3A_963 : vector<16xf32>
        %swap3A_965 = arith.constant 2 : i32
        %swap3A_966 = arith.index_cast %swap3A_965 : i32 to index
        %swap3A_967 = arith.index_cast %add3A_907 : i32 to index
        %swap3A_968 = arith.constant 64 : index
        %swap3A_969 = tpu.vector_load %arg11[%swap3A_966, %swap3A_967, %swap3A_968] {strides = array<i32>} : memref<3x64x128xf32, #tpu.memory_space<vmem>>, vector<16xf32>,
        tpu.vector_store %arg11[%swap3A_966, %swap3A_967, %swap3A_968], %mul3A_964 {strides = array<i32>} : memref<3x64x128xf32, #tpu.memory_space<vmem>>, vector<16xf32>,
        %mul3A_970 = arith.constant 16 : i32
        %mul3A_971 = arith.muli %scan3A_306, %mul3A_970 : i32
        %add3A_972 = arith.constant 10 : i32
        %add3A_973 = arith.addi %mul3A_971, %add3A_972 : i32
        %slice3A_974 = vector.extract_strided_slice %get3A_312 {offsets = [10], sizes = [1], strides = [1]} : vector<16xf32> to vector<1xf32>
        %squeeze3A_975 = vector.extract %slice3A_974[0] : f32 from vector<1xf32>
        %get3A_976 = arith.constant 2 : i32
        %get3A_977 = arith.index_cast %get3A_976 : i32 to index
        %get3A_978 = arith.index_cast %add3A_973 : i32 to index
        %get3A_979 = arith.constant 0 : index
        %get3A_980 = tpu.vector_load %arg11[%get3A_977, %get3A_978, %get3A_979] {strides = array<i32>} : memref<3x64x128xf32, #tpu.memory_space<vmem>>, vector<16xf32>,
        %mul3A_981 = vector.broadcast %squeeze3A_975 : f32 to vector<16xf32>
        %mul3A_982 = arith.mulf %get3A_980, %mul3A_981 : vector<16xf32>
        %swap3A_983 = arith.constant 2 : i32
        %swap3A_984 = arith.index_cast %swap3A_983 : i32 to index
        %swap3A_985 = arith.index_cast %add3A_973 : i32 to index
        %swap3A_986 = arith.constant 0 : index
        %swap3A_987 = tpu.vector_load %arg11[%swap3A_984, %swap3A_985, %swap3A_986] {strides = array<i32>} : memref<3x64x128xf32, #tpu.memory_space<vmem>>, vector<16xf32>,
        tpu.vector_store %arg11[%swap3A_984, %swap3A_985, %swap3A_986], %mul3A_982 {strides = array<i32>} : memref<3x64x128xf32, #tpu.memory_space<vmem>>, vector<16xf32>,
        %get3A_988 = arith.constant 2 : i32
        %get3A_989 = arith.index_cast %get3A_988 : i32 to index
        %get3A_990 = arith.index_cast %add3A_973 : i32 to index
        %get3A_991 = arith.constant 16 : index
        %get3A_992 = tpu.vector_load %arg11[%get3A_989, %get3A_990, %get3A_991] {strides = array<i32>} : memref<3x64x128xf32, #tpu.memory_space<vmem>>, vector<16xf32>,
        %mul3A_993 = vector.broadcast %squeeze3A_975 : f32 to vector<16xf32>
        %mul3A_994 = arith.mulf %get3A_992, %mul3A_993 : vector<16xf32>
        %swap3A_995 = arith.constant 2 : i32
        %swap3A_996 = arith.index_cast %swap3A_995 : i32 to index
        %swap3A_997 = arith.index_cast %add3A_973 : i32 to index
        %swap3A_998 = arith.constant 16 : index
        %swap3A_999 = tpu.vector_load %arg11[%swap3A_996, %swap3A_997, %swap3A_998] {strides = array<i32>} : memref<3x64x128xf32, #tpu.memory_space<vmem>>, vector<16xf32>,
        tpu.vector_store %arg11[%swap3A_996, %swap3A_997, %swap3A_998], %mul3A_994 {strides = array<i32>} : memref<3x64x128xf32, #tpu.memory_space<vmem>>, vector<16xf32>,
        %get3A_1000 = arith.constant 2 : i32
        %get3A_1001 = arith.index_cast %get3A_1000 : i32 to index
        %get3A_1002 = arith.index_cast %add3A_973 : i32 to index
        %get3A_1003 = arith.constant 32 : index
        %get3A_1004 = tpu.vector_load %arg11[%get3A_1001, %get3A_1002, %get3A_1003] {strides = array<i32>} : memref<3x64x128xf32, #tpu.memory_space<vmem>>, vector<16xf32>,
        %mul3A_1005 = vector.broadcast %squeeze3A_975 : f32 to vector<16xf32>
        %mul3A_1006 = arith.mulf %get3A_1004, %mul3A_1005 : vector<16xf32>
        %swap3A_1007 = arith.constant 2 : i32
        %swap3A_1008 = arith.index_cast %swap3A_1007 : i32 to index
        %swap3A_1009 = arith.index_cast %add3A_973 : i32 to index
        %swap3A_1010 = arith.constant 32 : index
        %swap3A_1011 = tpu.vector_load %arg11[%swap3A_1008, %swap3A_1009, %swap3A_1010] {strides = array<i32>} : memref<3x64x128xf32, #tpu.memory_space<vmem>>, vector<16xf32>,
        tpu.vector_store %arg11[%swap3A_1008, %swap3A_1009, %swap3A_1010], %mul3A_1006 {strides = array<i32>} : memref<3x64x128xf32, #tpu.memory_space<vmem>>, vector<16xf32>,
        %get3A_1012 = arith.constant 2 : i32
        %get3A_1013 = arith.index_cast %get3A_1012 : i32 to index
        %get3A_1014 = arith.index_cast %add3A_973 : i32 to index
        %get3A_1015 = arith.constant 48 : index
        %get3A_1016 = tpu.vector_load %arg11[%get3A_1013, %get3A_1014, %get3A_1015] {strides = array<i32>} : memref<3x64x128xf32, #tpu.memory_space<vmem>>, vector<16xf32>,
        %mul3A_1017 = vector.broadcast %squeeze3A_975 : f32 to vector<16xf32>
        %mul3A_1018 = arith.mulf %get3A_1016, %mul3A_1017 : vector<16xf32>
        %swap3A_1019 = arith.constant 2 : i32
        %swap3A_1020 = arith.index_cast %swap3A_1019 : i32 to index
        %swap3A_1021 = arith.index_cast %add3A_973 : i32 to index
        %swap3A_1022 = arith.constant 48 : index
        %swap3A_1023 = tpu.vector_load %arg11[%swap3A_1020, %swap3A_1021, %swap3A_1022] {strides = array<i32>} : memref<3x64x128xf32, #tpu.memory_space<vmem>>, vector<16xf32>,
        tpu.vector_store %arg11[%swap3A_1020, %swap3A_1021, %swap3A_1022], %mul3A_1018 {strides = array<i32>} : memref<3x64x128xf32, #tpu.memory_space<vmem>>, vector<16xf32>,
        %get3A_1024 = arith.constant 2 : i32
        %get3A_1025 = arith.index_cast %get3A_1024 : i32 to index
        %get3A_1026 = arith.index_cast %add3A_973 : i32 to index
        %get3A_1027 = arith.constant 64 : index
        %get3A_1028 = tpu.vector_load %arg11[%get3A_1025, %get3A_1026, %get3A_1027] {strides = array<i32>} : memref<3x64x128xf32, #tpu.memory_space<vmem>>, vector<16xf32>,
        %mul3A_1029 = vector.broadcast %squeeze3A_975 : f32 to vector<16xf32>
        %mul3A_1030 = arith.mulf %get3A_1028, %mul3A_1029 : vector<16xf32>
        %swap3A_1031 = arith.constant 2 : i32
        %swap3A_1032 = arith.index_cast %swap3A_1031 : i32 to index
        %swap3A_1033 = arith.index_cast %add3A_973 : i32 to index
        %swap3A_1034 = arith.constant 64 : index
        %swap3A_1035 = tpu.vector_load %arg11[%swap3A_1032, %swap3A_1033, %swap3A_1034] {strides = array<i32>} : memref<3x64x128xf32, #tpu.memory_space<vmem>>, vector<16xf32>,
        tpu.vector_store %arg11[%swap3A_1032, %swap3A_1033, %swap3A_1034], %mul3A_1030 {strides = array<i32>} : memref<3x64x128xf32, #tpu.memory_space<vmem>>, vector<16xf32>,
        %mul3A_1036 = arith.constant 16 : i32
        %mul3A_1037 = arith.muli %scan3A_306, %mul3A_1036 : i32
        %add3A_1038 = arith.constant 11 : i32
        %add3A_1039 = arith.addi %mul3A_1037, %add3A_1038 : i32
        %slice3A_1040 = vector.extract_strided_slice %get3A_312 {offsets = [11], sizes = [1], strides = [1]} : vector<16xf32> to vector<1xf32>
        %squeeze3A_1041 = vector.extract %slice3A_1040[0] : f32 from vector<1xf32>
        %get3A_1042 = arith.constant 2 : i32
        %get3A_1043 = arith.index_cast %get3A_1042 : i32 to index
        %get3A_1044 = arith.index_cast %add3A_1039 : i32 to index
        %get3A_1045 = arith.constant 0 : index
        %get3A_1046 = tpu.vector_load %arg11[%get3A_1043, %get3A_1044, %get3A_1045] {strides = array<i32>} : memref<3x64x128xf32, #tpu.memory_space<vmem>>, vector<16xf32>,
        %mul3A_1047 = vector.broadcast %squeeze3A_1041 : f32 to vector<16xf32>
        %mul3A_1048 = arith.mulf %get3A_1046, %mul3A_1047 : vector<16xf32>
        %swap3A_1049 = arith.constant 2 : i32
        %swap3A_1050 = arith.index_cast %swap3A_1049 : i32 to index
        %swap3A_1051 = arith.index_cast %add3A_1039 : i32 to index
        %swap3A_1052 = arith.constant 0 : index
        %swap3A_1053 = tpu.vector_load %arg11[%swap3A_1050, %swap3A_1051, %swap3A_1052] {strides = array<i32>} : memref<3x64x128xf32, #tpu.memory_space<vmem>>, vector<16xf32>,
        tpu.vector_store %arg11[%swap3A_1050, %swap3A_1051, %swap3A_1052], %mul3A_1048 {strides = array<i32>} : memref<3x64x128xf32, #tpu.memory_space<vmem>>, vector<16xf32>,
        %get3A_1054 = arith.constant 2 : i32
        %get3A_1055 = arith.index_cast %get3A_1054 : i32 to index
        %get3A_1056 = arith.index_cast %add3A_1039 : i32 to index
        %get3A_1057 = arith.constant 16 : index
        %get3A_1058 = tpu.vector_load %arg11[%get3A_1055, %get3A_1056, %get3A_1057] {strides = array<i32>} : memref<3x64x128xf32, #tpu.memory_space<vmem>>, vector<16xf32>,
        %mul3A_1059 = vector.broadcast %squeeze3A_1041 : f32 to vector<16xf32>
        %mul3A_1060 = arith.mulf %get3A_1058, %mul3A_1059 : vector<16xf32>
        %swap3A_1061 = arith.constant 2 : i32
        %swap3A_1062 = arith.index_cast %swap3A_1061 : i32 to index
        %swap3A_1063 = arith.index_cast %add3A_1039 : i32 to index
        %swap3A_1064 = arith.constant 16 : index
        %swap3A_1065 = tpu.vector_load %arg11[%swap3A_1062, %swap3A_1063, %swap3A_1064] {strides = array<i32>} : memref<3x64x128xf32, #tpu.memory_space<vmem>>, vector<16xf32>,
        tpu.vector_store %arg11[%swap3A_1062, %swap3A_1063, %swap3A_1064], %mul3A_1060 {strides = array<i32>} : memref<3x64x128xf32, #tpu.memory_space<vmem>>, vector<16xf32>,
        %get3A_1066 = arith.constant 2 : i32
        %get3A_1067 = arith.index_cast %get3A_1066 : i32 to index
        %get3A_1068 = arith.index_cast %add3A_1039 : i32 to index
        %get3A_1069 = arith.constant 32 : index
        %get3A_1070 = tpu.vector_load %arg11[%get3A_1067, %get3A_1068, %get3A_1069] {strides = array<i32>} : memref<3x64x128xf32, #tpu.memory_space<vmem>>, vector<16xf32>,
        %mul3A_1071 = vector.broadcast %squeeze3A_1041 : f32 to vector<16xf32>
        %mul3A_1072 = arith.mulf %get3A_1070, %mul3A_1071 : vector<16xf32>
        %swap3A_1073 = arith.constant 2 : i32
        %swap3A_1074 = arith.index_cast %swap3A_1073 : i32 to index
        %swap3A_1075 = arith.index_cast %add3A_1039 : i32 to index
        %swap3A_1076 = arith.constant 32 : index
        %swap3A_1077 = tpu.vector_load %arg11[%swap3A_1074, %swap3A_1075, %swap3A_1076] {strides = array<i32>} : memref<3x64x128xf32, #tpu.memory_space<vmem>>, vector<16xf32>,
        tpu.vector_store %arg11[%swap3A_1074, %swap3A_1075, %swap3A_1076], %mul3A_1072 {strides = array<i32>} : memref<3x64x128xf32, #tpu.memory_space<vmem>>, vector<16xf32>,
        %get3A_1078 = arith.constant 2 : i32
        %get3A_1079 = arith.index_cast %get3A_1078 : i32 to index
        %get3A_1080 = arith.index_cast %add3A_1039 : i32 to index
        %get3A_1081 = arith.constant 48 : index
        %get3A_1082 = tpu.vector_load %arg11[%get3A_1079, %get3A_1080, %get3A_1081] {strides = array<i32>} : memref<3x64x128xf32, #tpu.memory_space<vmem>>, vector<16xf32>,
        %mul3A_1083 = vector.broadcast %squeeze3A_1041 : f32 to vector<16xf32>
        %mul3A_1084 = arith.mulf %get3A_1082, %mul3A_1083 : vector<16xf32>
        %swap3A_1085 = arith.constant 2 : i32
        %swap3A_1086 = arith.index_cast %swap3A_1085 : i32 to index
        %swap3A_1087 = arith.index_cast %add3A_1039 : i32 to index
        %swap3A_1088 = arith.constant 48 : index
        %swap3A_1089 = tpu.vector_load %arg11[%swap3A_1086, %swap3A_1087, %swap3A_1088] {strides = array<i32>} : memref<3x64x128xf32, #tpu.memory_space<vmem>>, vector<16xf32>,
        tpu.vector_store %arg11[%swap3A_1086, %swap3A_1087, %swap3A_1088], %mul3A_1084 {strides = array<i32>} : memref<3x64x128xf32, #tpu.memory_space<vmem>>, vector<16xf32>,
        %get3A_1090 = arith.constant 2 : i32
        %get3A_1091 = arith.index_cast %get3A_1090 : i32 to index
        %get3A_1092 = arith.index_cast %add3A_1039 : i32 to index
        %get3A_1093 = arith.constant 64 : index
        %get3A_1094 = tpu.vector_load %arg11[%get3A_1091, %get3A_1092, %get3A_1093] {strides = array<i32>} : memref<3x64x128xf32, #tpu.memory_space<vmem>>, vector<16xf32>,
        %mul3A_1095 = vector.broadcast %squeeze3A_1041 : f32 to vector<16xf32>
        %mul3A_1096 = arith.mulf %get3A_1094, %mul3A_1095 : vector<16xf32>
        %swap3A_1097 = arith.constant 2 : i32
        %swap3A_1098 = arith.index_cast %swap3A_1097 : i32 to index
        %swap3A_1099 = arith.index_cast %add3A_1039 : i32 to index
        %swap3A_1100 = arith.constant 64 : index
        %swap3A_1101 = tpu.vector_load %arg11[%swap3A_1098, %swap3A_1099, %swap3A_1100] {strides = array<i32>} : memref<3x64x128xf32, #tpu.memory_space<vmem>>, vector<16xf32>,
        tpu.vector_store %arg11[%swap3A_1098, %swap3A_1099, %swap3A_1100], %mul3A_1096 {strides = array<i32>} : memref<3x64x128xf32, #tpu.memory_space<vmem>>, vector<16xf32>,
        %mul3A_1102 = arith.constant 16 : i32
        %mul3A_1103 = arith.muli %scan3A_306, %mul3A_1102 : i32
        %add3A_1104 = arith.constant 12 : i32
        %add3A_1105 = arith.addi %mul3A_1103, %add3A_1104 : i32
        %slice3A_1106 = vector.extract_strided_slice %get3A_312 {offsets = [12], sizes = [1], strides = [1]} : vector<16xf32> to vector<1xf32>
        %squeeze3A_1107 = vector.extract %slice3A_1106[0] : f32 from vector<1xf32>
        %get3A_1108 = arith.constant 2 : i32
        %get3A_1109 = arith.index_cast %get3A_1108 : i32 to index
        %get3A_1110 = arith.index_cast %add3A_1105 : i32 to index
        %get3A_1111 = arith.constant 0 : index
        %get3A_1112 = tpu.vector_load %arg11[%get3A_1109, %get3A_1110, %get3A_1111] {strides = array<i32>} : memref<3x64x128xf32, #tpu.memory_space<vmem>>, vector<16xf32>,
        %mul3A_1113 = vector.broadcast %squeeze3A_1107 : f32 to vector<16xf32>
        %mul3A_1114 = arith.mulf %get3A_1112, %mul3A_1113 : vector<16xf32>
        %swap3A_1115 = arith.constant 2 : i32
        %swap3A_1116 = arith.index_cast %swap3A_1115 : i32 to index
        %swap3A_1117 = arith.index_cast %add3A_1105 : i32 to index
        %swap3A_1118 = arith.constant 0 : index
        %swap3A_1119 = tpu.vector_load %arg11[%swap3A_1116, %swap3A_1117, %swap3A_1118] {strides = array<i32>} : memref<3x64x128xf32, #tpu.memory_space<vmem>>, vector<16xf32>,
        tpu.vector_store %arg11[%swap3A_1116, %swap3A_1117, %swap3A_1118], %mul3A_1114 {strides = array<i32>} : memref<3x64x128xf32, #tpu.memory_space<vmem>>, vector<16xf32>,
        %get3A_1120 = arith.constant 2 : i32
        %get3A_1121 = arith.index_cast %get3A_1120 : i32 to index
        %get3A_1122 = arith.index_cast %add3A_1105 : i32 to index
        %get3A_1123 = arith.constant 16 : index
        %get3A_1124 = tpu.vector_load %arg11[%get3A_1121, %get3A_1122, %get3A_1123] {strides = array<i32>} : memref<3x64x128xf32, #tpu.memory_space<vmem>>, vector<16xf32>,
        %mul3A_1125 = vector.broadcast %squeeze3A_1107 : f32 to vector<16xf32>
        %mul3A_1126 = arith.mulf %get3A_1124, %mul3A_1125 : vector<16xf32>
        %swap3A_1127 = arith.constant 2 : i32
        %swap3A_1128 = arith.index_cast %swap3A_1127 : i32 to index
        %swap3A_1129 = arith.index_cast %add3A_1105 : i32 to index
        %swap3A_1130 = arith.constant 16 : index
        %swap3A_1131 = tpu.vector_load %arg11[%swap3A_1128, %swap3A_1129, %swap3A_1130] {strides = array<i32>} : memref<3x64x128xf32, #tpu.memory_space<vmem>>, vector<16xf32>,
        tpu.vector_store %arg11[%swap3A_1128, %swap3A_1129, %swap3A_1130], %mul3A_1126 {strides = array<i32>} : memref<3x64x128xf32, #tpu.memory_space<vmem>>, vector<16xf32>,
        %get3A_1132 = arith.constant 2 : i32
        %get3A_1133 = arith.index_cast %get3A_1132 : i32 to index
        %get3A_1134 = arith.index_cast %add3A_1105 : i32 to index
        %get3A_1135 = arith.constant 32 : index
        %get3A_1136 = tpu.vector_load %arg11[%get3A_1133, %get3A_1134, %get3A_1135] {strides = array<i32>} : memref<3x64x128xf32, #tpu.memory_space<vmem>>, vector<16xf32>,
        %mul3A_1137 = vector.broadcast %squeeze3A_1107 : f32 to vector<16xf32>
        %mul3A_1138 = arith.mulf %get3A_1136, %mul3A_1137 : vector<16xf32>
        %swap3A_1139 = arith.constant 2 : i32
        %swap3A_1140 = arith.index_cast %swap3A_1139 : i32 to index
        %swap3A_1141 = arith.index_cast %add3A_1105 : i32 to index
        %swap3A_1142 = arith.constant 32 : index
        %swap3A_1143 = tpu.vector_load %arg11[%swap3A_1140, %swap3A_1141, %swap3A_1142] {strides = array<i32>} : memref<3x64x128xf32, #tpu.memory_space<vmem>>, vector<16xf32>,
        tpu.vector_store %arg11[%swap3A_1140, %swap3A_1141, %swap3A_1142], %mul3A_1138 {strides = array<i32>} : memref<3x64x128xf32, #tpu.memory_space<vmem>>, vector<16xf32>,
        %get3A_1144 = arith.constant 2 : i32
        %get3A_1145 = arith.index_cast %get3A_1144 : i32 to index
        %get3A_1146 = arith.index_cast %add3A_1105 : i32 to index
        %get3A_1147 = arith.constant 48 : index
        %get3A_1148 = tpu.vector_load %arg11[%get3A_1145, %get3A_1146, %get3A_1147] {strides = array<i32>} : memref<3x64x128xf32, #tpu.memory_space<vmem>>, vector<16xf32>,
        %mul3A_1149 = vector.broadcast %squeeze3A_1107 : f32 to vector<16xf32>
        %mul3A_1150 = arith.mulf %get3A_1148, %mul3A_1149 : vector<16xf32>
        %swap3A_1151 = arith.constant 2 : i32
        %swap3A_1152 = arith.index_cast %swap3A_1151 : i32 to index
        %swap3A_1153 = arith.index_cast %add3A_1105 : i32 to index
        %swap3A_1154 = arith.constant 48 : index
        %swap3A_1155 = tpu.vector_load %arg11[%swap3A_1152, %swap3A_1153, %swap3A_1154] {strides = array<i32>} : memref<3x64x128xf32, #tpu.memory_space<vmem>>, vector<16xf32>,
        tpu.vector_store %arg11[%swap3A_1152, %swap3A_1153, %swap3A_1154], %mul3A_1150 {strides = array<i32>} : memref<3x64x128xf32, #tpu.memory_space<vmem>>, vector<16xf32>,
        %get3A_1156 = arith.constant 2 : i32
        %get3A_1157 = arith.index_cast %get3A_1156 : i32 to index
        %get3A_1158 = arith.index_cast %add3A_1105 : i32 to index
        %get3A_1159 = arith.constant 64 : index
        %get3A_1160 = tpu.vector_load %arg11[%get3A_1157, %get3A_1158, %get3A_1159] {strides = array<i32>} : memref<3x64x128xf32, #tpu.memory_space<vmem>>, vector<16xf32>,
        %mul3A_1161 = vector.broadcast %squeeze3A_1107 : f32 to vector<16xf32>
        %mul3A_1162 = arith.mulf %get3A_1160, %mul3A_1161 : vector<16xf32>
        %swap3A_1163 = arith.constant 2 : i32
        %swap3A_1164 = arith.index_cast %swap3A_1163 : i32 to index
        %swap3A_1165 = arith.index_cast %add3A_1105 : i32 to index
        %swap3A_1166 = arith.constant 64 : index
        %swap3A_1167 = tpu.vector_load %arg11[%swap3A_1164, %swap3A_1165, %swap3A_1166] {strides = array<i32>} : memref<3x64x128xf32, #tpu.memory_space<vmem>>, vector<16xf32>,
        tpu.vector_store %arg11[%swap3A_1164, %swap3A_1165, %swap3A_1166], %mul3A_1162 {strides = array<i32>} : memref<3x64x128xf32, #tpu.memory_space<vmem>>, vector<16xf32>,
        %mul3A_1168 = arith.constant 16 : i32
        %mul3A_1169 = arith.muli %scan3A_306, %mul3A_1168 : i32
        %add3A_1170 = arith.constant 13 : i32
        %add3A_1171 = arith.addi %mul3A_1169, %add3A_1170 : i32
        %slice3A_1172 = vector.extract_strided_slice %get3A_312 {offsets = [13], sizes = [1], strides = [1]} : vector<16xf32> to vector<1xf32>
        %squeeze3A_1173 = vector.extract %slice3A_1172[0] : f32 from vector<1xf32>
        %get3A_1174 = arith.constant 2 : i32
        %get3A_1175 = arith.index_cast %get3A_1174 : i32 to index
        %get3A_1176 = arith.index_cast %add3A_1171 : i32 to index
        %get3A_1177 = arith.constant 0 : index
        %get3A_1178 = tpu.vector_load %arg11[%get3A_1175, %get3A_1176, %get3A_1177] {strides = array<i32>} : memref<3x64x128xf32, #tpu.memory_space<vmem>>, vector<16xf32>,
        %mul3A_1179 = vector.broadcast %squeeze3A_1173 : f32 to vector<16xf32>
        %mul3A_1180 = arith.mulf %get3A_1178, %mul3A_1179 : vector<16xf32>
        %swap3A_1181 = arith.constant 2 : i32
        %swap3A_1182 = arith.index_cast %swap3A_1181 : i32 to index
        %swap3A_1183 = arith.index_cast %add3A_1171 : i32 to index
        %swap3A_1184 = arith.constant 0 : index
        %swap3A_1185 = tpu.vector_load %arg11[%swap3A_1182, %swap3A_1183, %swap3A_1184] {strides = array<i32>} : memref<3x64x128xf32, #tpu.memory_space<vmem>>, vector<16xf32>,
        tpu.vector_store %arg11[%swap3A_1182, %swap3A_1183, %swap3A_1184], %mul3A_1180 {strides = array<i32>} : memref<3x64x128xf32, #tpu.memory_space<vmem>>, vector<16xf32>,
        %get3A_1186 = arith.constant 2 : i32
        %get3A_1187 = arith.index_cast %get3A_1186 : i32 to index
        %get3A_1188 = arith.index_cast %add3A_1171 : i32 to index
        %get3A_1189 = arith.constant 16 : index
        %get3A_1190 = tpu.vector_load %arg11[%get3A_1187, %get3A_1188, %get3A_1189] {strides = array<i32>} : memref<3x64x128xf32, #tpu.memory_space<vmem>>, vector<16xf32>,
        %mul3A_1191 = vector.broadcast %squeeze3A_1173 : f32 to vector<16xf32>
        %mul3A_1192 = arith.mulf %get3A_1190, %mul3A_1191 : vector<16xf32>
        %swap3A_1193 = arith.constant 2 : i32
        %swap3A_1194 = arith.index_cast %swap3A_1193 : i32 to index
        %swap3A_1195 = arith.index_cast %add3A_1171 : i32 to index
        %swap3A_1196 = arith.constant 16 : index
        %swap3A_1197 = tpu.vector_load %arg11[%swap3A_1194, %swap3A_1195, %swap3A_1196] {strides = array<i32>} : memref<3x64x128xf32, #tpu.memory_space<vmem>>, vector<16xf32>,
        tpu.vector_store %arg11[%swap3A_1194, %swap3A_1195, %swap3A_1196], %mul3A_1192 {strides = array<i32>} : memref<3x64x128xf32, #tpu.memory_space<vmem>>, vector<16xf32>,
        %get3A_1198 = arith.constant 2 : i32
        %get3A_1199 = arith.index_cast %get3A_1198 : i32 to index
        %get3A_1200 = arith.index_cast %add3A_1171 : i32 to index
        %get3A_1201 = arith.constant 32 : index
        %get3A_1202 = tpu.vector_load %arg11[%get3A_1199, %get3A_1200, %get3A_1201] {strides = array<i32>} : memref<3x64x128xf32, #tpu.memory_space<vmem>>, vector<16xf32>,
        %mul3A_1203 = vector.broadcast %squeeze3A_1173 : f32 to vector<16xf32>
        %mul3A_1204 = arith.mulf %get3A_1202, %mul3A_1203 : vector<16xf32>
        %swap3A_1205 = arith.constant 2 : i32
        %swap3A_1206 = arith.index_cast %swap3A_1205 : i32 to index
        %swap3A_1207 = arith.index_cast %add3A_1171 : i32 to index
        %swap3A_1208 = arith.constant 32 : index
        %swap3A_1209 = tpu.vector_load %arg11[%swap3A_1206, %swap3A_1207, %swap3A_1208] {strides = array<i32>} : memref<3x64x128xf32, #tpu.memory_space<vmem>>, vector<16xf32>,
        tpu.vector_store %arg11[%swap3A_1206, %swap3A_1207, %swap3A_1208], %mul3A_1204 {strides = array<i32>} : memref<3x64x128xf32, #tpu.memory_space<vmem>>, vector<16xf32>,
        %get3A_1210 = arith.constant 2 : i32
        %get3A_1211 = arith.index_cast %get3A_1210 : i32 to index
        %get3A_1212 = arith.index_cast %add3A_1171 : i32 to index
        %get3A_1213 = arith.constant 48 : index
        %get3A_1214 = tpu.vector_load %arg11[%get3A_1211, %get3A_1212, %get3A_1213] {strides = array<i32>} : memref<3x64x128xf32, #tpu.memory_space<vmem>>, vector<16xf32>,
        %mul3A_1215 = vector.broadcast %squeeze3A_1173 : f32 to vector<16xf32>
        %mul3A_1216 = arith.mulf %get3A_1214, %mul3A_1215 : vector<16xf32>
        %swap3A_1217 = arith.constant 2 : i32
        %swap3A_1218 = arith.index_cast %swap3A_1217 : i32 to index
        %swap3A_1219 = arith.index_cast %add3A_1171 : i32 to index
        %swap3A_1220 = arith.constant 48 : index
        %swap3A_1221 = tpu.vector_load %arg11[%swap3A_1218, %swap3A_1219, %swap3A_1220] {strides = array<i32>} : memref<3x64x128xf32, #tpu.memory_space<vmem>>, vector<16xf32>,
        tpu.vector_store %arg11[%swap3A_1218, %swap3A_1219, %swap3A_1220], %mul3A_1216 {strides = array<i32>} : memref<3x64x128xf32, #tpu.memory_space<vmem>>, vector<16xf32>,
        %get3A_1222 = arith.constant 2 : i32
        %get3A_1223 = arith.index_cast %get3A_1222 : i32 to index
        %get3A_1224 = arith.index_cast %add3A_1171 : i32 to index
        %get3A_1225 = arith.constant 64 : index
        %get3A_1226 = tpu.vector_load %arg11[%get3A_1223, %get3A_1224, %get3A_1225] {strides = array<i32>} : memref<3x64x128xf32, #tpu.memory_space<vmem>>, vector<16xf32>,
        %mul3A_1227 = vector.broadcast %squeeze3A_1173 : f32 to vector<16xf32>
        %mul3A_1228 = arith.mulf %get3A_1226, %mul3A_1227 : vector<16xf32>
        %swap3A_1229 = arith.constant 2 : i32
        %swap3A_1230 = arith.index_cast %swap3A_1229 : i32 to index
        %swap3A_1231 = arith.index_cast %add3A_1171 : i32 to index
        %swap3A_1232 = arith.constant 64 : index
        %swap3A_1233 = tpu.vector_load %arg11[%swap3A_1230, %swap3A_1231, %swap3A_1232] {strides = array<i32>} : memref<3x64x128xf32, #tpu.memory_space<vmem>>, vector<16xf32>,
        tpu.vector_store %arg11[%swap3A_1230, %swap3A_1231, %swap3A_1232], %mul3A_1228 {strides = array<i32>} : memref<3x64x128xf32, #tpu.memory_space<vmem>>, vector<16xf32>,
        %mul3A_1234 = arith.constant 16 : i32
        %mul3A_1235 = arith.muli %scan3A_306, %mul3A_1234 : i32
        %add3A_1236 = arith.constant 14 : i32
        %add3A_1237 = arith.addi %mul3A_1235, %add3A_1236 : i32
        %slice3A_1238 = vector.extract_strided_slice %get3A_312 {offsets = [14], sizes = [1], strides = [1]} : vector<16xf32> to vector<1xf32>
        %squeeze3A_1239 = vector.extract %slice3A_1238[0] : f32 from vector<1xf32>
        %get3A_1240 = arith.constant 2 : i32
        %get3A_1241 = arith.index_cast %get3A_1240 : i32 to index
        %get3A_1242 = arith.index_cast %add3A_1237 : i32 to index
        %get3A_1243 = arith.constant 0 : index
        %get3A_1244 = tpu.vector_load %arg11[%get3A_1241, %get3A_1242, %get3A_1243] {strides = array<i32>} : memref<3x64x128xf32, #tpu.memory_space<vmem>>, vector<16xf32>,
        %mul3A_1245 = vector.broadcast %squeeze3A_1239 : f32 to vector<16xf32>
        %mul3A_1246 = arith.mulf %get3A_1244, %mul3A_1245 : vector<16xf32>
        %swap3A_1247 = arith.constant 2 : i32
        %swap3A_1248 = arith.index_cast %swap3A_1247 : i32 to index
        %swap3A_1249 = arith.index_cast %add3A_1237 : i32 to index
        %swap3A_1250 = arith.constant 0 : index
        %swap3A_1251 = tpu.vector_load %arg11[%swap3A_1248, %swap3A_1249, %swap3A_1250] {strides = array<i32>} : memref<3x64x128xf32, #tpu.memory_space<vmem>>, vector<16xf32>,
        tpu.vector_store %arg11[%swap3A_1248, %swap3A_1249, %swap3A_1250], %mul3A_1246 {strides = array<i32>} : memref<3x64x128xf32, #tpu.memory_space<vmem>>, vector<16xf32>,
        %get3A_1252 = arith.constant 2 : i32
        %get3A_1253 = arith.index_cast %get3A_1252 : i32 to index
        %get3A_1254 = arith.index_cast %add3A_1237 : i32 to index
        %get3A_1255 = arith.constant 16 : index
        %get3A_1256 = tpu.vector_load %arg11[%get3A_1253, %get3A_1254, %get3A_1255] {strides = array<i32>} : memref<3x64x128xf32, #tpu.memory_space<vmem>>, vector<16xf32>,
        %mul3A_1257 = vector.broadcast %squeeze3A_1239 : f32 to vector<16xf32>
        %mul3A_1258 = arith.mulf %get3A_1256, %mul3A_1257 : vector<16xf32>
        %swap3A_1259 = arith.constant 2 : i32
        %swap3A_1260 = arith.index_cast %swap3A_1259 : i32 to index
        %swap3A_1261 = arith.index_cast %add3A_1237 : i32 to index
        %swap3A_1262 = arith.constant 16 : index
        %swap3A_1263 = tpu.vector_load %arg11[%swap3A_1260, %swap3A_1261, %swap3A_1262] {strides = array<i32>} : memref<3x64x128xf32, #tpu.memory_space<vmem>>, vector<16xf32>,
        tpu.vector_store %arg11[%swap3A_1260, %swap3A_1261, %swap3A_1262], %mul3A_1258 {strides = array<i32>} : memref<3x64x128xf32, #tpu.memory_space<vmem>>, vector<16xf32>,
        %get3A_1264 = arith.constant 2 : i32
        %get3A_1265 = arith.index_cast %get3A_1264 : i32 to index
        %get3A_1266 = arith.index_cast %add3A_1237 : i32 to index
        %get3A_1267 = arith.constant 32 : index
        %get3A_1268 = tpu.vector_load %arg11[%get3A_1265, %get3A_1266, %get3A_1267] {strides = array<i32>} : memref<3x64x128xf32, #tpu.memory_space<vmem>>, vector<16xf32>,
        %mul3A_1269 = vector.broadcast %squeeze3A_1239 : f32 to vector<16xf32>
        %mul3A_1270 = arith.mulf %get3A_1268, %mul3A_1269 : vector<16xf32>
        %swap3A_1271 = arith.constant 2 : i32
        %swap3A_1272 = arith.index_cast %swap3A_1271 : i32 to index
        %swap3A_1273 = arith.index_cast %add3A_1237 : i32 to index
        %swap3A_1274 = arith.constant 32 : index
        %swap3A_1275 = tpu.vector_load %arg11[%swap3A_1272, %swap3A_1273, %swap3A_1274] {strides = array<i32>} : memref<3x64x128xf32, #tpu.memory_space<vmem>>, vector<16xf32>,
        tpu.vector_store %arg11[%swap3A_1272, %swap3A_1273, %swap3A_1274], %mul3A_1270 {strides = array<i32>} : memref<3x64x128xf32, #tpu.memory_space<vmem>>, vector<16xf32>,
        %get3A_1276 = arith.constant 2 : i32
        %get3A_1277 = arith.index_cast %get3A_1276 : i32 to index
        %get3A_1278 = arith.index_cast %add3A_1237 : i32 to index
        %get3A_1279 = arith.constant 48 : index
        %get3A_1280 = tpu.vector_load %arg11[%get3A_1277, %get3A_1278, %get3A_1279] {strides = array<i32>} : memref<3x64x128xf32, #tpu.memory_space<vmem>>, vector<16xf32>,
        %mul3A_1281 = vector.broadcast %squeeze3A_1239 : f32 to vector<16xf32>
        %mul3A_1282 = arith.mulf %get3A_1280, %mul3A_1281 : vector<16xf32>
        %swap3A_1283 = arith.constant 2 : i32
        %swap3A_1284 = arith.index_cast %swap3A_1283 : i32 to index
        %swap3A_1285 = arith.index_cast %add3A_1237 : i32 to index
        %swap3A_1286 = arith.constant 48 : index
        %swap3A_1287 = tpu.vector_load %arg11[%swap3A_1284, %swap3A_1285, %swap3A_1286] {strides = array<i32>} : memref<3x64x128xf32, #tpu.memory_space<vmem>>, vector<16xf32>,
        tpu.vector_store %arg11[%swap3A_1284, %swap3A_1285, %swap3A_1286], %mul3A_1282 {strides = array<i32>} : memref<3x64x128xf32, #tpu.memory_space<vmem>>, vector<16xf32>,
        %get3A_1288 = arith.constant 2 : i32
        %get3A_1289 = arith.index_cast %get3A_1288 : i32 to index
        %get3A_1290 = arith.index_cast %add3A_1237 : i32 to index
        %get3A_1291 = arith.constant 64 : index
        %get3A_1292 = tpu.vector_load %arg11[%get3A_1289, %get3A_1290, %get3A_1291] {strides = array<i32>} : memref<3x64x128xf32, #tpu.memory_space<vmem>>, vector<16xf32>,
        %mul3A_1293 = vector.broadcast %squeeze3A_1239 : f32 to vector<16xf32>
        %mul3A_1294 = arith.mulf %get3A_1292, %mul3A_1293 : vector<16xf32>
        %swap3A_1295 = arith.constant 2 : i32
        %swap3A_1296 = arith.index_cast %swap3A_1295 : i32 to index
        %swap3A_1297 = arith.index_cast %add3A_1237 : i32 to index
        %swap3A_1298 = arith.constant 64 : index
        %swap3A_1299 = tpu.vector_load %arg11[%swap3A_1296, %swap3A_1297, %swap3A_1298] {strides = array<i32>} : memref<3x64x128xf32, #tpu.memory_space<vmem>>, vector<16xf32>,
        tpu.vector_store %arg11[%swap3A_1296, %swap3A_1297, %swap3A_1298], %mul3A_1294 {strides = array<i32>} : memref<3x64x128xf32, #tpu.memory_space<vmem>>, vector<16xf32>,
        %mul3A_1300 = arith.constant 16 : i32
        %mul3A_1301 = arith.muli %scan3A_306, %mul3A_1300 : i32
        %add3A_1302 = arith.constant 15 : i32
        %add3A_1303 = arith.addi %mul3A_1301, %add3A_1302 : i32
        %slice3A_1304 = vector.extract_strided_slice %get3A_312 {offsets = [15], sizes = [1], strides = [1]} : vector<16xf32> to vector<1xf32>
        %squeeze3A_1305 = vector.extract %slice3A_1304[0] : f32 from vector<1xf32>
        %get3A_1306 = arith.constant 2 : i32
        %get3A_1307 = arith.index_cast %get3A_1306 : i32 to index
        %get3A_1308 = arith.index_cast %add3A_1303 : i32 to index
        %get3A_1309 = arith.constant 0 : index
        %get3A_1310 = tpu.vector_load %arg11[%get3A_1307, %get3A_1308, %get3A_1309] {strides = array<i32>} : memref<3x64x128xf32, #tpu.memory_space<vmem>>, vector<16xf32>,
        %mul3A_1311 = vector.broadcast %squeeze3A_1305 : f32 to vector<16xf32>
        %mul3A_1312 = arith.mulf %get3A_1310, %mul3A_1311 : vector<16xf32>
        %swap3A_1313 = arith.constant 2 : i32
        %swap3A_1314 = arith.index_cast %swap3A_1313 : i32 to index
        %swap3A_1315 = arith.index_cast %add3A_1303 : i32 to index
        %swap3A_1316 = arith.constant 0 : index
        %swap3A_1317 = tpu.vector_load %arg11[%swap3A_1314, %swap3A_1315, %swap3A_1316] {strides = array<i32>} : memref<3x64x128xf32, #tpu.memory_space<vmem>>, vector<16xf32>,
        tpu.vector_store %arg11[%swap3A_1314, %swap3A_1315, %swap3A_1316], %mul3A_1312 {strides = array<i32>} : memref<3x64x128xf32, #tpu.memory_space<vmem>>, vector<16xf32>,
        %get3A_1318 = arith.constant 2 : i32
        %get3A_1319 = arith.index_cast %get3A_1318 : i32 to index
        %get3A_1320 = arith.index_cast %add3A_1303 : i32 to index
        %get3A_1321 = arith.constant 16 : index
        %get3A_1322 = tpu.vector_load %arg11[%get3A_1319, %get3A_1320, %get3A_1321] {strides = array<i32>} : memref<3x64x128xf32, #tpu.memory_space<vmem>>, vector<16xf32>,
        %mul3A_1323 = vector.broadcast %squeeze3A_1305 : f32 to vector<16xf32>
        %mul3A_1324 = arith.mulf %get3A_1322, %mul3A_1323 : vector<16xf32>
        %swap3A_1325 = arith.constant 2 : i32
        %swap3A_1326 = arith.index_cast %swap3A_1325 : i32 to index
        %swap3A_1327 = arith.index_cast %add3A_1303 : i32 to index
        %swap3A_1328 = arith.constant 16 : index
        %swap3A_1329 = tpu.vector_load %arg11[%swap3A_1326, %swap3A_1327, %swap3A_1328] {strides = array<i32>} : memref<3x64x128xf32, #tpu.memory_space<vmem>>, vector<16xf32>,
        tpu.vector_store %arg11[%swap3A_1326, %swap3A_1327, %swap3A_1328], %mul3A_1324 {strides = array<i32>} : memref<3x64x128xf32, #tpu.memory_space<vmem>>, vector<16xf32>,
        %get3A_1330 = arith.constant 2 : i32
        %get3A_1331 = arith.index_cast %get3A_1330 : i32 to index
        %get3A_1332 = arith.index_cast %add3A_1303 : i32 to index
        %get3A_1333 = arith.constant 32 : index
        %get3A_1334 = tpu.vector_load %arg11[%get3A_1331, %get3A_1332, %get3A_1333] {strides = array<i32>} : memref<3x64x128xf32, #tpu.memory_space<vmem>>, vector<16xf32>,
        %mul3A_1335 = vector.broadcast %squeeze3A_1305 : f32 to vector<16xf32>
        %mul3A_1336 = arith.mulf %get3A_1334, %mul3A_1335 : vector<16xf32>
        %swap3A_1337 = arith.constant 2 : i32
        %swap3A_1338 = arith.index_cast %swap3A_1337 : i32 to index
        %swap3A_1339 = arith.index_cast %add3A_1303 : i32 to index
        %swap3A_1340 = arith.constant 32 : index
        %swap3A_1341 = tpu.vector_load %arg11[%swap3A_1338, %swap3A_1339, %swap3A_1340] {strides = array<i32>} : memref<3x64x128xf32, #tpu.memory_space<vmem>>, vector<16xf32>,
        tpu.vector_store %arg11[%swap3A_1338, %swap3A_1339, %swap3A_1340], %mul3A_1336 {strides = array<i32>} : memref<3x64x128xf32, #tpu.memory_space<vmem>>, vector<16xf32>,
        %get3A_1342 = arith.constant 2 : i32
        %get3A_1343 = arith.index_cast %get3A_1342 : i32 to index
        %get3A_1344 = arith.index_cast %add3A_1303 : i32 to index
        %get3A_1345 = arith.constant 48 : index
        %get3A_1346 = tpu.vector_load %arg11[%get3A_1343, %get3A_1344, %get3A_1345] {strides = array<i32>} : memref<3x64x128xf32, #tpu.memory_space<vmem>>, vector<16xf32>,
        %mul3A_1347 = vector.broadcast %squeeze3A_1305 : f32 to vector<16xf32>
        %mul3A_1348 = arith.mulf %get3A_1346, %mul3A_1347 : vector<16xf32>
        %swap3A_1349 = arith.constant 2 : i32
        %swap3A_1350 = arith.index_cast %swap3A_1349 : i32 to index
        %swap3A_1351 = arith.index_cast %add3A_1303 : i32 to index
        %swap3A_1352 = arith.constant 48 : index
        %swap3A_1353 = tpu.vector_load %arg11[%swap3A_1350, %swap3A_1351, %swap3A_1352] {strides = array<i32>} : memref<3x64x128xf32, #tpu.memory_space<vmem>>, vector<16xf32>,
        tpu.vector_store %arg11[%swap3A_1350, %swap3A_1351, %swap3A_1352], %mul3A_1348 {strides = array<i32>} : memref<3x64x128xf32, #tpu.memory_space<vmem>>, vector<16xf32>,
        %get3A_1354 = arith.constant 2 : i32
        %get3A_1355 = arith.index_cast %get3A_1354 : i32 to index
        %get3A_1356 = arith.index_cast %add3A_1303 : i32 to index
        %get3A_1357 = arith.constant 64 : index
        %get3A_1358 = tpu.vector_load %arg11[%get3A_1355, %get3A_1356, %get3A_1357] {strides = array<i32>} : memref<3x64x128xf32, #tpu.memory_space<vmem>>, vector<16xf32>,
        %mul3A_1359 = vector.broadcast %squeeze3A_1305 : f32 to vector<16xf32>
        %mul3A_1360 = arith.mulf %get3A_1358, %mul3A_1359 : vector<16xf32>
        %swap3A_1361 = arith.constant 2 : i32
        %swap3A_1362 = arith.index_cast %swap3A_1361 : i32 to index
        %swap3A_1363 = arith.index_cast %add3A_1303 : i32 to index
        %swap3A_1364 = arith.constant 64 : index
        %swap3A_1365 = tpu.vector_load %arg11[%swap3A_1362, %swap3A_1363, %swap3A_1364] {strides = array<i32>} : memref<3x64x128xf32, #tpu.memory_space<vmem>>, vector<16xf32>,
        tpu.vector_store %arg11[%swap3A_1362, %swap3A_1363, %swap3A_1364], %mul3A_1360 {strides = array<i32>} : memref<3x64x128xf32, #tpu.memory_space<vmem>>, vector<16xf32>,
        %scan3A_1366 = arith.constant 0 : i32
        scf.yield %scan3A_1366 : i32
      }
      %scan3A_290 = arith.constant 4 : i32
      %rem3A_291 = arith.constant 16 : i32
      %rem3A_292 = arith.remsi %add3A_252, %rem3A_291 : i32
      %dma_start3A_293 = arith.constant 2 : i32
      %dma_start3A_294 = arith.constant 1 : i32
      %dma_start3A_295 = arith.constant 0 : i32
      %dma_start3A_296 = arith.constant 0 : i32
      %dma_start3A_297 = tpu.memref_slice %arg11[%dma_start3A_293, %dma_start3A_295, %dma_start3A_296] : memref<3x64x128xf32, #tpu.memory_space<vmem>> -> memref<1x64x128xf32, #tpu.memory_space<vmem>>
      %dma_start3A_298 = tpu.memref_squeeze %dma_start3A_297 : memref<1x64x128xf32, #tpu.memory_space<vmem>> -> memref<64x128xf32, #tpu.memory_space<vmem>>
      %dma_start3A_299 = arith.constant 0 : i32
      %dma_start3A_300 = tpu.memref_slice %arg9[%rem3A_292, %dma_start3A_294, %dma_start3A_299] : memref<16x2x64xi32, #tpu.memory_space<vmem>> -> memref<1x1x64xi32, #tpu.memory_space<vmem>>
      %dma_start3A_301 = tpu.memref_squeeze %dma_start3A_300 : memref<1x1x64xi32, #tpu.memory_space<vmem>> -> memref<64xi32, #tpu.memory_space<vmem>>
      %dma_start3A_302 = arith.constant 0 : i32
      %dma_start3A_303 = arith.constant 0 : i32
      %dma_start3A_304 = tpu.memref_slice %arg12[%dma_start3A_302, %dma_start3A_303] : memref<10112x128xf32, #tpu.memory_space<vmem_shared>> -> memref<10112x128xf32, #tpu.memory_space<vmem_shared>>
      tpu.enqueue_indirect_dma source(%dma_start3A_298 : memref<64x128xf32, #tpu.memory_space<vmem>>) target(%dma_start3A_304 : memref<10112x128xf32, #tpu.memory_space<vmem_shared>>) offsets(%dma_start3A_301 : memref<64xi32, #tpu.memory_space<vmem>>) semaphore(%arg18 : memref<!tpu.dma_semaphore, #tpu.memory_space<semaphore_mem>>) {add = true}
      %scan3A_305 = arith.constant 0 : i32
      scf.yield %scan3A_305 : i32
    }
    %scan3A_94 = arith.constant 105 : i32
    %rem3A_95 = arith.constant 312 : i32
    %rem3A_96 = arith.constant 16 : i32
    %rem3A_97 = arith.remsi %rem3A_95, %rem3A_96 : i32
    %dma_wait3A = arith.constant 0 : i32
    %dma_wait3A_98 = arith.constant 1 : i32
    %dma_wait3A_99 = arith.constant 0 : i32
    %dma_wait3A_100 = arith.constant 0 : i32
    %dma_wait3A_101 = tpu.memref_slice %arg11[%dma_wait3A, %dma_wait3A_99, %dma_wait3A_100] : memref<3x64x128xf32, #tpu.memory_space<vmem>> -> memref<1x64x128xf32, #tpu.memory_space<vmem>>
    %dma_wait3A_102 = tpu.memref_squeeze %dma_wait3A_101 : memref<1x64x128xf32, #tpu.memory_space<vmem>> -> memref<64x128xf32, #tpu.memory_space<vmem>>
    %dma_wait3A_103 = arith.constant 0 : i32
    %dma_wait3A_104 = tpu.memref_slice %arg9[%rem3A_97, %dma_wait3A_98, %dma_wait3A_103] : memref<16x2x64xi32, #tpu.memory_space<vmem>> -> memref<1x1x64xi32, #tpu.memory_space<vmem>>
    %dma_wait3A_105 = tpu.memref_squeeze %dma_wait3A_104 : memref<1x1x64xi32, #tpu.memory_space<vmem>> -> memref<64xi32, #tpu.memory_space<vmem>>
    %dma_wait3A_106 = arith.constant 0 : i32
    %dma_wait3A_107 = arith.constant 0 : i32
    %dma_wait3A_108 = tpu.memref_slice %arg12[%dma_wait3A_106, %dma_wait3A_107] : memref<10112x128xf32, #tpu.memory_space<vmem_shared>> -> memref<10112x128xf32, #tpu.memory_space<vmem_shared>>
    tpu.wait_indirect_dma semaphore(%arg16 : memref<!tpu.dma_semaphore, #tpu.memory_space<semaphore_mem>>) src(%dma_wait3A_102 : memref<64x128xf32, #tpu.memory_space<vmem>>) dst(%dma_wait3A_108 : memref<10112x128xf32, #tpu.memory_space<vmem_shared>>)
    %rem3A_109 = arith.constant 313 : i32
    %rem3A_110 = arith.constant 16 : i32
    %rem3A_111 = arith.remsi %rem3A_109, %rem3A_110 : i32
    %dma_wait3A_112 = arith.constant 1 : i32
    %dma_wait3A_113 = arith.constant 1 : i32
    %dma_wait3A_114 = arith.constant 0 : i32
    %dma_wait3A_115 = arith.constant 0 : i32
    %dma_wait3A_116 = tpu.memref_slice %arg11[%dma_wait3A_112, %dma_wait3A_114, %dma_wait3A_115] : memref<3x64x128xf32, #tpu.memory_space<vmem>> -> memref<1x64x128xf32, #tpu.memory_space<vmem>>
    %dma_wait3A_117 = tpu.memref_squeeze %dma_wait3A_116 : memref<1x64x128xf32, #tpu.memory_space<vmem>> -> memref<64x128xf32, #tpu.memory_space<vmem>>
    %dma_wait3A_118 = arith.constant 0 : i32
    %dma_wait3A_119 = tpu.memref_slice %arg9[%rem3A_111, %dma_wait3A_113, %dma_wait3A_118] : memref<16x2x64xi32, #tpu.memory_space<vmem>> -> memref<1x1x64xi32, #tpu.memory_space<vmem>>
    %dma_wait3A_120 = tpu.memref_squeeze %dma_wait3A_119 : memref<1x1x64xi32, #tpu.memory_space<vmem>> -> memref<64xi32, #tpu.memory_space<vmem>>
    %dma_wait3A_121 = arith.constant 0 : i32
    %dma_wait3A_122 = arith.constant 0 : i32
    %dma_wait3A_123 = tpu.memref_slice %arg12[%dma_wait3A_121, %dma_wait3A_122] : memref<10112x128xf32, #tpu.memory_space<vmem_shared>> -> memref<10112x128xf32, #tpu.memory_space<vmem_shared>>
    tpu.wait_indirect_dma semaphore(%arg17 : memref<!tpu.dma_semaphore, #tpu.memory_space<semaphore_mem>>) src(%dma_wait3A_117 : memref<64x128xf32, #tpu.memory_space<vmem>>) dst(%dma_wait3A_123 : memref<10112x128xf32, #tpu.memory_space<vmem_shared>>)
    %rem3A_124 = arith.constant 314 : i32
    %rem3A_125 = arith.constant 16 : i32
    %rem3A_126 = arith.remsi %rem3A_124, %rem3A_125 : i32
    %dma_wait3A_127 = arith.constant 2 : i32
    %dma_wait3A_128 = arith.constant 1 : i32
    %dma_wait3A_129 = arith.constant 0 : i32
    %dma_wait3A_130 = arith.constant 0 : i32
    %dma_wait3A_131 = tpu.memref_slice %arg11[%dma_wait3A_127, %dma_wait3A_129, %dma_wait3A_130] : memref<3x64x128xf32, #tpu.memory_space<vmem>> -> memref<1x64x128xf32, #tpu.memory_space<vmem>>
    %dma_wait3A_132 = tpu.memref_squeeze %dma_wait3A_131 : memref<1x64x128xf32, #tpu.memory_space<vmem>> -> memref<64x128xf32, #tpu.memory_space<vmem>>
    %dma_wait3A_133 = arith.constant 0 : i32
    %dma_wait3A_134 = tpu.memref_slice %arg9[%rem3A_126, %dma_wait3A_128, %dma_wait3A_133] : memref<16x2x64xi32, #tpu.memory_space<vmem>> -> memref<1x1x64xi32, #tpu.memory_space<vmem>>
    %dma_wait3A_135 = tpu.memref_squeeze %dma_wait3A_134 : memref<1x1x64xi32, #tpu.memory_space<vmem>> -> memref<64xi32, #tpu.memory_space<vmem>>
    %dma_wait3A_136 = arith.constant 0 : i32
    %dma_wait3A_137 = arith.constant 0 : i32
    %dma_wait3A_138 = tpu.memref_slice %arg12[%dma_wait3A_136, %dma_wait3A_137] : memref<10112x128xf32, #tpu.memory_space<vmem_shared>> -> memref<10112x128xf32, #tpu.memory_space<vmem_shared>>
    tpu.wait_indirect_dma semaphore(%arg18 : memref<!tpu.dma_semaphore, #tpu.memory_space<semaphore_mem>>) src(%dma_wait3A_132 : memref<64x128xf32, #tpu.memory_space<vmem>>) dst(%dma_wait3A_138 : memref<10112x128xf32, #tpu.memory_space<vmem_shared>>)
    %barrier3A_139 = arith.constant 0 : index
    tpu.barrier barrier_id(%barrier3A_139)
    "tpu.region"() ({
      %run_scoped3A_140 = tpu.sem_alloc : memref<!tpu.dma_semaphore, #tpu.memory_space<semaphore_mem>>
      %dma_start3A_141 = arith.constant 0 : i32
      %dma_start3A_142 = tpu.memref_slice %arg6[%arg0, %mul3A_7, %dma_start3A_141] : memref<2x10112x128xf32, #tpu.memory_space<hbm>> -> memref<1x632x128xf32, #tpu.memory_space<hbm>>
      %dma_start3A_143 = tpu.memref_squeeze %dma_start3A_142 : memref<1x632x128xf32, #tpu.memory_space<hbm>> -> memref<632x128xf32, #tpu.memory_space<hbm>>
      %dma_start3A_144 = arith.constant 0 : i32
      %dma_start3A_145 = tpu.memref_slice %arg12[%mul3A_7, %dma_start3A_144] : memref<10112x128xf32, #tpu.memory_space<vmem_shared>> -> memref<632x128xf32, #tpu.memory_space<vmem_shared>>
      tpu.enqueue_dma source(%dma_start3A_145 : memref<632x128xf32, #tpu.memory_space<vmem_shared>>) target(%dma_start3A_143 : memref<632x128xf32, #tpu.memory_space<hbm>>) target_semaphore(%run_scoped3A_140 : memref<!tpu.dma_semaphore, #tpu.memory_space<semaphore_mem>>)
      %dma_wait3A_146 = arith.constant 0 : i32
      %dma_wait3A_147 = tpu.memref_slice %arg6[%arg0, %mul3A_7, %dma_wait3A_146] : memref<2x10112x128xf32, #tpu.memory_space<hbm>> -> memref<1x632x128xf32, #tpu.memory_space<hbm>>
      %dma_wait3A_148 = tpu.memref_squeeze %dma_wait3A_147 : memref<1x632x128xf32, #tpu.memory_space<hbm>> -> memref<632x128xf32, #tpu.memory_space<hbm>>
      %dma_wait3A_149 = arith.constant 0 : i32
      %dma_wait3A_150 = tpu.memref_slice %arg12[%mul3A_7, %dma_wait3A_149] : memref<10112x128xf32, #tpu.memory_space<vmem_shared>> -> memref<632x128xf32, #tpu.memory_space<vmem_shared>>
      tpu.wait_dma2 semaphore(%run_scoped3A_140 : memref<!tpu.dma_semaphore, #tpu.memory_space<semaphore_mem>>) src(%dma_wait3A_150 : memref<632x128xf32, #tpu.memory_space<vmem_shared>>) dst(%dma_wait3A_148 : memref<632x128xf32, #tpu.memory_space<hbm>>)
      tpu.yield
    }) : () -> ()
    return
  }
}

module attributes {stable_mosaic.version = 14 : i64} {
  func.func @_prep_body(%arg0: memref<10000x128xf32, #tpu.memory_space<vmem>>, %arg1: memref<1x128xf32, #tpu.memory_space<vmem>>, %arg2: memref<1x128xf32, #tpu.memory_space<vmem>>, %arg3: memref<2x128x64xf32, #tpu.memory_space<vmem>>, %arg4: memref<2x64x1xf32, #tpu.memory_space<vmem>>, %arg5: memref<2x64x1xf32, #tpu.memory_space<vmem>>, %arg6: memref<20224x128xf32, #tpu.memory_space<vmem>>, %arg7: memref<2x10112xf32, #tpu.memory_space<vmem>>, %arg8: memref<2x10112xf32, #tpu.memory_space<vmem>>) attributes {dimension_semantics = [], scalar_prefetch = 0 : i64, scratch_operands = 0 : i64, tpu.core_type = #tpu.core_type<tc>} {
    %get3A = arith.constant 0 : index
    %get3A_0 = arith.constant 0 : index
    %get3A_1 = vector.load %arg0[%get3A, %get3A_0] : memref<10000x128xf32, #tpu.memory_space<vmem>>, vector<10000x128xf32>
    %reduce_sum3A = arith.constant dense<0.000000e+00> : vector<128xf32>
    %reduce_sum3A_2 = vector.multi_reduction <add>, %get3A_1, %reduce_sum3A [0] : vector<10000x128xf32> to vector<128xf32>
    %broadcast_in_dim3A = vector.shape_cast %reduce_sum3A_2 : vector<128xf32> to vector<1x128xf32>
    %div3A = arith.constant 1.000000e+04 : f32
    %div3A_3 = vector.broadcast %div3A : f32 to vector<1x128xf32>
    %div3A_4 = arith.divf %broadcast_in_dim3A, %div3A_3 : vector<1x128xf32>
    %sub3A = vector.broadcast %div3A_4 : vector<1x128xf32> to vector<10000x128xf32>
    %sub3A_5 = arith.subf %get3A_1, %sub3A : vector<10000x128xf32>
    %mul3A = arith.mulf %sub3A_5, %sub3A_5 : vector<10000x128xf32>
    %reduce_sum3A_6 = arith.constant dense<0.000000e+00> : vector<128xf32>
    %reduce_sum3A_7 = vector.multi_reduction <add>, %mul3A, %reduce_sum3A_6 [0] : vector<10000x128xf32> to vector<128xf32>
    %broadcast_in_dim3A_8 = vector.shape_cast %reduce_sum3A_7 : vector<128xf32> to vector<1x128xf32>
    %div3A_9 = arith.constant 1.000000e+04 : f32
    %div3A_10 = vector.broadcast %div3A_9 : f32 to vector<1x128xf32>
    %div3A_11 = arith.divf %broadcast_in_dim3A_8, %div3A_10 : vector<1x128xf32>
    %get3A_12 = arith.constant 0 : index
    %get3A_13 = arith.constant 0 : index
    %get3A_14 = vector.load %arg1[%get3A_12, %get3A_13] : memref<1x128xf32, #tpu.memory_space<vmem>>, vector<1x128xf32>
    %add3A = arith.constant 9.99999974E-6 : f32
    %add3A_15 = vector.broadcast %add3A : f32 to vector<1x128xf32>
    %add3A_16 = arith.addf %div3A_11, %add3A_15 : vector<1x128xf32>
    %rsqrt3A = math.rsqrt %add3A_16 : vector<1x128xf32>
    %mul3A_17 = arith.mulf %get3A_14, %rsqrt3A : vector<1x128xf32>
    %mul3A_18 = vector.broadcast %mul3A_17 : vector<1x128xf32> to vector<10000x128xf32>
    %mul3A_19 = arith.mulf %sub3A_5, %mul3A_18 : vector<10000x128xf32>
    %get3A_20 = arith.constant 0 : index
    %get3A_21 = arith.constant 0 : index
    %get3A_22 = vector.load %arg2[%get3A_20, %get3A_21] : memref<1x128xf32, #tpu.memory_space<vmem>>, vector<1x128xf32>
    %add3A_23 = vector.broadcast %get3A_22 : vector<1x128xf32> to vector<10000x128xf32>
    %add3A_24 = arith.addf %mul3A_19, %add3A_23 : vector<10000x128xf32>
    %get3A_25 = arith.constant 0 : index
    %get3A_26 = arith.constant 0 : index
    %get3A_27 = arith.constant 0 : index
    %get3A_28 = vector.load %arg3[%get3A_25, %get3A_26, %get3A_27] : memref<2x128x64xf32, #tpu.memory_space<vmem>>, vector<1x128x64xf32>
    %get3A_29 = vector.shape_cast %get3A_28 : vector<1x128x64xf32> to vector<128x64xf32>
    %get3A_30 = arith.constant 1 : index
    %get3A_31 = arith.constant 0 : index
    %get3A_32 = arith.constant 0 : index
    %get3A_33 = vector.load %arg3[%get3A_30, %get3A_31, %get3A_32] : memref<2x128x64xf32, #tpu.memory_space<vmem>>, vector<1x128x64xf32>
    %get3A_34 = vector.shape_cast %get3A_33 : vector<1x128x64xf32> to vector<128x64xf32>
    %concatenate3A = tpu.concatenate %get3A_29, %get3A_34 in 1 : vector<128x64xf32>, vector<128x64xf32> -> vector<128x128xf32>
    %dot_general3A = arith.constant dense<0.000000e+00> : vector<10000x128xf32>
    %dot_general3A_35 = tpu.matmul %add3A_24, %concatenate3A, %dot_general3A {dimension_numbers = #tpu.dot_dimension_numbers<[1], [0], [0], [1], [0, 0, 1, 1], [], []>, transpose_lhs_hint = false} : vector<10000x128xf32>, vector<128x128xf32>, vector<10000x128xf32> -> vector<10000x128xf32>
    %broadcast_in_dim3A_36 = arith.constant 1.000000e+00 : f32
    %broadcast_in_dim3A_37 = vector.broadcast %broadcast_in_dim3A_36 : f32 to vector<10000x1xf32>
    %broadcast_in_dim3A_38 = arith.constant 0.000000e+00 : f32
    %broadcast_in_dim3A_39 = vector.broadcast %broadcast_in_dim3A_38 : f32 to vector<10000x63xf32>
    %broadcast_in_dim3A_40 = arith.constant 0.000000e+00 : f32
    %broadcast_in_dim3A_41 = vector.broadcast %broadcast_in_dim3A_40 : f32 to vector<112x128xf32>
    %slice3A = vector.extract_strided_slice %dot_general3A_35 {offsets = [0, 0], sizes = [10000, 64], strides = [1, 1]} : vector<10000x128xf32> to vector<10000x64xf32>
    %concatenate3A_42 = tpu.concatenate %slice3A, %broadcast_in_dim3A_37, %broadcast_in_dim3A_39 in 1 : vector<10000x64xf32>, vector<10000x1xf32>, vector<10000x63xf32> -> vector<10000x128xf32>
    %slice3A_43 = vector.extract_strided_slice %dot_general3A_35 {offsets = [0, 64], sizes = [10000, 64], strides = [1, 1]} : vector<10000x128xf32> to vector<10000x64xf32>
    %concatenate3A_44 = tpu.concatenate %slice3A_43, %broadcast_in_dim3A_37, %broadcast_in_dim3A_39 in 1 : vector<10000x64xf32>, vector<10000x1xf32>, vector<10000x63xf32> -> vector<10000x128xf32>
    %concatenate3A_45 = tpu.concatenate %concatenate3A_42, %broadcast_in_dim3A_41, %concatenate3A_44, %broadcast_in_dim3A_41 in 0 : vector<10000x128xf32>, vector<112x128xf32>, vector<10000x128xf32>, vector<112x128xf32> -> vector<20224x128xf32>
    %swap3A = arith.constant 0 : index
    %swap3A_46 = arith.constant 0 : index
    %swap3A_47 = vector.load %arg6[%swap3A, %swap3A_46] : memref<20224x128xf32, #tpu.memory_space<vmem>>, vector<20224x128xf32>
    tpu.vector_store %arg6[%swap3A, %swap3A_46], %concatenate3A_45 {strides = array<i32>} : memref<20224x128xf32, #tpu.memory_space<vmem>>, vector<20224x128xf32>,
    %get3A_48 = arith.constant 0 : index
    %get3A_49 = arith.constant 0 : index
    %get3A_50 = arith.constant 0 : index
    %get3A_51 = vector.load %arg4[%get3A_48, %get3A_49, %get3A_50] : memref<2x64x1xf32, #tpu.memory_space<vmem>>, vector<1x64x1xf32>
    %get3A_52 = vector.shape_cast %get3A_51 : vector<1x64x1xf32> to vector<64x1xf32>
    %dot_general3A_53 = arith.constant dense<0.000000e+00> : vector<128x1xf32>
    %dot_general3A_54 = tpu.matmul %get3A_29, %get3A_52, %dot_general3A_53 {dimension_numbers = #tpu.dot_dimension_numbers<[1], [0], [0], [1], [0, 0, 1, 1], [], []>, transpose_lhs_hint = false} : vector<128x64xf32>, vector<64x1xf32>, vector<128x1xf32> -> vector<128x1xf32>
    %get3A_55 = arith.constant 0 : index
    %get3A_56 = arith.constant 0 : index
    %get3A_57 = arith.constant 0 : index
    %get3A_58 = vector.load %arg5[%get3A_55, %get3A_56, %get3A_57] : memref<2x64x1xf32, #tpu.memory_space<vmem>>, vector<1x64x1xf32>
    %get3A_59 = vector.shape_cast %get3A_58 : vector<1x64x1xf32> to vector<64x1xf32>
    %dot_general3A_60 = arith.constant dense<0.000000e+00> : vector<128x1xf32>
    %dot_general3A_61 = tpu.matmul %get3A_29, %get3A_59, %dot_general3A_60 {dimension_numbers = #tpu.dot_dimension_numbers<[1], [0], [0], [1], [0, 0, 1, 1], [], []>, transpose_lhs_hint = false} : vector<128x64xf32>, vector<64x1xf32>, vector<128x1xf32> -> vector<128x1xf32>
    %get3A_62 = arith.constant 1 : index
    %get3A_63 = arith.constant 0 : index
    %get3A_64 = arith.constant 0 : index
    %get3A_65 = vector.load %arg4[%get3A_62, %get3A_63, %get3A_64] : memref<2x64x1xf32, #tpu.memory_space<vmem>>, vector<1x64x1xf32>
    %get3A_66 = vector.shape_cast %get3A_65 : vector<1x64x1xf32> to vector<64x1xf32>
    %dot_general3A_67 = arith.constant dense<0.000000e+00> : vector<128x1xf32>
    %dot_general3A_68 = tpu.matmul %get3A_34, %get3A_66, %dot_general3A_67 {dimension_numbers = #tpu.dot_dimension_numbers<[1], [0], [0], [1], [0, 0, 1, 1], [], []>, transpose_lhs_hint = false} : vector<128x64xf32>, vector<64x1xf32>, vector<128x1xf32> -> vector<128x1xf32>
    %get3A_69 = arith.constant 1 : index
    %get3A_70 = arith.constant 0 : index
    %get3A_71 = arith.constant 0 : index
    %get3A_72 = vector.load %arg5[%get3A_69, %get3A_70, %get3A_71] : memref<2x64x1xf32, #tpu.memory_space<vmem>>, vector<1x64x1xf32>
    %get3A_73 = vector.shape_cast %get3A_72 : vector<1x64x1xf32> to vector<64x1xf32>
    %dot_general3A_74 = arith.constant dense<0.000000e+00> : vector<128x1xf32>
    %dot_general3A_75 = tpu.matmul %get3A_34, %get3A_73, %dot_general3A_74 {dimension_numbers = #tpu.dot_dimension_numbers<[1], [0], [0], [1], [0, 0, 1, 1], [], []>, transpose_lhs_hint = false} : vector<128x64xf32>, vector<64x1xf32>, vector<128x1xf32> -> vector<128x1xf32>
    %concatenate3A_76 = tpu.concatenate %dot_general3A_54, %dot_general3A_61, %dot_general3A_68, %dot_general3A_75 in 1 : vector<128x1xf32>, vector<128x1xf32>, vector<128x1xf32>, vector<128x1xf32> -> vector<128x4xf32>
    %dot_general3A_77 = arith.constant dense<0.000000e+00> : vector<10000x4xf32>
    %dot_general3A_78 = tpu.matmul %add3A_24, %concatenate3A_76, %dot_general3A_77 {dimension_numbers = #tpu.dot_dimension_numbers<[1], [0], [0], [1], [0, 0, 1, 1], [], []>, transpose_lhs_hint = false} : vector<10000x128xf32>, vector<128x4xf32>, vector<10000x4xf32> -> vector<10000x4xf32>
    %broadcast_in_dim3A_79 = arith.constant 0.000000e+00 : f32
    %broadcast_in_dim3A_80 = vector.broadcast %broadcast_in_dim3A_79 : f32 to vector<2x112xf32>
    %slice3A_81 = vector.extract_strided_slice %dot_general3A_78 {offsets = [0, 0], sizes = [10000, 1], strides = [1, 1]} : vector<10000x4xf32> to vector<10000x1xf32>
    %squeeze3A = vector.shape_cast %slice3A_81 : vector<10000x1xf32> to vector<10000xf32>
    %slice3A_82 = vector.extract_strided_slice %dot_general3A_78 {offsets = [0, 2], sizes = [10000, 1], strides = [1, 1]} : vector<10000x4xf32> to vector<10000x1xf32>
    %squeeze3A_83 = vector.shape_cast %slice3A_82 : vector<10000x1xf32> to vector<10000xf32>
    %stack3A = vector.shape_cast %squeeze3A : vector<10000xf32> to vector<1x10000xf32>
    %stack3A_84 = vector.shape_cast %squeeze3A_83 : vector<10000xf32> to vector<1x10000xf32>
    %stack3A_85 = tpu.concatenate %stack3A, %stack3A_84 in 0 : vector<1x10000xf32>, vector<1x10000xf32> -> vector<2x10000xf32>
    %concatenate3A_86 = tpu.concatenate %stack3A_85, %broadcast_in_dim3A_80 in 1 : vector<2x10000xf32>, vector<2x112xf32> -> vector<2x10112xf32>
    %swap3A_87 = arith.constant 0 : index
    %swap3A_88 = arith.constant 0 : index
    %swap3A_89 = vector.load %arg7[%swap3A_87, %swap3A_88] : memref<2x10112xf32, #tpu.memory_space<vmem>>, vector<2x10112xf32>
    tpu.vector_store %arg7[%swap3A_87, %swap3A_88], %concatenate3A_86 {strides = array<i32>} : memref<2x10112xf32, #tpu.memory_space<vmem>>, vector<2x10112xf32>,
    %slice3A_90 = vector.extract_strided_slice %dot_general3A_78 {offsets = [0, 1], sizes = [10000, 1], strides = [1, 1]} : vector<10000x4xf32> to vector<10000x1xf32>
    %squeeze3A_91 = vector.shape_cast %slice3A_90 : vector<10000x1xf32> to vector<10000xf32>
    %slice3A_92 = vector.extract_strided_slice %dot_general3A_78 {offsets = [0, 3], sizes = [10000, 1], strides = [1, 1]} : vector<10000x4xf32> to vector<10000x1xf32>
    %squeeze3A_93 = vector.shape_cast %slice3A_92 : vector<10000x1xf32> to vector<10000xf32>
    %stack3A_94 = vector.shape_cast %squeeze3A_91 : vector<10000xf32> to vector<1x10000xf32>
    %stack3A_95 = vector.shape_cast %squeeze3A_93 : vector<10000xf32> to vector<1x10000xf32>
    %stack3A_96 = tpu.concatenate %stack3A_94, %stack3A_95 in 0 : vector<1x10000xf32>, vector<1x10000xf32> -> vector<2x10000xf32>
    %concatenate3A_97 = tpu.concatenate %stack3A_96, %broadcast_in_dim3A_80 in 1 : vector<2x10000xf32>, vector<2x112xf32> -> vector<2x10112xf32>
    %swap3A_98 = arith.constant 0 : index
    %swap3A_99 = arith.constant 0 : index
    %swap3A_100 = vector.load %arg8[%swap3A_98, %swap3A_99] : memref<2x10112xf32, #tpu.memory_space<vmem>>, vector<2x10112xf32>
    tpu.vector_store %arg8[%swap3A_98, %swap3A_99], %concatenate3A_97 {strides = array<i32>} : memref<2x10112xf32, #tpu.memory_space<vmem>>, vector<2x10112xf32>,
    return
  }
}

module attributes {stable_mosaic.version = 14 : i64} {
  func.func @_fin_body(%arg0: memref<2x10112x128xf32, #tpu.memory_space<vmem>>, %arg1: memref<10000x128xf32, #tpu.memory_space<vmem>>) attributes {dimension_semantics = [], scalar_prefetch = 0 : i64, scratch_operands = 0 : i64, tpu.core_type = #tpu.core_type<tc>} {
    %get3A = arith.constant 0 : index
    %get3A_0 = arith.constant 0 : index
    %get3A_1 = arith.constant 0 : index
    %get3A_2 = vector.load %arg0[%get3A, %get3A_0, %get3A_1] : memref<2x10112x128xf32, #tpu.memory_space<vmem>>, vector<1x10000x64xf32>
    %get3A_3 = vector.shape_cast %get3A_2 : vector<1x10000x64xf32> to vector<10000x64xf32>
    %get3A_4 = arith.constant 0 : index
    %get3A_5 = arith.constant 0 : index
    %get3A_6 = arith.constant 64 : index
    %get3A_7 = vector.load %arg0[%get3A_4, %get3A_5, %get3A_6] : memref<2x10112x128xf32, #tpu.memory_space<vmem>>, vector<1x10000x1xf32>
    %get3A_8 = vector.shape_cast %get3A_7 : vector<1x10000x1xf32> to vector<10000xf32>
    %max3A = arith.constant 1.000000e-16 : f32
    %max3A_9 = vector.broadcast %max3A : f32 to vector<10000xf32>
    %max3A_10 = arith.maximumf %get3A_8, %max3A_9 : vector<10000xf32>
    %broadcast_in_dim3A = vector.shape_cast %max3A_10 : vector<10000xf32> to vector<10000x1xf32>
    %div3A = vector.broadcast %broadcast_in_dim3A : vector<10000x1xf32> to vector<10000x64xf32>
    %div3A_11 = arith.divf %get3A_3, %div3A : vector<10000x64xf32>
    %max3A_12 = arith.constant 0.000000e+00 : f32
    %max3A_13 = vector.broadcast %max3A_12 : f32 to vector<10000x64xf32>
    %max3A_14 = arith.maximumf %div3A_11, %max3A_13 : vector<10000x64xf32>
    %swap3A = arith.constant 0 : index
    %swap3A_15 = arith.constant 0 : index
    %swap3A_16 = vector.load %arg1[%swap3A, %swap3A_15] : memref<10000x128xf32, #tpu.memory_space<vmem>>, vector<10000x64xf32>
    tpu.vector_store %arg1[%swap3A, %swap3A_15], %max3A_14 {strides = array<i32>} : memref<10000x128xf32, #tpu.memory_space<vmem>>, vector<10000x64xf32>,
    %get3A_17 = arith.constant 1 : index
    %get3A_18 = arith.constant 0 : index
    %get3A_19 = arith.constant 0 : index
    %get3A_20 = vector.load %arg0[%get3A_17, %get3A_18, %get3A_19] : memref<2x10112x128xf32, #tpu.memory_space<vmem>>, vector<1x10000x64xf32>
    %get3A_21 = vector.shape_cast %get3A_20 : vector<1x10000x64xf32> to vector<10000x64xf32>
    %get3A_22 = arith.constant 1 : index
    %get3A_23 = arith.constant 0 : index
    %get3A_24 = arith.constant 64 : index
    %get3A_25 = vector.load %arg0[%get3A_22, %get3A_23, %get3A_24] : memref<2x10112x128xf32, #tpu.memory_space<vmem>>, vector<1x10000x1xf32>
    %get3A_26 = vector.shape_cast %get3A_25 : vector<1x10000x1xf32> to vector<10000xf32>
    %max3A_27 = arith.constant 1.000000e-16 : f32
    %max3A_28 = vector.broadcast %max3A_27 : f32 to vector<10000xf32>
    %max3A_29 = arith.maximumf %get3A_26, %max3A_28 : vector<10000xf32>
    %broadcast_in_dim3A_30 = vector.shape_cast %max3A_29 : vector<10000xf32> to vector<10000x1xf32>
    %div3A_31 = vector.broadcast %broadcast_in_dim3A_30 : vector<10000x1xf32> to vector<10000x64xf32>
    %div3A_32 = arith.divf %get3A_21, %div3A_31 : vector<10000x64xf32>
    %max3A_33 = arith.constant 0.000000e+00 : f32
    %max3A_34 = vector.broadcast %max3A_33 : f32 to vector<10000x64xf32>
    %max3A_35 = arith.maximumf %div3A_32, %max3A_34 : vector<10000x64xf32>
    %swap3A_36 = arith.constant 0 : index
    %swap3A_37 = arith.constant 64 : index
    %swap3A_38 = vector.load %arg1[%swap3A_36, %swap3A_37] : memref<10000x128xf32, #tpu.memory_space<vmem>>, vector<10000x64xf32>
    tpu.vector_store %arg1[%swap3A_36, %swap3A_37], %max3A_35 {strides = array<i32>} : memref<10000x128xf32, #tpu.memory_space<vmem>>, vector<10000x64xf32>,
    return
  }
}

</mosaic_0001>

<sc_bundles>
// kernel: kernel.5.cloned.1.call-start
scs
__scs_entry_jumppad:
0x0: {  	(pc) =	sbr.rel $0x88, $3  }
0x1: {  	(tag) =	ssettag $0x0;
	lr =	simm.s32 $0x1  }
0x2: {  	[smem:$0x3F9A] =	sst lr;
	_ =	strace $0xD0000000  }
0x3: {  	_ = 	snop  }
0x4: {  	_ = 	snop  }
0x5: {  	_ = 	snop  }
0x6: {  	_ = 	snop  }
0x7: {  	_ = 	snop  }
__scs_overlays_trampoline_lowered:
0x8: {  	[smem:$0x3FA9] =	sst s0  }
0x9: {  	[smem:$0x3FAA] =	sst s1  }
0xa: {  	[smem:$0x3FAB] =	sst s2  }
0xb: {  	[smem:$0x3FAC] =	sst s3  }
0xc: {  	[smem:$0x3FAD] =	sst s4  }
0xd: {  	[smem:$0x3FAE] =	sst s5  }
0xe: {  	[smem:$0x3FAF] =	sst s6  }
0xf: {  	[smem:$0x3FB0] =	sst s7  }
0x10: {  	[smem:$0x3FB1] =	sst s8  }
0x11: {  	[smem:$0x3FB2] =	sst s9;
	s0 =	simm.s32 @!p0 $0x0  }
0x12: {  	s1 =	sld [smem:$0x3F98];
	s0 =	simm.s32 @p0 $0x1  }
0x13: {  	[smem:$0x3FB3] =	sst s0;
	s0 =	simm.s32 @!p1 $0x0  }
0x14: {  	s2 =	sld [smem:$0x3F97];
	s0 =	simm.s32 @p1 $0x1  }
0x15: {  	[smem:$0x3FB4] =	sst s0;
	s0 =	simm.s32 @!p2 $0x0  }
0x16: {  	s3 =	sld [smem:$0x3FDB];
	s0 =	simm.s32 @p2 $0x1  }
0x17: {  	s4 =	simm.s32 $0x1BF5;
	[smem:$0x3FB6] =	sst s0  }
0x18: {  	s0 =	sld [smem:$0x3F99];
	_ =	swait.ge [sflag:s4], $0x0  }
0x19: {  	s7 =	sld [smem:$0x3F9A]  }
0x1a: {  	s8 =	sadd.s32 $0xFFFFE003, lr  }
0x1b: {  	s9 =	sadd.s32 $0xFFFFFEF7, lr;
	s5 =	simm.s32 $0xFFFFFFFF;
	p2 =	slt.u32 s8, $0xFFFFF086  }
0x1c: {  	p1 =	slt.u32 s9, $0xF7A;
	s5 =	simm.s32 @!p2 $0x0  }
0x1d: {  	s5 =	simm.s32 @p1 $0x1;
	p0 =	seq.s32 s7, s2  }
0x1e: {  	s7 =	smul.u32 @!p0 $0xF7A, s2;
	p2 =	seq.s32 @!p0 s5, $0x0  }
0x1f: {  	s9 =	smul.u32 $0xF7A, s1;
	s8 =	simm.s32 @!p0 $0x1BF5;
	p2 =	por !p2, p0  }
0x20: {  	[sflag:s8] =	ssyncset.s32 @!p0 $0xFFFFF086;
	s6 =	sadd.s32 @!p0 s3, s7;
	s7 =	simm.s32 @!p0 $0x108  }
0x21: {  	s3 =	sadd.s32 s3, s9;
	s6 =	sadd.s32 @!p0 $0x88, s6;
	s7 =	simm.s32 @p2 $0x1082  }
0x22: {  	[simem:s7], [sflag:s8] =	dma.local @!p0 [hbm:s6], $0xF7A  }
0x23: {  	s9 =	sor.u32 $0xD0000000, s2;
	s6 =	simm.s32 $0x108;
	_ =	swait.ge @!p0 [sflag:s8], $0x0  }
0x24: {  	s3 =	sadd.s32 $0x88, s3;
	s6 =	simm.s32 @!p1 $0x1082;
	[sflag:s4] =	ssyncset.s32 $0xFFFFF086  }
0x25: {  	[simem:s6], [sflag:s4] =	dma.local [hbm:s3], $0xF7A  }
0x26: {  	[smem:$0x3F9A] =	sst s1;
	(tag) =	ssettag s2;
	_ =	strace s9  }
0x27: {  	s1 =	sld [smem:$0x3FAA]  }
0x28: {  	s2 =	sld [smem:$0x3FAB]  }
0x29: {  	s4 =	sld [smem:$0x3FAD]  }
0x2a: {  	p0 =	seq.s32 s5, $0x0;
	s5 =	sld [smem:$0x3FAE]  }
0x2b: {  	s6 =	sld [smem:$0x3FAF]  }
0x2c: {  	s7 =	sld [smem:$0x3FB0]  }
0x2d: {  	s3 =	simm.s32 $0x108;
	s8 =	sld [smem:$0x3FB1]  }
0x2e: {  	s3 =	simm.s32 @!p0 $0x1082;
	s9 =	sld [smem:$0x3FB2]  }
0x2f: {  	lr =	sadd.s32 s0, s3;
	s0 =	sld [smem:$0x3FA9]  }
0x30: {  	s3 =	sld [smem:$0x3FAC]  }
0x31: {  	[smem:$0x3FB5] =	sst s10  }
0x32: {  	s10 =	sld [smem:$0x3FB3];
	_ =	sdelay $0x3  }
0x33: {  	p0 =	seq.s32 s10, $0x1;
	s10 =	sld [smem:$0x3FB5];
	_ =	sdelay $0x3  }
0x34: {  	[smem:$0x3FB5] =	sst s10  }
0x35: {  	s10 =	sld [smem:$0x3FB4];
	_ =	sdelay $0x3  }
0x36: {  	p1 =	seq.s32 s10, $0x1;
	s10 =	sld [smem:$0x3FB5];
	_ =	sdelay $0x3  }
0x37: {  	[smem:$0x3FB5] =	sst s10  }
0x38: {  	s10 =	sld [smem:$0x3FB6]  }
0x39: {  	_ = 	snop;
	(pc) =	sbr.ind lr, $3  }
0x3a: {  	_ = 	snop  }
0x3b: {  	_ = 	snop  }
0x3c: {  	p2 =	seq.s32 s10, $0x1;
	s10 =	sld [smem:$0x3FB5]  }
0x3d: {  	_ =	shalt  }
0x3e: {  	_ =	shalt  }
0x3f: {  	_ =	shalt  }
0x40: {  	_ =	shalt  }
0x41: {  	_ =	shalt  }
0x42: {  	_ =	shalt  }
0x43: {  	_ =	shalt  }
0x44: {  	_ =	shalt  }
0x45: {  	_ =	shalt  }
0x46: {  	_ =	shalt  }
0x47: {  	_ =	shalt  }
0x48: {  	_ =	shalt  }
0x49: {  	_ =	shalt  }
0x4a: {  	_ =	shalt  }
0x4b: {  	_ =	shalt  }
0x4c: {  	_ =	shalt  }
0x4d: {  	_ =	shalt  }
0x4e: {  	_ =	shalt  }
0x4f: {  	_ =	shalt  }
0x50: {  	_ =	shalt  }
0x51: {  	_ =	shalt  }
0x52: {  	_ =	shalt  }
0x53: {  	_ =	shalt  }
0x54: {  	_ =	shalt  }
0x55: {  	_ =	shalt  }
0x56: {  	_ =	shalt  }
0x57: {  	_ =	shalt  }
0x58: {  	_ =	shalt  }
0x59: {  	_ =	shalt  }
0x5a: {  	_ =	shalt  }
0x5b: {  	_ =	shalt  }
0x5c: {  	_ =	shalt  }
0x5d: {  	_ =	shalt  }
0x5e: {  	_ =	shalt  }
0x5f: {  	_ =	shalt  }
0x60: {  	_ =	shalt  }
0x61: {  	_ =	shalt  }
0x62: {  	_ =	shalt  }
0x63: {  	_ =	shalt  }
0x64: {  	_ =	shalt  }
0x65: {  	_ =	shalt  }
0x66: {  	_ =	shalt  }
0x67: {  	_ =	shalt  }
0x68: {  	_ =	shalt  }
0x69: {  	_ =	shalt  }
0x6a: {  	_ =	shalt  }
0x6b: {  	_ =	shalt  }
0x6c: {  	_ =	shalt  }
0x6d: {  	_ =	shalt  }
0x6e: {  	_ =	shalt  }
0x6f: {  	_ =	shalt  }
0x70: {  	_ =	shalt  }
0x71: {  	_ =	shalt  }
0x72: {  	_ =	shalt  }
0x73: {  	_ =	shalt  }
0x74: {  	_ =	shalt  }
0x75: {  	_ =	shalt  }
0x76: {  	_ =	shalt  }
0x77: {  	_ =	shalt  }
0x78: {  	_ =	shalt  }
0x79: {  	_ =	shalt  }
0x7a: {  	_ =	shalt  }
0x7b: {  	_ =	shalt  }
0x7c: {  	_ =	shalt  }
0x7d: {  	_ =	shalt  }
0x7e: {  	_ =	shalt  }
0x7f: {  	_ =	shalt  }
0x80: {  	_ =	shalt  }
0x81: {  	_ =	shalt  }
0x82: {  	_ =	shalt  }
0x83: {  	_ =	shalt  }
0x84: {  	_ =	shalt  }
0x85: {  	_ =	shalt  }
0x86: {  	_ =	shalt  }
0x87: {  	_ =	shalt  }
.Lfunc_end0:
.L_simem_size_0:
called_computation_lowered:
.L_overlay_start_0:
0x88: {  	s2 =	sld [smem:$0x3FD9]  }
0x89: {  	s3 =	sld [smem:$0x3FFE];
	_ =	sdelay $0x1  }
0x8a: {  	s1 =	srdreg.scid  }
0x8b: {  	s0 =	sand.u32 $0x1, s1  }
0x8c: {  	s17 =	sshll.u32 s0, $0xA;
	s2 =	sadd.s32 s3, s2  }
0x8d: {  	s2 =	sadd.s32 s2, s17  }
0x8e: {  	[smem:$0x3FC1] =	sst s2  }
0x8f: {  	_ = 	snop  }
0x90: {  	s2 =	sld [smem:$0x3FD0];
	(tm) =	ssettm $0x1  }
0x91: {  	s18 =	sld [smem:$0x3FFB];
	_ =	sdelay $0x3  }
0x92: {  	_ =	strace s18  }
0x93: {  	s3 =	sld [smem:$0x3FFC];
	_ =	sdelay $0x3  }
0x94: {  	_ =	strace s3  }
0x95: {  	s3 =	sld [smem:$0x3FFD];
	_ =	sdelay $0x3  }
0x96: {  	_ =	strace s3  }
0x97: {  	_ =	strace $0x8FFFFFFF  }
0x98: {  	s19 =	sld [smem:$0x3FDB];
	_ =	sdelay $0x1  }
0x99: {  	s4 =	simm.s32 $_scs_section_size  }
0x9a: {  	s5 =	simm.s32 $_size__tile_overlayer_lowered;
	s6 =	simm.s32 $_tile_overlayer_lowered  }
0x9b: {  	s22 =	simm.s32 $0x1BFF;
	s21 =	sshll.u32 s6, $0x1;
	s3 =	sadd.s32 s4, s19  }
0x9c: {  	s7 =	simm.s32 $0x0;
	s20 =	sshll.u32 s5, $0x1;
	s5 =	sadd.s32 s21, s3  }
0x9d: {  	[timem:s7], [sflag:s22] =	dma.local [hbm:s5], s20  }
0x9e: {  	_ =	swait.ge [sflag:s22], s20  }
0x9f: {  	s4 =	ssub.s32 $0x0, s20;
	[sflag:s22] =	ssyncset.done $0x0  }
0xa0: {  	[sflag:s22] =	ssyncadd.s32 s4;
	_ =	sdelay $0x1  }
0xa1: {  	s23 =	simm.s32 $0x1B8B  }
0xa2: {  	_ =	swait.ge [sflag:s23], $0x1  }
0xa3: {  	[sflag:s23] =	ssyncset.done $0x0  }
0xa4: {  	s25 =	simm.s32 $0x1B8E;
	s24 =	sld [smem:$0x3FFE];
	[sflag:s23] =	ssyncadd.s32 $0xFFFFFFFF  }
0xa5: {  	s26 =	simm.s32 $execute0_lowered;
	[smem:$0x3FD2] =	sst s25  }
0xa6: {  	s5 =	sshll.u32 s26, $0x1;
	_ =	strace $0x80000046;
	[dreg:$0x1] =	wrdreg $0xFFFFFFFF  }
0xa7: {  	s28 =	simm.s32 $_size_execute0_lowered;
	s3 =	sadd.s32 s3, s5;
	[dreg:$0x0] =	wrdreg $0x0  }
0xa8: {  	s5 =	sshll.u32 s28, $0x1;
	[dreg:$0x2] =	wrdreg s3  }
0xa9: {  	[dreg:$0x3] =	wrdreg s5  }
0xaa: {  	[dreg:$0x4] =	wrdreg $0xC0  }
0xab: {  	_ =	task [dreg:s7], $0x5FFFF  }
0xac: {  	[dreg:$0x1] =	wrdreg $0xFFFFFFFF  }
0xad: {  	[dreg:$0x0] =	wrdreg $0x60  }
0xae: {  	[dreg:$0x2] =	wrdreg s24  }
0xaf: {  	[dreg:$0x3] =	wrdreg s2  }
0xb0: {  	[dreg:$0x4] =	wrdreg $0xC1000  }
0xb1: {  	[dreg:$0x5] =	wrdreg $0x9  }
0xb2: {  	_ =	task.clear_ibuf [dreg:s7], $0x6FFFF;
	_ =	strace $0x90000046  }
0xb3: {  	s29 =	simm.s32 $0x9;
	_ =	strace $0x80000048  }
0xb4: {  	_ =	swait.ge [sflag:s29], $0x1  }
0xb5: {  	[sflag:s29] =	ssyncadd.s32 $0xFFFFFFFF  }
0xb6: {  	_ =	strace $0x90000048  }
0xb7: {  	_ =	sfence  }
0xb8: {  	s30 =	sld [smem:$0x0];
	_ =	sdelay $0x2  }
0xb9: {  	s31 =	sshll.u32 s1, $0xD;
	s1 =	sshrl.u32 s1, $0x2  }
0xba: {  	s3 =	sand.u32 $0x4000, s31;
	s1 =	sadd.s32 s1, s30  }
0xbb: {  	s0 =	sor.u32 s3, s0;
	s1 =	sshll.u32 s1, $0x11  }
0xbc: {  	s0 =	sor.u32 s1, s0  }
0xbd: {  	s0 =	sadd.s32 $0x8F2B, s0  }
0xbe: {  	[sflag:s0] =	ssyncadd.remote.s32 $0x1  }
0xbf: {  	_ =	sfence.sel $0xFFFF  }
0xc0: {  	[dreg:$0x0] =	wrdreg $0xFFFFFFFF;
	(pc) =	sbr.abs _section_cstart, $3  }
0xc1: {  	[dreg:$0x1] =	wrdreg $0xFFFFFFFF  }
0xc2: {  	_ =	task.clear_ibuf [dreg:s7], $0x2FFFF;
	_ =	strace $0x9FFFFFFF  }
0xc3: {  	(tm) =	ssettm $0x7FFFFFFF  }
tec
execute0_lowered:
.L_overlay_start_1:
0x0: {  	(tag) =	ssettag $0x1  }
0x1: {  	s0 =	rddreg [dreg:$0x0]  }
0x2: {  	s2 =	rddreg [dreg:$0x1]  }
0x3: {  	s1 =	rddreg [dreg:$0x2];
	s12 =	stileid.u32  }
0x4: {  	s3 =	srdreg.scid;
	s8 =	smul.u32 $0x13C00, s12  }
0x5: {  	s6 =	sand.u32 $0x1, s3;
	s3 =	simm.s32 $0x0;
	s15 =	smul.u32 $0x4F000, s12  }
0x6: {  	s4 =	sadd.s32 $0x1200, s0;
	s5 =	sadd.s32 $0x28A00, s0;
	s25 =	smul.u32 $0x2760, s12  }
0x7: {  	s7 =	smul.u32 $0x13C000, s6;
	[smem:$0x7FF] =	sst s3;
	s9 =	sshll.u32 s6, $0x4  }
0x8: {  	_ =	strace $0x80000047;
	s10 =	sadd.s32 s9, s0;
	s2 =	sadd.s32 s2, s9  }
0x9: {  	s7 =	sadd.s32 s8, s7;
	s8 =	sshrl.u32 s15, $0x2;
	[dreg:$0x4] =	wrdreg s2  }
0xa: {  	s17 =	sadd.s32 $0x77A00, s10;
	s2 =	sadd.s32 s4, s25;
	s7 =	sshrl.u32 s7, $0x3  }
0xb: {  	[dreg:$0x5] =	wrdreg s17;
	s0 =	sadd.s32 s7, s0;
	s7 =	sadd.s32 s8, s1  }
0xc: {  	s29 =	simm.s32 $0x40;
	[dreg:$0xf] =	wrdreg s2;
	s18 =	sadd.s32 $0x2000, s7  }
0xd: {  	s31 =	simm.s32 $0x8100;
	s19 =	sadd.s32 $0x4000, s7;
	[dreg:$0x6] =	wrdreg s18  }
0xe: {  	s30 =	simm.s32 $0x1;
	s20 =	sadd.s32 $0x6000, s7;
	[dreg:$0x7] =	wrdreg s19  }
0xf: {  	s28 =	simm.s32 $0x5;
	s21 =	sadd.s32 $0x8000, s7;
	[dreg:$0x8] =	wrdreg s20  }
0x10: {  	s11 =	ssub.s32 $0x2, s6;
	s22 =	sadd.s32 $0xA000, s7;
	[dreg:$0x9] =	wrdreg s21  }
0x11: {  	s6 =	smul.u32 $0x2780, s6;
	s23 =	sadd.s32 $0xC000, s7;
	[dreg:$0xa] =	wrdreg s22  }
0x12: {  	s16 =	sshrl.u32 s11, $0x1;
	s24 =	sadd.s32 $0xE000, s7;
	[dreg:$0xb] =	wrdreg s23  }
0x13: {  	s11 =	ssub.s32 s11, s16;
	s8 =	sadd.s32 $0x10000, s7;
	[dreg:$0xc] =	wrdreg s24  }
0x14: {  	s25 =	simm.s32 $0x2780;
	s26 =	sadd.s32 $0x12000, s7;
	[dreg:$0xd] =	wrdreg s8  }
0x15: {  	v0 =	vmov s6;
	s6 =	simm.s32 $0x6;
	s2 =	simm.s32 $0x2;
	[dreg:$0xe] =	wrdreg s26  }
0x16: {  	s18 =	smul.u32 $0x13B, s12;
	s20 =	sadd.s32 $0x78400, s0;
	s21 =	smax.u32 s11, $0x1  }
0x17: {  	s24 =	simm.s32 $0x7;
	s26 =	simm.s32 $0x6100;
	s0 =	simm.s32 $0xA100  }
0x18: {  	v1 =	vimm.f32 $0.0e+00;
	s22 =	simm.s32 $0x3;
	s23 =	simm.s32 $0x4;
	s8 =	simm.s32 $0x0  }
.LBB2_1:
0x19: {  	s9 =	rddreg [dreg:$0x4];
	s10 =	simm.s32 $0x80;
	s11 =	simm.s32 $0x100  }
0x1a: {  	[tilespmem:s3], [sflag:$0x7] =	stream.strided.gather [hbm4b:s9+s10], $0x2780, s11, s10, $0x38;
	[tilespmem:$0x1FD00] =	vst v63  }
0x1b: {  	_ =	swait.ge [sflag:s24], $0x2780  }
0x1c: {  	[sflag:s24] =	ssyncset.done $0x0  }
0x1d: {  	s19 =	rddreg [dreg:$0x5];
	[sflag:s24] =	ssyncadd.s32 $0xFFFFD880  }
0x1e: {  	[tilespmem:s25], [sflag:$0x7] =	stream.strided.gather [hbm4b:s19+s10], $0x2780, s11, s10, $0x38;
	[tilespmem:$0x1FD00] =	vst v63  }
0x1f: {  	_ =	swait.ge [sflag:s24], $0x2780  }
0x20: {  	[sflag:s24] =	ssyncset.done $0x0  }
0x21: {  	s9 =	simm.s32 $0x0;
	s10 =	simm.s32 $0x200;
	[sflag:s24] =	ssyncadd.s32 $0xFFFFD880  }
.LBB2_2:
0x22: {  	p0 =	sne.s32 s10, $0x7E00;
	[tilespmem:s9+$0x6170] =	vst v1  }
0x23: {  	[tilespmem:s9+$0x6100] =	vst v1  }
0x24: {  	[tilespmem:s9+$0x6110] =	vst v1  }
.Ltmp0:
0x25: {  	[tilespmem:s9+$0x6120] =	vst v1;
	(pc) =	sbr.rel @p0 .LBB2_2-.Ltmp0, $4  }
0x26: {  	[tilespmem:s9+$0x6130] =	vst v1  }
0x27: {  	[tilespmem:s9+$0x6140] =	vst v1  }
0x28: {  	[tilespmem:s9+$0x6150] =	vst v1  }
0x29: {  	[tilespmem:s9+$0x6160] =	vst v1;
	s9 =	sshra.s32 s10, $0x2;
	s10 =	sadd.s32 $0x200, s10  }
0x2a: {  	[tilespmem:s9+$0x6170] =	vst v1  }
0x2b: {  	[tilespmem:s9+$0x6100] =	vst v1  }
0x2c: {  	[tilespmem:s9+$0x6110] =	vst v1  }
0x2d: {  	[tilespmem:s9+$0x6120] =	vst v1  }
0x2e: {  	[tilespmem:s9+$0x6130] =	vst v1  }
0x2f: {  	[tilespmem:s9+$0x6140] =	vst v1  }
0x30: {  	[tilespmem:s9+$0x6150] =	vst v1  }
0x31: {  	[tilespmem:s9+$0x6160] =	vst v1  }
0x32: {  	[spmem:s7] =	stream.linear.scatter [tilespmem:s26], [sflag:$0x7], $0x2000, $0x38;
	[tilespmem:$0x1FD00] =	vst v63  }
0x33: {  	_ =	swait.ge [sflag:s24], $0x2000  }
0x34: {  	[sflag:s24] =	ssyncset.done $0x0  }
0x35: {  	s19 =	rddreg [dreg:$0x6];
	[sflag:s24] =	ssyncadd.s32 $0xFFFFE000  }
0x36: {  	[spmem:s19] =	stream.linear.scatter [tilespmem:s26], [sflag:$0x7], $0x2000, $0x38;
	[tilespmem:$0x1FD00] =	vst v63  }
0x37: {  	_ =	swait.ge [sflag:s24], $0x2000  }
0x38: {  	[sflag:s24] =	ssyncset.done $0x0  }
0x39: {  	s10 =	rddreg [dreg:$0x7];
	[sflag:s24] =	ssyncadd.s32 $0xFFFFE000  }
0x3a: {  	[spmem:s10] =	stream.linear.scatter [tilespmem:s26], [sflag:$0x7], $0x2000, $0x38;
	[tilespmem:$0x1FD00] =	vst v63  }
0x3b: {  	_ =	swait.ge [sflag:s24], $0x2000  }
0x3c: {  	[sflag:s24] =	ssyncset.done $0x0  }
0x3d: {  	s11 =	rddreg [dreg:$0x8];
	[sflag:s24] =	ssyncadd.s32 $0xFFFFE000  }
0x3e: {  	[spmem:s11] =	stream.linear.scatter [tilespmem:s26], [sflag:$0x7], $0x2000, $0x38;
	[tilespmem:$0x1FD00] =	vst v63  }
0x3f: {  	_ =	swait.ge [sflag:s24], $0x2000  }
0x40: {  	[sflag:s24] =	ssyncset.done $0x0  }
0x41: {  	s12 =	rddreg [dreg:$0x9];
	[sflag:s24] =	ssyncadd.s32 $0xFFFFE000  }
0x42: {  	[spmem:s12] =	stream.linear.scatter [tilespmem:s26], [sflag:$0x7], $0x2000, $0x38;
	[tilespmem:$0x1FD00] =	vst v63  }
0x43: {  	_ =	swait.ge [sflag:s24], $0x2000  }
0x44: {  	[sflag:s24] =	ssyncset.done $0x0  }
0x45: {  	s13 =	rddreg [dreg:$0xa];
	[sflag:s24] =	ssyncadd.s32 $0xFFFFE000  }
0x46: {  	[spmem:s13] =	stream.linear.scatter [tilespmem:s26], [sflag:$0x7], $0x2000, $0x38;
	[tilespmem:$0x1FD00] =	vst v63  }
0x47: {  	_ =	swait.ge [sflag:s24], $0x2000  }
0x48: {  	[sflag:s24] =	ssyncset.done $0x0  }
0x49: {  	s14 =	rddreg [dreg:$0xb];
	[sflag:s24] =	ssyncadd.s32 $0xFFFFE000  }
0x4a: {  	[spmem:s14] =	stream.linear.scatter [tilespmem:s26], [sflag:$0x7], $0x2000, $0x38;
	[tilespmem:$0x1FD00] =	vst v63  }
0x4b: {  	_ =	swait.ge [sflag:s24], $0x2000  }
0x4c: {  	[sflag:s24] =	ssyncset.done $0x0  }
0x4d: {  	s15 =	rddreg [dreg:$0xc];
	[sflag:s24] =	ssyncadd.s32 $0xFFFFE000  }
0x4e: {  	[spmem:s15] =	stream.linear.scatter [tilespmem:s26], [sflag:$0x7], $0x2000, $0x38;
	[tilespmem:$0x1FD00] =	vst v63  }
0x4f: {  	_ =	swait.ge [sflag:s24], $0x2000  }
0x50: {  	[sflag:s24] =	ssyncset.done $0x0  }
0x51: {  	s16 =	rddreg [dreg:$0xd];
	[sflag:s24] =	ssyncadd.s32 $0xFFFFE000  }
0x52: {  	[spmem:s16] =	stream.linear.scatter [tilespmem:s26], [sflag:$0x7], $0x2000, $0x38;
	[tilespmem:$0x1FD00] =	vst v63  }
0x53: {  	_ =	swait.ge [sflag:s24], $0x2000  }
0x54: {  	[sflag:s24] =	ssyncset.done $0x0  }
0x55: {  	s17 =	rddreg [dreg:$0xe];
	[sflag:s24] =	ssyncadd.s32 $0xFFFFE000  }
0x56: {  	[spmem:s17] =	stream.linear.scatter [tilespmem:s26], [sflag:$0x7], $0x1C00, $0x38;
	[tilespmem:$0x1FD00] =	vst v63  }
0x57: {  	_ =	swait.ge [sflag:s24], $0x1C00  }
0x58: {  	[sflag:s24] =	ssyncset.done $0x0  }
0x59: {  	[sflag:s24] =	ssyncadd.s32 $0xFFFFE400  }
0x5a: {  	[bflag:$0x0] =	sbarrier.arrive $0xFFFF  }
0x5b: {  	s9 =	simm.s32 $0x0;
	s11 =	simm.s32 $0x4F00;
	s10 =	rddreg [dreg:$0xf]  }
0x5c: {  	[tilespmem:s11], [sflag:$0x7] =	stream.linear.gather [hbm4b:s10+s9], $0x800, $0x38;
	[tilespmem:$0x1FD00] =	vst v63  }
0x5d: {  	_ =	swait.ge [sflag:s24], $0x800  }
0x5e: {  	[sflag:s24] =	ssyncset.done $0x0  }
0x5f: {  	[sflag:s24] =	ssyncadd.s32 $0xFFFFF800  }
0x60: {  	v2 =	vld [tilespmem:$0x4F80]  }
0x61: {  	v3 =	vld [tilespmem:$0x4F00];
	_ =	sdelay $0x6  }
0x62: {  	v2 =	vld.idx.msk [tilespmem:v2+s9+$0x0], $0xffff  }
0x63: {  	v4 =	vld.idx.msk [tilespmem:v3+s25+$0x0], $0xffff;
	_ =	sdelay $0x4  }
0x64: {  	v2 =	vadd.f32 v4, v2;
	_ =	sdelay $0x1  }
0x65: {  	v4 =	vmul.f32 $9.999999770e-03, v2  }
0x66: {  	vm0 =	vge.f32 v2, $0.0e+00  }
0x67: {  	v2 =	vsel vm0, v2, v4  }
0x68: {  	v2 =	vmul.f32 $1.442695020e+00, v2;
	_ =	sdelay $0x1  }
0x69: {  	(erf) = vpow2.f32 v2;
	_ =	sdelay $0x2  }
0x6a: {  	v2 =	vld [tilespmem:$0x4F90]  }
0x6b: {  	v54 =	vld [tilespmem:$0x4F10];
	_ =	sdelay $0x3  }
0x6c: {  	v3 =	vadd.s32 v0, v3  }
0x6d: {  	[tilespmem:$0x4F00] =	vst v3;
	v5 =	vpop (erf)  }
0x6e: {  	[tilespmem:$0x5F00] =	vst v5  }
0x6f: {  	v2 =	vld.idx.msk [tilespmem:v2+s9+$0x0], $0xffff  }
0x70: {  	v3 =	vld.idx.msk [tilespmem:v54+s25+$0x0], $0xffff;
	_ =	sdelay $0x4  }
0x71: {  	v2 =	vadd.f32 v3, v2;
	_ =	sdelay $0x1  }
0x72: {  	v3 =	vmul.f32 $9.999999770e-03, v2  }
0x73: {  	vm9 =	vge.f32 v2, $0.0e+00  }
0x74: {  	v2 =	vsel vm9, v2, v3  }
0x75: {  	v2 =	vmul.f32 $1.442695020e+00, v2;
	_ =	sdelay $0x1  }
0x76: {  	(erf) = vpow2.f32 v2;
	_ =	sdelay $0x2  }
0x77: {  	v2 =	vld [tilespmem:$0x4FA0]  }
0x78: {  	v3 =	vld [tilespmem:$0x4F20];
	_ =	sdelay $0x3  }
0x79: {  	v4 =	vadd.s32 v0, v54  }
0x7a: {  	[tilespmem:$0x4F10] =	vst v4;
	v55 =	vpop (erf)  }
0x7b: {  	[tilespmem:$0x5F10] =	vst v55  }
0x7c: {  	v2 =	vld.idx.msk [tilespmem:v2+s9+$0x0], $0xffff  }
0x7d: {  	v4 =	vld.idx.msk [tilespmem:v3+s25+$0x0], $0xffff;
	_ =	sdelay $0x4  }
0x7e: {  	v2 =	vadd.f32 v4, v2;
	_ =	sdelay $0x1  }
0x7f: {  	v4 =	vmul.f32 $9.999999770e-03, v2  }
0x80: {  	vm10 =	vge.f32 v2, $0.0e+00  }
0x81: {  	v2 =	vsel vm10, v2, v4  }
0x82: {  	v2 =	vmul.f32 $1.442695020e+00, v2;
	_ =	sdelay $0x1  }
0x83: {  	(erf) = vpow2.f32 v2;
	_ =	sdelay $0x2  }
0x84: {  	v2 =	vld [tilespmem:$0x4FB0]  }
0x85: {  	v56 =	vld [tilespmem:$0x4F30];
	_ =	sdelay $0x3  }
0x86: {  	v3 =	vadd.s32 v0, v3  }
0x87: {  	[tilespmem:$0x4F20] =	vst v3;
	v57 =	vpop (erf)  }
0x88: {  	[tilespmem:$0x5F20] =	vst v57  }
0x89: {  	v2 =	vld.idx.msk [tilespmem:v2+s9+$0x0], $0xffff  }
0x8a: {  	v3 =	vld.idx.msk [tilespmem:v56+s25+$0x0], $0xffff;
	_ =	sdelay $0x4  }
0x8b: {  	v2 =	vadd.f32 v3, v2;
	_ =	sdelay $0x1  }
0x8c: {  	v3 =	vmul.f32 $9.999999770e-03, v2  }
0x8d: {  	vm11 =	vge.f32 v2, $0.0e+00  }
0x8e: {  	v2 =	vsel vm11, v2, v3  }
0x8f: {  	v2 =	vmul.f32 $1.442695020e+00, v2;
	_ =	sdelay $0x1  }
0x90: {  	(erf) = vpow2.f32 v2;
	_ =	sdelay $0x8  }
0x91: {  	v2 =	vpop (erf)  }
0x92: {  	[tilespmem:$0x5F30] =	vst v2;
	v2 =	vadd.s32 v0, v56  }
0x93: {  	[tilespmem:$0x4F30] =	vst v2  }
0x94: {  	[tilespmem:s26], [sflag:$0x1] =	stream.indirect.gather [hbm4b:s5+s29], $0x80, s11, s29, $0xb8;
	[tilespmem:$0x1FD00] =	vst v63  }
0x95: {  	v2 =	vld [tilespmem:$0x5080]  }
0x96: {  	v3 =	vld [tilespmem:$0x5000];
	_ =	sdelay $0x6  }
0x97: {  	v2 =	vld.idx.msk [tilespmem:v2+s9+$0x0], $0xffff  }
0x98: {  	v58 =	vld.idx.msk [tilespmem:v3+s25+$0x0], $0xffff;
	_ =	sdelay $0x4  }
0x99: {  	v2 =	vadd.f32 v58, v2;
	_ =	sdelay $0x1  }
0x9a: {  	v4 =	vmul.f32 $9.999999770e-03, v2  }
0x9b: {  	vm12 =	vge.f32 v2, $0.0e+00  }
0x9c: {  	v2 =	vsel vm12, v2, v4  }
0x9d: {  	v2 =	vmul.f32 $1.442695020e+00, v2;
	_ =	sdelay $0x1  }
0x9e: {  	(erf) = vpow2.f32 v2;
	_ =	sdelay $0x2  }
0x9f: {  	v2 =	vld [tilespmem:$0x5090]  }
0xa0: {  	v59 =	vld [tilespmem:$0x5010];
	_ =	sdelay $0x3  }
0xa1: {  	v3 =	vadd.s32 v0, v3  }
0xa2: {  	[tilespmem:$0x5000] =	vst v3;
	v60 =	vpop (erf)  }
0xa3: {  	[tilespmem:$0x5F80] =	vst v60  }
0xa4: {  	v2 =	vld.idx.msk [tilespmem:v2+s9+$0x0], $0xffff  }
0xa5: {  	v3 =	vld.idx.msk [tilespmem:v59+s25+$0x0], $0xffff;
	_ =	sdelay $0x4  }
0xa6: {  	v2 =	vadd.f32 v3, v2;
	_ =	sdelay $0x1  }
0xa7: {  	v3 =	vmul.f32 $9.999999770e-03, v2  }
0xa8: {  	vm13 =	vge.f32 v2, $0.0e+00  }
0xa9: {  	v2 =	vsel vm13, v2, v3  }
0xaa: {  	v2 =	vmul.f32 $1.442695020e+00, v2;
	_ =	sdelay $0x1  }
0xab: {  	(erf) = vpow2.f32 v2;
	_ =	sdelay $0x2  }
0xac: {  	v2 =	vld [tilespmem:$0x50A0]  }
0xad: {  	v3 =	vld [tilespmem:$0x5020];
	_ =	sdelay $0x3  }
0xae: {  	v4 =	vadd.s32 v0, v59  }
0xaf: {  	[tilespmem:$0x5010] =	vst v4;
	v61 =	vpop (erf)  }
0xb0: {  	[tilespmem:$0x5F90] =	vst v61  }
0xb1: {  	v2 =	vld.idx.msk [tilespmem:v2+s9+$0x0], $0xffff  }
0xb2: {  	v4 =	vld.idx.msk [tilespmem:v3+s25+$0x0], $0xffff;
	_ =	sdelay $0x4  }
0xb3: {  	v2 =	vadd.f32 v4, v2;
	_ =	sdelay $0x1  }
0xb4: {  	v4 =	vmul.f32 $9.999999770e-03, v2  }
0xb5: {  	vm14 =	vge.f32 v2, $0.0e+00  }
0xb6: {  	v2 =	vsel vm14, v2, v4  }
0xb7: {  	v2 =	vmul.f32 $1.442695020e+00, v2;
	_ =	sdelay $0x1  }
0xb8: {  	(erf) = vpow2.f32 v2;
	_ =	sdelay $0x2  }
0xb9: {  	v2 =	vld [tilespmem:$0x50B0]  }
0xba: {  	v62 =	vld [tilespmem:$0x5030];
	_ =	sdelay $0x3  }
0xbb: {  	v3 =	vadd.s32 v0, v3  }
0xbc: {  	[tilespmem:$0x5020] =	vst v3;
	v63 =	vpop (erf)  }
0xbd: {  	[tilespmem:$0x5FA0] =	vst v63  }
0xbe: {  	v2 =	vld.idx.msk [tilespmem:v2+s9+$0x0], $0xffff  }
0xbf: {  	v3 =	vld.idx.msk [tilespmem:v62+s25+$0x0], $0xffff;
	_ =	sdelay $0x4  }
0xc0: {  	v2 =	vadd.f32 v3, v2;
	_ =	sdelay $0x1  }
0xc1: {  	v3 =	vmul.f32 $9.999999770e-03, v2  }
0xc2: {  	vm15 =	vge.f32 v2, $0.0e+00  }
0xc3: {  	v2 =	vsel vm15, v2, v3  }
0xc4: {  	v2 =	vmul.f32 $1.442695020e+00, v2;
	_ =	sdelay $0x1  }
0xc5: {  	(erf) = vpow2.f32 v2;
	_ =	sdelay $0x8  }
0xc6: {  	v2 =	vpop (erf)  }
0xc7: {  	[tilespmem:$0x5FB0] =	vst v2;
	v2 =	vadd.s32 v0, v62  }
0xc8: {  	s19 =	simm.s32 $0x5000;
	s10 =	simm.s32 $0x0;
	[tilespmem:$0x5030] =	vst v2  }
0xc9: {  	[tilespmem:s31], [sflag:$0x2] =	stream.indirect.gather [hbm4b:s5+s29], $0x80, s19, s29, $0xb8;
	[tilespmem:$0x1FD00] =	vst v63  }
.LBB2_4:
0xca: {  	s12 =	smul.u32 $0x3, s10;
	_ =	sdelay $0x1  }
0xcb: {  	p1 =	seq.s32 s10, $0x0;
	s11 =	sadd.s32 $0x2, s12  }
0xcc: {  	s13 =	simm.s32 @!p1 $0x6;
	s14 =	sand.u32 $0x7, s11  }
0xcd: {  	_ =	swait.ge @!p1 [sflag:s13], $0x2000;
	p0 =	sne.s32 s14, $0x0  }
0xce: {  	[sflag:s13] =	ssyncset.done @!p1 $0x0;
	s14 =	sshll.u32 @!p0 s11, $0x8;
	s15 =	sadd.s32 @!p0 s18, s11  }
0xcf: {  	[sflag:s13] =	ssyncadd.s32 @!p1 $0xFFFFE000;
	s13 =	sand.u32 @!p0 $0x800, s14;
	s14 =	sshll.u32 @!p0 s15, $0x5  }
0xd0: {  	s15 =	simm.s32 @!p0 $0x0;
	s13 =	sadd.s32 @!p0 $0x4F00, s13;
	s14 =	sadd.s32 @!p0 s4, s14  }
0xd1: {  	[tilespmem:s13], [sflag:$0x7] =	stream.linear.gather @!p0 [hbm4b:s14+s15], $0x800, $0x38;
	[tilespmem:$0x1FD00] =	vst v63  }
0xd2: {  	s13 =	simm.s32 @!p0 $0x7  }
0xd3: {  	_ =	swait.ge @!p0 [sflag:s13], $0x800  }
0xd4: {  	s11 =	sshll.u32 s11, $0x8;
	[sflag:s13] =	ssyncset.done @!p0 $0x0  }
0xd5: {  	s11 =	sand.u32 $0xF00, s11;
	[sflag:s13] =	ssyncadd.s32 @!p0 $0xFFFFF800  }
0xd6: {  	v2 =	vld [tilespmem:s11+$0x4F80]  }
0xd7: {  	v3 =	vld [tilespmem:s11+$0x4F00];
	_ =	sdelay $0x6  }
0xd8: {  	v2 =	vld.idx.msk [tilespmem:v2+s9+$0x0], $0xffff  }
0xd9: {  	v4 =	vld.idx.msk [tilespmem:v3+s25+$0x0], $0xffff;
	_ =	sdelay $0x4  }
0xda: {  	v2 =	vadd.f32 v4, v2;
	_ =	sdelay $0x1  }
0xdb: {  	v4 =	vmul.f32 $9.999999770e-03, v2  }
0xdc: {  	vm0 =	vge.f32 v2, $0.0e+00  }
0xdd: {  	v2 =	vsel vm0, v2, v4  }
0xde: {  	v2 =	vmul.f32 $1.442695020e+00, v2;
	_ =	sdelay $0x1  }
0xdf: {  	(erf) = vpow2.f32 v2;
	_ =	sdelay $0x8  }
0xe0: {  	v2 =	vpop (erf)  }
0xe1: {  	[tilespmem:$0x6000] =	vst v2  }
0xe2: {  	v2 =	vld [tilespmem:s11+$0x4F90]  }
0xe3: {  	v4 =	vld [tilespmem:s11+$0x4F10];
	_ =	sdelay $0x4  }
0xe4: {  	v3 =	vadd.s32 v0, v3  }
0xe5: {  	[tilespmem:s11+$0x4F00] =	vst v3  }
0xe6: {  	v2 =	vld.idx.msk [tilespmem:v2+s9+$0x0], $0xffff  }
0xe7: {  	v3 =	vld.idx.msk [tilespmem:v4+s25+$0x0], $0xffff;
	_ =	sdelay $0x4  }
0xe8: {  	v2 =	vadd.f32 v3, v2;
	_ =	sdelay $0x1  }
0xe9: {  	v3 =	vmul.f32 $9.999999770e-03, v2  }
0xea: {  	vm13 =	vge.f32 v2, $0.0e+00  }
0xeb: {  	v2 =	vsel vm13, v2, v3  }
0xec: {  	v2 =	vmul.f32 $1.442695020e+00, v2;
	_ =	sdelay $0x1  }
0xed: {  	(erf) = vpow2.f32 v2;
	_ =	sdelay $0x8  }
0xee: {  	v2 =	vpop (erf)  }
0xef: {  	[tilespmem:$0x6010] =	vst v2  }
0xf0: {  	v2 =	vld [tilespmem:s11+$0x4FA0]  }
0xf1: {  	v3 =	vld [tilespmem:s11+$0x4F20];
	_ =	sdelay $0x4  }
0xf2: {  	v4 =	vadd.s32 v0, v4  }
0xf3: {  	[tilespmem:s11+$0x4F10] =	vst v4  }
0xf4: {  	v2 =	vld.idx.msk [tilespmem:v2+s9+$0x0], $0xffff  }
0xf5: {  	v4 =	vld.idx.msk [tilespmem:v3+s25+$0x0], $0xffff;
	_ =	sdelay $0x4  }
0xf6: {  	v2 =	vadd.f32 v4, v2;
	_ =	sdelay $0x1  }
0xf7: {  	v4 =	vmul.f32 $9.999999770e-03, v2  }
0xf8: {  	vm14 =	vge.f32 v2, $0.0e+00  }
0xf9: {  	v2 =	vsel vm14, v2, v4  }
0xfa: {  	v2 =	vmul.f32 $1.442695020e+00, v2;
	_ =	sdelay $0x1  }
0xfb: {  	(erf) = vpow2.f32 v2;
	_ =	sdelay $0x8  }
0xfc: {  	v2 =	vpop (erf)  }
0xfd: {  	[tilespmem:$0x6020] =	vst v2  }
0xfe: {  	v2 =	vld [tilespmem:s11+$0x4FB0]  }
0xff: {  	v4 =	vld [tilespmem:s11+$0x4F30];
	_ =	sdelay $0x4  }
0x100: {  	v3 =	vadd.s32 v0, v3  }
0x101: {  	[tilespmem:s11+$0x4F20] =	vst v3  }
0x102: {  	v2 =	vld.idx.msk [tilespmem:v2+s9+$0x0], $0xffff  }
0x103: {  	v3 =	vld.idx.msk [tilespmem:v4+s25+$0x0], $0xffff;
	_ =	sdelay $0x4  }
0x104: {  	v2 =	vadd.f32 v3, v2;
	_ =	sdelay $0x1  }
0x105: {  	v3 =	vmul.f32 $9.999999770e-03, v2  }
0x106: {  	vm15 =	vge.f32 v2, $0.0e+00  }
0x107: {  	v2 =	vsel vm15, v2, v3  }
0x108: {  	v2 =	vmul.f32 $1.442695020e+00, v2;
	_ =	sdelay $0x1  }
0x109: {  	(erf) = vpow2.f32 v2;
	_ =	sdelay $0x8  }
0x10a: {  	v2 =	vpop (erf)  }
0x10b: {  	[tilespmem:$0x6030] =	vst v2;
	v2 =	vadd.s32 v0, v4  }
0x10c: {  	s17 =	sadd.s32 $0x4F00, s11;
	[tilespmem:s11+$0x4F30] =	vst v2  }
0x10d: {  	[tilespmem:s0], [sflag:$0x3] =	stream.indirect.gather [hbm4b:s5+s29], $0x80, s17, s29, $0xb8;
	[tilespmem:$0x1FD00] =	vst v63  }
0x10e: {  	_ =	swait.ge [sflag:s30], $0x2000  }
0x10f: {  	[sflag:s30] =	ssyncset.done $0x0  }
0x110: {  	s14 =	simm.s32 $0x6500;
	[sflag:s30] =	ssyncadd.s32 $0xFFFFE000  }
0x111: {  	v4 =	vld [tilespmem:s14+$0x330]  }
0x112: {  	v5 =	vld [tilespmem:s14+$0x140]  }
0x113: {  	s19 =	simm.s32 $0x0;
	v6 =	vld [tilespmem:s14+$0x130]  }
0x114: {  	v3 =	vld [tilespmem:s19+$0x5F00]  }
0x115: {  	v7 =	vld [tilespmem:s14+$0x40]  }
0x116: {  	v8 =	vld [tilespmem:s14+$0x30]  }
0x117: {  	v9 =	vld [tilespmem:s14+$0x20]  }
0x118: {  	v10 =	vld [tilespmem:s14+$0x0]  }
0x119: {  	v11 =	vld [tilespmem:s14+$0x10];
	v2 =	vbroadcast v3, $0xA  }
0x11a: {  	v12 =	vld [tilespmem:s14+$0xFFFFFFC0]  }
0x11b: {  	v13 =	vld [tilespmem:s14+$0xFFFFFFB0];
	v14 =	vbroadcast v3, $0x8;
	v5 =	vmul.f32 v5, v2  }
0x11c: {  	v15 =	vld [tilespmem:s14+$0xFFFFFFA0];
	v6 =	vmul.f32 v6, v2  }
0x11d: {  	v17 =	vld [tilespmem:s14+$0xFFFFFF90];
	v16 =	vbroadcast v3, $0x7;
	v10 =	vmul.f32 v10, v14;
	[tilespmem:s14+$0x140] =	vst v5  }
0x11e: {  	v18 =	vld [tilespmem:s14+$0xFFFFFEC0];
	v8 =	vmul.f32 v8, v14;
	[tilespmem:s14+$0x130] =	vst v6  }
0x11f: {  	v19 =	vld [tilespmem:s14+$0xFFFFFC40];
	v12 =	vmul.f32 v12, v16;
	[tilespmem:s14+$0x0] =	vst v10  }
0x120: {  	v7 =	vmul.f32 v7, v14;
	v5 =	vld [tilespmem:s14+$0xFFFFFF80];
	[tilespmem:s14+$0x30] =	vst v8  }
0x121: {  	v11 =	vmul.f32 v11, v14;
	v6 =	vld [tilespmem:s14+$0xFFFFFF40];
	[tilespmem:s14+$0xFFFFFFC0] =	vst v12  }
0x122: {  	v10 =	vld [tilespmem:s14+$0xFFFFFF30];
	v8 =	vmul.f32 v13, v16;
	[tilespmem:s14+$0x40] =	vst v7  }
0x123: {  	v17 =	vmul.f32 v17, v16;
	v12 =	vld [tilespmem:s14+$0xFFFFFF10];
	[tilespmem:s14+$0x10] =	vst v11  }
0x124: {  	v13 =	vld [tilespmem:s14+$0xFFFFFF20];
	v7 =	vmul.f32 v15, v16;
	[tilespmem:s14+$0xFFFFFFB0] =	vst v8;
	v8 =	vbroadcast v3, $0x6  }
0x125: {  	v15 =	vld [tilespmem:s14+$0xFFFFFF00];
	[tilespmem:s14+$0xFFFFFF90] =	vst v17;
	v5 =	vmul.f32 v5, v16  }
0x126: {  	v11 =	vld [tilespmem:s14+$0xFFFFFEB0];
	[tilespmem:s14+$0xFFFFFFA0] =	vst v7;
	v6 =	vmul.f32 v6, v8  }
0x127: {  	v17 =	vld [tilespmem:s14+$0xFFFFFE20];
	v10 =	vmul.f32 v10, v8;
	[tilespmem:s14+$0xFFFFFF80] =	vst v5  }
0x128: {  	v7 =	vld [tilespmem:s14+$0xFFFFFEA0];
	v12 =	vmul.f32 v12, v8;
	[tilespmem:s14+$0xFFFFFF40] =	vst v6  }
0x129: {  	v16 =	vld [tilespmem:s14+$0xFFFFFE90];
	v5 =	vmul.f32 v9, v14;
	[tilespmem:s14+$0xFFFFFF30] =	vst v10  }
0x12a: {  	v9 =	vld [tilespmem:s14+$0xFFFFFE80];
	v6 =	vbroadcast v3, $0x5;
	v10 =	vmul.f32 v15, v8;
	[tilespmem:s14+$0xFFFFFF10] =	vst v12  }
0x12b: {  	v14 =	vld [tilespmem:s14+$0xFFFFFE40];
	v8 =	vmul.f32 v13, v8;
	[tilespmem:s14+$0x20] =	vst v5  }
0x12c: {  	v15 =	vld [tilespmem:s14+$0xFFFFFE30];
	v5 =	vmul.f32 v18, v6;
	[tilespmem:s14+$0xFFFFFF00] =	vst v10  }
0x12d: {  	v12 =	vld [tilespmem:s14+$0xFFFFFE10];
	v11 =	vmul.f32 v11, v6;
	[tilespmem:s14+$0xFFFFFF20] =	vst v8  }
0x12e: {  	v13 =	vld [tilespmem:s14+$0xFFFFFDC0];
	v7 =	vmul.f32 v7, v6;
	[tilespmem:s14+$0xFFFFFEC0] =	vst v5  }
0x12f: {  	v10 =	vld [tilespmem:s14+$0xFFFFFE00];
	v5 =	vmul.f32 v16, v6;
	[tilespmem:s14+$0xFFFFFEB0] =	vst v11;
	v11 =	vbroadcast v3, $0x4  }
0x130: {  	v8 =	vld [tilespmem:s14+$0xFFFFFDA0];
	[tilespmem:s14+$0xFFFFFEA0] =	vst v7;
	v6 =	vmul.f32 v9, v6  }
0x131: {  	v16 =	vld [tilespmem:s14+$0xFFFFFDB0];
	[tilespmem:s14+$0xFFFFFE90] =	vst v5;
	v5 =	vmul.f32 v15, v11  }
0x132: {  	v18 =	vld [tilespmem:s14+$0xFFFFFCC0];
	v7 =	vmul.f32 v17, v11;
	[tilespmem:s14+$0xFFFFFE80] =	vst v6  }
0x133: {  	v9 =	vld [tilespmem:s14+$0xFFFFFD90];
	v6 =	vmul.f32 v14, v11;
	v14 =	vbroadcast v3, $0x3;
	[tilespmem:s14+$0xFFFFFE30] =	vst v5  }
0x134: {  	v15 =	vld [tilespmem:s14+$0xFFFFFD80];
	v5 =	vmul.f32 v10, v11;
	[tilespmem:s14+$0xFFFFFE20] =	vst v7  }
0x135: {  	v17 =	vld [tilespmem:s14+$0xFFFFFD40];
	v7 =	vmul.f32 v13, v14;
	[tilespmem:s14+$0xFFFFFE40] =	vst v6  }
0x136: {  	v10 =	vld [tilespmem:s14+$0xFFFFFD30];
	v6 =	vmul.f32 v16, v14;
	[tilespmem:s14+$0xFFFFFE00] =	vst v5  }
0x137: {  	v13 =	vld [tilespmem:s14+$0xFFFFFD20];
	v5 =	vmul.f32 v8, v14;
	[tilespmem:s14+$0xFFFFFDC0] =	vst v7  }
0x138: {  	v16 =	vld [tilespmem:s14+$0xFFFFFD10];
	v9 =	vmul.f32 v9, v14;
	v7 =	vbroadcast v3, $0x2;
	[tilespmem:s14+$0xFFFFFDB0] =	vst v6  }
0x139: {  	v8 =	vld [tilespmem:s14+$0xFFFFFD00];
	v6 =	vmul.f32 v15, v14;
	[tilespmem:s14+$0xFFFFFDA0] =	vst v5  }
0x13a: {  	v14 =	vld [tilespmem:s14+$0xFFFFFCB0];
	[tilespmem:s14+$0xFFFFFD90] =	vst v9;
	v5 =	vmul.f32 v17, v7  }
0x13b: {  	v15 =	vld [tilespmem:s14+$0xFFFFFCA0];
	v9 =	vmul.f32 v10, v7;
	[tilespmem:s14+$0xFFFFFD80] =	vst v6  }
0x13c: {  	v20 =	vld [tilespmem:s14+$0xFFFFFC10];
	v6 =	vmul.f32 v13, v7;
	[tilespmem:s14+$0xFFFFFD40] =	vst v5  }
0x13d: {  	v10 =	vld [tilespmem:s14+$0xFFFFFC90];
	v17 =	vbroadcast v3, $0x1;
	v16 =	vmul.f32 v16, v7;
	[tilespmem:s14+$0xFFFFFD30] =	vst v9  }
0x13e: {  	v13 =	vld [tilespmem:s14+$0xFFFFFC80];
	v5 =	vmul.f32 v12, v11;
	v7 =	vmul.f32 v8, v7;
	[tilespmem:s14+$0xFFFFFD20] =	vst v6  }
0x13f: {  	v8 =	vld [tilespmem:s14+$0xFFFFFC30];
	v9 =	vbroadcast v3, $0xF;
	v6 =	vmul.f32 v18, v17;
	[tilespmem:s14+$0xFFFFFD10] =	vst v16  }
0x140: {  	v12 =	vld [tilespmem:s14+$0xFFFFFC20];
	v11 =	vmul.f32 v14, v17;
	v14 =	vmul.f32 v15, v17;
	[tilespmem:s14+$0xFFFFFD00] =	vst v7  }
0x141: {  	v21 =	vld [tilespmem:s14+$0xFFFFFC00];
	v18 =	vbroadcast v3, $0x0;
	v7 =	vbroadcast v3, $0xE;
	[tilespmem:s14+$0xFFFFFCC0] =	vst v6  }
0x142: {  	v15 =	vld [tilespmem:s14+$0x3C0];
	v16 =	vmul.f32 v10, v17;
	[tilespmem:s14+$0xFFFFFCB0] =	vst v11;
	v6 =	vbroadcast v3, $0xC  }
0x143: {  	[tilespmem:s14+$0xFFFFFCA0] =	vst v14;
	v10 =	vld [tilespmem:s14+$0x3B0];
	v17 =	vmul.f32 v13, v17;
	v13 =	vmul.f32 v19, v18  }
0x144: {  	v19 =	vmul.f32 v4, v7;
	v4 =	vld [tilespmem:s14+$0x390];
	v11 =	vmul.f32 v8, v18;
	[tilespmem:s14+$0xFFFFFC90] =	vst v16  }
0x145: {  	v8 =	vbroadcast v3, $0xD;
	v16 =	vld [tilespmem:s14+$0x3A0];
	v14 =	vmul.f32 v12, v18;
	[tilespmem:s14+$0xFFFFFC80] =	vst v17  }
0x146: {  	s13 =	simm.s32 $0x6500;
	s11 =	sadd.s32 $0x4F80, s11;
	s17 =	simm.s32 $0x40;
	v12 =	vmul.f32 v18, v21;
	v17 =	vmul.f32 v20, v18;
	[tilespmem:s14+$0x330] =	vst v19;
	v18 =	vld [tilespmem:s14+$0x380]  }
.LBB2_5:
0x147: {  	s15 =	smov.u32 s17  }
0x148: {  	s16 =	sshra.s32 s17, $0x2;
	[tilespmem:s14+$0xFFFFFC40] =	vst v13;
	v13 =	vld [tilespmem:s14+$0x340];
	v15 =	vmul.f32 v15, v9;
	s13 =	sadd.s32 $0x800, s13;
	s15 =	sadd.s32 $0x40, s17  }
0x149: {  	p0 =	sne.s32 s17, $0xC0;
	v10 =	vmul.f32 v10, v9;
	[tilespmem:s14+$0xFFFFFC30] =	vst v11;
	v11 =	vld [tilespmem:s14+$0x280]  }
0x14a: {  	v16 =	vmul.f32 v16, v9;
	[tilespmem:s14+$0xFFFFFC20] =	vst v14;
	v14 =	vld [tilespmem:s14+$0x320]  }
0x14b: {  	v19 =	vmul.f32 v4, v9;
	[tilespmem:s14+$0xFFFFFC10] =	vst v17;
	v17 =	vld [tilespmem:s14+$0x310]  }
0x14c: {  	v4 =	vmul.f32 v18, v9;
	v20 =	vld [tilespmem:s14+$0x300];
	[tilespmem:s14+$0x3C0] =	vst v15  }
0x14d: {  	[tilespmem:s14+$0xFFFFFC00] =	vst v12;
	v9 =	vld [tilespmem:s14+$0x2C0];
	v12 =	vmul.f32 v13, v7  }
0x14e: {  	v11 =	vmul.f32 v11, v8;
	v13 =	vld [tilespmem:s14+$0x2B0];
	[tilespmem:s14+$0x3A0] =	vst v16  }
0x14f: {  	[tilespmem:s14+$0xFFFFFE10] =	vst v5;
	v5 =	vld [tilespmem:s14+$0x2A0];
	v14 =	vmul.f32 v14, v7  }
0x150: {  	v15 =	vld [tilespmem:s14+$0x290];
	v16 =	vmul.f32 v17, v7;
	[tilespmem:s14+$0x380] =	vst v4  }
0x151: {  	v4 =	vld [tilespmem:s13+$0x330];
	v7 =	vmul.f32 v20, v7;
	[tilespmem:s14+$0x390] =	vst v19  }
0x152: {  	v17 =	vld [tilespmem:s14+$0x240];
	[tilespmem:s14+$0x280] =	vst v11;
	v9 =	vmul.f32 v9, v8  }
0x153: {  	v11 =	vld [tilespmem:s14+$0x230];
	v13 =	vmul.f32 v13, v8;
	[tilespmem:s14+$0x3B0] =	vst v10  }
0x154: {  	v10 =	vld [tilespmem:s14+$0x220];
	v5 =	vmul.f32 v5, v8;
	[tilespmem:s14+$0x320] =	vst v14  }
0x155: {  	v14 =	vld [tilespmem:s14+$0x210];
	v8 =	vmul.f32 v15, v8;
	[tilespmem:s14+$0x310] =	vst v16  }
0x156: {  	v15 =	vld [tilespmem:s14+$0x200];
	[tilespmem:s14+$0x300] =	vst v7  }
0x157: {  	v7 =	vld [tilespmem:s14+$0x1C0];
	v16 =	vmul.f32 v17, v6;
	[tilespmem:s14+$0x2C0] =	vst v9  }
0x158: {  	v9 =	vld [tilespmem:s14+$0x1B0];
	v11 =	vmul.f32 v11, v6;
	[tilespmem:s14+$0x2B0] =	vst v13  }
0x159: {  	v13 =	vld [tilespmem:s14+$0x1A0];
	v10 =	vmul.f32 v10, v6;
	[tilespmem:s14+$0x2A0] =	vst v5  }
0x15a: {  	v5 =	vbroadcast v3, $0xB;
	v17 =	vld [tilespmem:s14+$0x190];
	v14 =	vmul.f32 v14, v6;
	[tilespmem:s14+$0x290] =	vst v8  }
0x15b: {  	v8 =	vld [tilespmem:s14+$0x180];
	v6 =	vmul.f32 v15, v6;
	[tilespmem:s14+$0x240] =	vst v16  }
0x15c: {  	v15 =	vld [tilespmem:s14+$0x80];
	v7 =	vmul.f32 v7, v5;
	[tilespmem:s14+$0x220] =	vst v10  }
0x15d: {  	v10 =	vld [tilespmem:s14+$0xA0];
	v9 =	vmul.f32 v9, v5;
	[tilespmem:s14+$0x230] =	vst v11  }
0x15e: {  	v11 =	vld [tilespmem:s14+$0x120];
	v13 =	vmul.f32 v13, v5;
	[tilespmem:s14+$0x200] =	vst v6  }
0x15f: {  	v3 =	vbroadcast v3, $0x9;
	v6 =	vld [tilespmem:s14+$0x110];
	v16 =	vmul.f32 v17, v5;
	[tilespmem:s14+$0x340] =	vst v12  }
0x160: {  	v12 =	vld [tilespmem:s14+$0x100];
	v5 =	vmul.f32 v8, v5;
	[tilespmem:s14+$0x1B0] =	vst v9  }
0x161: {  	v8 =	vmul.f32 v15, v3;
	v9 =	vld [tilespmem:s14+$0xC0];
	[tilespmem:s14+$0x190] =	vst v16  }
0x162: {  	v10 =	vmul.f32 v10, v3;
	v15 =	vld [tilespmem:s14+$0xB0];
	[tilespmem:s14+$0x1C0] =	vst v7  }
0x163: {  	v7 =	vld [tilespmem:s13+$0x140];
	[tilespmem:s14+$0x80] =	vst v8;
	v8 =	vmul.f32 v11, v2  }
0x164: {  	v11 =	vld [tilespmem:s14+$0x90];
	v6 =	vmul.f32 v6, v2;
	[tilespmem:s14+$0x210] =	vst v14  }
0x165: {  	v14 =	vld [tilespmem:s13+$0x130];
	[tilespmem:s14+$0xA0] =	vst v10;
	v2 =	vmul.f32 v12, v2  }
0x166: {  	v9 =	vmul.f32 v9, v3;
	[tilespmem:s14+$0x180] =	vst v5  }
0x167: {  	v5 =	vmul.f32 v15, v3;
	[tilespmem:s14+$0x120] =	vst v8  }
0x168: {  	[tilespmem:s14+$0x110] =	vst v6  }
0x169: {  	v3 =	vmul.f32 v11, v3;
	[tilespmem:s14+$0x100] =	vst v2  }
0x16a: {  	[tilespmem:s14+$0xC0] =	vst v9  }
0x16b: {  	[tilespmem:s14+$0xB0] =	vst v5  }
0x16c: {  	[tilespmem:s14+$0x90] =	vst v3  }
0x16d: {  	v5 =	vld [tilespmem:s13+$0x40];
	[tilespmem:s14+$0x1A0] =	vst v13;
	s14 =	smov.u32 s13  }
0x16e: {  	v3 =	vld [tilespmem:s16+$0x5F00]  }
0x16f: {  	v6 =	vld [tilespmem:s13+$0x30]  }
0x170: {  	v8 =	vld [tilespmem:s13+$0x20]  }
0x171: {  	v9 =	vld [tilespmem:s13+$0x10]  }
0x172: {  	v10 =	vld [tilespmem:s13+$0x0]  }
0x173: {  	v11 =	vld [tilespmem:s13+$0xFFFFFFC0];
	v2 =	vbroadcast v3, $0xA  }
0x174: {  	v12 =	vld [tilespmem:s13+$0xFFFFFFB0]  }
0x175: {  	v15 =	vbroadcast v3, $0x8;
	v13 =	vld [tilespmem:s13+$0xFFFFFFA0];
	v7 =	vmul.f32 v7, v2  }
0x176: {  	v16 =	vbroadcast v3, $0x7;
	v14 =	vmul.f32 v14, v2;
	v17 =	vld [tilespmem:s13+$0xFFFFFF90]  }
0x177: {  	v6 =	vmul.f32 v6, v15;
	v18 =	vld [tilespmem:s13+$0xFFFFFF80];
	v10 =	vmul.f32 v10, v15;
	[tilespmem:s13+$0x140] =	vst v7  }
0x178: {  	v5 =	vmul.f32 v5, v15;
	v7 =	vld [tilespmem:s13+$0xFFFFFF40];
	v11 =	vmul.f32 v11, v16;
	[tilespmem:s13+$0x130] =	vst v14  }
0x179: {  	v9 =	vmul.f32 v9, v15;
	v14 =	vld [tilespmem:s13+$0xFFFFFF30];
	v12 =	vmul.f32 v12, v16;
	[tilespmem:s13+$0x0] =	vst v10  }
0x17a: {  	v8 =	vmul.f32 v8, v15;
	v10 =	vld [tilespmem:s13+$0xFFFFFF20];
	v13 =	vmul.f32 v13, v16;
	[tilespmem:s13+$0x30] =	vst v6  }
0x17b: {  	v6 =	vbroadcast v3, $0x6;
	v15 =	vld [tilespmem:s13+$0xFFFFFF10];
	v17 =	vmul.f32 v17, v16;
	[tilespmem:s13+$0xFFFFFFC0] =	vst v11  }
0x17c: {  	v11 =	vld [tilespmem:s13+$0xFFFFFF00];
	v16 =	vmul.f32 v18, v16;
	[tilespmem:s13+$0x40] =	vst v5  }
0x17d: {  	v5 =	vld [tilespmem:s13+$0xFFFFFEC0];
	v7 =	vmul.f32 v7, v6;
	[tilespmem:s13+$0xFFFFFFB0] =	vst v12  }
0x17e: {  	v12 =	vld [tilespmem:s13+$0xFFFFFEB0];
	v14 =	vmul.f32 v14, v6;
	[tilespmem:s13+$0x10] =	vst v9  }
0x17f: {  	v9 =	vld [tilespmem:s13+$0xFFFFFEA0];
	v10 =	vmul.f32 v10, v6;
	[tilespmem:s13+$0xFFFFFFA0] =	vst v13  }
0x180: {  	v13 =	vbroadcast v3, $0x5;
	v18 =	vld [tilespmem:s13+$0xFFFFFE90];
	v15 =	vmul.f32 v15, v6;
	[tilespmem:s13+$0xFFFFFF90] =	vst v17  }
0x181: {  	v17 =	vld [tilespmem:s13+$0xFFFFFE80];
	v6 =	vmul.f32 v11, v6;
	[tilespmem:s13+$0xFFFFFF80] =	vst v16  }
0x182: {  	v11 =	vld [tilespmem:s13+$0xFFFFFE40];
	v5 =	vmul.f32 v5, v13;
	[tilespmem:s13+$0xFFFFFF40] =	vst v7  }
0x183: {  	v7 =	vld [tilespmem:s13+$0xFFFFFE30];
	v12 =	vmul.f32 v12, v13;
	[tilespmem:s13+$0xFFFFFF30] =	vst v14  }
0x184: {  	v14 =	vld [tilespmem:s13+$0xFFFFFE20];
	v9 =	vmul.f32 v9, v13;
	[tilespmem:s13+$0x20] =	vst v8  }
0x185: {  	v8 =	vbroadcast v3, $0x4;
	v16 =	vld [tilespmem:s13+$0xFFFFFE10];
	v18 =	vmul.f32 v18, v13;
	[tilespmem:s13+$0xFFFFFF10] =	vst v15  }
0x186: {  	v15 =	vld [tilespmem:s13+$0xFFFFFE00];
	v13 =	vmul.f32 v17, v13;
	[tilespmem:s13+$0xFFFFFF00] =	vst v6  }
0x187: {  	v6 =	vld [tilespmem:s13+$0xFFFFFDC0];
	v11 =	vmul.f32 v11, v8;
	[tilespmem:s13+$0xFFFFFEC0] =	vst v5  }
0x188: {  	v17 =	vld [tilespmem:s13+$0xFFFFFDB0];
	v7 =	vmul.f32 v7, v8;
	[tilespmem:s13+$0xFFFFFEB0] =	vst v12  }
0x189: {  	v12 =	vld [tilespmem:s13+$0xFFFFFDA0];
	v14 =	vmul.f32 v14, v8;
	[tilespmem:s13+$0xFFFFFF20] =	vst v10  }
0x18a: {  	v10 =	vbroadcast v3, $0x3;
	v19 =	vld [tilespmem:s13+$0xFFFFFD90];
	v5 =	vmul.f32 v16, v8;
	[tilespmem:s13+$0xFFFFFE90] =	vst v18  }
0x18b: {  	v16 =	vld [tilespmem:s13+$0xFFFFFD80];
	v8 =	vmul.f32 v15, v8;
	[tilespmem:s13+$0xFFFFFEA0] =	vst v9  }
0x18c: {  	v9 =	vld [tilespmem:s13+$0xFFFFFD40];
	v6 =	vmul.f32 v6, v10;
	[tilespmem:s13+$0xFFFFFE80] =	vst v13  }
0x18d: {  	v13 =	vld [tilespmem:s13+$0xFFFFFD30];
	v15 =	vmul.f32 v17, v10;
	[tilespmem:s13+$0xFFFFFE30] =	vst v7  }
0x18e: {  	v7 =	vld [tilespmem:s13+$0xFFFFFD20];
	v12 =	vmul.f32 v12, v10;
	[tilespmem:s13+$0xFFFFFE20] =	vst v14  }
0x18f: {  	v14 =	vbroadcast v3, $0x2;
	v17 =	vld [tilespmem:s13+$0xFFFFFD10];
	v18 =	vmul.f32 v19, v10;
	[tilespmem:s13+$0xFFFFFE40] =	vst v11  }
0x190: {  	v11 =	vld [tilespmem:s13+$0xFFFFFD00];
	v10 =	vmul.f32 v16, v10;
	[tilespmem:s13+$0xFFFFFE00] =	vst v8  }
0x191: {  	v8 =	vld [tilespmem:s13+$0xFFFFFCC0];
	v9 =	vmul.f32 v9, v14;
	[tilespmem:s13+$0xFFFFFDC0] =	vst v6  }
0x192: {  	v6 =	vld [tilespmem:s13+$0xFFFFFCB0];
	v13 =	vmul.f32 v13, v14;
	[tilespmem:s13+$0xFFFFFDB0] =	vst v15  }
0x193: {  	v15 =	vld [tilespmem:s13+$0xFFFFFCA0];
	v7 =	vmul.f32 v7, v14;
	[tilespmem:s13+$0xFFFFFDA0] =	vst v12  }
0x194: {  	v12 =	vbroadcast v3, $0x1;
	v16 =	vld [tilespmem:s13+$0xFFFFFC90];
	v17 =	vmul.f32 v17, v14;
	[tilespmem:s13+$0xFFFFFD90] =	vst v18  }
0x195: {  	v18 =	vld [tilespmem:s13+$0xFFFFFC80];
	v11 =	vmul.f32 v11, v14;
	[tilespmem:s13+$0xFFFFFD80] =	vst v10  }
0x196: {  	v10 =	vld [tilespmem:s13+$0xFFFFFC40];
	v8 =	vmul.f32 v8, v12;
	[tilespmem:s13+$0xFFFFFD40] =	vst v9  }
0x197: {  	v14 =	vld [tilespmem:s13+$0xFFFFFC30];
	v6 =	vmul.f32 v6, v12;
	[tilespmem:s13+$0xFFFFFD30] =	vst v13  }
0x198: {  	v19 =	vld [tilespmem:s13+$0xFFFFFC20];
	v20 =	vmul.f32 v15, v12;
	[tilespmem:s13+$0xFFFFFD20] =	vst v7  }
0x199: {  	v21 =	vbroadcast v3, $0x0;
	v22 =	vld [tilespmem:s13+$0xFFFFFC10];
	v16 =	vmul.f32 v16, v12;
	[tilespmem:s13+$0xFFFFFD10] =	vst v17  }
0x19a: {  	v9 =	vbroadcast v3, $0xF;
	v23 =	vld [tilespmem:s13+$0xFFFFFC00];
	v18 =	vmul.f32 v18, v12;
	[tilespmem:s13+$0xFFFFFD00] =	vst v11  }
0x19b: {  	v7 =	vbroadcast v3, $0xE;
	v13 =	vmul.f32 v10, v21;
	[tilespmem:s13+$0xFFFFFCC0] =	vst v8  }
.Ltmp1:
0x19c: {  	v8 =	vbroadcast v3, $0xD;
	v11 =	vmul.f32 v14, v21;
	[tilespmem:s13+$0xFFFFFCB0] =	vst v6;
	v15 =	vld [tilespmem:s13+$0x3C0];
	(pc) =	sbr.rel @p0 .LBB2_5-.Ltmp1, $4  }
0x19d: {  	v6 =	vbroadcast v3, $0xC;
	v14 =	vmul.f32 v19, v21;
	[tilespmem:s13+$0xFFFFFCA0] =	vst v20;
	v10 =	vld [tilespmem:s13+$0x3B0]  }
0x19e: {  	v19 =	vmul.f32 v4, v7;
	v17 =	vmul.f32 v22, v21;
	[tilespmem:s13+$0xFFFFFC90] =	vst v16;
	v16 =	vld [tilespmem:s13+$0x3A0]  }
0x19f: {  	v12 =	vmul.f32 v21, v23;
	[tilespmem:s13+$0xFFFFFC80] =	vst v18;
	v4 =	vld [tilespmem:s13+$0x390]  }
0x1a0: {  	s17 =	smov.u32 s15;
	[tilespmem:s13+$0x330] =	vst v19;
	v18 =	vld [tilespmem:s13+$0x380]  }
0x1a1: {  	[tilespmem:s14+$0xFFFFFC40] =	vst v13  }
0x1a2: {  	[tilespmem:s14+$0xFFFFFC30] =	vst v11  }
0x1a3: {  	[tilespmem:s14+$0xFFFFFC20] =	vst v14  }
0x1a4: {  	v58 =	vld [tilespmem:s14+$0x280];
	[tilespmem:s14+$0xFFFFFC10] =	vst v17  }
0x1a5: {  	v57 =	vmul.f32 v15, v9;
	v59 =	vld [tilespmem:s14+$0x320];
	[tilespmem:s14+$0xFFFFFC00] =	vst v12  }
0x1a6: {  	v61 =	vld [tilespmem:s14+$0x310];
	[tilespmem:s14+$0xFFFFFE10] =	vst v5;
	v24 =	vmul.f32 v10, v9  }
0x1a7: {  	v62 =	vld [tilespmem:s14+$0x300];
	v60 =	vmul.f32 v16, v9;
	[tilespmem:s14+$0x3C0] =	vst v57  }
0x1a8: {  	v20 =	vld [tilespmem:s14+$0x2C0];
	v4 =	vmul.f32 v4, v9;
	[tilespmem:s14+$0x3B0] =	vst v24  }
0x1a9: {  	v21 =	vld [tilespmem:s14+$0x2B0];
	v63 =	vmul.f32 v18, v9;
	[tilespmem:s14+$0x3A0] =	vst v60  }
0x1aa: {  	v23 =	vld [tilespmem:s14+$0x2A0];
	v22 =	vmul.f32 v58, v8;
	[tilespmem:s14+$0x390] =	vst v4  }
0x1ab: {  	v25 =	vld [tilespmem:s14+$0x290];
	v27 =	vmul.f32 v59, v7;
	[tilespmem:s14+$0x380] =	vst v63  }
0x1ac: {  	v26 =	vld [tilespmem:s14+$0x340];
	v28 =	vmul.f32 v61, v7;
	[tilespmem:s14+$0x280] =	vst v22  }
0x1ad: {  	v29 =	vld [tilespmem:s14+$0x240];
	v30 =	vmul.f32 v62, v7;
	[tilespmem:s14+$0x320] =	vst v27  }
0x1ae: {  	v33 =	vld [tilespmem:s14+$0x220];
	v32 =	vmul.f32 v20, v8;
	[tilespmem:s14+$0x310] =	vst v28  }
0x1af: {  	v31 =	vld [tilespmem:s14+$0x230];
	v34 =	vmul.f32 v21, v8;
	[tilespmem:s14+$0x300] =	vst v30  }
0x1b0: {  	v37 =	vld [tilespmem:s14+$0x200];
	v36 =	vmul.f32 v23, v8;
	[tilespmem:s14+$0x2C0] =	vst v32  }
0x1b1: {  	v35 =	vld [tilespmem:s14+$0x210];
	v38 =	vmul.f32 v25, v8;
	[tilespmem:s14+$0x2B0] =	vst v34  }
0x1b2: {  	v41 =	vld [tilespmem:s14+$0x1B0];
	v40 =	vmul.f32 v29, v6;
	[tilespmem:s14+$0x2A0] =	vst v36  }
0x1b3: {  	v43 =	vld [tilespmem:s14+$0x190];
	v42 =	vmul.f32 v33, v6;
	[tilespmem:s14+$0x290] =	vst v38  }
0x1b4: {  	v39 =	vld [tilespmem:s14+$0x1C0];
	v44 =	vmul.f32 v31, v6;
	[tilespmem:s14+$0x240] =	vst v40  }
0x1b5: {  	v46 =	vbroadcast v3, $0xB;
	v47 =	vld [tilespmem:s14+$0x80];
	v13 =	vmul.f32 v37, v6;
	[tilespmem:s14+$0x220] =	vst v42  }
0x1b6: {  	v48 =	vld [tilespmem:s14+$0x180];
	v4 =	vmul.f32 v26, v7;
	[tilespmem:s14+$0x230] =	vst v44  }
0x1b7: {  	v49 =	vld [tilespmem:s14+$0xA0];
	v50 =	vmul.f32 v41, v46;
	[tilespmem:s14+$0x200] =	vst v13  }
0x1b8: {  	v51 =	vld [tilespmem:s14+$0x120];
	v3 =	vbroadcast v3, $0x9;
	v52 =	vmul.f32 v43, v46;
	[tilespmem:s14+$0x340] =	vst v4  }
0x1b9: {  	v54 =	vld [tilespmem:s14+$0x110];
	v53 =	vmul.f32 v39, v46;
	[tilespmem:s14+$0x1B0] =	vst v50  }
0x1ba: {  	v55 =	vld [tilespmem:s14+$0x100];
	v56 =	vmul.f32 v47, v3;
	[tilespmem:s14+$0x190] =	vst v52  }
0x1bb: {  	v57 =	vmul.f32 v35, v6;
	[tilespmem:s14+$0x1C0] =	vst v53  }
0x1bc: {  	v60 =	vld [tilespmem:s14+$0x90];
	v8 =	vmul.f32 v49, v3;
	[tilespmem:s14+$0x80] =	vst v56  }
0x1bd: {  	v59 =	vld [tilespmem:s14+$0xC0];
	v7 =	vmul.f32 v48, v46;
	[tilespmem:s14+$0x210] =	vst v57  }
0x1be: {  	v58 =	vld [tilespmem:s14+$0xB0];
	v61 =	vmul.f32 v51, v2;
	[tilespmem:s14+$0xA0] =	vst v8  }
0x1bf: {  	v45 =	vld [tilespmem:s14+$0x1A0];
	v62 =	vmul.f32 v54, v2;
	v2 =	vmul.f32 v55, v2;
	[tilespmem:s14+$0x180] =	vst v7  }
0x1c0: {  	[tilespmem:s14+$0x120] =	vst v61  }
0x1c1: {  	[tilespmem:s14+$0x100] =	vst v2;
	v2 =	vmul.f32 v60, v3  }
0x1c2: {  	s13 =	smul.u32 $0xC00, s10;
	p0 =	seq.s32 s10, $0x68;
	[tilespmem:s14+$0x110] =	vst v62;
	v4 =	vmul.f32 v59, v3  }
.Ltmp2:
0x1c3: {  	v63 =	vmul.f32 v58, v3;
	[tilespmem:s14+$0x90] =	vst v2;
	(pc) =	sbr.rel @p0 .LBB2_8-.Ltmp2, $4  }
0x1c4: {  	s15 =	sand.u32 $0x3C00, s13;
	v3 =	vmul.f32 v45, v46;
	[tilespmem:s14+$0xC0] =	vst v4  }
0x1c5: {  	s15 =	sshrl.u32 s15, $0x2;
	[tilespmem:s14+$0xB0] =	vst v63  }
0x1c6: {  	s19 =	sadd.s32 $0x4F80, s15;
	[tilespmem:s14+$0x1A0] =	vst v3  }
0x1c7: {  	[spmem:s1] =	stream.indirect.scatter.add.f32 [tilespmem:s26], [sflag:$0x4], $0x80, s19, s29, $0xb8;
	[tilespmem:$0x1FD00] =	vst v63  }
0x1c8: {  	s14 =	sadd.s32 $0x3, s12  }
0x1c9: {  	s15 =	sand.u32 $0x7, s14  }
0x1ca: {  	_ =	swait.ge [sflag:s23], $0x2000;
	p1 =	sne.s32 s15, $0x0  }
0x1cb: {  	[sflag:s23] =	ssyncset.done $0x0;
	s15 =	sshll.u32 @!p1 s14, $0x8;
	s16 =	sadd.s32 @!p1 s18, s14  }
0x1cc: {  	[sflag:s23] =	ssyncadd.s32 $0xFFFFE000;
	s15 =	sand.u32 @!p1 $0x800, s15;
	s16 =	sshll.u32 @!p1 s16, $0x5  }
0x1cd: {  	s17 =	simm.s32 @!p1 $0x0;
	s15 =	sadd.s32 @!p1 $0x4F00, s15;
	s16 =	sadd.s32 @!p1 s4, s16  }
0x1ce: {  	[tilespmem:s15], [sflag:$0x7] =	stream.linear.gather @!p1 [hbm4b:s16+s17], $0x800, $0x38;
	[tilespmem:$0x1FD00] =	vst v63  }
0x1cf: {  	s15 =	simm.s32 @!p1 $0x7  }
0x1d0: {  	_ =	swait.ge @!p1 [sflag:s15], $0x800  }
0x1d1: {  	s14 =	sshll.u32 s14, $0x8;
	[sflag:s15] =	ssyncset.done @!p1 $0x0  }
0x1d2: {  	s14 =	sand.u32 $0xF00, s14;
	[sflag:s15] =	ssyncadd.s32 @!p1 $0xFFFFF800  }
0x1d3: {  	v2 =	vld [tilespmem:s14+$0x4F80]  }
0x1d4: {  	v3 =	vld [tilespmem:s14+$0x4F00];
	_ =	sdelay $0x6  }
0x1d5: {  	v2 =	vld.idx.msk [tilespmem:v2+s3+$0x0], $0xffff  }
0x1d6: {  	v4 =	vld.idx.msk [tilespmem:v3+s25+$0x0], $0xffff;
	_ =	sdelay $0x4  }
0x1d7: {  	v2 =	vadd.f32 v4, v2;
	_ =	sdelay $0x1  }
0x1d8: {  	v4 =	vmul.f32 $9.999999770e-03, v2  }
0x1d9: {  	vm0 =	vge.f32 v2, $0.0e+00  }
0x1da: {  	v2 =	vsel vm0, v2, v4  }
0x1db: {  	v2 =	vmul.f32 $1.442695020e+00, v2;
	_ =	sdelay $0x1  }
0x1dc: {  	(erf) = vpow2.f32 v2;
	_ =	sdelay $0x8  }
0x1dd: {  	v2 =	vpop (erf)  }
0x1de: {  	[tilespmem:$0x5F00] =	vst v2  }
0x1df: {  	v2 =	vld [tilespmem:s14+$0x4F90]  }
0x1e0: {  	v62 =	vld [tilespmem:s14+$0x4F10];
	_ =	sdelay $0x4  }
0x1e1: {  	v3 =	vadd.s32 v0, v3  }
0x1e2: {  	[tilespmem:s14+$0x4F00] =	vst v3  }
0x1e3: {  	v2 =	vld.idx.msk [tilespmem:v2+s3+$0x0], $0xffff  }
0x1e4: {  	v3 =	vld.idx.msk [tilespmem:v62+s25+$0x0], $0xffff;
	_ =	sdelay $0x4  }
0x1e5: {  	v2 =	vadd.f32 v3, v2;
	_ =	sdelay $0x1  }
0x1e6: {  	v3 =	vmul.f32 $9.999999770e-03, v2  }
0x1e7: {  	vm13 =	vge.f32 v2, $0.0e+00  }
0x1e8: {  	v2 =	vsel vm13, v2, v3  }
0x1e9: {  	v2 =	vmul.f32 $1.442695020e+00, v2;
	_ =	sdelay $0x1  }
0x1ea: {  	(erf) = vpow2.f32 v2;
	_ =	sdelay $0x8  }
0x1eb: {  	v2 =	vpop (erf)  }
0x1ec: {  	[tilespmem:$0x5F10] =	vst v2  }
0x1ed: {  	v2 =	vld [tilespmem:s14+$0x4FA0]  }
0x1ee: {  	v3 =	vld [tilespmem:s14+$0x4F20];
	_ =	sdelay $0x4  }
0x1ef: {  	v4 =	vadd.s32 v0, v62  }
0x1f0: {  	[tilespmem:s14+$0x4F10] =	vst v4  }
0x1f1: {  	v2 =	vld.idx.msk [tilespmem:v2+s3+$0x0], $0xffff  }
0x1f2: {  	v4 =	vld.idx.msk [tilespmem:v3+s25+$0x0], $0xffff;
	_ =	sdelay $0x4  }
0x1f3: {  	v2 =	vadd.f32 v4, v2;
	_ =	sdelay $0x1  }
0x1f4: {  	v4 =	vmul.f32 $9.999999770e-03, v2  }
0x1f5: {  	vm14 =	vge.f32 v2, $0.0e+00  }
0x1f6: {  	v2 =	vsel vm14, v2, v4  }
0x1f7: {  	v2 =	vmul.f32 $1.442695020e+00, v2;
	_ =	sdelay $0x1  }
0x1f8: {  	(erf) = vpow2.f32 v2;
	_ =	sdelay $0x8  }
0x1f9: {  	v2 =	vpop (erf)  }
0x1fa: {  	[tilespmem:$0x5F20] =	vst v2  }
0x1fb: {  	v2 =	vld [tilespmem:s14+$0x4FB0]  }
0x1fc: {  	v63 =	vld [tilespmem:s14+$0x4F30];
	_ =	sdelay $0x4  }
0x1fd: {  	v3 =	vadd.s32 v0, v3  }
0x1fe: {  	[tilespmem:s14+$0x4F20] =	vst v3  }
0x1ff: {  	v2 =	vld.idx.msk [tilespmem:v2+s3+$0x0], $0xffff  }
0x200: {  	v3 =	vld.idx.msk [tilespmem:v63+s25+$0x0], $0xffff;
	_ =	sdelay $0x4  }
0x201: {  	v2 =	vadd.f32 v3, v2;
	_ =	sdelay $0x1  }
0x202: {  	v3 =	vmul.f32 $9.999999770e-03, v2  }
0x203: {  	vm15 =	vge.f32 v2, $0.0e+00  }
0x204: {  	v2 =	vsel vm15, v2, v3  }
0x205: {  	v2 =	vmul.f32 $1.442695020e+00, v2;
	_ =	sdelay $0x1  }
0x206: {  	(erf) = vpow2.f32 v2;
	_ =	sdelay $0x8  }
0x207: {  	v2 =	vpop (erf)  }
0x208: {  	[tilespmem:$0x5F30] =	vst v2;
	v2 =	vadd.s32 v0, v63  }
0x209: {  	s19 =	sadd.s32 $0x4F00, s14;
	[tilespmem:s14+$0x4F30] =	vst v2  }
0x20a: {  	[tilespmem:s26], [sflag:$0x1] =	stream.indirect.gather [hbm4b:s5+s29], $0x80, s19, s29, $0xb8;
	[tilespmem:$0x1FD00] =	vst v63  }
.LBB2_8:
0x20b: {  	_ =	swait.ge [sflag:s2], $0x2000  }
0x20c: {  	[sflag:s2] =	ssyncset.done $0x0  }
0x20d: {  	s14 =	simm.s32 $0x88C0;
	[sflag:s2] =	ssyncadd.s32 $0xFFFFE000  }
0x20e: {  	v4 =	vld [tilespmem:s14+$0xFFFFFF70]  }
0x20f: {  	v5 =	vld [tilespmem:s14+$0xFFFFFD80]  }
0x210: {  	s15 =	simm.s32 $0x0;
	v6 =	vld [tilespmem:s14+$0xFFFFFD70]  }
0x211: {  	v3 =	vld [tilespmem:s15+$0x5F80]  }
0x212: {  	v7 =	vld [tilespmem:s14+$0xFFFFFC80]  }
0x213: {  	v8 =	vld [tilespmem:s14+$0xFFFFFC70]  }
0x214: {  	v9 =	vld [tilespmem:s14+$0xFFFFFC60]  }
0x215: {  	v10 =	vld [tilespmem:s14+$0xFFFFFC40]  }
0x216: {  	v11 =	vld [tilespmem:s14+$0xFFFFFC50];
	v2 =	vbroadcast v3, $0xA  }
0x217: {  	v12 =	vld [tilespmem:s14+$0xFFFFFC00]  }
0x218: {  	v13 =	vld [tilespmem:s14+$0xFFFFFBF0];
	v14 =	vbroadcast v3, $0x8;
	v5 =	vmul.f32 v5, v2  }
0x219: {  	v15 =	vld [tilespmem:s14+$0xFFFFFBE0];
	v6 =	vmul.f32 v6, v2  }
0x21a: {  	v17 =	vld [tilespmem:s14+$0xFFFFFBD0];
	v16 =	vbroadcast v3, $0x7;
	v10 =	vmul.f32 v10, v14;
	[tilespmem:s14+$0xFFFFFD80] =	vst v5  }
0x21b: {  	v18 =	vld [tilespmem:s14+$0xFFFFFB00];
	v8 =	vmul.f32 v8, v14;
	[tilespmem:s14+$0xFFFFFD70] =	vst v6  }
0x21c: {  	v19 =	vld [tilespmem:s14+$0xFFFFF880];
	v12 =	vmul.f32 v12, v16;
	[tilespmem:s14+$0xFFFFFC40] =	vst v10  }
0x21d: {  	v7 =	vmul.f32 v7, v14;
	v5 =	vld [tilespmem:s14+$0xFFFFFBC0];
	[tilespmem:s14+$0xFFFFFC70] =	vst v8  }
0x21e: {  	v11 =	vmul.f32 v11, v14;
	v6 =	vld [tilespmem:s14+$0xFFFFFB80];
	[tilespmem:s14+$0xFFFFFC00] =	vst v12  }
0x21f: {  	v10 =	vld [tilespmem:s14+$0xFFFFFB70];
	v8 =	vmul.f32 v13, v16;
	[tilespmem:s14+$0xFFFFFC80] =	vst v7  }
0x220: {  	v17 =	vmul.f32 v17, v16;
	v12 =	vld [tilespmem:s14+$0xFFFFFB50];
	[tilespmem:s14+$0xFFFFFC50] =	vst v11  }
0x221: {  	v13 =	vld [tilespmem:s14+$0xFFFFFB60];
	v7 =	vmul.f32 v15, v16;
	[tilespmem:s14+$0xFFFFFBF0] =	vst v8;
	v8 =	vbroadcast v3, $0x6  }
0x222: {  	v15 =	vld [tilespmem:s14+$0xFFFFFB40];
	[tilespmem:s14+$0xFFFFFBD0] =	vst v17;
	v5 =	vmul.f32 v5, v16  }
0x223: {  	v11 =	vld [tilespmem:s14+$0xFFFFFAF0];
	[tilespmem:s14+$0xFFFFFBE0] =	vst v7;
	v6 =	vmul.f32 v6, v8  }
0x224: {  	v17 =	vld [tilespmem:s14+$0xFFFFFA60];
	v10 =	vmul.f32 v10, v8;
	[tilespmem:s14+$0xFFFFFBC0] =	vst v5  }
0x225: {  	v7 =	vld [tilespmem:s14+$0xFFFFFAE0];
	v12 =	vmul.f32 v12, v8;
	[tilespmem:s14+$0xFFFFFB80] =	vst v6  }
0x226: {  	v16 =	vld [tilespmem:s14+$0xFFFFFAD0];
	v5 =	vmul.f32 v9, v14;
	[tilespmem:s14+$0xFFFFFB70] =	vst v10  }
0x227: {  	v9 =	vld [tilespmem:s14+$0xFFFFFAC0];
	v6 =	vbroadcast v3, $0x5;
	v10 =	vmul.f32 v15, v8;
	[tilespmem:s14+$0xFFFFFB50] =	vst v12  }
0x228: {  	v14 =	vld [tilespmem:s14+$0xFFFFFA80];
	v8 =	vmul.f32 v13, v8;
	[tilespmem:s14+$0xFFFFFC60] =	vst v5  }
0x229: {  	v15 =	vld [tilespmem:s14+$0xFFFFFA70];
	v5 =	vmul.f32 v18, v6;
	[tilespmem:s14+$0xFFFFFB40] =	vst v10  }
0x22a: {  	v12 =	vld [tilespmem:s14+$0xFFFFFA50];
	v11 =	vmul.f32 v11, v6;
	[tilespmem:s14+$0xFFFFFB60] =	vst v8  }
0x22b: {  	v13 =	vld [tilespmem:s14+$0xFFFFFA00];
	v7 =	vmul.f32 v7, v6;
	[tilespmem:s14+$0xFFFFFB00] =	vst v5  }
0x22c: {  	v10 =	vld [tilespmem:s14+$0xFFFFFA40];
	v5 =	vmul.f32 v16, v6;
	[tilespmem:s14+$0xFFFFFAF0] =	vst v11;
	v11 =	vbroadcast v3, $0x4  }
0x22d: {  	v8 =	vld [tilespmem:s14+$0xFFFFF9E0];
	[tilespmem:s14+$0xFFFFFAE0] =	vst v7;
	v6 =	vmul.f32 v9, v6  }
0x22e: {  	v16 =	vld [tilespmem:s14+$0xFFFFF9F0];
	[tilespmem:s14+$0xFFFFFAD0] =	vst v5;
	v5 =	vmul.f32 v15, v11  }
0x22f: {  	v18 =	vld [tilespmem:s14+$0xFFFFF900];
	v7 =	vmul.f32 v17, v11;
	[tilespmem:s14+$0xFFFFFAC0] =	vst v6  }
0x230: {  	v9 =	vld [tilespmem:s14+$0xFFFFF9D0];
	v6 =	vmul.f32 v14, v11;
	v14 =	vbroadcast v3, $0x3;
	[tilespmem:s14+$0xFFFFFA70] =	vst v5  }
0x231: {  	v15 =	vld [tilespmem:s14+$0xFFFFF9C0];
	v5 =	vmul.f32 v10, v11;
	[tilespmem:s14+$0xFFFFFA60] =	vst v7  }
0x232: {  	v17 =	vld [tilespmem:s14+$0xFFFFF980];
	v7 =	vmul.f32 v13, v14;
	[tilespmem:s14+$0xFFFFFA80] =	vst v6  }
0x233: {  	v10 =	vld [tilespmem:s14+$0xFFFFF970];
	v6 =	vmul.f32 v16, v14;
	[tilespmem:s14+$0xFFFFFA40] =	vst v5  }
0x234: {  	v13 =	vld [tilespmem:s14+$0xFFFFF960];
	v5 =	vmul.f32 v8, v14;
	[tilespmem:s14+$0xFFFFFA00] =	vst v7  }
0x235: {  	v16 =	vld [tilespmem:s14+$0xFFFFF950];
	v9 =	vmul.f32 v9, v14;
	v7 =	vbroadcast v3, $0x2;
	[tilespmem:s14+$0xFFFFF9F0] =	vst v6  }
0x236: {  	v8 =	vld [tilespmem:s14+$0xFFFFF940];
	v6 =	vmul.f32 v15, v14;
	[tilespmem:s14+$0xFFFFF9E0] =	vst v5  }
0x237: {  	v14 =	vld [tilespmem:s14+$0xFFFFF8F0];
	[tilespmem:s14+$0xFFFFF9D0] =	vst v9;
	v5 =	vmul.f32 v17, v7  }
0x238: {  	v15 =	vld [tilespmem:s14+$0xFFFFF8E0];
	v9 =	vmul.f32 v10, v7;
	[tilespmem:s14+$0xFFFFF9C0] =	vst v6  }
0x239: {  	v21 =	vld [tilespmem:s14+$0xFFFFF840];
	v6 =	vmul.f32 v13, v7;
	[tilespmem:s14+$0xFFFFF980] =	vst v5  }
0x23a: {  	v10 =	vld [tilespmem:s14+$0xFFFFF8D0];
	v17 =	vbroadcast v3, $0x1;
	v16 =	vmul.f32 v16, v7;
	[tilespmem:s14+$0xFFFFF970] =	vst v9  }
0x23b: {  	v13 =	vld [tilespmem:s14+$0xFFFFF8C0];
	v5 =	vmul.f32 v12, v11;
	v7 =	vmul.f32 v8, v7;
	[tilespmem:s14+$0xFFFFF960] =	vst v6  }
0x23c: {  	v8 =	vld [tilespmem:s14+$0xFFFFF870];
	v9 =	vbroadcast v3, $0xF;
	v6 =	vmul.f32 v18, v17;
	[tilespmem:s14+$0xFFFFF950] =	vst v16  }
0x23d: {  	v12 =	vld [tilespmem:s14+$0xFFFFF860];
	v11 =	vmul.f32 v14, v17;
	v14 =	vmul.f32 v15, v17;
	[tilespmem:s14+$0xFFFFF940] =	vst v7  }
0x23e: {  	v20 =	vld [tilespmem:s14+$0xFFFFF850];
	v18 =	vbroadcast v3, $0x0;
	v7 =	vbroadcast v3, $0xE;
	[tilespmem:s14+$0xFFFFF900] =	vst v6  }
0x23f: {  	v15 =	vld [tilespmem:s14+$0x0];
	v16 =	vmul.f32 v10, v17;
	[tilespmem:s14+$0xFFFFF8F0] =	vst v11;
	v6 =	vbroadcast v3, $0xC  }
0x240: {  	[tilespmem:s14+$0xFFFFF8E0] =	vst v14;
	v10 =	vld [tilespmem:s14+$0xFFFFFFF0];
	v17 =	vmul.f32 v13, v17;
	v13 =	vmul.f32 v19, v18  }
0x241: {  	v19 =	vmul.f32 v4, v7;
	v4 =	vmul.f32 v18, v21;
	[tilespmem:s14+$0xFFFFF8D0] =	vst v16;
	v16 =	vld [tilespmem:s14+$0xFFFFFFE0]  }
0x242: {  	v11 =	vmul.f32 v8, v18;
	v14 =	vmul.f32 v12, v18;
	v12 =	vld [tilespmem:s14+$0xFFFFFFD0];
	[tilespmem:s14+$0xFFFFF8C0] =	vst v17  }
0x243: {  	s16 =	simm.s32 $0x40;
	s15 =	simm.s32 $0x88C0;
	v8 =	vbroadcast v3, $0xD;
	v17 =	vmul.f32 v20, v18;
	[tilespmem:s14+$0xFFFFFF70] =	vst v19;
	v18 =	vld [tilespmem:s14+$0xFFFFFFC0]  }
.LBB2_9:
0x244: {  	s19 =	smov.u32 s16  }
0x245: {  	s17 =	sshra.s32 s16, $0x2;
	[tilespmem:s14+$0xFFFFF880] =	vst v13;
	v13 =	vld [tilespmem:s14+$0xFFFFFF80];
	v15 =	vmul.f32 v15, v9;
	s15 =	sadd.s32 $0x800, s15;
	s19 =	sadd.s32 $0x40, s16  }
0x246: {  	p1 =	sne.s32 s16, $0xC0;
	v10 =	vmul.f32 v10, v9;
	[tilespmem:s14+$0xFFFFF870] =	vst v11;
	v11 =	vld [tilespmem:s14+$0xFFFFFEC0]  }
0x247: {  	v16 =	vmul.f32 v16, v9;
	[tilespmem:s14+$0xFFFFF860] =	vst v14;
	v14 =	vld [tilespmem:s14+$0xFFFFFF60]  }
0x248: {  	v12 =	vmul.f32 v12, v9;
	[tilespmem:s14+$0xFFFFF850] =	vst v17;
	v17 =	vld [tilespmem:s14+$0xFFFFFF50]  }
0x249: {  	v9 =	vmul.f32 v18, v9;
	v19 =	vld [tilespmem:s14+$0xFFFFFF40];
	[tilespmem:s14+$0x0] =	vst v15  }
0x24a: {  	v13 =	vmul.f32 v13, v7;
	[tilespmem:s14+$0xFFFFF840] =	vst v4;
	v15 =	vld [tilespmem:s14+$0xFFFFFF00]  }
0x24b: {  	v11 =	vmul.f32 v11, v8;
	v18 =	vld [tilespmem:s14+$0xFFFFFEF0];
	[tilespmem:s14+$0xFFFFFFE0] =	vst v16  }
0x24c: {  	[tilespmem:s14+$0xFFFFFA50] =	vst v5;
	v5 =	vld [tilespmem:s14+$0xFFFFFEE0];
	v14 =	vmul.f32 v14, v7  }
0x24d: {  	v16 =	vld [tilespmem:s14+$0xFFFFFED0];
	v17 =	vmul.f32 v17, v7;
	[tilespmem:s14+$0xFFFFFFC0] =	vst v9  }
0x24e: {  	v4 =	vld [tilespmem:s15+$0xFFFFFF70];
	v7 =	vmul.f32 v19, v7;
	[tilespmem:s14+$0xFFFFFFD0] =	vst v12  }
0x24f: {  	v9 =	vld [tilespmem:s14+$0xFFFFFE80];
	[tilespmem:s14+$0xFFFFFEC0] =	vst v11;
	v11 =	vmul.f32 v15, v8  }
0x250: {  	v12 =	vld [tilespmem:s14+$0xFFFFFE70];
	v15 =	vmul.f32 v18, v8;
	[tilespmem:s14+$0xFFFFFFF0] =	vst v10  }
0x251: {  	v10 =	vld [tilespmem:s14+$0xFFFFFE60];
	v5 =	vmul.f32 v5, v8;
	[tilespmem:s14+$0xFFFFFF60] =	vst v14  }
0x252: {  	v14 =	vld [tilespmem:s14+$0xFFFFFE50];
	v8 =	vmul.f32 v16, v8;
	[tilespmem:s14+$0xFFFFFF50] =	vst v17  }
0x253: {  	v16 =	vld [tilespmem:s14+$0xFFFFFE40];
	[tilespmem:s14+$0xFFFFFF40] =	vst v7  }
0x254: {  	v7 =	vld [tilespmem:s14+$0xFFFFFE00];
	v9 =	vmul.f32 v9, v6;
	[tilespmem:s14+$0xFFFFFF00] =	vst v11  }
0x255: {  	v11 =	vld [tilespmem:s14+$0xFFFFFDF0];
	v12 =	vmul.f32 v12, v6;
	[tilespmem:s14+$0xFFFFFEF0] =	vst v15  }
0x256: {  	v15 =	vld [tilespmem:s14+$0xFFFFFDE0];
	v10 =	vmul.f32 v10, v6;
	[tilespmem:s14+$0xFFFFFEE0] =	vst v5  }
0x257: {  	v5 =	vbroadcast v3, $0xB;
	v17 =	vld [tilespmem:s14+$0xFFFFFDD0];
	v14 =	vmul.f32 v14, v6;
	[tilespmem:s14+$0xFFFFFED0] =	vst v8  }
0x258: {  	v8 =	vld [tilespmem:s14+$0xFFFFFDC0];
	v6 =	vmul.f32 v16, v6;
	[tilespmem:s14+$0xFFFFFE80] =	vst v9  }
0x259: {  	v9 =	vld [tilespmem:s14+$0xFFFFFCC0];
	v7 =	vmul.f32 v7, v5;
	[tilespmem:s14+$0xFFFFFE60] =	vst v10  }
0x25a: {  	v10 =	vld [tilespmem:s14+$0xFFFFFCE0];
	v11 =	vmul.f32 v11, v5;
	[tilespmem:s14+$0xFFFFFE70] =	vst v12  }
0x25b: {  	v12 =	vld [tilespmem:s14+$0xFFFFFD60];
	v15 =	vmul.f32 v15, v5;
	[tilespmem:s14+$0xFFFFFE40] =	vst v6  }
0x25c: {  	v3 =	vbroadcast v3, $0x9;
	v6 =	vld [tilespmem:s14+$0xFFFFFD50];
	v16 =	vmul.f32 v17, v5;
	[tilespmem:s14+$0xFFFFFF80] =	vst v13  }
0x25d: {  	v13 =	vld [tilespmem:s14+$0xFFFFFD40];
	v5 =	vmul.f32 v8, v5;
	[tilespmem:s14+$0xFFFFFDF0] =	vst v11  }
0x25e: {  	v8 =	vmul.f32 v9, v3;
	v9 =	vld [tilespmem:s14+$0xFFFFFD00];
	[tilespmem:s14+$0xFFFFFDD0] =	vst v16  }
0x25f: {  	v10 =	vmul.f32 v10, v3;
	v11 =	vld [tilespmem:s14+$0xFFFFFCF0];
	[tilespmem:s14+$0xFFFFFE00] =	vst v7  }
0x260: {  	v7 =	vld [tilespmem:s15+$0xFFFFFD80];
	[tilespmem:s14+$0xFFFFFCC0] =	vst v8;
	v8 =	vmul.f32 v12, v2  }
0x261: {  	v12 =	vld [tilespmem:s14+$0xFFFFFCD0];
	v6 =	vmul.f32 v6, v2;
	[tilespmem:s14+$0xFFFFFE50] =	vst v14  }
0x262: {  	v14 =	vld [tilespmem:s15+$0xFFFFFD70];
	[tilespmem:s14+$0xFFFFFCE0] =	vst v10;
	v2 =	vmul.f32 v13, v2  }
0x263: {  	v9 =	vmul.f32 v9, v3;
	[tilespmem:s14+$0xFFFFFDC0] =	vst v5  }
0x264: {  	v5 =	vmul.f32 v11, v3;
	[tilespmem:s14+$0xFFFFFD60] =	vst v8  }
0x265: {  	[tilespmem:s14+$0xFFFFFD50] =	vst v6  }
0x266: {  	v3 =	vmul.f32 v12, v3;
	[tilespmem:s14+$0xFFFFFD40] =	vst v2  }
0x267: {  	[tilespmem:s14+$0xFFFFFD00] =	vst v9  }
0x268: {  	[tilespmem:s14+$0xFFFFFCF0] =	vst v5  }
0x269: {  	[tilespmem:s14+$0xFFFFFCD0] =	vst v3  }
0x26a: {  	v5 =	vld [tilespmem:s15+$0xFFFFFC80];
	[tilespmem:s14+$0xFFFFFDE0] =	vst v15;
	s14 =	smov.u32 s15  }
0x26b: {  	v3 =	vld [tilespmem:s17+$0x5F80]  }
0x26c: {  	v6 =	vld [tilespmem:s15+$0xFFFFFC70]  }
0x26d: {  	v8 =	vld [tilespmem:s15+$0xFFFFFC60]  }
0x26e: {  	v9 =	vld [tilespmem:s15+$0xFFFFFC50]  }
0x26f: {  	v10 =	vld [tilespmem:s15+$0xFFFFFC40]  }
0x270: {  	v11 =	vld [tilespmem:s15+$0xFFFFFC00];
	v2 =	vbroadcast v3, $0xA  }
0x271: {  	v12 =	vld [tilespmem:s15+$0xFFFFFBF0]  }
0x272: {  	v15 =	vbroadcast v3, $0x8;
	v13 =	vld [tilespmem:s15+$0xFFFFFBE0];
	v7 =	vmul.f32 v7, v2  }
0x273: {  	v16 =	vbroadcast v3, $0x7;
	v14 =	vmul.f32 v14, v2;
	v17 =	vld [tilespmem:s15+$0xFFFFFBD0]  }
0x274: {  	v6 =	vmul.f32 v6, v15;
	v18 =	vld [tilespmem:s15+$0xFFFFFBC0];
	v10 =	vmul.f32 v10, v15;
	[tilespmem:s15+$0xFFFFFD80] =	vst v7  }
0x275: {  	v5 =	vmul.f32 v5, v15;
	v7 =	vld [tilespmem:s15+$0xFFFFFB80];
	v11 =	vmul.f32 v11, v16;
	[tilespmem:s15+$0xFFFFFD70] =	vst v14  }
0x276: {  	v9 =	vmul.f32 v9, v15;
	v14 =	vld [tilespmem:s15+$0xFFFFFB70];
	v12 =	vmul.f32 v12, v16;
	[tilespmem:s15+$0xFFFFFC40] =	vst v10  }
0x277: {  	v8 =	vmul.f32 v8, v15;
	v10 =	vld [tilespmem:s15+$0xFFFFFB60];
	v13 =	vmul.f32 v13, v16;
	[tilespmem:s15+$0xFFFFFC70] =	vst v6  }
0x278: {  	v6 =	vbroadcast v3, $0x6;
	v15 =	vld [tilespmem:s15+$0xFFFFFB50];
	v17 =	vmul.f32 v17, v16;
	[tilespmem:s15+$0xFFFFFC00] =	vst v11  }
0x279: {  	v11 =	vld [tilespmem:s15+$0xFFFFFB40];
	v16 =	vmul.f32 v18, v16;
	[tilespmem:s15+$0xFFFFFC80] =	vst v5  }
0x27a: {  	v5 =	vld [tilespmem:s15+$0xFFFFFB00];
	v7 =	vmul.f32 v7, v6;
	[tilespmem:s15+$0xFFFFFBF0] =	vst v12  }
0x27b: {  	v12 =	vld [tilespmem:s15+$0xFFFFFAF0];
	v14 =	vmul.f32 v14, v6;
	[tilespmem:s15+$0xFFFFFC50] =	vst v9  }
0x27c: {  	v9 =	vld [tilespmem:s15+$0xFFFFFAE0];
	v10 =	vmul.f32 v10, v6;
	[tilespmem:s15+$0xFFFFFBE0] =	vst v13  }
0x27d: {  	v13 =	vbroadcast v3, $0x5;
	v18 =	vld [tilespmem:s15+$0xFFFFFAD0];
	v15 =	vmul.f32 v15, v6;
	[tilespmem:s15+$0xFFFFFBD0] =	vst v17  }
0x27e: {  	v17 =	vld [tilespmem:s15+$0xFFFFFAC0];
	v6 =	vmul.f32 v11, v6;
	[tilespmem:s15+$0xFFFFFBC0] =	vst v16  }
0x27f: {  	v11 =	vld [tilespmem:s15+$0xFFFFFA80];
	v5 =	vmul.f32 v5, v13;
	[tilespmem:s15+$0xFFFFFB80] =	vst v7  }
0x280: {  	v7 =	vld [tilespmem:s15+$0xFFFFFA70];
	v12 =	vmul.f32 v12, v13;
	[tilespmem:s15+$0xFFFFFB70] =	vst v14  }
0x281: {  	v14 =	vld [tilespmem:s15+$0xFFFFFA60];
	v9 =	vmul.f32 v9, v13;
	[tilespmem:s15+$0xFFFFFC60] =	vst v8  }
0x282: {  	v8 =	vbroadcast v3, $0x4;
	v16 =	vld [tilespmem:s15+$0xFFFFFA50];
	v18 =	vmul.f32 v18, v13;
	[tilespmem:s15+$0xFFFFFB50] =	vst v15  }
0x283: {  	v15 =	vld [tilespmem:s15+$0xFFFFFA40];
	v13 =	vmul.f32 v17, v13;
	[tilespmem:s15+$0xFFFFFB40] =	vst v6  }
0x284: {  	v6 =	vld [tilespmem:s15+$0xFFFFFA00];
	v11 =	vmul.f32 v11, v8;
	[tilespmem:s15+$0xFFFFFB00] =	vst v5  }
0x285: {  	v17 =	vld [tilespmem:s15+$0xFFFFF9F0];
	v7 =	vmul.f32 v7, v8;
	[tilespmem:s15+$0xFFFFFAF0] =	vst v12  }
0x286: {  	v12 =	vld [tilespmem:s15+$0xFFFFF9E0];
	v14 =	vmul.f32 v14, v8;
	[tilespmem:s15+$0xFFFFFB60] =	vst v10  }
0x287: {  	v10 =	vbroadcast v3, $0x3;
	v19 =	vld [tilespmem:s15+$0xFFFFF9D0];
	v5 =	vmul.f32 v16, v8;
	[tilespmem:s15+$0xFFFFFAD0] =	vst v18  }
0x288: {  	v16 =	vld [tilespmem:s15+$0xFFFFF9C0];
	v8 =	vmul.f32 v15, v8;
	[tilespmem:s15+$0xFFFFFAE0] =	vst v9  }
0x289: {  	v9 =	vld [tilespmem:s15+$0xFFFFF980];
	v6 =	vmul.f32 v6, v10;
	[tilespmem:s15+$0xFFFFFAC0] =	vst v13  }
0x28a: {  	v13 =	vld [tilespmem:s15+$0xFFFFF970];
	v15 =	vmul.f32 v17, v10;
	[tilespmem:s15+$0xFFFFFA70] =	vst v7  }
0x28b: {  	v7 =	vld [tilespmem:s15+$0xFFFFF960];
	v12 =	vmul.f32 v12, v10;
	[tilespmem:s15+$0xFFFFFA60] =	vst v14  }
0x28c: {  	v14 =	vbroadcast v3, $0x2;
	v17 =	vld [tilespmem:s15+$0xFFFFF950];
	v18 =	vmul.f32 v19, v10;
	[tilespmem:s15+$0xFFFFFA80] =	vst v11  }
0x28d: {  	v11 =	vld [tilespmem:s15+$0xFFFFF940];
	v10 =	vmul.f32 v16, v10;
	[tilespmem:s15+$0xFFFFFA40] =	vst v8  }
0x28e: {  	v8 =	vld [tilespmem:s15+$0xFFFFF900];
	v9 =	vmul.f32 v9, v14;
	[tilespmem:s15+$0xFFFFFA00] =	vst v6  }
0x28f: {  	v6 =	vld [tilespmem:s15+$0xFFFFF8F0];
	v13 =	vmul.f32 v13, v14;
	[tilespmem:s15+$0xFFFFF9F0] =	vst v15  }
0x290: {  	v15 =	vld [tilespmem:s15+$0xFFFFF8E0];
	v7 =	vmul.f32 v7, v14;
	[tilespmem:s15+$0xFFFFF9E0] =	vst v12  }
0x291: {  	v12 =	vbroadcast v3, $0x1;
	v16 =	vld [tilespmem:s15+$0xFFFFF8D0];
	v17 =	vmul.f32 v17, v14;
	[tilespmem:s15+$0xFFFFF9D0] =	vst v18  }
0x292: {  	v18 =	vld [tilespmem:s15+$0xFFFFF8C0];
	v11 =	vmul.f32 v11, v14;
	[tilespmem:s15+$0xFFFFF9C0] =	vst v10  }
0x293: {  	v10 =	vld [tilespmem:s15+$0xFFFFF880];
	v8 =	vmul.f32 v8, v12;
	[tilespmem:s15+$0xFFFFF980] =	vst v9  }
0x294: {  	v14 =	vld [tilespmem:s15+$0xFFFFF870];
	v6 =	vmul.f32 v6, v12;
	[tilespmem:s15+$0xFFFFF970] =	vst v13  }
0x295: {  	v19 =	vld [tilespmem:s15+$0xFFFFF860];
	v20 =	vmul.f32 v15, v12;
	[tilespmem:s15+$0xFFFFF960] =	vst v7  }
0x296: {  	v21 =	vbroadcast v3, $0x0;
	v22 =	vld [tilespmem:s15+$0xFFFFF850];
	v16 =	vmul.f32 v16, v12;
	[tilespmem:s15+$0xFFFFF950] =	vst v17  }
0x297: {  	v9 =	vbroadcast v3, $0xF;
	v23 =	vld [tilespmem:s15+$0xFFFFF840];
	v12 =	vmul.f32 v18, v12;
	[tilespmem:s15+$0xFFFFF940] =	vst v11  }
0x298: {  	v7 =	vbroadcast v3, $0xE;
	v13 =	vmul.f32 v10, v21;
	[tilespmem:s15+$0xFFFFF900] =	vst v8  }
.Ltmp3:
0x299: {  	v8 =	vbroadcast v3, $0xD;
	v11 =	vmul.f32 v14, v21;
	[tilespmem:s15+$0xFFFFF8F0] =	vst v6;
	v15 =	vld [tilespmem:s15+$0x0];
	(pc) =	sbr.rel @p1 .LBB2_9-.Ltmp3, $4  }
0x29a: {  	v6 =	vbroadcast v3, $0xC;
	v14 =	vmul.f32 v19, v21;
	[tilespmem:s15+$0xFFFFF8E0] =	vst v20;
	v10 =	vld [tilespmem:s15+$0xFFFFFFF0]  }
0x29b: {  	v18 =	vmul.f32 v4, v7;
	v17 =	vmul.f32 v22, v21;
	[tilespmem:s15+$0xFFFFF8D0] =	vst v16;
	v16 =	vld [tilespmem:s15+$0xFFFFFFE0]  }
0x29c: {  	v4 =	vmul.f32 v21, v23;
	[tilespmem:s15+$0xFFFFF8C0] =	vst v12;
	v12 =	vld [tilespmem:s15+$0xFFFFFFD0]  }
0x29d: {  	s16 =	smov.u32 s19;
	[tilespmem:s15+$0xFFFFFF70] =	vst v18;
	v18 =	vld [tilespmem:s15+$0xFFFFFFC0]  }
0x29e: {  	[tilespmem:s14+$0xFFFFF880] =	vst v13  }
0x29f: {  	[tilespmem:s14+$0xFFFFF870] =	vst v11  }
0x2a0: {  	[tilespmem:s14+$0xFFFFF860] =	vst v14  }
0x2a1: {  	[tilespmem:s14+$0xFFFFF850] =	vst v17  }
0x2a2: {  	v56 =	vmul.f32 v15, v9;
	v57 =	vld [tilespmem:s14+$0xFFFFFEC0];
	[tilespmem:s14+$0xFFFFF840] =	vst v4  }
0x2a3: {  	v58 =	vld [tilespmem:s14+$0xFFFFFF60];
	[tilespmem:s14+$0xFFFFFA50] =	vst v5;
	v23 =	vmul.f32 v10, v9  }
0x2a4: {  	v60 =	vld [tilespmem:s14+$0xFFFFFF50];
	v59 =	vmul.f32 v16, v9;
	[tilespmem:s14+$0x0] =	vst v56  }
0x2a5: {  	v61 =	vld [tilespmem:s14+$0xFFFFFF40];
	v12 =	vmul.f32 v12, v9;
	[tilespmem:s14+$0xFFFFFFF0] =	vst v23  }
0x2a6: {  	v63 =	vld [tilespmem:s14+$0xFFFFFF00];
	v62 =	vmul.f32 v18, v9;
	[tilespmem:s14+$0xFFFFFFE0] =	vst v59  }
0x2a7: {  	v20 =	vld [tilespmem:s14+$0xFFFFFEF0];
	v21 =	vmul.f32 v57, v8;
	[tilespmem:s14+$0xFFFFFFD0] =	vst v12  }
0x2a8: {  	v22 =	vld [tilespmem:s14+$0xFFFFFEE0];
	v26 =	vmul.f32 v58, v7;
	[tilespmem:s14+$0xFFFFFFC0] =	vst v62  }
0x2a9: {  	v24 =	vld [tilespmem:s14+$0xFFFFFED0];
	v27 =	vmul.f32 v60, v7;
	[tilespmem:s14+$0xFFFFFEC0] =	vst v21  }
0x2aa: {  	v28 =	vld [tilespmem:s14+$0xFFFFFE80];
	v29 =	vmul.f32 v61, v7;
	[tilespmem:s14+$0xFFFFFF60] =	vst v26  }
0x2ab: {  	v32 =	vld [tilespmem:s14+$0xFFFFFE60];
	v31 =	vmul.f32 v63, v8;
	[tilespmem:s14+$0xFFFFFF50] =	vst v27  }
0x2ac: {  	v30 =	vld [tilespmem:s14+$0xFFFFFE70];
	v33 =	vmul.f32 v20, v8;
	[tilespmem:s14+$0xFFFFFF40] =	vst v29  }
0x2ad: {  	v36 =	vld [tilespmem:s14+$0xFFFFFE40];
	v35 =	vmul.f32 v22, v8;
	[tilespmem:s14+$0xFFFFFF00] =	vst v31  }
0x2ae: {  	v25 =	vld [tilespmem:s14+$0xFFFFFF80];
	v37 =	vmul.f32 v24, v8;
	[tilespmem:s14+$0xFFFFFEF0] =	vst v33  }
0x2af: {  	v40 =	vld [tilespmem:s14+$0xFFFFFDF0];
	v39 =	vmul.f32 v28, v6;
	[tilespmem:s14+$0xFFFFFEE0] =	vst v35  }
0x2b0: {  	v42 =	vld [tilespmem:s14+$0xFFFFFDD0];
	v41 =	vmul.f32 v32, v6;
	[tilespmem:s14+$0xFFFFFED0] =	vst v37  }
0x2b1: {  	v38 =	vld [tilespmem:s14+$0xFFFFFE00];
	v43 =	vmul.f32 v30, v6;
	[tilespmem:s14+$0xFFFFFE80] =	vst v39  }
0x2b2: {  	v45 =	vbroadcast v3, $0xB;
	v46 =	vld [tilespmem:s14+$0xFFFFFCC0];
	v13 =	vmul.f32 v36, v6;
	[tilespmem:s14+$0xFFFFFE60] =	vst v41  }
0x2b3: {  	v34 =	vld [tilespmem:s14+$0xFFFFFE50];
	v47 =	vmul.f32 v25, v7;
	[tilespmem:s14+$0xFFFFFE70] =	vst v43  }
0x2b4: {  	v49 =	vld [tilespmem:s14+$0xFFFFFCE0];
	v50 =	vmul.f32 v40, v45;
	[tilespmem:s14+$0xFFFFFE40] =	vst v13  }
0x2b5: {  	v48 =	vld [tilespmem:s14+$0xFFFFFDC0];
	v3 =	vbroadcast v3, $0x9;
	v52 =	vmul.f32 v42, v45;
	[tilespmem:s14+$0xFFFFFF80] =	vst v47  }
0x2b6: {  	v51 =	vld [tilespmem:s14+$0xFFFFFD60];
	v53 =	vmul.f32 v38, v45;
	[tilespmem:s14+$0xFFFFFDF0] =	vst v50  }
0x2b7: {  	v54 =	vld [tilespmem:s14+$0xFFFFFD50];
	v56 =	vmul.f32 v46, v3;
	[tilespmem:s14+$0xFFFFFDD0] =	vst v52  }
0x2b8: {  	v55 =	vld [tilespmem:s14+$0xFFFFFD40];
	v57 =	vmul.f32 v34, v6;
	[tilespmem:s14+$0xFFFFFE00] =	vst v53  }
0x2b9: {  	v59 =	vld [tilespmem:s14+$0xFFFFFD00];
	v8 =	vmul.f32 v49, v3;
	[tilespmem:s14+$0xFFFFFCC0] =	vst v56  }
0x2ba: {  	v58 =	vld [tilespmem:s14+$0xFFFFFCF0];
	v7 =	vmul.f32 v48, v45;
	[tilespmem:s14+$0xFFFFFE50] =	vst v57  }
0x2bb: {  	v60 =	vld [tilespmem:s14+$0xFFFFFCD0];
	v61 =	vmul.f32 v51, v2;
	[tilespmem:s14+$0xFFFFFCE0] =	vst v8  }
0x2bc: {  	v44 =	vld [tilespmem:s14+$0xFFFFFDE0];
	v62 =	vmul.f32 v54, v2;
	[tilespmem:s14+$0xFFFFFDC0] =	vst v7  }
0x2bd: {  	v2 =	vmul.f32 v55, v2;
	[tilespmem:s14+$0xFFFFFD60] =	vst v61  }
0x2be: {  	[tilespmem:s14+$0xFFFFFD50] =	vst v62;
	v4 =	vmul.f32 v59, v3  }
0x2bf: {  	[tilespmem:s14+$0xFFFFFD40] =	vst v2;
	v63 =	vmul.f32 v58, v3  }
.Ltmp4:
0x2c0: {  	s13 =	sadd.s32 $0x400, s13;
	v2 =	vmul.f32 v60, v3;
	[tilespmem:s14+$0xFFFFFD00] =	vst v4;
	(pc) =	sbr.rel @p0 .LBB2_12-.Ltmp4, $4  }
0x2c1: {  	s13 =	sand.u32 $0x3C00, s13;
	v3 =	vmul.f32 v44, v45;
	[tilespmem:s14+$0xFFFFFCF0] =	vst v63  }
0x2c2: {  	s13 =	sshrl.u32 s13, $0x2;
	[tilespmem:s14+$0xFFFFFCD0] =	vst v2  }
0x2c3: {  	s13 =	sadd.s32 $0x4F80, s13;
	[tilespmem:s14+$0xFFFFFDE0] =	vst v3  }
0x2c4: {  	[spmem:s1] =	stream.indirect.scatter.add.f32 [tilespmem:s31], [sflag:$0x5], $0x80, s13, s29, $0xb8;
	[tilespmem:$0x1FD00] =	vst v63  }
0x2c5: {  	s12 =	sadd.s32 $0x4, s12  }
0x2c6: {  	s13 =	sand.u32 $0x7, s12  }
0x2c7: {  	_ =	swait.ge [sflag:s28], $0x2000;
	p0 =	sne.s32 s13, $0x0  }
0x2c8: {  	[sflag:s28] =	ssyncset.done $0x0;
	s13 =	sshll.u32 @!p0 s12, $0x8;
	s14 =	sadd.s32 @!p0 s18, s12  }
0x2c9: {  	[sflag:s28] =	ssyncadd.s32 $0xFFFFE000;
	s13 =	sand.u32 @!p0 $0x800, s13;
	s14 =	sshll.u32 @!p0 s14, $0x5  }
0x2ca: {  	s15 =	simm.s32 @!p0 $0x0;
	s13 =	sadd.s32 @!p0 $0x4F00, s13;
	s14 =	sadd.s32 @!p0 s4, s14  }
0x2cb: {  	[tilespmem:s13], [sflag:$0x7] =	stream.linear.gather @!p0 [hbm4b:s14+s15], $0x800, $0x38;
	[tilespmem:$0x1FD00] =	vst v63  }
0x2cc: {  	s13 =	simm.s32 @!p0 $0x7  }
0x2cd: {  	_ =	swait.ge @!p0 [sflag:s13], $0x800  }
0x2ce: {  	s12 =	sshll.u32 s12, $0x8;
	[sflag:s13] =	ssyncset.done @!p0 $0x0  }
0x2cf: {  	s12 =	sand.u32 $0xF00, s12;
	[sflag:s13] =	ssyncadd.s32 @!p0 $0xFFFFF800  }
0x2d0: {  	v2 =	vld [tilespmem:s12+$0x4F80]  }
0x2d1: {  	v3 =	vld [tilespmem:s12+$0x4F00];
	_ =	sdelay $0x6  }
0x2d2: {  	v2 =	vld.idx.msk [tilespmem:v2+s3+$0x0], $0xffff  }
0x2d3: {  	v4 =	vld.idx.msk [tilespmem:v3+s25+$0x0], $0xffff;
	_ =	sdelay $0x4  }
0x2d4: {  	v2 =	vadd.f32 v4, v2;
	_ =	sdelay $0x1  }
0x2d5: {  	v4 =	vmul.f32 $9.999999770e-03, v2  }
0x2d6: {  	vm0 =	vge.f32 v2, $0.0e+00  }
0x2d7: {  	v2 =	vsel vm0, v2, v4  }
0x2d8: {  	v2 =	vmul.f32 $1.442695020e+00, v2;
	_ =	sdelay $0x1  }
0x2d9: {  	(erf) = vpow2.f32 v2;
	_ =	sdelay $0x8  }
0x2da: {  	v2 =	vpop (erf)  }
0x2db: {  	[tilespmem:$0x5F80] =	vst v2  }
0x2dc: {  	v2 =	vld [tilespmem:s12+$0x4F90]  }
0x2dd: {  	v62 =	vld [tilespmem:s12+$0x4F10];
	_ =	sdelay $0x4  }
0x2de: {  	v3 =	vadd.s32 v0, v3  }
0x2df: {  	[tilespmem:s12+$0x4F00] =	vst v3  }
0x2e0: {  	v2 =	vld.idx.msk [tilespmem:v2+s3+$0x0], $0xffff  }
0x2e1: {  	v3 =	vld.idx.msk [tilespmem:v62+s25+$0x0], $0xffff;
	_ =	sdelay $0x4  }
0x2e2: {  	v2 =	vadd.f32 v3, v2;
	_ =	sdelay $0x1  }
0x2e3: {  	v3 =	vmul.f32 $9.999999770e-03, v2  }
0x2e4: {  	vm13 =	vge.f32 v2, $0.0e+00  }
0x2e5: {  	v2 =	vsel vm13, v2, v3  }
0x2e6: {  	v2 =	vmul.f32 $1.442695020e+00, v2;
	_ =	sdelay $0x1  }
0x2e7: {  	(erf) = vpow2.f32 v2;
	_ =	sdelay $0x8  }
0x2e8: {  	v2 =	vpop (erf)  }
0x2e9: {  	[tilespmem:$0x5F90] =	vst v2  }
0x2ea: {  	v2 =	vld [tilespmem:s12+$0x4FA0]  }
0x2eb: {  	v3 =	vld [tilespmem:s12+$0x4F20];
	_ =	sdelay $0x4  }
0x2ec: {  	v4 =	vadd.s32 v0, v62  }
0x2ed: {  	[tilespmem:s12+$0x4F10] =	vst v4  }
0x2ee: {  	v2 =	vld.idx.msk [tilespmem:v2+s3+$0x0], $0xffff  }
0x2ef: {  	v4 =	vld.idx.msk [tilespmem:v3+s25+$0x0], $0xffff;
	_ =	sdelay $0x4  }
0x2f0: {  	v2 =	vadd.f32 v4, v2;
	_ =	sdelay $0x1  }
0x2f1: {  	v4 =	vmul.f32 $9.999999770e-03, v2  }
0x2f2: {  	vm14 =	vge.f32 v2, $0.0e+00  }
0x2f3: {  	v2 =	vsel vm14, v2, v4  }
0x2f4: {  	v2 =	vmul.f32 $1.442695020e+00, v2;
	_ =	sdelay $0x1  }
0x2f5: {  	(erf) = vpow2.f32 v2;
	_ =	sdelay $0x8  }
0x2f6: {  	v2 =	vpop (erf)  }
0x2f7: {  	[tilespmem:$0x5FA0] =	vst v2  }
0x2f8: {  	v2 =	vld [tilespmem:s12+$0x4FB0]  }
0x2f9: {  	v63 =	vld [tilespmem:s12+$0x4F30];
	_ =	sdelay $0x4  }
0x2fa: {  	v3 =	vadd.s32 v0, v3  }
0x2fb: {  	[tilespmem:s12+$0x4F20] =	vst v3  }
0x2fc: {  	v2 =	vld.idx.msk [tilespmem:v2+s3+$0x0], $0xffff  }
0x2fd: {  	v3 =	vld.idx.msk [tilespmem:v63+s25+$0x0], $0xffff;
	_ =	sdelay $0x4  }
0x2fe: {  	v2 =	vadd.f32 v3, v2;
	_ =	sdelay $0x1  }
0x2ff: {  	v3 =	vmul.f32 $9.999999770e-03, v2  }
0x300: {  	vm15 =	vge.f32 v2, $0.0e+00  }
0x301: {  	v2 =	vsel vm15, v2, v3  }
0x302: {  	v2 =	vmul.f32 $1.442695020e+00, v2;
	_ =	sdelay $0x1  }
0x303: {  	(erf) = vpow2.f32 v2;
	_ =	sdelay $0x8  }
0x304: {  	v2 =	vpop (erf)  }
0x305: {  	[tilespmem:$0x5FB0] =	vst v2;
	v2 =	vadd.s32 v0, v63  }
0x306: {  	s19 =	sadd.s32 $0x4F00, s12;
	[tilespmem:s12+$0x4F30] =	vst v2  }
0x307: {  	[tilespmem:s31], [sflag:$0x2] =	stream.indirect.gather [hbm4b:s5+s29], $0x80, s19, s29, $0xb8;
	[tilespmem:$0x1FD00] =	vst v63  }
.LBB2_12:
0x308: {  	_ =	swait.ge [sflag:s22], $0x2000  }
0x309: {  	[sflag:s22] =	ssyncset.done $0x0  }
0x30a: {  	s12 =	simm.s32 $0x0;
	s13 =	simm.s32 $0x6000;
	[sflag:s22] =	ssyncadd.s32 $0xFFFFE000  }
.LBB2_13:
0x30b: {  	v2 =	vld [tilespmem:s13+$0x0]  }
0x30c: {  	s14 =	sshra.s32 s12, $0x2  }
0x30d: {  	v3 =	vld [tilespmem:s14+$0xA100]  }
0x30e: {  	v4 =	vld [tilespmem:s14+$0xA110]  }
0x30f: {  	v5 =	vld [tilespmem:s14+$0xA120]  }
0x310: {  	v7 =	vld [tilespmem:s14+$0xA130];
	v6 =	vbroadcast v2, $0x0  }
0x311: {  	v8 =	vld [tilespmem:s14+$0xA140]  }
0x312: {  	v9 =	vld [tilespmem:s14+$0xA180];
	v3 =	vmul.f32 v6, v3  }
0x313: {  	v10 =	vld [tilespmem:s14+$0xA190];
	v4 =	vmul.f32 v4, v6  }
0x314: {  	v44 =	vld [tilespmem:s14+$0xA1A0];
	[tilespmem:s14+$0xA100] =	vst v3;
	v3 =	vmul.f32 v5, v6  }
0x315: {  	v11 =	vld [tilespmem:s14+$0xA1B0];
	v46 =	vbroadcast v2, $0x1;
	v45 =	vmul.f32 v7, v6;
	[tilespmem:s14+$0xA110] =	vst v4  }
0x316: {  	v47 =	vld [tilespmem:s14+$0xA1C0];
	[tilespmem:s14+$0xA120] =	vst v3;
	v3 =	vmul.f32 v8, v6  }
0x317: {  	v49 =	vld [tilespmem:s14+$0xA200];
	v48 =	vmul.f32 v9, v46;
	[tilespmem:s14+$0xA130] =	vst v45  }
0x318: {  	v50 =	vld [tilespmem:s14+$0xA210];
	[tilespmem:s14+$0xA140] =	vst v3;
	v3 =	vmul.f32 v10, v46  }
0x319: {  	v52 =	vld [tilespmem:s14+$0xA220];
	v51 =	vmul.f32 v44, v46;
	[tilespmem:s14+$0xA180] =	vst v48  }
0x31a: {  	v54 =	vld [tilespmem:s14+$0xA230];
	v53 =	vbroadcast v2, $0x2;
	[tilespmem:s14+$0xA190] =	vst v3;
	v3 =	vmul.f32 v11, v46  }
0x31b: {  	v56 =	vld [tilespmem:s14+$0xA240];
	v55 =	vmul.f32 v47, v46;
	[tilespmem:s14+$0xA1A0] =	vst v51  }
0x31c: {  	v57 =	vld [tilespmem:s14+$0xA280];
	[tilespmem:s14+$0xA1B0] =	vst v3;
	v3 =	vmul.f32 v49, v53  }
0x31d: {  	v59 =	vld [tilespmem:s14+$0xA290];
	v58 =	vmul.f32 v50, v53;
	[tilespmem:s14+$0xA1C0] =	vst v55  }
0x31e: {  	v60 =	vld [tilespmem:s14+$0xA2A0];
	[tilespmem:s14+$0xA200] =	vst v3;
	v3 =	vmul.f32 v52, v53  }
0x31f: {  	v63 =	vld [tilespmem:s14+$0xA2B0];
	v62 =	vbroadcast v2, $0x3;
	v61 =	vmul.f32 v54, v53;
	[tilespmem:s14+$0xA210] =	vst v58  }
0x320: {  	v12 =	vld [tilespmem:s14+$0xA2C0];
	[tilespmem:s14+$0xA220] =	vst v3;
	v3 =	vmul.f32 v56, v53  }
0x321: {  	v14 =	vld [tilespmem:s14+$0xA300];
	v13 =	vmul.f32 v57, v62;
	[tilespmem:s14+$0xA230] =	vst v61  }
0x322: {  	v15 =	vld [tilespmem:s14+$0xA310];
	[tilespmem:s14+$0xA240] =	vst v3;
	v3 =	vmul.f32 v59, v62  }
0x323: {  	v17 =	vld [tilespmem:s14+$0xA320];
	v16 =	vmul.f32 v60, v62;
	[tilespmem:s14+$0xA280] =	vst v13  }
0x324: {  	v19 =	vld [tilespmem:s14+$0xA330];
	v18 =	vbroadcast v2, $0x4;
	[tilespmem:s14+$0xA290] =	vst v3;
	v3 =	vmul.f32 v63, v62  }
0x325: {  	v21 =	vld [tilespmem:s14+$0xA340];
	v20 =	vmul.f32 v12, v62;
	[tilespmem:s14+$0xA2A0] =	vst v16  }
0x326: {  	v22 =	vld [tilespmem:s14+$0xA380];
	[tilespmem:s14+$0xA2B0] =	vst v3;
	v3 =	vmul.f32 v14, v18  }
0x327: {  	v24 =	vld [tilespmem:s14+$0xA390];
	v23 =	vmul.f32 v15, v18;
	[tilespmem:s14+$0xA2C0] =	vst v20  }
0x328: {  	v25 =	vld [tilespmem:s14+$0xA3A0];
	[tilespmem:s14+$0xA300] =	vst v3;
	v3 =	vmul.f32 v17, v18  }
0x329: {  	v28 =	vld [tilespmem:s14+$0xA3B0];
	v27 =	vbroadcast v2, $0x5;
	v26 =	vmul.f32 v19, v18;
	[tilespmem:s14+$0xA310] =	vst v23  }
0x32a: {  	v29 =	vld [tilespmem:s14+$0xA3C0];
	[tilespmem:s14+$0xA320] =	vst v3;
	v3 =	vmul.f32 v21, v18  }
0x32b: {  	v31 =	vld [tilespmem:s14+$0xA400];
	v30 =	vmul.f32 v22, v27;
	[tilespmem:s14+$0xA330] =	vst v26  }
0x32c: {  	v32 =	vld [tilespmem:s14+$0xA410];
	[tilespmem:s14+$0xA340] =	vst v3;
	v3 =	vmul.f32 v24, v27  }
0x32d: {  	v34 =	vld [tilespmem:s14+$0xA420];
	v33 =	vmul.f32 v25, v27;
	[tilespmem:s14+$0xA380] =	vst v30  }
0x32e: {  	v36 =	vld [tilespmem:s14+$0xA430];
	v35 =	vbroadcast v2, $0x6;
	[tilespmem:s14+$0xA390] =	vst v3;
	v3 =	vmul.f32 v28, v27  }
0x32f: {  	v38 =	vld [tilespmem:s14+$0xA440];
	v37 =	vmul.f32 v29, v27;
	[tilespmem:s14+$0xA3A0] =	vst v33  }
0x330: {  	v39 =	vld [tilespmem:s14+$0xA480];
	[tilespmem:s14+$0xA3B0] =	vst v3;
	v3 =	vmul.f32 v31, v35  }
0x331: {  	v41 =	vld [tilespmem:s14+$0xA490];
	v40 =	vmul.f32 v32, v35;
	[tilespmem:s14+$0xA3C0] =	vst v37  }
0x332: {  	v42 =	vld [tilespmem:s14+$0xA4A0];
	[tilespmem:s14+$0xA400] =	vst v3;
	v3 =	vmul.f32 v34, v35  }
0x333: {  	v43 =	vmul.f32 v36, v35;
	v44 =	vbroadcast v2, $0x7;
	[tilespmem:s14+$0xA410] =	vst v40;
	v45 =	vld [tilespmem:s14+$0xA4B0]  }
0x334: {  	v46 =	vld [tilespmem:s14+$0xA4C0];
	[tilespmem:s14+$0xA420] =	vst v3;
	v3 =	vmul.f32 v38, v35  }
0x335: {  	[tilespmem:s14+$0xA430] =	vst v43;
	v47 =	vmul.f32 v39, v44;
	v48 =	vld [tilespmem:s14+$0xA500]  }
0x336: {  	v49 =	vld [tilespmem:s14+$0xA510];
	[tilespmem:s14+$0xA440] =	vst v3;
	v3 =	vmul.f32 v41, v44  }
0x337: {  	v50 =	vmul.f32 v42, v44;
	v51 =	vld [tilespmem:s14+$0xA520];
	[tilespmem:s14+$0xA480] =	vst v47  }
0x338: {  	v52 =	vbroadcast v2, $0x8;
	v53 =	vld [tilespmem:s14+$0xA530];
	[tilespmem:s14+$0xA490] =	vst v3;
	v3 =	vmul.f32 v45, v44  }
0x339: {  	v55 =	vld [tilespmem:s14+$0xA540];
	[tilespmem:s14+$0xA4A0] =	vst v50;
	v54 =	vmul.f32 v46, v44  }
0x33a: {  	v56 =	vld [tilespmem:s14+$0xA580];
	[tilespmem:s14+$0xA4B0] =	vst v3;
	v3 =	vmul.f32 v48, v52  }
0x33b: {  	v58 =	vld [tilespmem:s14+$0xA590];
	[tilespmem:s14+$0xA4C0] =	vst v54;
	v57 =	vmul.f32 v49, v52  }
0x33c: {  	v59 =	vld [tilespmem:s14+$0xA5A0];
	[tilespmem:s14+$0xA500] =	vst v3;
	v3 =	vmul.f32 v51, v52  }
0x33d: {  	v61 =	vbroadcast v2, $0x9;
	[tilespmem:s14+$0xA510] =	vst v57;
	v62 =	vld [tilespmem:s14+$0xA5B0];
	v60 =	vmul.f32 v53, v52  }
0x33e: {  	v63 =	vld [tilespmem:s14+$0xA5C0];
	[tilespmem:s14+$0xA520] =	vst v3;
	v3 =	vmul.f32 v55, v52  }
0x33f: {  	v13 =	vld [tilespmem:s14+$0xA600];
	v12 =	vmul.f32 v56, v61;
	[tilespmem:s14+$0xA530] =	vst v60  }
0x340: {  	v14 =	vld [tilespmem:s14+$0xA610];
	[tilespmem:s14+$0xA540] =	vst v3;
	v3 =	vmul.f32 v58, v61  }
0x341: {  	v16 =	vld [tilespmem:s14+$0xA620];
	[tilespmem:s14+$0xA580] =	vst v12;
	v15 =	vmul.f32 v59, v61  }
0x342: {  	v17 =	vbroadcast v2, $0xA;
	v18 =	vld [tilespmem:s14+$0xA630];
	[tilespmem:s14+$0xA590] =	vst v3;
	v3 =	vmul.f32 v62, v61  }
0x343: {  	v20 =	vld [tilespmem:s14+$0xA640];
	[tilespmem:s14+$0xA5A0] =	vst v15;
	v19 =	vmul.f32 v63, v61  }
0x344: {  	v21 =	vld [tilespmem:s14+$0xA680];
	[tilespmem:s14+$0xA5B0] =	vst v3;
	v3 =	vmul.f32 v13, v17  }
0x345: {  	v23 =	vld [tilespmem:s14+$0xA690];
	[tilespmem:s14+$0xA5C0] =	vst v19;
	v22 =	vmul.f32 v14, v17  }
0x346: {  	v24 =	vld [tilespmem:s14+$0xA6A0];
	[tilespmem:s14+$0xA600] =	vst v3;
	v3 =	vmul.f32 v16, v17  }
0x347: {  	v26 =	vbroadcast v2, $0xB;
	[tilespmem:s14+$0xA610] =	vst v22;
	v27 =	vld [tilespmem:s14+$0xA6B0];
	v25 =	vmul.f32 v18, v17  }
0x348: {  	v28 =	vld [tilespmem:s14+$0xA6C0];
	[tilespmem:s14+$0xA620] =	vst v3;
	v3 =	vmul.f32 v20, v17  }
0x349: {  	v30 =	vld [tilespmem:s14+$0xA700];
	v29 =	vmul.f32 v21, v26;
	[tilespmem:s14+$0xA630] =	vst v25  }
0x34a: {  	v31 =	vld [tilespmem:s14+$0xA710];
	[tilespmem:s14+$0xA640] =	vst v3;
	v3 =	vmul.f32 v23, v26  }
0x34b: {  	v33 =	vld [tilespmem:s14+$0xA720];
	[tilespmem:s14+$0xA680] =	vst v29;
	v32 =	vmul.f32 v24, v26  }
0x34c: {  	v34 =	vbroadcast v2, $0xC;
	v35 =	vld [tilespmem:s14+$0xA730];
	[tilespmem:s14+$0xA690] =	vst v3;
	v3 =	vmul.f32 v27, v26  }
0x34d: {  	v37 =	vld [tilespmem:s14+$0xA740];
	[tilespmem:s14+$0xA6A0] =	vst v32;
	v36 =	vmul.f32 v28, v26  }
0x34e: {  	v38 =	vld [tilespmem:s14+$0xA780];
	[tilespmem:s14+$0xA6B0] =	vst v3;
	v3 =	vmul.f32 v30, v34  }
0x34f: {  	v40 =	vld [tilespmem:s14+$0xA790];
	[tilespmem:s14+$0xA6C0] =	vst v36;
	v39 =	vmul.f32 v31, v34  }
0x350: {  	v41 =	vld [tilespmem:s14+$0xA7A0];
	[tilespmem:s14+$0xA700] =	vst v3;
	v3 =	vmul.f32 v33, v34  }
0x351: {  	v43 =	vbroadcast v2, $0xD;
	[tilespmem:s14+$0xA710] =	vst v39;
	v44 =	vld [tilespmem:s14+$0xA7B0];
	v42 =	vmul.f32 v35, v34  }
0x352: {  	v45 =	vld [tilespmem:s14+$0xA7C0];
	[tilespmem:s14+$0xA720] =	vst v3;
	v3 =	vmul.f32 v37, v34  }
0x353: {  	v47 =	vld [tilespmem:s14+$0xA800];
	v46 =	vmul.f32 v38, v43;
	[tilespmem:s14+$0xA730] =	vst v42  }
0x354: {  	v48 =	vld [tilespmem:s14+$0xA810];
	[tilespmem:s14+$0xA740] =	vst v3;
	v3 =	vmul.f32 v40, v43  }
0x355: {  	v50 =	vld [tilespmem:s14+$0xA820];
	[tilespmem:s14+$0xA780] =	vst v46;
	v49 =	vmul.f32 v41, v43  }
0x356: {  	v51 =	vbroadcast v2, $0xE;
	v52 =	vld [tilespmem:s14+$0xA830];
	[tilespmem:s14+$0xA790] =	vst v3;
	v3 =	vmul.f32 v44, v43  }
0x357: {  	v54 =	vld [tilespmem:s14+$0xA840];
	[tilespmem:s14+$0xA7A0] =	vst v49;
	v53 =	vmul.f32 v45, v43  }
0x358: {  	v55 =	vld [tilespmem:s14+$0xA880];
	[tilespmem:s14+$0xA7B0] =	vst v3;
	v3 =	vmul.f32 v47, v51  }
0x359: {  	v57 =	vld [tilespmem:s14+$0xA890];
	[tilespmem:s14+$0xA7C0] =	vst v53;
	v56 =	vmul.f32 v48, v51  }
0x35a: {  	v58 =	vld [tilespmem:s14+$0xA8A0];
	[tilespmem:s14+$0xA800] =	vst v3;
	v3 =	vmul.f32 v50, v51  }
0x35b: {  	v60 =	vld [tilespmem:s14+$0xA8B0];
	v2 =	vbroadcast v2, $0xF;
	[tilespmem:s14+$0xA810] =	vst v56;
	v59 =	vmul.f32 v52, v51  }
0x35c: {  	v61 =	vld [tilespmem:s14+$0xA8C0];
	[tilespmem:s14+$0xA820] =	vst v3;
	v3 =	vmul.f32 v54, v51  }
0x35d: {  	v62 =	vmul.f32 v55, v2;
	[tilespmem:s14+$0xA830] =	vst v59  }
0x35e: {  	p0 =	sne.s32 s12, $0x6000;
	[tilespmem:s14+$0xA840] =	vst v3;
	v3 =	vmul.f32 v57, v2  }
.Ltmp5:
0x35f: {  	[tilespmem:s14+$0xA880] =	vst v62;
	v63 =	vmul.f32 v58, v2;
	(pc) =	sbr.rel @p0 .LBB2_13-.Ltmp5, $4  }
0x360: {  	[tilespmem:s14+$0xA890] =	vst v3;
	v3 =	vmul.f32 v60, v2  }
0x361: {  	[tilespmem:s14+$0xA8A0] =	vst v63;
	v2 =	vmul.f32 v61, v2  }
0x362: {  	[tilespmem:s14+$0xA8B0] =	vst v3  }
0x363: {  	s13 =	sadd.s32 $0x10, s13;
	s12 =	sadd.s32 $0x2000, s12;
	[tilespmem:s14+$0xA8C0] =	vst v2  }
0x364: {  	s10 =	sadd.s32 $0x1, s10  }
0x365: {  	p0 =	sne.s32 s10, $0x69  }
.Ltmp6:
0x366: {  	_ = 	snop;
	(pc) =	sbr.rel @p0 .LBB2_4-.Ltmp6, $2  }
0x367: {  	_ =	sdelay $0x2  }
0x368: {  	[spmem:s1] =	stream.indirect.scatter.add.f32 [tilespmem:s0], [sflag:$0x6], $0x80, s11, s29, $0xb8;
	[tilespmem:$0x1FD00] =	vst v63  }
0x369: {  	_ =	swait.ge [sflag:s23], $0x2000  }
0x36a: {  	[sflag:s23] =	ssyncset.done $0x0  }
0x36b: {  	[sflag:s23] =	ssyncadd.s32 $0xFFFFE000  }
0x36c: {  	_ =	swait.ge [sflag:s28], $0x2000  }
0x36d: {  	[sflag:s28] =	ssyncset.done $0x0  }
0x36e: {  	[sflag:s28] =	ssyncadd.s32 $0xFFFFE000  }
0x36f: {  	s9 =	stileid.u32;
	_ =	swait.ge [sflag:s6], $0x2000  }
0x370: {  	s10 =	sshrl.u32 s7, $0x3;
	s8 =	sadd.s32 $0x1, s8;
	[sflag:s6] =	ssyncset.done $0x0  }
0x371: {  	s9 =	sshll.u32 s9, $0x6;
	p0 =	sne.s32 s8, s21;
	[sflag:s6] =	ssyncadd.s32 $0xFFFFE000  }
.Ltmp7:
0x372: {  	s9 =	sor.u32 $0x1C07, s9;
	[bflag:$0x0] =	sbarrier.arrive $0xFFFF;
	(pc) =	sbr.rel @p0 .LBB2_1-.Ltmp7, $4  }
0x373: {  	[hbm:s20], [sflag:s9] =	dma.local [spmem:s10], $0x2780  }
0x374: {  	_ =	swait.ge [sflag:s24], $0x2780  }
0x375: {  	[sflag:s24] =	ssyncset.done $0x0  }
0x376: {  	[sflag:s24] =	ssyncadd.s32 $0xFFFFD880  }
0x377: {  	_ =	sfence.sel $0x180000  }
0x378: {  	[bflag:$0x0] =	sbarrier.arrive $0xFFFF  }
0x379: {  	_ =	strace $0x90000047  }
0x37a: {  	s0 =	stileid.u32;
	[bflag:$0x2] =	sbarrier.arrive $0xFFFF  }
0x37b: {  	p0 =	sne.s32 s0, $0x0;
	s0 =	rddreg [dreg:$0x3]  }
0x37c: {  	s0 =	sadd.s32 @!p0 $0x100000, s0  }
0x37d: {  	[sflag:s0] =	ssyncadd.tile.s32 @!p0 $0x1;
	_ =	shalt  }
.Lfunc_end2:
_tile_overlayer_lowered:
.L_overlay_start_2:
0x37e: {  	(tag) =	ssettag $0x2  }
0x37f: {  	s0 =	rddreg [dreg:$0x0];
	s2 =	stileid.u32  }
0x380: {  	s1 =	rddreg [dreg:$0x1];
	p0 =	sne.s32 s2, $0x0  }
0x381: {  	s3 =	rddreg [dreg:$0x2];
	[bflag:$0x3] =	sbarrier.arrive $0xFFFF;
	s2 =	simm.s32 @!p0 $0x1C07  }
0x382: {  	[timem:s3], [sflag:s2] =	dma.local @!p0 [hbm:s0], s1  }
0x383: {  	s0 =	simm.s32 @!p0 $0x7  }
0x384: {  	_ =	swait.ge @!p0 [sflag:s0], s1  }
0x385: {  	s1 =	ssub.s32 @!p0 $0x0, s1;
	[sflag:s0] =	ssyncset.done @!p0 $0x0  }
0x386: {  	[sflag:s0] =	ssyncadd.s32 @!p0 s1  }
0x387: {  	[bflag:$0x3] =	sbarrier.arrive $0xFFFF  }
0x388: {  	_ =	shalt  }

</sc_bundles>
